<compile_context>
chip_gen: v7x
topology: tpu7x:2x2x1
jax: 0.10.2.dev20260603
libtpu: 0.0.44.dev20260713+nightly
codegen_flags: <defaults>
</compile_context>

<pallas_src>
import functools

import jax
import jax.numpy as jnp
from jax import lax
from jax.experimental import pallas as pl
from jax.experimental.pallas import tpu as pltpu
from jax.experimental.pallas import tpu_sc as plsc

N = 10000
E = 320000
D = 128

NC = 2
NS = 16
NW = NC * NS

EW = E // NW
CH = 80
NP = 5
NCHH = 25
NA = N

RB = 80
NB = N // RB
KMAX = -(-NB // NS)


def _sc_aggregate(x, src_arr, dst_arr):
    mesh = plsc.VectorSubcoreMesh(core_axis_name="c", subcore_axis_name="s")

    @functools.partial(
        pl.kernel,
        out_type=jax.ShapeDtypeStruct((NC, N, D), jnp.float32),
        mesh=mesh,
        scratch_types=[
            pltpu.VMEM((NCHH, CH), jnp.int32),
            pltpu.VMEM((NCHH, CH), jnp.int32),
            pltpu.VMEM((CH, D), jnp.float32),
            pltpu.VMEM((CH, D), jnp.float32),
            pltpu.VMEM_SHARED((NA, D), jnp.float32),
            pltpu.SemaphoreType.DMA,
            pltpu.SemaphoreType.DMA,
            pltpu.SemaphoreType.DMA,
            pltpu.SemaphoreType.DMA,
        ],
    )
    def agg_kernel(x_hbm, src_hbm, dst_hbm, out_hbm, src_v, dst_v, rows0,
                   rows1, accum_sh, gsem0, gsem1, ssem0, ssem1):
        c = lax.axis_index("c")
        s = lax.axis_index("s")
        w = c * NS + s
        pltpu.sync_copy(src_hbm.at[w, 0], src_v)
        pltpu.sync_copy(dst_hbm.at[w, 0], dst_v)
        zv = jnp.zeros((16,), jnp.float32)

        def zbody(i, carry):
            rows1[i // 8, pl.ds((i % 8) * 16, 16)] = zv
            return carry

        lax.fori_loop(0, RB * 8, zbody, 0)
        for k in range(KMAX):
            j = s + NS * k

            @pl.when(j < NB)
            def _():
                pltpu.async_copy(rows1, accum_sh.at[pl.ds(j * RB, RB)], ssem0)

        for k in range(KMAX):
            j = s + NS * k

            @pl.when(j < NB)
            def _():
                pltpu.make_async_copy(rows1,
                                      accum_sh.at[pl.ds(0, RB)], ssem0).wait()

        plsc.subcore_barrier()

        def gather(a, buf, sem):
            pltpu.async_copy(x_hbm.at[src_v.at[a]], buf, sem)

        def gwait(buf, sem):
            pltpu.make_async_copy(x_hbm.at[src_v.at[0]], buf, sem).wait()

        def scat(a, buf, sem):
            pltpu.async_copy(buf, accum_sh.at[dst_v.at[a]], sem, add=True)

        def swait(buf, sem):
            pltpu.make_async_copy(buf, accum_sh.at[dst_v.at[0]], sem).wait()

        NT = NCHH // 2

        def body(t2, carry):
            a = 2 * t2
            gather(a, rows0, gsem0)
            gather(a + 1, rows1, gsem1)
            gwait(rows0, gsem0)
            gwait(rows1, gsem1)
            scat(a, rows0, ssem0)
            scat(a + 1, rows1, ssem1)
            swait(rows0, ssem0)
            swait(rows1, ssem1)
            return carry

        for qp in range(NP):
            if qp > 0:
                pltpu.sync_copy(src_hbm.at[w, qp], src_v)
                pltpu.sync_copy(dst_hbm.at[w, qp], dst_v)
            lax.fori_loop(0, NT, body, 0)
            gather(NCHH - 1, rows0, gsem0)
            gwait(rows0, gsem0)
            scat(NCHH - 1, rows0, ssem0)
            swait(rows0, ssem0)
        plsc.subcore_barrier()
        wrows = [rows0, rows1]
        wgsem = [gsem0, gsem1]
        wssem = [ssem0, ssem1]
        for k in range(KMAX + 1):
            if k < KMAX:
                j = s + NS * k
                b = k % 2

                @pl.when(j < NB)
                def _():
                    if k >= 2:
                        pltpu.make_async_copy(
                            wrows[b], out_hbm.at[c, pl.ds(0, RB)],
                            wssem[b]).wait()
                    pltpu.async_copy(accum_sh.at[pl.ds(j * RB, RB)], wrows[b],
                                     wgsem[b])
            if k >= 1:
                kp = k - 1
                jp = s + NS * kp
                bp = kp % 2

                @pl.when(jp < NB)
                def _():
                    pltpu.make_async_copy(accum_sh.at[pl.ds(0, RB)],
                                          wrows[bp], wgsem[bp]).wait()
                    pltpu.async_copy(wrows[bp],
                                     out_hbm.at[c, pl.ds(jp * RB, RB)],
                                     wssem[bp])
        for kp in range(KMAX):
            jp = s + NS * kp
            j2 = s + NS * (kp + 2)

            @pl.when((jp < NB) & (j2 >= NB))
            def _():
                pltpu.make_async_copy(wrows[kp % 2],
                                      out_hbm.at[c, pl.ds(0, RB)],
                                      wssem[kp % 2]).wait()

    return agg_kernel(x, src_arr, dst_arr)


def _layer0_body(a_ref, x_ref, w1_ref, b1_ref, w2_ref, b2_ref, g_ref, be_ref,
                 al_ref, lw_ref, lb_ref, h_out_ref, head_ref):
    z = a_ref[0] + a_ref[1] + x_ref[...]
    t = jnp.maximum(jnp.dot(z, w1_ref[...], preferred_element_type=jnp.float32)
                    + b1_ref[...], 0.0)
    u = jnp.dot(t, w2_ref[...], preferred_element_type=jnp.float32) + b2_ref[...]
    m = jnp.mean(u, axis=0, keepdims=True)
    v = jnp.mean((u - m) ** 2, axis=0, keepdims=True)
    bn = (u - m) / jnp.sqrt(v + 1e-5) * g_ref[...] + be_ref[...]
    h_out_ref[...] = jnp.where(bn > 0, bn, al_ref[...] * bn)
    pooled = jnp.max(x_ref[...], axis=0, keepdims=True)
    head_ref[...] = (jnp.dot(pooled, lw_ref[...], preferred_element_type=jnp.float32)
                     + lb_ref[...])


def _layer1_body(a_ref, x_ref, w1_ref, b1_ref, w2_ref, b2_ref, g_ref, be_ref,
                 al_ref, lwx_ref, lbx_ref, lwh_ref, lbh_ref,
                 headx_ref, headh_ref):
    z = a_ref[0] + a_ref[1] + x_ref[...]
    t = jnp.maximum(jnp.dot(z, w1_ref[...], preferred_element_type=jnp.float32)
                    + b1_ref[...], 0.0)
    u = jnp.dot(t, w2_ref[...], preferred_element_type=jnp.float32) + b2_ref[...]
    m = jnp.mean(u, axis=0, keepdims=True)
    v = jnp.mean((u - m) ** 2, axis=0, keepdims=True)
    bn = (u - m) / jnp.sqrt(v + 1e-5) * g_ref[...] + be_ref[...]
    hn = jnp.where(bn > 0, bn, al_ref[...] * bn)
    pooledx = jnp.max(x_ref[...], axis=0, keepdims=True)
    headx_ref[...] = (jnp.dot(pooledx, lwx_ref[...],
                              preferred_element_type=jnp.float32) + lbx_ref[...])
    pooledh = jnp.max(hn, axis=0, keepdims=True)
    headh_ref[...] = (jnp.dot(pooledh, lwh_ref[...],
                              preferred_element_type=jnp.float32) + lbh_ref[...])


def kernel(h, edge_index, W1_0, b1_0, W2_0, b2_0, gamma_0, beta_0,
           W1_1, b1_1, W2_1, b2_1, gamma_1, beta_1, prelu_a,
           LW0, Lb0, LW1, Lb1, LW2, Lb2):
    alpha = jnp.broadcast_to(prelu_a, (1, D)).astype(jnp.float32)
    r = lambda v: jnp.reshape(v, (1, D))
    src_arr = edge_index[0].reshape(NW, NP, NCHH, CH)
    dst_arr = edge_index[1].reshape(NW, NP, NCHH, CH)

    a = _sc_aggregate(h, src_arr, dst_arr)
    h1, head0 = pl.pallas_call(
        _layer0_body,
        out_shape=[jax.ShapeDtypeStruct((N, D), jnp.float32),
                   jax.ShapeDtypeStruct((1, D), jnp.float32)],
    )(a, h, W1_0, r(b1_0), W2_0, r(b2_0), r(gamma_0), r(beta_0), alpha,
      LW0, r(Lb0))

    b = _sc_aggregate(h1, src_arr, dst_arr)
    head1, head2 = pl.pallas_call(
        _layer1_body,
        out_shape=[jax.ShapeDtypeStruct((1, D), jnp.float32),
                   jax.ShapeDtypeStruct((1, D), jnp.float32)],
    )(b, h1, W1_1, r(b1_1), W2_1, r(b2_1), r(gamma_1), r(beta_1), alpha,
      LW1, r(Lb1), LW2, r(Lb2))

    stacked = jnp.stack([head0, head1, head2], axis=-1)
    return stacked.reshape(1, -1)

# --- scband reference (transcript-rebuilt; emitter-appended) ---
"""Pipeline reference for scband-gin-39788577030305 (READ-ONLY COPY).

The authoritative reference and input builder live on the scoring server;
editing this copy changes nothing except your own understanding.
"""

import jax, jax.numpy as jnp
import numpy as np

N = 10000
E = 320000
D = 128
H = 128
O = 128


def _glorot(key, shape):
    fan_in = shape[0]
    return (jax.random.normal(key, shape, dtype=jnp.float32) / jnp.sqrt(fan_in)).astype(jnp.float32)


def setup_inputs(seed: int = 0) -> dict:
    key = jax.random.key(seed)
    ks = jax.random.split(key, 24)
    inp = {}
    inp['h'] = jax.random.normal(ks[0], (N, D), dtype=jnp.float32)
    inp['edge_index'] = jax.random.randint(ks[1], (2, E), 0, N, dtype=jnp.int32)
    # GIN layer 0 MLP (in=D, hidden=H, out=H)
    inp['W1_0'] = _glorot(ks[2], (D, H)); inp['b1_0'] = jnp.zeros((H,), jnp.float32)
    inp['W2_0'] = _glorot(ks[3], (H, H)); inp['b2_0'] = jnp.zeros((H,), jnp.float32)
    inp['gamma_0'] = jnp.ones((H,), jnp.float32); inp['beta_0'] = jnp.zeros((H,), jnp.float32)
    # GIN layer 1 MLP (in=H, hidden=H, out=H)
    inp['W1_1'] = _glorot(ks[4], (H, H)); inp['b1_1'] = jnp.zeros((H,), jnp.float32)
    inp['W2_1'] = _glorot(ks[5], (H, H)); inp['b2_1'] = jnp.zeros((H,), jnp.float32)
    inp['gamma_1'] = jnp.ones((H,), jnp.float32); inp['beta_1'] = jnp.zeros((H,), jnp.float32)
    # PReLU (single shared slope, init 0.25)
    inp['prelu_a'] = jnp.asarray(0.25, jnp.float32)
    # linear_prediction heads for layers 0..2 (in dims: D, H, H)
    inp['LW0'] = _glorot(ks[6], (D, O)); inp['Lb0'] = jnp.zeros((O,), jnp.float32)
    inp['LW1'] = _glorot(ks[7], (H, O)); inp['Lb1'] = jnp.zeros((O,), jnp.float32)
    inp['LW2'] = _glorot(ks[8], (H, O)); inp['Lb2'] = jnp.zeros((O,), jnp.float32)
    return inp


def _gin_conv(h, edge_index, W1, b1, W2, b2):
    # eps = 0 (learn_eps=False): z = (1+eps)*h + sum_{j in N(i)} h_j
    src = edge_index[0]
    dst = edge_index[1]
    msg = jnp.take(h, src, axis=0)
    agg = jnp.zeros_like(h).at[dst].add(msg)
    z = h + agg
    # 2-layer MLP
    z = jnp.maximum(z @ W1 + b1, 0.0)
    z = z @ W2 + b2
    return z


def _batch_norm(z, gamma, beta):
    m = jnp.mean(z, axis=0)
    v = jnp.var(z, axis=0)
    return (z - m) / jnp.sqrt(v + 1e-5) * gamma + beta


def _prelu(z, a):
    return jnp.where(z > 0, z, a * z)


def reference(h, edge_index, W1_0, b1_0, W2_0, b2_0, gamma_0, beta_0, W1_1, b1_1, W2_1, b2_1, gamma_1, beta_1, prelu_a, LW0, Lb0, LW1, Lb1, LW2, Lb2):
    hidden_rep = [h]
    h1 = _prelu(_batch_norm(_gin_conv(h, edge_index, W1_0, b1_0, W2_0, b2_0), gamma_0, beta_0), prelu_a)
    hidden_rep.append(h1)
    h2 = _prelu(_batch_norm(_gin_conv(h1, edge_index, W1_1, b1_1, W2_1, b2_1), gamma_1, beta_1), prelu_a)
    hidden_rep.append(h2)
    # graph_pooling='max' over all nodes (single graph); dropout is identity in eval
    Ls = [(LW0, Lb0), (LW1, Lb1), (LW2, Lb2)]
    graph_reps = []
    for h_rep, (LW, Lb) in zip(hidden_rep, Ls):
        pooled = jnp.max(h_rep, axis=0, keepdims=True)  # [1, d]
        graph_reps.append(pooled @ LW + Lb)  # [1, O]
    stacked = jnp.stack(graph_reps, axis=-1)  # [1, O, 3]
    # layer_aggregation='cat': concatenate layer reps along feature dim
    final = stacked.reshape(stacked.shape[0], -1)  # [1, O*3]
    return final

if __name__ == "__main__":
    import jax
    _d = setup_inputs()
    print(jax.jit(kernel)(*tuple(_d.values())))

</pallas_src>

<mosaic_0001>
#map = affine_map<(d0, d1) -> (0, 0)>
#map1 = affine_map<(d0, d1) -> (0, 0, 0, 0)>
#map2 = affine_map<(d0, d1) -> (0, 0, 0)>
module attributes {stable_mosaic.version = 14 : i64} {
  func.func @agg_kernel(%arg0: i32, %arg1: i32, %arg2: memref<10000x128xf32, #tpu.memory_space<hbm>>, %arg3: memref<32x5x25x80xi32, #tpu.memory_space<hbm>>, %arg4: memref<32x5x25x80xi32, #tpu.memory_space<hbm>>, %arg5: memref<2x10000x128xf32, #tpu.memory_space<hbm>>, %arg6: memref<25x80xi32, #tpu.memory_space<vmem>>, %arg7: memref<25x80xi32, #tpu.memory_space<vmem>>, %arg8: memref<80x128xf32, #tpu.memory_space<vmem>>, %arg9: memref<80x128xf32, #tpu.memory_space<vmem>>, %arg10: memref<10000x128xf32, #tpu.memory_space<vmem_shared>>, %arg11: memref<!tpu.dma_semaphore, #tpu.memory_space<semaphore_mem>>, %arg12: memref<!tpu.dma_semaphore, #tpu.memory_space<semaphore_mem>>, %arg13: memref<!tpu.dma_semaphore, #tpu.memory_space<semaphore_mem>>, %arg14: memref<!tpu.dma_semaphore, #tpu.memory_space<semaphore_mem>>) attributes {dimension_semantics = [#tpu.dimension_semantics<core_parallel>, #tpu.dimension_semantics<subcore_parallel>], iteration_bounds = array<i64: 2, 16>, scalar_prefetch = 0 : i64, scratch_operands = 9 : i64, tpu.core_type = #tpu.core_type<sc_vector_subcore>, window_params = [{transform_indices = #map}, {transform_indices = #map1}, {transform_indices = #map1}, {transform_indices = #map2}]} {
    %mul3A = arith.constant 16 : i32
    %mul3A_0 = arith.muli %arg0, %mul3A : i32
    %add3A = arith.addi %mul3A_0, %arg1 : i32
    %run_scoped3A = arith.constant 0 : i32
    "tpu.region"() ({
      %run_scoped3A_500 = tpu.sem_alloc : memref<!tpu.dma_semaphore, #tpu.memory_space<semaphore_mem>>
      %dma_start3A_501 = arith.constant 0 : i32
      %dma_start3A_502 = arith.constant 0 : i32
      %dma_start3A_503 = tpu.memref_slice %arg3[%add3A, %run_scoped3A, %dma_start3A_501, %dma_start3A_502] : memref<32x5x25x80xi32, #tpu.memory_space<hbm>> -> memref<1x1x25x80xi32, #tpu.memory_space<hbm>>
      %dma_start3A_504 = tpu.memref_squeeze %dma_start3A_503 : memref<1x1x25x80xi32, #tpu.memory_space<hbm>> -> memref<25x80xi32, #tpu.memory_space<hbm>>
      %dma_start3A_505 = arith.constant 0 : i32
      %dma_start3A_506 = arith.constant 0 : i32
      %dma_start3A_507 = tpu.memref_slice %arg3[%add3A, %run_scoped3A, %dma_start3A_505, %dma_start3A_506] : memref<32x5x25x80xi32, #tpu.memory_space<hbm>> -> memref<1x1x25x80xi32, #tpu.memory_space<hbm>>
      %dma_start3A_508 = tpu.memref_squeeze %dma_start3A_507 : memref<1x1x25x80xi32, #tpu.memory_space<hbm>> -> memref<25x80xi32, #tpu.memory_space<hbm>>
      tpu.enqueue_dma source(%dma_start3A_508 : memref<25x80xi32, #tpu.memory_space<hbm>>) target(%arg6 : memref<25x80xi32, #tpu.memory_space<vmem>>) target_semaphore(%run_scoped3A_500 : memref<!tpu.dma_semaphore, #tpu.memory_space<semaphore_mem>>)
      %dma_wait3A_509 = arith.constant 0 : i32
      %dma_wait3A_510 = arith.constant 0 : i32
      %dma_wait3A_511 = tpu.memref_slice %arg3[%add3A, %run_scoped3A, %dma_wait3A_509, %dma_wait3A_510] : memref<32x5x25x80xi32, #tpu.memory_space<hbm>> -> memref<1x1x25x80xi32, #tpu.memory_space<hbm>>
      %dma_wait3A_512 = tpu.memref_squeeze %dma_wait3A_511 : memref<1x1x25x80xi32, #tpu.memory_space<hbm>> -> memref<25x80xi32, #tpu.memory_space<hbm>>
      %dma_wait3A_513 = arith.constant 0 : i32
      %dma_wait3A_514 = arith.constant 0 : i32
      %dma_wait3A_515 = tpu.memref_slice %arg3[%add3A, %run_scoped3A, %dma_wait3A_513, %dma_wait3A_514] : memref<32x5x25x80xi32, #tpu.memory_space<hbm>> -> memref<1x1x25x80xi32, #tpu.memory_space<hbm>>
      %dma_wait3A_516 = tpu.memref_squeeze %dma_wait3A_515 : memref<1x1x25x80xi32, #tpu.memory_space<hbm>> -> memref<25x80xi32, #tpu.memory_space<hbm>>
      tpu.wait_dma2 semaphore(%run_scoped3A_500 : memref<!tpu.dma_semaphore, #tpu.memory_space<semaphore_mem>>) src(%dma_wait3A_516 : memref<25x80xi32, #tpu.memory_space<hbm>>) dst(%arg6 : memref<25x80xi32, #tpu.memory_space<vmem>>)
      tpu.yield
    }) : () -> ()
    %run_scoped3A_1 = arith.constant 0 : i32
    "tpu.region"() ({
      %run_scoped3A_500 = tpu.sem_alloc : memref<!tpu.dma_semaphore, #tpu.memory_space<semaphore_mem>>
      %dma_start3A_501 = arith.constant 0 : i32
      %dma_start3A_502 = arith.constant 0 : i32
      %dma_start3A_503 = tpu.memref_slice %arg4[%add3A, %run_scoped3A_1, %dma_start3A_501, %dma_start3A_502] : memref<32x5x25x80xi32, #tpu.memory_space<hbm>> -> memref<1x1x25x80xi32, #tpu.memory_space<hbm>>
      %dma_start3A_504 = tpu.memref_squeeze %dma_start3A_503 : memref<1x1x25x80xi32, #tpu.memory_space<hbm>> -> memref<25x80xi32, #tpu.memory_space<hbm>>
      %dma_start3A_505 = arith.constant 0 : i32
      %dma_start3A_506 = arith.constant 0 : i32
      %dma_start3A_507 = tpu.memref_slice %arg4[%add3A, %run_scoped3A_1, %dma_start3A_505, %dma_start3A_506] : memref<32x5x25x80xi32, #tpu.memory_space<hbm>> -> memref<1x1x25x80xi32, #tpu.memory_space<hbm>>
      %dma_start3A_508 = tpu.memref_squeeze %dma_start3A_507 : memref<1x1x25x80xi32, #tpu.memory_space<hbm>> -> memref<25x80xi32, #tpu.memory_space<hbm>>
      tpu.enqueue_dma source(%dma_start3A_508 : memref<25x80xi32, #tpu.memory_space<hbm>>) target(%arg7 : memref<25x80xi32, #tpu.memory_space<vmem>>) target_semaphore(%run_scoped3A_500 : memref<!tpu.dma_semaphore, #tpu.memory_space<semaphore_mem>>)
      %dma_wait3A_509 = arith.constant 0 : i32
      %dma_wait3A_510 = arith.constant 0 : i32
      %dma_wait3A_511 = tpu.memref_slice %arg4[%add3A, %run_scoped3A_1, %dma_wait3A_509, %dma_wait3A_510] : memref<32x5x25x80xi32, #tpu.memory_space<hbm>> -> memref<1x1x25x80xi32, #tpu.memory_space<hbm>>
      %dma_wait3A_512 = tpu.memref_squeeze %dma_wait3A_511 : memref<1x1x25x80xi32, #tpu.memory_space<hbm>> -> memref<25x80xi32, #tpu.memory_space<hbm>>
      %dma_wait3A_513 = arith.constant 0 : i32
      %dma_wait3A_514 = arith.constant 0 : i32
      %dma_wait3A_515 = tpu.memref_slice %arg4[%add3A, %run_scoped3A_1, %dma_wait3A_513, %dma_wait3A_514] : memref<32x5x25x80xi32, #tpu.memory_space<hbm>> -> memref<1x1x25x80xi32, #tpu.memory_space<hbm>>
      %dma_wait3A_516 = tpu.memref_squeeze %dma_wait3A_515 : memref<1x1x25x80xi32, #tpu.memory_space<hbm>> -> memref<25x80xi32, #tpu.memory_space<hbm>>
      tpu.wait_dma2 semaphore(%run_scoped3A_500 : memref<!tpu.dma_semaphore, #tpu.memory_space<semaphore_mem>>) src(%dma_wait3A_516 : memref<25x80xi32, #tpu.memory_space<hbm>>) dst(%arg7 : memref<25x80xi32, #tpu.memory_space<vmem>>)
      tpu.yield
    }) : () -> ()
    %broadcast_in_dim3A = arith.constant 0.000000e+00 : f32
    %broadcast_in_dim3A_2 = vector.broadcast %broadcast_in_dim3A : f32 to vector<16xf32>
    %scan3A = arith.constant 0 : i32
    %scan3A_3 = arith.constant 0 : i32
    %scan3A_4 = arith.constant 640 : i32
    %scan3A_5 = arith.addi %scan3A_3, %scan3A_4 : i32
    %scan3A_6 = arith.constant 1 : i32
    scf.for %scan3A_500 = %scan3A_3 to %scan3A_5 step %scan3A_6  : i32 {
      %jit3A = arith.constant 8 : i32
      %div3A = arith.divsi %scan3A_500, %jit3A : i32
      %sign3A = arith.constant 0 : i32
      %sign3A_501 = arith.cmpi sgt, %scan3A_500, %sign3A : i32
      %sign3A_502 = arith.extui %sign3A_501 : i1 to i32
      %sign3A_503 = arith.constant 0 : i32
      %sign3A_504 = arith.cmpi slt, %scan3A_500, %sign3A_503 : i32
      %sign3A_505 = arith.extui %sign3A_504 : i1 to i32
      %sign3A_506 = arith.subi %sign3A_502, %sign3A_505 : i32
      %sign3A_507 = arith.constant 0 : i32
      %sign3A_508 = arith.cmpi sgt, %jit3A, %sign3A_507 : i32
      %sign3A_509 = arith.extui %sign3A_508 : i1 to i32
      %sign3A_510 = arith.constant 0 : i32
      %sign3A_511 = arith.cmpi slt, %jit3A, %sign3A_510 : i32
      %sign3A_512 = arith.extui %sign3A_511 : i1 to i32
      %sign3A_513 = arith.subi %sign3A_509, %sign3A_512 : i32
      %ne3A = arith.cmpi ne, %sign3A_506, %sign3A_513 : i32
      %rem3A = arith.remsi %scan3A_500, %jit3A : i32
      %ne3A_514 = arith.constant 0 : i32
      %ne3A_515 = arith.cmpi ne, %rem3A, %ne3A_514 : i32
      %and3A_516 = arith.andi %ne3A, %ne3A_515 : i1
      %sub3A = arith.constant 1 : i32
      %sub3A_517 = arith.subi %div3A, %sub3A : i32
      %select_n3A = arith.select %and3A_516, %sub3A_517, %div3A : i32
      %jit3A_518 = arith.constant 8 : i32
      %eq3A = arith.constant 0 : i32
      %eq3A_519 = arith.cmpi eq, %jit3A_518, %eq3A : i32
      %jit3A_520 = arith.constant 1 : i32
      %select_n3A_521 = arith.select %eq3A_519, %jit3A_520, %jit3A_518 : i32
      %rem3A_522 = arith.remsi %scan3A_500, %select_n3A_521 : i32
      %ne3A_523 = arith.constant 0 : i32
      %ne3A_524 = arith.cmpi ne, %rem3A_522, %ne3A_523 : i32
      %lt3A_525 = arith.constant 0 : i32
      %lt3A_526 = arith.cmpi slt, %rem3A_522, %lt3A_525 : i32
      %lt3A_527 = arith.constant 0 : i32
      %lt3A_528 = arith.cmpi slt, %select_n3A_521, %lt3A_527 : i32
      %ne3A_529 = arith.xori %lt3A_526, %lt3A_528 : i1
      %and3A_530 = arith.andi %ne3A_529, %ne3A_524 : i1
      %add3A_531 = arith.addi %rem3A_522, %select_n3A_521 : i32
      %select_n3A_532 = arith.select %and3A_530, %add3A_531, %rem3A_522 : i32
      %mul3A_533 = arith.constant 16 : i32
      %mul3A_534 = arith.muli %select_n3A_532, %mul3A_533 : i32
      %swap3A = arith.index_cast %select_n3A : i32 to index
      %swap3A_535 = arith.index_cast %mul3A_534 : i32 to index
      %swap3A_536 = tpu.vector_load %arg9[%swap3A, %swap3A_535] {strides = array<i32>} : memref<80x128xf32, #tpu.memory_space<vmem>>, vector<1x16xf32>,
      %swap3A_537 = vector.shape_cast %swap3A_536 : vector<1x16xf32> to vector<16xf32>
      %swap3A_538 = vector.shape_cast %broadcast_in_dim3A_2 : vector<16xf32> to vector<1x16xf32>
      tpu.vector_store %arg9[%swap3A, %swap3A_535], %swap3A_538 {strides = array<i32>} : memref<80x128xf32, #tpu.memory_space<vmem>>, vector<1x16xf32>,
    }
    %scan3A_7 = arith.constant 640 : i32
    %add3A_8 = arith.constant 0 : i32
    %add3A_9 = arith.addi %arg1, %add3A_8 : i32
    %lt3A = arith.constant 125 : i32
    %lt3A_10 = arith.cmpi slt, %add3A_9, %lt3A : i32
    %convert_element_type3A = arith.extui %lt3A_10 : i1 to i32
    %cond3A = arith.constant 0 : i32
    %cond3A_11 = arith.cmpi ne, %convert_element_type3A, %cond3A : i32
    scf.if %cond3A_11 {
      %mul3A_500 = arith.constant 80 : i32
      %mul3A_501 = arith.muli %add3A_9, %mul3A_500 : i32
      %dma_start3A_502 = arith.constant 0 : i32
      %dma_start3A_503 = tpu.memref_slice %arg10[%mul3A_501, %dma_start3A_502] : memref<10000x128xf32, #tpu.memory_space<vmem_shared>> -> memref<80x128xf32, #tpu.memory_space<vmem_shared>>
      %dma_start3A_504 = arith.constant 0 : i32
      %dma_start3A_505 = tpu.memref_slice %arg10[%mul3A_501, %dma_start3A_504] : memref<10000x128xf32, #tpu.memory_space<vmem_shared>> -> memref<80x128xf32, #tpu.memory_space<vmem_shared>>
      tpu.enqueue_dma source(%arg9 : memref<80x128xf32, #tpu.memory_space<vmem>>) target(%dma_start3A_505 : memref<80x128xf32, #tpu.memory_space<vmem_shared>>) target_semaphore(%arg13 : memref<!tpu.dma_semaphore, #tpu.memory_space<semaphore_mem>>)
    } else {
    }
    %add3A_12 = arith.constant 16 : i32
    %add3A_13 = arith.addi %arg1, %add3A_12 : i32
    %lt3A_14 = arith.constant 125 : i32
    %lt3A_15 = arith.cmpi slt, %add3A_13, %lt3A_14 : i32
    %convert_element_type3A_16 = arith.extui %lt3A_15 : i1 to i32
    %cond3A_17 = arith.constant 0 : i32
    %cond3A_18 = arith.cmpi ne, %convert_element_type3A_16, %cond3A_17 : i32
    scf.if %cond3A_18 {
      %mul3A_500 = arith.constant 80 : i32
      %mul3A_501 = arith.muli %add3A_13, %mul3A_500 : i32
      %dma_start3A_502 = arith.constant 0 : i32
      %dma_start3A_503 = tpu.memref_slice %arg10[%mul3A_501, %dma_start3A_502] : memref<10000x128xf32, #tpu.memory_space<vmem_shared>> -> memref<80x128xf32, #tpu.memory_space<vmem_shared>>
      %dma_start3A_504 = arith.constant 0 : i32
      %dma_start3A_505 = tpu.memref_slice %arg10[%mul3A_501, %dma_start3A_504] : memref<10000x128xf32, #tpu.memory_space<vmem_shared>> -> memref<80x128xf32, #tpu.memory_space<vmem_shared>>
      tpu.enqueue_dma source(%arg9 : memref<80x128xf32, #tpu.memory_space<vmem>>) target(%dma_start3A_505 : memref<80x128xf32, #tpu.memory_space<vmem_shared>>) target_semaphore(%arg13 : memref<!tpu.dma_semaphore, #tpu.memory_space<semaphore_mem>>)
    } else {
    }
    %add3A_19 = arith.constant 32 : i32
    %add3A_20 = arith.addi %arg1, %add3A_19 : i32
    %lt3A_21 = arith.constant 125 : i32
    %lt3A_22 = arith.cmpi slt, %add3A_20, %lt3A_21 : i32
    %convert_element_type3A_23 = arith.extui %lt3A_22 : i1 to i32
    %cond3A_24 = arith.constant 0 : i32
    %cond3A_25 = arith.cmpi ne, %convert_element_type3A_23, %cond3A_24 : i32
    scf.if %cond3A_25 {
      %mul3A_500 = arith.constant 80 : i32
      %mul3A_501 = arith.muli %add3A_20, %mul3A_500 : i32
      %dma_start3A_502 = arith.constant 0 : i32
      %dma_start3A_503 = tpu.memref_slice %arg10[%mul3A_501, %dma_start3A_502] : memref<10000x128xf32, #tpu.memory_space<vmem_shared>> -> memref<80x128xf32, #tpu.memory_space<vmem_shared>>
      %dma_start3A_504 = arith.constant 0 : i32
      %dma_start3A_505 = tpu.memref_slice %arg10[%mul3A_501, %dma_start3A_504] : memref<10000x128xf32, #tpu.memory_space<vmem_shared>> -> memref<80x128xf32, #tpu.memory_space<vmem_shared>>
      tpu.enqueue_dma source(%arg9 : memref<80x128xf32, #tpu.memory_space<vmem>>) target(%dma_start3A_505 : memref<80x128xf32, #tpu.memory_space<vmem_shared>>) target_semaphore(%arg13 : memref<!tpu.dma_semaphore, #tpu.memory_space<semaphore_mem>>)
    } else {
    }
    %add3A_26 = arith.constant 48 : i32
    %add3A_27 = arith.addi %arg1, %add3A_26 : i32
    %lt3A_28 = arith.constant 125 : i32
    %lt3A_29 = arith.cmpi slt, %add3A_27, %lt3A_28 : i32
    %convert_element_type3A_30 = arith.extui %lt3A_29 : i1 to i32
    %cond3A_31 = arith.constant 0 : i32
    %cond3A_32 = arith.cmpi ne, %convert_element_type3A_30, %cond3A_31 : i32
    scf.if %cond3A_32 {
      %mul3A_500 = arith.constant 80 : i32
      %mul3A_501 = arith.muli %add3A_27, %mul3A_500 : i32
      %dma_start3A_502 = arith.constant 0 : i32
      %dma_start3A_503 = tpu.memref_slice %arg10[%mul3A_501, %dma_start3A_502] : memref<10000x128xf32, #tpu.memory_space<vmem_shared>> -> memref<80x128xf32, #tpu.memory_space<vmem_shared>>
      %dma_start3A_504 = arith.constant 0 : i32
      %dma_start3A_505 = tpu.memref_slice %arg10[%mul3A_501, %dma_start3A_504] : memref<10000x128xf32, #tpu.memory_space<vmem_shared>> -> memref<80x128xf32, #tpu.memory_space<vmem_shared>>
      tpu.enqueue_dma source(%arg9 : memref<80x128xf32, #tpu.memory_space<vmem>>) target(%dma_start3A_505 : memref<80x128xf32, #tpu.memory_space<vmem_shared>>) target_semaphore(%arg13 : memref<!tpu.dma_semaphore, #tpu.memory_space<semaphore_mem>>)
    } else {
    }
    %add3A_33 = arith.constant 64 : i32
    %add3A_34 = arith.addi %arg1, %add3A_33 : i32
    %lt3A_35 = arith.constant 125 : i32
    %lt3A_36 = arith.cmpi slt, %add3A_34, %lt3A_35 : i32
    %convert_element_type3A_37 = arith.extui %lt3A_36 : i1 to i32
    %cond3A_38 = arith.constant 0 : i32
    %cond3A_39 = arith.cmpi ne, %convert_element_type3A_37, %cond3A_38 : i32
    scf.if %cond3A_39 {
      %mul3A_500 = arith.constant 80 : i32
      %mul3A_501 = arith.muli %add3A_34, %mul3A_500 : i32
      %dma_start3A_502 = arith.constant 0 : i32
      %dma_start3A_503 = tpu.memref_slice %arg10[%mul3A_501, %dma_start3A_502] : memref<10000x128xf32, #tpu.memory_space<vmem_shared>> -> memref<80x128xf32, #tpu.memory_space<vmem_shared>>
      %dma_start3A_504 = arith.constant 0 : i32
      %dma_start3A_505 = tpu.memref_slice %arg10[%mul3A_501, %dma_start3A_504] : memref<10000x128xf32, #tpu.memory_space<vmem_shared>> -> memref<80x128xf32, #tpu.memory_space<vmem_shared>>
      tpu.enqueue_dma source(%arg9 : memref<80x128xf32, #tpu.memory_space<vmem>>) target(%dma_start3A_505 : memref<80x128xf32, #tpu.memory_space<vmem_shared>>) target_semaphore(%arg13 : memref<!tpu.dma_semaphore, #tpu.memory_space<semaphore_mem>>)
    } else {
    }
    %add3A_40 = arith.constant 80 : i32
    %add3A_41 = arith.addi %arg1, %add3A_40 : i32
    %lt3A_42 = arith.constant 125 : i32
    %lt3A_43 = arith.cmpi slt, %add3A_41, %lt3A_42 : i32
    %convert_element_type3A_44 = arith.extui %lt3A_43 : i1 to i32
    %cond3A_45 = arith.constant 0 : i32
    %cond3A_46 = arith.cmpi ne, %convert_element_type3A_44, %cond3A_45 : i32
    scf.if %cond3A_46 {
      %mul3A_500 = arith.constant 80 : i32
      %mul3A_501 = arith.muli %add3A_41, %mul3A_500 : i32
      %dma_start3A_502 = arith.constant 0 : i32
      %dma_start3A_503 = tpu.memref_slice %arg10[%mul3A_501, %dma_start3A_502] : memref<10000x128xf32, #tpu.memory_space<vmem_shared>> -> memref<80x128xf32, #tpu.memory_space<vmem_shared>>
      %dma_start3A_504 = arith.constant 0 : i32
      %dma_start3A_505 = tpu.memref_slice %arg10[%mul3A_501, %dma_start3A_504] : memref<10000x128xf32, #tpu.memory_space<vmem_shared>> -> memref<80x128xf32, #tpu.memory_space<vmem_shared>>
      tpu.enqueue_dma source(%arg9 : memref<80x128xf32, #tpu.memory_space<vmem>>) target(%dma_start3A_505 : memref<80x128xf32, #tpu.memory_space<vmem_shared>>) target_semaphore(%arg13 : memref<!tpu.dma_semaphore, #tpu.memory_space<semaphore_mem>>)
    } else {
    }
    %add3A_47 = arith.constant 96 : i32
    %add3A_48 = arith.addi %arg1, %add3A_47 : i32
    %lt3A_49 = arith.constant 125 : i32
    %lt3A_50 = arith.cmpi slt, %add3A_48, %lt3A_49 : i32
    %convert_element_type3A_51 = arith.extui %lt3A_50 : i1 to i32
    %cond3A_52 = arith.constant 0 : i32
    %cond3A_53 = arith.cmpi ne, %convert_element_type3A_51, %cond3A_52 : i32
    scf.if %cond3A_53 {
      %mul3A_500 = arith.constant 80 : i32
      %mul3A_501 = arith.muli %add3A_48, %mul3A_500 : i32
      %dma_start3A_502 = arith.constant 0 : i32
      %dma_start3A_503 = tpu.memref_slice %arg10[%mul3A_501, %dma_start3A_502] : memref<10000x128xf32, #tpu.memory_space<vmem_shared>> -> memref<80x128xf32, #tpu.memory_space<vmem_shared>>
      %dma_start3A_504 = arith.constant 0 : i32
      %dma_start3A_505 = tpu.memref_slice %arg10[%mul3A_501, %dma_start3A_504] : memref<10000x128xf32, #tpu.memory_space<vmem_shared>> -> memref<80x128xf32, #tpu.memory_space<vmem_shared>>
      tpu.enqueue_dma source(%arg9 : memref<80x128xf32, #tpu.memory_space<vmem>>) target(%dma_start3A_505 : memref<80x128xf32, #tpu.memory_space<vmem_shared>>) target_semaphore(%arg13 : memref<!tpu.dma_semaphore, #tpu.memory_space<semaphore_mem>>)
    } else {
    }
    %add3A_54 = arith.constant 112 : i32
    %add3A_55 = arith.addi %arg1, %add3A_54 : i32
    %lt3A_56 = arith.constant 125 : i32
    %lt3A_57 = arith.cmpi slt, %add3A_55, %lt3A_56 : i32
    %convert_element_type3A_58 = arith.extui %lt3A_57 : i1 to i32
    %cond3A_59 = arith.constant 0 : i32
    %cond3A_60 = arith.cmpi ne, %convert_element_type3A_58, %cond3A_59 : i32
    scf.if %cond3A_60 {
      %mul3A_500 = arith.constant 80 : i32
      %mul3A_501 = arith.muli %add3A_55, %mul3A_500 : i32
      %dma_start3A_502 = arith.constant 0 : i32
      %dma_start3A_503 = tpu.memref_slice %arg10[%mul3A_501, %dma_start3A_502] : memref<10000x128xf32, #tpu.memory_space<vmem_shared>> -> memref<80x128xf32, #tpu.memory_space<vmem_shared>>
      %dma_start3A_504 = arith.constant 0 : i32
      %dma_start3A_505 = tpu.memref_slice %arg10[%mul3A_501, %dma_start3A_504] : memref<10000x128xf32, #tpu.memory_space<vmem_shared>> -> memref<80x128xf32, #tpu.memory_space<vmem_shared>>
      tpu.enqueue_dma source(%arg9 : memref<80x128xf32, #tpu.memory_space<vmem>>) target(%dma_start3A_505 : memref<80x128xf32, #tpu.memory_space<vmem_shared>>) target_semaphore(%arg13 : memref<!tpu.dma_semaphore, #tpu.memory_space<semaphore_mem>>)
    } else {
    }
    %add3A_61 = arith.constant 0 : i32
    %add3A_62 = arith.addi %arg1, %add3A_61 : i32
    %lt3A_63 = arith.constant 125 : i32
    %lt3A_64 = arith.cmpi slt, %add3A_62, %lt3A_63 : i32
    %convert_element_type3A_65 = arith.extui %lt3A_64 : i1 to i32
    %cond3A_66 = arith.constant 0 : i32
    %cond3A_67 = arith.cmpi ne, %convert_element_type3A_65, %cond3A_66 : i32
    scf.if %cond3A_67 {
      %dma_wait3A_500 = arith.constant 0 : i32
      %dma_wait3A_501 = arith.constant 0 : i32
      %dma_wait3A_502 = tpu.memref_slice %arg10[%dma_wait3A_500, %dma_wait3A_501] : memref<10000x128xf32, #tpu.memory_space<vmem_shared>> -> memref<80x128xf32, #tpu.memory_space<vmem_shared>>
      %dma_wait3A_503 = arith.constant 0 : i32
      %dma_wait3A_504 = arith.constant 0 : i32
      %dma_wait3A_505 = tpu.memref_slice %arg10[%dma_wait3A_503, %dma_wait3A_504] : memref<10000x128xf32, #tpu.memory_space<vmem_shared>> -> memref<80x128xf32, #tpu.memory_space<vmem_shared>>
      tpu.wait_dma2 semaphore(%arg13 : memref<!tpu.dma_semaphore, #tpu.memory_space<semaphore_mem>>) src(%arg9 : memref<80x128xf32, #tpu.memory_space<vmem>>) dst(%dma_wait3A_505 : memref<80x128xf32, #tpu.memory_space<vmem_shared>>)
    } else {
    }
    %add3A_68 = arith.constant 16 : i32
    %add3A_69 = arith.addi %arg1, %add3A_68 : i32
    %lt3A_70 = arith.constant 125 : i32
    %lt3A_71 = arith.cmpi slt, %add3A_69, %lt3A_70 : i32
    %convert_element_type3A_72 = arith.extui %lt3A_71 : i1 to i32
    %cond3A_73 = arith.constant 0 : i32
    %cond3A_74 = arith.cmpi ne, %convert_element_type3A_72, %cond3A_73 : i32
    scf.if %cond3A_74 {
      %dma_wait3A_500 = arith.constant 0 : i32
      %dma_wait3A_501 = arith.constant 0 : i32
      %dma_wait3A_502 = tpu.memref_slice %arg10[%dma_wait3A_500, %dma_wait3A_501] : memref<10000x128xf32, #tpu.memory_space<vmem_shared>> -> memref<80x128xf32, #tpu.memory_space<vmem_shared>>
      %dma_wait3A_503 = arith.constant 0 : i32
      %dma_wait3A_504 = arith.constant 0 : i32
      %dma_wait3A_505 = tpu.memref_slice %arg10[%dma_wait3A_503, %dma_wait3A_504] : memref<10000x128xf32, #tpu.memory_space<vmem_shared>> -> memref<80x128xf32, #tpu.memory_space<vmem_shared>>
      tpu.wait_dma2 semaphore(%arg13 : memref<!tpu.dma_semaphore, #tpu.memory_space<semaphore_mem>>) src(%arg9 : memref<80x128xf32, #tpu.memory_space<vmem>>) dst(%dma_wait3A_505 : memref<80x128xf32, #tpu.memory_space<vmem_shared>>)
    } else {
    }
    %add3A_75 = arith.constant 32 : i32
    %add3A_76 = arith.addi %arg1, %add3A_75 : i32
    %lt3A_77 = arith.constant 125 : i32
    %lt3A_78 = arith.cmpi slt, %add3A_76, %lt3A_77 : i32
    %convert_element_type3A_79 = arith.extui %lt3A_78 : i1 to i32
    %cond3A_80 = arith.constant 0 : i32
    %cond3A_81 = arith.cmpi ne, %convert_element_type3A_79, %cond3A_80 : i32
    scf.if %cond3A_81 {
      %dma_wait3A_500 = arith.constant 0 : i32
      %dma_wait3A_501 = arith.constant 0 : i32
      %dma_wait3A_502 = tpu.memref_slice %arg10[%dma_wait3A_500, %dma_wait3A_501] : memref<10000x128xf32, #tpu.memory_space<vmem_shared>> -> memref<80x128xf32, #tpu.memory_space<vmem_shared>>
      %dma_wait3A_503 = arith.constant 0 : i32
      %dma_wait3A_504 = arith.constant 0 : i32
      %dma_wait3A_505 = tpu.memref_slice %arg10[%dma_wait3A_503, %dma_wait3A_504] : memref<10000x128xf32, #tpu.memory_space<vmem_shared>> -> memref<80x128xf32, #tpu.memory_space<vmem_shared>>
      tpu.wait_dma2 semaphore(%arg13 : memref<!tpu.dma_semaphore, #tpu.memory_space<semaphore_mem>>) src(%arg9 : memref<80x128xf32, #tpu.memory_space<vmem>>) dst(%dma_wait3A_505 : memref<80x128xf32, #tpu.memory_space<vmem_shared>>)
    } else {
    }
    %add3A_82 = arith.constant 48 : i32
    %add3A_83 = arith.addi %arg1, %add3A_82 : i32
    %lt3A_84 = arith.constant 125 : i32
    %lt3A_85 = arith.cmpi slt, %add3A_83, %lt3A_84 : i32
    %convert_element_type3A_86 = arith.extui %lt3A_85 : i1 to i32
    %cond3A_87 = arith.constant 0 : i32
    %cond3A_88 = arith.cmpi ne, %convert_element_type3A_86, %cond3A_87 : i32
    scf.if %cond3A_88 {
      %dma_wait3A_500 = arith.constant 0 : i32
      %dma_wait3A_501 = arith.constant 0 : i32
      %dma_wait3A_502 = tpu.memref_slice %arg10[%dma_wait3A_500, %dma_wait3A_501] : memref<10000x128xf32, #tpu.memory_space<vmem_shared>> -> memref<80x128xf32, #tpu.memory_space<vmem_shared>>
      %dma_wait3A_503 = arith.constant 0 : i32
      %dma_wait3A_504 = arith.constant 0 : i32
      %dma_wait3A_505 = tpu.memref_slice %arg10[%dma_wait3A_503, %dma_wait3A_504] : memref<10000x128xf32, #tpu.memory_space<vmem_shared>> -> memref<80x128xf32, #tpu.memory_space<vmem_shared>>
      tpu.wait_dma2 semaphore(%arg13 : memref<!tpu.dma_semaphore, #tpu.memory_space<semaphore_mem>>) src(%arg9 : memref<80x128xf32, #tpu.memory_space<vmem>>) dst(%dma_wait3A_505 : memref<80x128xf32, #tpu.memory_space<vmem_shared>>)
    } else {
    }
    %add3A_89 = arith.constant 64 : i32
    %add3A_90 = arith.addi %arg1, %add3A_89 : i32
    %lt3A_91 = arith.constant 125 : i32
    %lt3A_92 = arith.cmpi slt, %add3A_90, %lt3A_91 : i32
    %convert_element_type3A_93 = arith.extui %lt3A_92 : i1 to i32
    %cond3A_94 = arith.constant 0 : i32
    %cond3A_95 = arith.cmpi ne, %convert_element_type3A_93, %cond3A_94 : i32
    scf.if %cond3A_95 {
      %dma_wait3A_500 = arith.constant 0 : i32
      %dma_wait3A_501 = arith.constant 0 : i32
      %dma_wait3A_502 = tpu.memref_slice %arg10[%dma_wait3A_500, %dma_wait3A_501] : memref<10000x128xf32, #tpu.memory_space<vmem_shared>> -> memref<80x128xf32, #tpu.memory_space<vmem_shared>>
      %dma_wait3A_503 = arith.constant 0 : i32
      %dma_wait3A_504 = arith.constant 0 : i32
      %dma_wait3A_505 = tpu.memref_slice %arg10[%dma_wait3A_503, %dma_wait3A_504] : memref<10000x128xf32, #tpu.memory_space<vmem_shared>> -> memref<80x128xf32, #tpu.memory_space<vmem_shared>>
      tpu.wait_dma2 semaphore(%arg13 : memref<!tpu.dma_semaphore, #tpu.memory_space<semaphore_mem>>) src(%arg9 : memref<80x128xf32, #tpu.memory_space<vmem>>) dst(%dma_wait3A_505 : memref<80x128xf32, #tpu.memory_space<vmem_shared>>)
    } else {
    }
    %add3A_96 = arith.constant 80 : i32
    %add3A_97 = arith.addi %arg1, %add3A_96 : i32
    %lt3A_98 = arith.constant 125 : i32
    %lt3A_99 = arith.cmpi slt, %add3A_97, %lt3A_98 : i32
    %convert_element_type3A_100 = arith.extui %lt3A_99 : i1 to i32
    %cond3A_101 = arith.constant 0 : i32
    %cond3A_102 = arith.cmpi ne, %convert_element_type3A_100, %cond3A_101 : i32
    scf.if %cond3A_102 {
      %dma_wait3A_500 = arith.constant 0 : i32
      %dma_wait3A_501 = arith.constant 0 : i32
      %dma_wait3A_502 = tpu.memref_slice %arg10[%dma_wait3A_500, %dma_wait3A_501] : memref<10000x128xf32, #tpu.memory_space<vmem_shared>> -> memref<80x128xf32, #tpu.memory_space<vmem_shared>>
      %dma_wait3A_503 = arith.constant 0 : i32
      %dma_wait3A_504 = arith.constant 0 : i32
      %dma_wait3A_505 = tpu.memref_slice %arg10[%dma_wait3A_503, %dma_wait3A_504] : memref<10000x128xf32, #tpu.memory_space<vmem_shared>> -> memref<80x128xf32, #tpu.memory_space<vmem_shared>>
      tpu.wait_dma2 semaphore(%arg13 : memref<!tpu.dma_semaphore, #tpu.memory_space<semaphore_mem>>) src(%arg9 : memref<80x128xf32, #tpu.memory_space<vmem>>) dst(%dma_wait3A_505 : memref<80x128xf32, #tpu.memory_space<vmem_shared>>)
    } else {
    }
    %add3A_103 = arith.constant 96 : i32
    %add3A_104 = arith.addi %arg1, %add3A_103 : i32
    %lt3A_105 = arith.constant 125 : i32
    %lt3A_106 = arith.cmpi slt, %add3A_104, %lt3A_105 : i32
    %convert_element_type3A_107 = arith.extui %lt3A_106 : i1 to i32
    %cond3A_108 = arith.constant 0 : i32
    %cond3A_109 = arith.cmpi ne, %convert_element_type3A_107, %cond3A_108 : i32
    scf.if %cond3A_109 {
      %dma_wait3A_500 = arith.constant 0 : i32
      %dma_wait3A_501 = arith.constant 0 : i32
      %dma_wait3A_502 = tpu.memref_slice %arg10[%dma_wait3A_500, %dma_wait3A_501] : memref<10000x128xf32, #tpu.memory_space<vmem_shared>> -> memref<80x128xf32, #tpu.memory_space<vmem_shared>>
      %dma_wait3A_503 = arith.constant 0 : i32
      %dma_wait3A_504 = arith.constant 0 : i32
      %dma_wait3A_505 = tpu.memref_slice %arg10[%dma_wait3A_503, %dma_wait3A_504] : memref<10000x128xf32, #tpu.memory_space<vmem_shared>> -> memref<80x128xf32, #tpu.memory_space<vmem_shared>>
      tpu.wait_dma2 semaphore(%arg13 : memref<!tpu.dma_semaphore, #tpu.memory_space<semaphore_mem>>) src(%arg9 : memref<80x128xf32, #tpu.memory_space<vmem>>) dst(%dma_wait3A_505 : memref<80x128xf32, #tpu.memory_space<vmem_shared>>)
    } else {
    }
    %add3A_110 = arith.constant 112 : i32
    %add3A_111 = arith.addi %arg1, %add3A_110 : i32
    %lt3A_112 = arith.constant 125 : i32
    %lt3A_113 = arith.cmpi slt, %add3A_111, %lt3A_112 : i32
    %convert_element_type3A_114 = arith.extui %lt3A_113 : i1 to i32
    %cond3A_115 = arith.constant 0 : i32
    %cond3A_116 = arith.cmpi ne, %convert_element_type3A_114, %cond3A_115 : i32
    scf.if %cond3A_116 {
      %dma_wait3A_500 = arith.constant 0 : i32
      %dma_wait3A_501 = arith.constant 0 : i32
      %dma_wait3A_502 = tpu.memref_slice %arg10[%dma_wait3A_500, %dma_wait3A_501] : memref<10000x128xf32, #tpu.memory_space<vmem_shared>> -> memref<80x128xf32, #tpu.memory_space<vmem_shared>>
      %dma_wait3A_503 = arith.constant 0 : i32
      %dma_wait3A_504 = arith.constant 0 : i32
      %dma_wait3A_505 = tpu.memref_slice %arg10[%dma_wait3A_503, %dma_wait3A_504] : memref<10000x128xf32, #tpu.memory_space<vmem_shared>> -> memref<80x128xf32, #tpu.memory_space<vmem_shared>>
      tpu.wait_dma2 semaphore(%arg13 : memref<!tpu.dma_semaphore, #tpu.memory_space<semaphore_mem>>) src(%arg9 : memref<80x128xf32, #tpu.memory_space<vmem>>) dst(%dma_wait3A_505 : memref<80x128xf32, #tpu.memory_space<vmem_shared>>)
    } else {
    }
    %barrier3A = arith.constant 0 : index
    tpu.barrier barrier_id(%barrier3A)
    %scan3A_117 = arith.constant 0 : i32
    %scan3A_118 = arith.constant 0 : i32
    %scan3A_119 = arith.constant 12 : i32
    %scan3A_120 = arith.addi %scan3A_118, %scan3A_119 : i32
    %scan3A_121 = arith.constant 1 : i32
    scf.for %scan3A_500 = %scan3A_118 to %scan3A_120 step %scan3A_121  : i32 {
      %mul3A_501 = arith.constant 2 : i32
      %mul3A_502 = arith.muli %mul3A_501, %scan3A_500 : i32
      %dma_start3A_503 = arith.constant 0 : i32
      %dma_start3A_504 = tpu.memref_slice %arg6[%mul3A_502, %dma_start3A_503] : memref<25x80xi32, #tpu.memory_space<vmem>> -> memref<1x80xi32, #tpu.memory_space<vmem>>
      %dma_start3A_505 = tpu.memref_squeeze %dma_start3A_504 : memref<1x80xi32, #tpu.memory_space<vmem>> -> memref<80xi32, #tpu.memory_space<vmem>>
      %dma_start3A_506 = arith.constant 0 : i32
      %dma_start3A_507 = arith.constant 0 : i32
      %dma_start3A_508 = tpu.memref_slice %arg2[%dma_start3A_506, %dma_start3A_507] : memref<10000x128xf32, #tpu.memory_space<hbm>> -> memref<10000x128xf32, #tpu.memory_space<hbm>>
      tpu.enqueue_indirect_dma source(%dma_start3A_508 : memref<10000x128xf32, #tpu.memory_space<hbm>>) target(%arg8 : memref<80x128xf32, #tpu.memory_space<vmem>>) offsets(%dma_start3A_505 : memref<80xi32, #tpu.memory_space<vmem>>) semaphore(%arg11 : memref<!tpu.dma_semaphore, #tpu.memory_space<semaphore_mem>>)
      %add3A_509 = arith.constant 1 : i32
      %add3A_510 = arith.addi %mul3A_502, %add3A_509 : i32
      %dma_start3A_511 = arith.constant 0 : i32
      %dma_start3A_512 = tpu.memref_slice %arg6[%add3A_510, %dma_start3A_511] : memref<25x80xi32, #tpu.memory_space<vmem>> -> memref<1x80xi32, #tpu.memory_space<vmem>>
      %dma_start3A_513 = tpu.memref_squeeze %dma_start3A_512 : memref<1x80xi32, #tpu.memory_space<vmem>> -> memref<80xi32, #tpu.memory_space<vmem>>
      %dma_start3A_514 = arith.constant 0 : i32
      %dma_start3A_515 = arith.constant 0 : i32
      %dma_start3A_516 = tpu.memref_slice %arg2[%dma_start3A_514, %dma_start3A_515] : memref<10000x128xf32, #tpu.memory_space<hbm>> -> memref<10000x128xf32, #tpu.memory_space<hbm>>
      tpu.enqueue_indirect_dma source(%dma_start3A_516 : memref<10000x128xf32, #tpu.memory_space<hbm>>) target(%arg9 : memref<80x128xf32, #tpu.memory_space<vmem>>) offsets(%dma_start3A_513 : memref<80xi32, #tpu.memory_space<vmem>>) semaphore(%arg12 : memref<!tpu.dma_semaphore, #tpu.memory_space<semaphore_mem>>)
      %dma_wait3A_517 = arith.constant 0 : i32
      %dma_wait3A_518 = arith.constant 0 : i32
      %dma_wait3A_519 = tpu.memref_slice %arg6[%dma_wait3A_517, %dma_wait3A_518] : memref<25x80xi32, #tpu.memory_space<vmem>> -> memref<1x80xi32, #tpu.memory_space<vmem>>
      %dma_wait3A_520 = tpu.memref_squeeze %dma_wait3A_519 : memref<1x80xi32, #tpu.memory_space<vmem>> -> memref<80xi32, #tpu.memory_space<vmem>>
      %dma_wait3A_521 = arith.constant 0 : i32
      %dma_wait3A_522 = arith.constant 0 : i32
      %dma_wait3A_523 = tpu.memref_slice %arg2[%dma_wait3A_521, %dma_wait3A_522] : memref<10000x128xf32, #tpu.memory_space<hbm>> -> memref<10000x128xf32, #tpu.memory_space<hbm>>
      tpu.wait_indirect_dma semaphore(%arg11 : memref<!tpu.dma_semaphore, #tpu.memory_space<semaphore_mem>>) src(%dma_wait3A_523 : memref<10000x128xf32, #tpu.memory_space<hbm>>) dst(%arg8 : memref<80x128xf32, #tpu.memory_space<vmem>>)
      %dma_wait3A_524 = arith.constant 0 : i32
      %dma_wait3A_525 = arith.constant 0 : i32
      %dma_wait3A_526 = tpu.memref_slice %arg6[%dma_wait3A_524, %dma_wait3A_525] : memref<25x80xi32, #tpu.memory_space<vmem>> -> memref<1x80xi32, #tpu.memory_space<vmem>>
      %dma_wait3A_527 = tpu.memref_squeeze %dma_wait3A_526 : memref<1x80xi32, #tpu.memory_space<vmem>> -> memref<80xi32, #tpu.memory_space<vmem>>
      %dma_wait3A_528 = arith.constant 0 : i32
      %dma_wait3A_529 = arith.constant 0 : i32
      %dma_wait3A_530 = tpu.memref_slice %arg2[%dma_wait3A_528, %dma_wait3A_529] : memref<10000x128xf32, #tpu.memory_space<hbm>> -> memref<10000x128xf32, #tpu.memory_space<hbm>>
      tpu.wait_indirect_dma semaphore(%arg12 : memref<!tpu.dma_semaphore, #tpu.memory_space<semaphore_mem>>) src(%dma_wait3A_530 : memref<10000x128xf32, #tpu.memory_space<hbm>>) dst(%arg9 : memref<80x128xf32, #tpu.memory_space<vmem>>)
      %dma_start3A_531 = arith.constant 0 : i32
      %dma_start3A_532 = tpu.memref_slice %arg7[%mul3A_502, %dma_start3A_531] : memref<25x80xi32, #tpu.memory_space<vmem>> -> memref<1x80xi32, #tpu.memory_space<vmem>>
      %dma_start3A_533 = tpu.memref_squeeze %dma_start3A_532 : memref<1x80xi32, #tpu.memory_space<vmem>> -> memref<80xi32, #tpu.memory_space<vmem>>
      %dma_start3A_534 = arith.constant 0 : i32
      %dma_start3A_535 = arith.constant 0 : i32
      %dma_start3A_536 = tpu.memref_slice %arg10[%dma_start3A_534, %dma_start3A_535] : memref<10000x128xf32, #tpu.memory_space<vmem_shared>> -> memref<10000x128xf32, #tpu.memory_space<vmem_shared>>
      tpu.enqueue_indirect_dma source(%arg8 : memref<80x128xf32, #tpu.memory_space<vmem>>) target(%dma_start3A_536 : memref<10000x128xf32, #tpu.memory_space<vmem_shared>>) offsets(%dma_start3A_533 : memref<80xi32, #tpu.memory_space<vmem>>) semaphore(%arg13 : memref<!tpu.dma_semaphore, #tpu.memory_space<semaphore_mem>>) {add = true}
      %add3A_537 = arith.constant 1 : i32
      %add3A_538 = arith.addi %mul3A_502, %add3A_537 : i32
      %dma_start3A_539 = arith.constant 0 : i32
      %dma_start3A_540 = tpu.memref_slice %arg7[%add3A_538, %dma_start3A_539] : memref<25x80xi32, #tpu.memory_space<vmem>> -> memref<1x80xi32, #tpu.memory_space<vmem>>
      %dma_start3A_541 = tpu.memref_squeeze %dma_start3A_540 : memref<1x80xi32, #tpu.memory_space<vmem>> -> memref<80xi32, #tpu.memory_space<vmem>>
      %dma_start3A_542 = arith.constant 0 : i32
      %dma_start3A_543 = arith.constant 0 : i32
      %dma_start3A_544 = tpu.memref_slice %arg10[%dma_start3A_542, %dma_start3A_543] : memref<10000x128xf32, #tpu.memory_space<vmem_shared>> -> memref<10000x128xf32, #tpu.memory_space<vmem_shared>>
      tpu.enqueue_indirect_dma source(%arg9 : memref<80x128xf32, #tpu.memory_space<vmem>>) target(%dma_start3A_544 : memref<10000x128xf32, #tpu.memory_space<vmem_shared>>) offsets(%dma_start3A_541 : memref<80xi32, #tpu.memory_space<vmem>>) semaphore(%arg14 : memref<!tpu.dma_semaphore, #tpu.memory_space<semaphore_mem>>) {add = true}
      %dma_wait3A_545 = arith.constant 0 : i32
      %dma_wait3A_546 = arith.constant 0 : i32
      %dma_wait3A_547 = tpu.memref_slice %arg7[%dma_wait3A_545, %dma_wait3A_546] : memref<25x80xi32, #tpu.memory_space<vmem>> -> memref<1x80xi32, #tpu.memory_space<vmem>>
      %dma_wait3A_548 = tpu.memref_squeeze %dma_wait3A_547 : memref<1x80xi32, #tpu.memory_space<vmem>> -> memref<80xi32, #tpu.memory_space<vmem>>
      %dma_wait3A_549 = arith.constant 0 : i32
      %dma_wait3A_550 = arith.constant 0 : i32
      %dma_wait3A_551 = tpu.memref_slice %arg10[%dma_wait3A_549, %dma_wait3A_550] : memref<10000x128xf32, #tpu.memory_space<vmem_shared>> -> memref<10000x128xf32, #tpu.memory_space<vmem_shared>>
      tpu.wait_indirect_dma semaphore(%arg13 : memref<!tpu.dma_semaphore, #tpu.memory_space<semaphore_mem>>) src(%arg8 : memref<80x128xf32, #tpu.memory_space<vmem>>) dst(%dma_wait3A_551 : memref<10000x128xf32, #tpu.memory_space<vmem_shared>>)
      %dma_wait3A_552 = arith.constant 0 : i32
      %dma_wait3A_553 = arith.constant 0 : i32
      %dma_wait3A_554 = tpu.memref_slice %arg7[%dma_wait3A_552, %dma_wait3A_553] : memref<25x80xi32, #tpu.memory_space<vmem>> -> memref<1x80xi32, #tpu.memory_space<vmem>>
      %dma_wait3A_555 = tpu.memref_squeeze %dma_wait3A_554 : memref<1x80xi32, #tpu.memory_space<vmem>> -> memref<80xi32, #tpu.memory_space<vmem>>
      %dma_wait3A_556 = arith.constant 0 : i32
      %dma_wait3A_557 = arith.constant 0 : i32
      %dma_wait3A_558 = tpu.memref_slice %arg10[%dma_wait3A_556, %dma_wait3A_557] : memref<10000x128xf32, #tpu.memory_space<vmem_shared>> -> memref<10000x128xf32, #tpu.memory_space<vmem_shared>>
      tpu.wait_indirect_dma semaphore(%arg14 : memref<!tpu.dma_semaphore, #tpu.memory_space<semaphore_mem>>) src(%arg9 : memref<80x128xf32, #tpu.memory_space<vmem>>) dst(%dma_wait3A_558 : memref<10000x128xf32, #tpu.memory_space<vmem_shared>>)
    }
    %scan3A_122 = arith.constant 12 : i32
    %dma_start3A = arith.constant 24 : i32
    %dma_start3A_123 = arith.constant 0 : i32
    %dma_start3A_124 = tpu.memref_slice %arg6[%dma_start3A, %dma_start3A_123] : memref<25x80xi32, #tpu.memory_space<vmem>> -> memref<1x80xi32, #tpu.memory_space<vmem>>
    %dma_start3A_125 = tpu.memref_squeeze %dma_start3A_124 : memref<1x80xi32, #tpu.memory_space<vmem>> -> memref<80xi32, #tpu.memory_space<vmem>>
    %dma_start3A_126 = arith.constant 0 : i32
    %dma_start3A_127 = arith.constant 0 : i32
    %dma_start3A_128 = tpu.memref_slice %arg2[%dma_start3A_126, %dma_start3A_127] : memref<10000x128xf32, #tpu.memory_space<hbm>> -> memref<10000x128xf32, #tpu.memory_space<hbm>>
    tpu.enqueue_indirect_dma source(%dma_start3A_128 : memref<10000x128xf32, #tpu.memory_space<hbm>>) target(%arg8 : memref<80x128xf32, #tpu.memory_space<vmem>>) offsets(%dma_start3A_125 : memref<80xi32, #tpu.memory_space<vmem>>) semaphore(%arg11 : memref<!tpu.dma_semaphore, #tpu.memory_space<semaphore_mem>>)
    %dma_wait3A = arith.constant 0 : i32
    %dma_wait3A_129 = arith.constant 0 : i32
    %dma_wait3A_130 = tpu.memref_slice %arg6[%dma_wait3A, %dma_wait3A_129] : memref<25x80xi32, #tpu.memory_space<vmem>> -> memref<1x80xi32, #tpu.memory_space<vmem>>
    %dma_wait3A_131 = tpu.memref_squeeze %dma_wait3A_130 : memref<1x80xi32, #tpu.memory_space<vmem>> -> memref<80xi32, #tpu.memory_space<vmem>>
    %dma_wait3A_132 = arith.constant 0 : i32
    %dma_wait3A_133 = arith.constant 0 : i32
    %dma_wait3A_134 = tpu.memref_slice %arg2[%dma_wait3A_132, %dma_wait3A_133] : memref<10000x128xf32, #tpu.memory_space<hbm>> -> memref<10000x128xf32, #tpu.memory_space<hbm>>
    tpu.wait_indirect_dma semaphore(%arg11 : memref<!tpu.dma_semaphore, #tpu.memory_space<semaphore_mem>>) src(%dma_wait3A_134 : memref<10000x128xf32, #tpu.memory_space<hbm>>) dst(%arg8 : memref<80x128xf32, #tpu.memory_space<vmem>>)
    %dma_start3A_135 = arith.constant 24 : i32
    %dma_start3A_136 = arith.constant 0 : i32
    %dma_start3A_137 = tpu.memref_slice %arg7[%dma_start3A_135, %dma_start3A_136] : memref<25x80xi32, #tpu.memory_space<vmem>> -> memref<1x80xi32, #tpu.memory_space<vmem>>
    %dma_start3A_138 = tpu.memref_squeeze %dma_start3A_137 : memref<1x80xi32, #tpu.memory_space<vmem>> -> memref<80xi32, #tpu.memory_space<vmem>>
    %dma_start3A_139 = arith.constant 0 : i32
    %dma_start3A_140 = arith.constant 0 : i32
    %dma_start3A_141 = tpu.memref_slice %arg10[%dma_start3A_139, %dma_start3A_140] : memref<10000x128xf32, #tpu.memory_space<vmem_shared>> -> memref<10000x128xf32, #tpu.memory_space<vmem_shared>>
    tpu.enqueue_indirect_dma source(%arg8 : memref<80x128xf32, #tpu.memory_space<vmem>>) target(%dma_start3A_141 : memref<10000x128xf32, #tpu.memory_space<vmem_shared>>) offsets(%dma_start3A_138 : memref<80xi32, #tpu.memory_space<vmem>>) semaphore(%arg13 : memref<!tpu.dma_semaphore, #tpu.memory_space<semaphore_mem>>) {add = true}
    %dma_wait3A_142 = arith.constant 0 : i32
    %dma_wait3A_143 = arith.constant 0 : i32
    %dma_wait3A_144 = tpu.memref_slice %arg7[%dma_wait3A_142, %dma_wait3A_143] : memref<25x80xi32, #tpu.memory_space<vmem>> -> memref<1x80xi32, #tpu.memory_space<vmem>>
    %dma_wait3A_145 = tpu.memref_squeeze %dma_wait3A_144 : memref<1x80xi32, #tpu.memory_space<vmem>> -> memref<80xi32, #tpu.memory_space<vmem>>
    %dma_wait3A_146 = arith.constant 0 : i32
    %dma_wait3A_147 = arith.constant 0 : i32
    %dma_wait3A_148 = tpu.memref_slice %arg10[%dma_wait3A_146, %dma_wait3A_147] : memref<10000x128xf32, #tpu.memory_space<vmem_shared>> -> memref<10000x128xf32, #tpu.memory_space<vmem_shared>>
    tpu.wait_indirect_dma semaphore(%arg13 : memref<!tpu.dma_semaphore, #tpu.memory_space<semaphore_mem>>) src(%arg8 : memref<80x128xf32, #tpu.memory_space<vmem>>) dst(%dma_wait3A_148 : memref<10000x128xf32, #tpu.memory_space<vmem_shared>>)
    %run_scoped3A_149 = arith.constant 1 : i32
    "tpu.region"() ({
      %run_scoped3A_500 = tpu.sem_alloc : memref<!tpu.dma_semaphore, #tpu.memory_space<semaphore_mem>>
      %dma_start3A_501 = arith.constant 0 : i32
      %dma_start3A_502 = arith.constant 0 : i32
      %dma_start3A_503 = tpu.memref_slice %arg3[%add3A, %run_scoped3A_149, %dma_start3A_501, %dma_start3A_502] : memref<32x5x25x80xi32, #tpu.memory_space<hbm>> -> memref<1x1x25x80xi32, #tpu.memory_space<hbm>>
      %dma_start3A_504 = tpu.memref_squeeze %dma_start3A_503 : memref<1x1x25x80xi32, #tpu.memory_space<hbm>> -> memref<25x80xi32, #tpu.memory_space<hbm>>
      %dma_start3A_505 = arith.constant 0 : i32
      %dma_start3A_506 = arith.constant 0 : i32
      %dma_start3A_507 = tpu.memref_slice %arg3[%add3A, %run_scoped3A_149, %dma_start3A_505, %dma_start3A_506] : memref<32x5x25x80xi32, #tpu.memory_space<hbm>> -> memref<1x1x25x80xi32, #tpu.memory_space<hbm>>
      %dma_start3A_508 = tpu.memref_squeeze %dma_start3A_507 : memref<1x1x25x80xi32, #tpu.memory_space<hbm>> -> memref<25x80xi32, #tpu.memory_space<hbm>>
      tpu.enqueue_dma source(%dma_start3A_508 : memref<25x80xi32, #tpu.memory_space<hbm>>) target(%arg6 : memref<25x80xi32, #tpu.memory_space<vmem>>) target_semaphore(%run_scoped3A_500 : memref<!tpu.dma_semaphore, #tpu.memory_space<semaphore_mem>>)
      %dma_wait3A_509 = arith.constant 0 : i32
      %dma_wait3A_510 = arith.constant 0 : i32
      %dma_wait3A_511 = tpu.memref_slice %arg3[%add3A, %run_scoped3A_149, %dma_wait3A_509, %dma_wait3A_510] : memref<32x5x25x80xi32, #tpu.memory_space<hbm>> -> memref<1x1x25x80xi32, #tpu.memory_space<hbm>>
      %dma_wait3A_512 = tpu.memref_squeeze %dma_wait3A_511 : memref<1x1x25x80xi32, #tpu.memory_space<hbm>> -> memref<25x80xi32, #tpu.memory_space<hbm>>
      %dma_wait3A_513 = arith.constant 0 : i32
      %dma_wait3A_514 = arith.constant 0 : i32
      %dma_wait3A_515 = tpu.memref_slice %arg3[%add3A, %run_scoped3A_149, %dma_wait3A_513, %dma_wait3A_514] : memref<32x5x25x80xi32, #tpu.memory_space<hbm>> -> memref<1x1x25x80xi32, #tpu.memory_space<hbm>>
      %dma_wait3A_516 = tpu.memref_squeeze %dma_wait3A_515 : memref<1x1x25x80xi32, #tpu.memory_space<hbm>> -> memref<25x80xi32, #tpu.memory_space<hbm>>
      tpu.wait_dma2 semaphore(%run_scoped3A_500 : memref<!tpu.dma_semaphore, #tpu.memory_space<semaphore_mem>>) src(%dma_wait3A_516 : memref<25x80xi32, #tpu.memory_space<hbm>>) dst(%arg6 : memref<25x80xi32, #tpu.memory_space<vmem>>)
      tpu.yield
    }) : () -> ()
    %run_scoped3A_150 = arith.constant 1 : i32
    "tpu.region"() ({
      %run_scoped3A_500 = tpu.sem_alloc : memref<!tpu.dma_semaphore, #tpu.memory_space<semaphore_mem>>
      %dma_start3A_501 = arith.constant 0 : i32
      %dma_start3A_502 = arith.constant 0 : i32
      %dma_start3A_503 = tpu.memref_slice %arg4[%add3A, %run_scoped3A_150, %dma_start3A_501, %dma_start3A_502] : memref<32x5x25x80xi32, #tpu.memory_space<hbm>> -> memref<1x1x25x80xi32, #tpu.memory_space<hbm>>
      %dma_start3A_504 = tpu.memref_squeeze %dma_start3A_503 : memref<1x1x25x80xi32, #tpu.memory_space<hbm>> -> memref<25x80xi32, #tpu.memory_space<hbm>>
      %dma_start3A_505 = arith.constant 0 : i32
      %dma_start3A_506 = arith.constant 0 : i32
      %dma_start3A_507 = tpu.memref_slice %arg4[%add3A, %run_scoped3A_150, %dma_start3A_505, %dma_start3A_506] : memref<32x5x25x80xi32, #tpu.memory_space<hbm>> -> memref<1x1x25x80xi32, #tpu.memory_space<hbm>>
      %dma_start3A_508 = tpu.memref_squeeze %dma_start3A_507 : memref<1x1x25x80xi32, #tpu.memory_space<hbm>> -> memref<25x80xi32, #tpu.memory_space<hbm>>
      tpu.enqueue_dma source(%dma_start3A_508 : memref<25x80xi32, #tpu.memory_space<hbm>>) target(%arg7 : memref<25x80xi32, #tpu.memory_space<vmem>>) target_semaphore(%run_scoped3A_500 : memref<!tpu.dma_semaphore, #tpu.memory_space<semaphore_mem>>)
      %dma_wait3A_509 = arith.constant 0 : i32
      %dma_wait3A_510 = arith.constant 0 : i32
      %dma_wait3A_511 = tpu.memref_slice %arg4[%add3A, %run_scoped3A_150, %dma_wait3A_509, %dma_wait3A_510] : memref<32x5x25x80xi32, #tpu.memory_space<hbm>> -> memref<1x1x25x80xi32, #tpu.memory_space<hbm>>
      %dma_wait3A_512 = tpu.memref_squeeze %dma_wait3A_511 : memref<1x1x25x80xi32, #tpu.memory_space<hbm>> -> memref<25x80xi32, #tpu.memory_space<hbm>>
      %dma_wait3A_513 = arith.constant 0 : i32
      %dma_wait3A_514 = arith.constant 0 : i32
      %dma_wait3A_515 = tpu.memref_slice %arg4[%add3A, %run_scoped3A_150, %dma_wait3A_513, %dma_wait3A_514] : memref<32x5x25x80xi32, #tpu.memory_space<hbm>> -> memref<1x1x25x80xi32, #tpu.memory_space<hbm>>
      %dma_wait3A_516 = tpu.memref_squeeze %dma_wait3A_515 : memref<1x1x25x80xi32, #tpu.memory_space<hbm>> -> memref<25x80xi32, #tpu.memory_space<hbm>>
      tpu.wait_dma2 semaphore(%run_scoped3A_500 : memref<!tpu.dma_semaphore, #tpu.memory_space<semaphore_mem>>) src(%dma_wait3A_516 : memref<25x80xi32, #tpu.memory_space<hbm>>) dst(%arg7 : memref<25x80xi32, #tpu.memory_space<vmem>>)
      tpu.yield
    }) : () -> ()
    %scan3A_151 = arith.constant 0 : i32
    %scan3A_152 = arith.constant 0 : i32
    %scan3A_153 = arith.constant 12 : i32
    %scan3A_154 = arith.addi %scan3A_152, %scan3A_153 : i32
    %scan3A_155 = arith.constant 1 : i32
    scf.for %scan3A_500 = %scan3A_152 to %scan3A_154 step %scan3A_155  : i32 {
      %mul3A_501 = arith.constant 2 : i32
      %mul3A_502 = arith.muli %mul3A_501, %scan3A_500 : i32
      %dma_start3A_503 = arith.constant 0 : i32
      %dma_start3A_504 = tpu.memref_slice %arg6[%mul3A_502, %dma_start3A_503] : memref<25x80xi32, #tpu.memory_space<vmem>> -> memref<1x80xi32, #tpu.memory_space<vmem>>
      %dma_start3A_505 = tpu.memref_squeeze %dma_start3A_504 : memref<1x80xi32, #tpu.memory_space<vmem>> -> memref<80xi32, #tpu.memory_space<vmem>>
      %dma_start3A_506 = arith.constant 0 : i32
      %dma_start3A_507 = arith.constant 0 : i32
      %dma_start3A_508 = tpu.memref_slice %arg2[%dma_start3A_506, %dma_start3A_507] : memref<10000x128xf32, #tpu.memory_space<hbm>> -> memref<10000x128xf32, #tpu.memory_space<hbm>>
      tpu.enqueue_indirect_dma source(%dma_start3A_508 : memref<10000x128xf32, #tpu.memory_space<hbm>>) target(%arg8 : memref<80x128xf32, #tpu.memory_space<vmem>>) offsets(%dma_start3A_505 : memref<80xi32, #tpu.memory_space<vmem>>) semaphore(%arg11 : memref<!tpu.dma_semaphore, #tpu.memory_space<semaphore_mem>>)
      %add3A_509 = arith.constant 1 : i32
      %add3A_510 = arith.addi %mul3A_502, %add3A_509 : i32
      %dma_start3A_511 = arith.constant 0 : i32
      %dma_start3A_512 = tpu.memref_slice %arg6[%add3A_510, %dma_start3A_511] : memref<25x80xi32, #tpu.memory_space<vmem>> -> memref<1x80xi32, #tpu.memory_space<vmem>>
      %dma_start3A_513 = tpu.memref_squeeze %dma_start3A_512 : memref<1x80xi32, #tpu.memory_space<vmem>> -> memref<80xi32, #tpu.memory_space<vmem>>
      %dma_start3A_514 = arith.constant 0 : i32
      %dma_start3A_515 = arith.constant 0 : i32
      %dma_start3A_516 = tpu.memref_slice %arg2[%dma_start3A_514, %dma_start3A_515] : memref<10000x128xf32, #tpu.memory_space<hbm>> -> memref<10000x128xf32, #tpu.memory_space<hbm>>
      tpu.enqueue_indirect_dma source(%dma_start3A_516 : memref<10000x128xf32, #tpu.memory_space<hbm>>) target(%arg9 : memref<80x128xf32, #tpu.memory_space<vmem>>) offsets(%dma_start3A_513 : memref<80xi32, #tpu.memory_space<vmem>>) semaphore(%arg12 : memref<!tpu.dma_semaphore, #tpu.memory_space<semaphore_mem>>)
      %dma_wait3A_517 = arith.constant 0 : i32
      %dma_wait3A_518 = arith.constant 0 : i32
      %dma_wait3A_519 = tpu.memref_slice %arg6[%dma_wait3A_517, %dma_wait3A_518] : memref<25x80xi32, #tpu.memory_space<vmem>> -> memref<1x80xi32, #tpu.memory_space<vmem>>
      %dma_wait3A_520 = tpu.memref_squeeze %dma_wait3A_519 : memref<1x80xi32, #tpu.memory_space<vmem>> -> memref<80xi32, #tpu.memory_space<vmem>>
      %dma_wait3A_521 = arith.constant 0 : i32
      %dma_wait3A_522 = arith.constant 0 : i32
      %dma_wait3A_523 = tpu.memref_slice %arg2[%dma_wait3A_521, %dma_wait3A_522] : memref<10000x128xf32, #tpu.memory_space<hbm>> -> memref<10000x128xf32, #tpu.memory_space<hbm>>
      tpu.wait_indirect_dma semaphore(%arg11 : memref<!tpu.dma_semaphore, #tpu.memory_space<semaphore_mem>>) src(%dma_wait3A_523 : memref<10000x128xf32, #tpu.memory_space<hbm>>) dst(%arg8 : memref<80x128xf32, #tpu.memory_space<vmem>>)
      %dma_wait3A_524 = arith.constant 0 : i32
      %dma_wait3A_525 = arith.constant 0 : i32
      %dma_wait3A_526 = tpu.memref_slice %arg6[%dma_wait3A_524, %dma_wait3A_525] : memref<25x80xi32, #tpu.memory_space<vmem>> -> memref<1x80xi32, #tpu.memory_space<vmem>>
      %dma_wait3A_527 = tpu.memref_squeeze %dma_wait3A_526 : memref<1x80xi32, #tpu.memory_space<vmem>> -> memref<80xi32, #tpu.memory_space<vmem>>
      %dma_wait3A_528 = arith.constant 0 : i32
      %dma_wait3A_529 = arith.constant 0 : i32
      %dma_wait3A_530 = tpu.memref_slice %arg2[%dma_wait3A_528, %dma_wait3A_529] : memref<10000x128xf32, #tpu.memory_space<hbm>> -> memref<10000x128xf32, #tpu.memory_space<hbm>>
      tpu.wait_indirect_dma semaphore(%arg12 : memref<!tpu.dma_semaphore, #tpu.memory_space<semaphore_mem>>) src(%dma_wait3A_530 : memref<10000x128xf32, #tpu.memory_space<hbm>>) dst(%arg9 : memref<80x128xf32, #tpu.memory_space<vmem>>)
      %dma_start3A_531 = arith.constant 0 : i32
      %dma_start3A_532 = tpu.memref_slice %arg7[%mul3A_502, %dma_start3A_531] : memref<25x80xi32, #tpu.memory_space<vmem>> -> memref<1x80xi32, #tpu.memory_space<vmem>>
      %dma_start3A_533 = tpu.memref_squeeze %dma_start3A_532 : memref<1x80xi32, #tpu.memory_space<vmem>> -> memref<80xi32, #tpu.memory_space<vmem>>
      %dma_start3A_534 = arith.constant 0 : i32
      %dma_start3A_535 = arith.constant 0 : i32
      %dma_start3A_536 = tpu.memref_slice %arg10[%dma_start3A_534, %dma_start3A_535] : memref<10000x128xf32, #tpu.memory_space<vmem_shared>> -> memref<10000x128xf32, #tpu.memory_space<vmem_shared>>
      tpu.enqueue_indirect_dma source(%arg8 : memref<80x128xf32, #tpu.memory_space<vmem>>) target(%dma_start3A_536 : memref<10000x128xf32, #tpu.memory_space<vmem_shared>>) offsets(%dma_start3A_533 : memref<80xi32, #tpu.memory_space<vmem>>) semaphore(%arg13 : memref<!tpu.dma_semaphore, #tpu.memory_space<semaphore_mem>>) {add = true}
      %add3A_537 = arith.constant 1 : i32
      %add3A_538 = arith.addi %mul3A_502, %add3A_537 : i32
      %dma_start3A_539 = arith.constant 0 : i32
      %dma_start3A_540 = tpu.memref_slice %arg7[%add3A_538, %dma_start3A_539] : memref<25x80xi32, #tpu.memory_space<vmem>> -> memref<1x80xi32, #tpu.memory_space<vmem>>
      %dma_start3A_541 = tpu.memref_squeeze %dma_start3A_540 : memref<1x80xi32, #tpu.memory_space<vmem>> -> memref<80xi32, #tpu.memory_space<vmem>>
      %dma_start3A_542 = arith.constant 0 : i32
      %dma_start3A_543 = arith.constant 0 : i32
      %dma_start3A_544 = tpu.memref_slice %arg10[%dma_start3A_542, %dma_start3A_543] : memref<10000x128xf32, #tpu.memory_space<vmem_shared>> -> memref<10000x128xf32, #tpu.memory_space<vmem_shared>>
      tpu.enqueue_indirect_dma source(%arg9 : memref<80x128xf32, #tpu.memory_space<vmem>>) target(%dma_start3A_544 : memref<10000x128xf32, #tpu.memory_space<vmem_shared>>) offsets(%dma_start3A_541 : memref<80xi32, #tpu.memory_space<vmem>>) semaphore(%arg14 : memref<!tpu.dma_semaphore, #tpu.memory_space<semaphore_mem>>) {add = true}
      %dma_wait3A_545 = arith.constant 0 : i32
      %dma_wait3A_546 = arith.constant 0 : i32
      %dma_wait3A_547 = tpu.memref_slice %arg7[%dma_wait3A_545, %dma_wait3A_546] : memref<25x80xi32, #tpu.memory_space<vmem>> -> memref<1x80xi32, #tpu.memory_space<vmem>>
      %dma_wait3A_548 = tpu.memref_squeeze %dma_wait3A_547 : memref<1x80xi32, #tpu.memory_space<vmem>> -> memref<80xi32, #tpu.memory_space<vmem>>
      %dma_wait3A_549 = arith.constant 0 : i32
      %dma_wait3A_550 = arith.constant 0 : i32
      %dma_wait3A_551 = tpu.memref_slice %arg10[%dma_wait3A_549, %dma_wait3A_550] : memref<10000x128xf32, #tpu.memory_space<vmem_shared>> -> memref<10000x128xf32, #tpu.memory_space<vmem_shared>>
      tpu.wait_indirect_dma semaphore(%arg13 : memref<!tpu.dma_semaphore, #tpu.memory_space<semaphore_mem>>) src(%arg8 : memref<80x128xf32, #tpu.memory_space<vmem>>) dst(%dma_wait3A_551 : memref<10000x128xf32, #tpu.memory_space<vmem_shared>>)
      %dma_wait3A_552 = arith.constant 0 : i32
      %dma_wait3A_553 = arith.constant 0 : i32
      %dma_wait3A_554 = tpu.memref_slice %arg7[%dma_wait3A_552, %dma_wait3A_553] : memref<25x80xi32, #tpu.memory_space<vmem>> -> memref<1x80xi32, #tpu.memory_space<vmem>>
      %dma_wait3A_555 = tpu.memref_squeeze %dma_wait3A_554 : memref<1x80xi32, #tpu.memory_space<vmem>> -> memref<80xi32, #tpu.memory_space<vmem>>
      %dma_wait3A_556 = arith.constant 0 : i32
      %dma_wait3A_557 = arith.constant 0 : i32
      %dma_wait3A_558 = tpu.memref_slice %arg10[%dma_wait3A_556, %dma_wait3A_557] : memref<10000x128xf32, #tpu.memory_space<vmem_shared>> -> memref<10000x128xf32, #tpu.memory_space<vmem_shared>>
      tpu.wait_indirect_dma semaphore(%arg14 : memref<!tpu.dma_semaphore, #tpu.memory_space<semaphore_mem>>) src(%arg9 : memref<80x128xf32, #tpu.memory_space<vmem>>) dst(%dma_wait3A_558 : memref<10000x128xf32, #tpu.memory_space<vmem_shared>>)
    }
    %scan3A_156 = arith.constant 12 : i32
    %dma_start3A_157 = arith.constant 24 : i32
    %dma_start3A_158 = arith.constant 0 : i32
    %dma_start3A_159 = tpu.memref_slice %arg6[%dma_start3A_157, %dma_start3A_158] : memref<25x80xi32, #tpu.memory_space<vmem>> -> memref<1x80xi32, #tpu.memory_space<vmem>>
    %dma_start3A_160 = tpu.memref_squeeze %dma_start3A_159 : memref<1x80xi32, #tpu.memory_space<vmem>> -> memref<80xi32, #tpu.memory_space<vmem>>
    %dma_start3A_161 = arith.constant 0 : i32
    %dma_start3A_162 = arith.constant 0 : i32
    %dma_start3A_163 = tpu.memref_slice %arg2[%dma_start3A_161, %dma_start3A_162] : memref<10000x128xf32, #tpu.memory_space<hbm>> -> memref<10000x128xf32, #tpu.memory_space<hbm>>
    tpu.enqueue_indirect_dma source(%dma_start3A_163 : memref<10000x128xf32, #tpu.memory_space<hbm>>) target(%arg8 : memref<80x128xf32, #tpu.memory_space<vmem>>) offsets(%dma_start3A_160 : memref<80xi32, #tpu.memory_space<vmem>>) semaphore(%arg11 : memref<!tpu.dma_semaphore, #tpu.memory_space<semaphore_mem>>)
    %dma_wait3A_164 = arith.constant 0 : i32
    %dma_wait3A_165 = arith.constant 0 : i32
    %dma_wait3A_166 = tpu.memref_slice %arg6[%dma_wait3A_164, %dma_wait3A_165] : memref<25x80xi32, #tpu.memory_space<vmem>> -> memref<1x80xi32, #tpu.memory_space<vmem>>
    %dma_wait3A_167 = tpu.memref_squeeze %dma_wait3A_166 : memref<1x80xi32, #tpu.memory_space<vmem>> -> memref<80xi32, #tpu.memory_space<vmem>>
    %dma_wait3A_168 = arith.constant 0 : i32
    %dma_wait3A_169 = arith.constant 0 : i32
    %dma_wait3A_170 = tpu.memref_slice %arg2[%dma_wait3A_168, %dma_wait3A_169] : memref<10000x128xf32, #tpu.memory_space<hbm>> -> memref<10000x128xf32, #tpu.memory_space<hbm>>
    tpu.wait_indirect_dma semaphore(%arg11 : memref<!tpu.dma_semaphore, #tpu.memory_space<semaphore_mem>>) src(%dma_wait3A_170 : memref<10000x128xf32, #tpu.memory_space<hbm>>) dst(%arg8 : memref<80x128xf32, #tpu.memory_space<vmem>>)
    %dma_start3A_171 = arith.constant 24 : i32
    %dma_start3A_172 = arith.constant 0 : i32
    %dma_start3A_173 = tpu.memref_slice %arg7[%dma_start3A_171, %dma_start3A_172] : memref<25x80xi32, #tpu.memory_space<vmem>> -> memref<1x80xi32, #tpu.memory_space<vmem>>
    %dma_start3A_174 = tpu.memref_squeeze %dma_start3A_173 : memref<1x80xi32, #tpu.memory_space<vmem>> -> memref<80xi32, #tpu.memory_space<vmem>>
    %dma_start3A_175 = arith.constant 0 : i32
    %dma_start3A_176 = arith.constant 0 : i32
    %dma_start3A_177 = tpu.memref_slice %arg10[%dma_start3A_175, %dma_start3A_176] : memref<10000x128xf32, #tpu.memory_space<vmem_shared>> -> memref<10000x128xf32, #tpu.memory_space<vmem_shared>>
    tpu.enqueue_indirect_dma source(%arg8 : memref<80x128xf32, #tpu.memory_space<vmem>>) target(%dma_start3A_177 : memref<10000x128xf32, #tpu.memory_space<vmem_shared>>) offsets(%dma_start3A_174 : memref<80xi32, #tpu.memory_space<vmem>>) semaphore(%arg13 : memref<!tpu.dma_semaphore, #tpu.memory_space<semaphore_mem>>) {add = true}
    %dma_wait3A_178 = arith.constant 0 : i32
    %dma_wait3A_179 = arith.constant 0 : i32
    %dma_wait3A_180 = tpu.memref_slice %arg7[%dma_wait3A_178, %dma_wait3A_179] : memref<25x80xi32, #tpu.memory_space<vmem>> -> memref<1x80xi32, #tpu.memory_space<vmem>>
    %dma_wait3A_181 = tpu.memref_squeeze %dma_wait3A_180 : memref<1x80xi32, #tpu.memory_space<vmem>> -> memref<80xi32, #tpu.memory_space<vmem>>
    %dma_wait3A_182 = arith.constant 0 : i32
    %dma_wait3A_183 = arith.constant 0 : i32
    %dma_wait3A_184 = tpu.memref_slice %arg10[%dma_wait3A_182, %dma_wait3A_183] : memref<10000x128xf32, #tpu.memory_space<vmem_shared>> -> memref<10000x128xf32, #tpu.memory_space<vmem_shared>>
    tpu.wait_indirect_dma semaphore(%arg13 : memref<!tpu.dma_semaphore, #tpu.memory_space<semaphore_mem>>) src(%arg8 : memref<80x128xf32, #tpu.memory_space<vmem>>) dst(%dma_wait3A_184 : memref<10000x128xf32, #tpu.memory_space<vmem_shared>>)
    %run_scoped3A_185 = arith.constant 2 : i32
    "tpu.region"() ({
      %run_scoped3A_500 = tpu.sem_alloc : memref<!tpu.dma_semaphore, #tpu.memory_space<semaphore_mem>>
      %dma_start3A_501 = arith.constant 0 : i32
      %dma_start3A_502 = arith.constant 0 : i32
      %dma_start3A_503 = tpu.memref_slice %arg3[%add3A, %run_scoped3A_185, %dma_start3A_501, %dma_start3A_502] : memref<32x5x25x80xi32, #tpu.memory_space<hbm>> -> memref<1x1x25x80xi32, #tpu.memory_space<hbm>>
      %dma_start3A_504 = tpu.memref_squeeze %dma_start3A_503 : memref<1x1x25x80xi32, #tpu.memory_space<hbm>> -> memref<25x80xi32, #tpu.memory_space<hbm>>
      %dma_start3A_505 = arith.constant 0 : i32
      %dma_start3A_506 = arith.constant 0 : i32
      %dma_start3A_507 = tpu.memref_slice %arg3[%add3A, %run_scoped3A_185, %dma_start3A_505, %dma_start3A_506] : memref<32x5x25x80xi32, #tpu.memory_space<hbm>> -> memref<1x1x25x80xi32, #tpu.memory_space<hbm>>
      %dma_start3A_508 = tpu.memref_squeeze %dma_start3A_507 : memref<1x1x25x80xi32, #tpu.memory_space<hbm>> -> memref<25x80xi32, #tpu.memory_space<hbm>>
      tpu.enqueue_dma source(%dma_start3A_508 : memref<25x80xi32, #tpu.memory_space<hbm>>) target(%arg6 : memref<25x80xi32, #tpu.memory_space<vmem>>) target_semaphore(%run_scoped3A_500 : memref<!tpu.dma_semaphore, #tpu.memory_space<semaphore_mem>>)
      %dma_wait3A_509 = arith.constant 0 : i32
      %dma_wait3A_510 = arith.constant 0 : i32
      %dma_wait3A_511 = tpu.memref_slice %arg3[%add3A, %run_scoped3A_185, %dma_wait3A_509, %dma_wait3A_510] : memref<32x5x25x80xi32, #tpu.memory_space<hbm>> -> memref<1x1x25x80xi32, #tpu.memory_space<hbm>>
      %dma_wait3A_512 = tpu.memref_squeeze %dma_wait3A_511 : memref<1x1x25x80xi32, #tpu.memory_space<hbm>> -> memref<25x80xi32, #tpu.memory_space<hbm>>
      %dma_wait3A_513 = arith.constant 0 : i32
      %dma_wait3A_514 = arith.constant 0 : i32
      %dma_wait3A_515 = tpu.memref_slice %arg3[%add3A, %run_scoped3A_185, %dma_wait3A_513, %dma_wait3A_514] : memref<32x5x25x80xi32, #tpu.memory_space<hbm>> -> memref<1x1x25x80xi32, #tpu.memory_space<hbm>>
      %dma_wait3A_516 = tpu.memref_squeeze %dma_wait3A_515 : memref<1x1x25x80xi32, #tpu.memory_space<hbm>> -> memref<25x80xi32, #tpu.memory_space<hbm>>
      tpu.wait_dma2 semaphore(%run_scoped3A_500 : memref<!tpu.dma_semaphore, #tpu.memory_space<semaphore_mem>>) src(%dma_wait3A_516 : memref<25x80xi32, #tpu.memory_space<hbm>>) dst(%arg6 : memref<25x80xi32, #tpu.memory_space<vmem>>)
      tpu.yield
    }) : () -> ()
    %run_scoped3A_186 = arith.constant 2 : i32
    "tpu.region"() ({
      %run_scoped3A_500 = tpu.sem_alloc : memref<!tpu.dma_semaphore, #tpu.memory_space<semaphore_mem>>
      %dma_start3A_501 = arith.constant 0 : i32
      %dma_start3A_502 = arith.constant 0 : i32
      %dma_start3A_503 = tpu.memref_slice %arg4[%add3A, %run_scoped3A_186, %dma_start3A_501, %dma_start3A_502] : memref<32x5x25x80xi32, #tpu.memory_space<hbm>> -> memref<1x1x25x80xi32, #tpu.memory_space<hbm>>
      %dma_start3A_504 = tpu.memref_squeeze %dma_start3A_503 : memref<1x1x25x80xi32, #tpu.memory_space<hbm>> -> memref<25x80xi32, #tpu.memory_space<hbm>>
      %dma_start3A_505 = arith.constant 0 : i32
      %dma_start3A_506 = arith.constant 0 : i32
      %dma_start3A_507 = tpu.memref_slice %arg4[%add3A, %run_scoped3A_186, %dma_start3A_505, %dma_start3A_506] : memref<32x5x25x80xi32, #tpu.memory_space<hbm>> -> memref<1x1x25x80xi32, #tpu.memory_space<hbm>>
      %dma_start3A_508 = tpu.memref_squeeze %dma_start3A_507 : memref<1x1x25x80xi32, #tpu.memory_space<hbm>> -> memref<25x80xi32, #tpu.memory_space<hbm>>
      tpu.enqueue_dma source(%dma_start3A_508 : memref<25x80xi32, #tpu.memory_space<hbm>>) target(%arg7 : memref<25x80xi32, #tpu.memory_space<vmem>>) target_semaphore(%run_scoped3A_500 : memref<!tpu.dma_semaphore, #tpu.memory_space<semaphore_mem>>)
      %dma_wait3A_509 = arith.constant 0 : i32
      %dma_wait3A_510 = arith.constant 0 : i32
      %dma_wait3A_511 = tpu.memref_slice %arg4[%add3A, %run_scoped3A_186, %dma_wait3A_509, %dma_wait3A_510] : memref<32x5x25x80xi32, #tpu.memory_space<hbm>> -> memref<1x1x25x80xi32, #tpu.memory_space<hbm>>
      %dma_wait3A_512 = tpu.memref_squeeze %dma_wait3A_511 : memref<1x1x25x80xi32, #tpu.memory_space<hbm>> -> memref<25x80xi32, #tpu.memory_space<hbm>>
      %dma_wait3A_513 = arith.constant 0 : i32
      %dma_wait3A_514 = arith.constant 0 : i32
      %dma_wait3A_515 = tpu.memref_slice %arg4[%add3A, %run_scoped3A_186, %dma_wait3A_513, %dma_wait3A_514] : memref<32x5x25x80xi32, #tpu.memory_space<hbm>> -> memref<1x1x25x80xi32, #tpu.memory_space<hbm>>
      %dma_wait3A_516 = tpu.memref_squeeze %dma_wait3A_515 : memref<1x1x25x80xi32, #tpu.memory_space<hbm>> -> memref<25x80xi32, #tpu.memory_space<hbm>>
      tpu.wait_dma2 semaphore(%run_scoped3A_500 : memref<!tpu.dma_semaphore, #tpu.memory_space<semaphore_mem>>) src(%dma_wait3A_516 : memref<25x80xi32, #tpu.memory_space<hbm>>) dst(%arg7 : memref<25x80xi32, #tpu.memory_space<vmem>>)
      tpu.yield
    }) : () -> ()
    %scan3A_187 = arith.constant 0 : i32
    %scan3A_188 = arith.constant 0 : i32
    %scan3A_189 = arith.constant 12 : i32
    %scan3A_190 = arith.addi %scan3A_188, %scan3A_189 : i32
    %scan3A_191 = arith.constant 1 : i32
    scf.for %scan3A_500 = %scan3A_188 to %scan3A_190 step %scan3A_191  : i32 {
      %mul3A_501 = arith.constant 2 : i32
      %mul3A_502 = arith.muli %mul3A_501, %scan3A_500 : i32
      %dma_start3A_503 = arith.constant 0 : i32
      %dma_start3A_504 = tpu.memref_slice %arg6[%mul3A_502, %dma_start3A_503] : memref<25x80xi32, #tpu.memory_space<vmem>> -> memref<1x80xi32, #tpu.memory_space<vmem>>
      %dma_start3A_505 = tpu.memref_squeeze %dma_start3A_504 : memref<1x80xi32, #tpu.memory_space<vmem>> -> memref<80xi32, #tpu.memory_space<vmem>>
      %dma_start3A_506 = arith.constant 0 : i32
      %dma_start3A_507 = arith.constant 0 : i32
      %dma_start3A_508 = tpu.memref_slice %arg2[%dma_start3A_506, %dma_start3A_507] : memref<10000x128xf32, #tpu.memory_space<hbm>> -> memref<10000x128xf32, #tpu.memory_space<hbm>>
      tpu.enqueue_indirect_dma source(%dma_start3A_508 : memref<10000x128xf32, #tpu.memory_space<hbm>>) target(%arg8 : memref<80x128xf32, #tpu.memory_space<vmem>>) offsets(%dma_start3A_505 : memref<80xi32, #tpu.memory_space<vmem>>) semaphore(%arg11 : memref<!tpu.dma_semaphore, #tpu.memory_space<semaphore_mem>>)
      %add3A_509 = arith.constant 1 : i32
      %add3A_510 = arith.addi %mul3A_502, %add3A_509 : i32
      %dma_start3A_511 = arith.constant 0 : i32
      %dma_start3A_512 = tpu.memref_slice %arg6[%add3A_510, %dma_start3A_511] : memref<25x80xi32, #tpu.memory_space<vmem>> -> memref<1x80xi32, #tpu.memory_space<vmem>>
      %dma_start3A_513 = tpu.memref_squeeze %dma_start3A_512 : memref<1x80xi32, #tpu.memory_space<vmem>> -> memref<80xi32, #tpu.memory_space<vmem>>
      %dma_start3A_514 = arith.constant 0 : i32
      %dma_start3A_515 = arith.constant 0 : i32
      %dma_start3A_516 = tpu.memref_slice %arg2[%dma_start3A_514, %dma_start3A_515] : memref<10000x128xf32, #tpu.memory_space<hbm>> -> memref<10000x128xf32, #tpu.memory_space<hbm>>
      tpu.enqueue_indirect_dma source(%dma_start3A_516 : memref<10000x128xf32, #tpu.memory_space<hbm>>) target(%arg9 : memref<80x128xf32, #tpu.memory_space<vmem>>) offsets(%dma_start3A_513 : memref<80xi32, #tpu.memory_space<vmem>>) semaphore(%arg12 : memref<!tpu.dma_semaphore, #tpu.memory_space<semaphore_mem>>)
      %dma_wait3A_517 = arith.constant 0 : i32
      %dma_wait3A_518 = arith.constant 0 : i32
      %dma_wait3A_519 = tpu.memref_slice %arg6[%dma_wait3A_517, %dma_wait3A_518] : memref<25x80xi32, #tpu.memory_space<vmem>> -> memref<1x80xi32, #tpu.memory_space<vmem>>
      %dma_wait3A_520 = tpu.memref_squeeze %dma_wait3A_519 : memref<1x80xi32, #tpu.memory_space<vmem>> -> memref<80xi32, #tpu.memory_space<vmem>>
      %dma_wait3A_521 = arith.constant 0 : i32
      %dma_wait3A_522 = arith.constant 0 : i32
      %dma_wait3A_523 = tpu.memref_slice %arg2[%dma_wait3A_521, %dma_wait3A_522] : memref<10000x128xf32, #tpu.memory_space<hbm>> -> memref<10000x128xf32, #tpu.memory_space<hbm>>
      tpu.wait_indirect_dma semaphore(%arg11 : memref<!tpu.dma_semaphore, #tpu.memory_space<semaphore_mem>>) src(%dma_wait3A_523 : memref<10000x128xf32, #tpu.memory_space<hbm>>) dst(%arg8 : memref<80x128xf32, #tpu.memory_space<vmem>>)
      %dma_wait3A_524 = arith.constant 0 : i32
      %dma_wait3A_525 = arith.constant 0 : i32
      %dma_wait3A_526 = tpu.memref_slice %arg6[%dma_wait3A_524, %dma_wait3A_525] : memref<25x80xi32, #tpu.memory_space<vmem>> -> memref<1x80xi32, #tpu.memory_space<vmem>>
      %dma_wait3A_527 = tpu.memref_squeeze %dma_wait3A_526 : memref<1x80xi32, #tpu.memory_space<vmem>> -> memref<80xi32, #tpu.memory_space<vmem>>
      %dma_wait3A_528 = arith.constant 0 : i32
      %dma_wait3A_529 = arith.constant 0 : i32
      %dma_wait3A_530 = tpu.memref_slice %arg2[%dma_wait3A_528, %dma_wait3A_529] : memref<10000x128xf32, #tpu.memory_space<hbm>> -> memref<10000x128xf32, #tpu.memory_space<hbm>>
      tpu.wait_indirect_dma semaphore(%arg12 : memref<!tpu.dma_semaphore, #tpu.memory_space<semaphore_mem>>) src(%dma_wait3A_530 : memref<10000x128xf32, #tpu.memory_space<hbm>>) dst(%arg9 : memref<80x128xf32, #tpu.memory_space<vmem>>)
      %dma_start3A_531 = arith.constant 0 : i32
      %dma_start3A_532 = tpu.memref_slice %arg7[%mul3A_502, %dma_start3A_531] : memref<25x80xi32, #tpu.memory_space<vmem>> -> memref<1x80xi32, #tpu.memory_space<vmem>>
      %dma_start3A_533 = tpu.memref_squeeze %dma_start3A_532 : memref<1x80xi32, #tpu.memory_space<vmem>> -> memref<80xi32, #tpu.memory_space<vmem>>
      %dma_start3A_534 = arith.constant 0 : i32
      %dma_start3A_535 = arith.constant 0 : i32
      %dma_start3A_536 = tpu.memref_slice %arg10[%dma_start3A_534, %dma_start3A_535] : memref<10000x128xf32, #tpu.memory_space<vmem_shared>> -> memref<10000x128xf32, #tpu.memory_space<vmem_shared>>
      tpu.enqueue_indirect_dma source(%arg8 : memref<80x128xf32, #tpu.memory_space<vmem>>) target(%dma_start3A_536 : memref<10000x128xf32, #tpu.memory_space<vmem_shared>>) offsets(%dma_start3A_533 : memref<80xi32, #tpu.memory_space<vmem>>) semaphore(%arg13 : memref<!tpu.dma_semaphore, #tpu.memory_space<semaphore_mem>>) {add = true}
      %add3A_537 = arith.constant 1 : i32
      %add3A_538 = arith.addi %mul3A_502, %add3A_537 : i32
      %dma_start3A_539 = arith.constant 0 : i32
      %dma_start3A_540 = tpu.memref_slice %arg7[%add3A_538, %dma_start3A_539] : memref<25x80xi32, #tpu.memory_space<vmem>> -> memref<1x80xi32, #tpu.memory_space<vmem>>
      %dma_start3A_541 = tpu.memref_squeeze %dma_start3A_540 : memref<1x80xi32, #tpu.memory_space<vmem>> -> memref<80xi32, #tpu.memory_space<vmem>>
      %dma_start3A_542 = arith.constant 0 : i32
      %dma_start3A_543 = arith.constant 0 : i32
      %dma_start3A_544 = tpu.memref_slice %arg10[%dma_start3A_542, %dma_start3A_543] : memref<10000x128xf32, #tpu.memory_space<vmem_shared>> -> memref<10000x128xf32, #tpu.memory_space<vmem_shared>>
      tpu.enqueue_indirect_dma source(%arg9 : memref<80x128xf32, #tpu.memory_space<vmem>>) target(%dma_start3A_544 : memref<10000x128xf32, #tpu.memory_space<vmem_shared>>) offsets(%dma_start3A_541 : memref<80xi32, #tpu.memory_space<vmem>>) semaphore(%arg14 : memref<!tpu.dma_semaphore, #tpu.memory_space<semaphore_mem>>) {add = true}
      %dma_wait3A_545 = arith.constant 0 : i32
      %dma_wait3A_546 = arith.constant 0 : i32
      %dma_wait3A_547 = tpu.memref_slice %arg7[%dma_wait3A_545, %dma_wait3A_546] : memref<25x80xi32, #tpu.memory_space<vmem>> -> memref<1x80xi32, #tpu.memory_space<vmem>>
      %dma_wait3A_548 = tpu.memref_squeeze %dma_wait3A_547 : memref<1x80xi32, #tpu.memory_space<vmem>> -> memref<80xi32, #tpu.memory_space<vmem>>
      %dma_wait3A_549 = arith.constant 0 : i32
      %dma_wait3A_550 = arith.constant 0 : i32
      %dma_wait3A_551 = tpu.memref_slice %arg10[%dma_wait3A_549, %dma_wait3A_550] : memref<10000x128xf32, #tpu.memory_space<vmem_shared>> -> memref<10000x128xf32, #tpu.memory_space<vmem_shared>>
      tpu.wait_indirect_dma semaphore(%arg13 : memref<!tpu.dma_semaphore, #tpu.memory_space<semaphore_mem>>) src(%arg8 : memref<80x128xf32, #tpu.memory_space<vmem>>) dst(%dma_wait3A_551 : memref<10000x128xf32, #tpu.memory_space<vmem_shared>>)
      %dma_wait3A_552 = arith.constant 0 : i32
      %dma_wait3A_553 = arith.constant 0 : i32
      %dma_wait3A_554 = tpu.memref_slice %arg7[%dma_wait3A_552, %dma_wait3A_553] : memref<25x80xi32, #tpu.memory_space<vmem>> -> memref<1x80xi32, #tpu.memory_space<vmem>>
      %dma_wait3A_555 = tpu.memref_squeeze %dma_wait3A_554 : memref<1x80xi32, #tpu.memory_space<vmem>> -> memref<80xi32, #tpu.memory_space<vmem>>
      %dma_wait3A_556 = arith.constant 0 : i32
      %dma_wait3A_557 = arith.constant 0 : i32
      %dma_wait3A_558 = tpu.memref_slice %arg10[%dma_wait3A_556, %dma_wait3A_557] : memref<10000x128xf32, #tpu.memory_space<vmem_shared>> -> memref<10000x128xf32, #tpu.memory_space<vmem_shared>>
      tpu.wait_indirect_dma semaphore(%arg14 : memref<!tpu.dma_semaphore, #tpu.memory_space<semaphore_mem>>) src(%arg9 : memref<80x128xf32, #tpu.memory_space<vmem>>) dst(%dma_wait3A_558 : memref<10000x128xf32, #tpu.memory_space<vmem_shared>>)
    }
    %scan3A_192 = arith.constant 12 : i32
    %dma_start3A_193 = arith.constant 24 : i32
    %dma_start3A_194 = arith.constant 0 : i32
    %dma_start3A_195 = tpu.memref_slice %arg6[%dma_start3A_193, %dma_start3A_194] : memref<25x80xi32, #tpu.memory_space<vmem>> -> memref<1x80xi32, #tpu.memory_space<vmem>>
    %dma_start3A_196 = tpu.memref_squeeze %dma_start3A_195 : memref<1x80xi32, #tpu.memory_space<vmem>> -> memref<80xi32, #tpu.memory_space<vmem>>
    %dma_start3A_197 = arith.constant 0 : i32
    %dma_start3A_198 = arith.constant 0 : i32
    %dma_start3A_199 = tpu.memref_slice %arg2[%dma_start3A_197, %dma_start3A_198] : memref<10000x128xf32, #tpu.memory_space<hbm>> -> memref<10000x128xf32, #tpu.memory_space<hbm>>
    tpu.enqueue_indirect_dma source(%dma_start3A_199 : memref<10000x128xf32, #tpu.memory_space<hbm>>) target(%arg8 : memref<80x128xf32, #tpu.memory_space<vmem>>) offsets(%dma_start3A_196 : memref<80xi32, #tpu.memory_space<vmem>>) semaphore(%arg11 : memref<!tpu.dma_semaphore, #tpu.memory_space<semaphore_mem>>)
    %dma_wait3A_200 = arith.constant 0 : i32
    %dma_wait3A_201 = arith.constant 0 : i32
    %dma_wait3A_202 = tpu.memref_slice %arg6[%dma_wait3A_200, %dma_wait3A_201] : memref<25x80xi32, #tpu.memory_space<vmem>> -> memref<1x80xi32, #tpu.memory_space<vmem>>
    %dma_wait3A_203 = tpu.memref_squeeze %dma_wait3A_202 : memref<1x80xi32, #tpu.memory_space<vmem>> -> memref<80xi32, #tpu.memory_space<vmem>>
    %dma_wait3A_204 = arith.constant 0 : i32
    %dma_wait3A_205 = arith.constant 0 : i32
    %dma_wait3A_206 = tpu.memref_slice %arg2[%dma_wait3A_204, %dma_wait3A_205] : memref<10000x128xf32, #tpu.memory_space<hbm>> -> memref<10000x128xf32, #tpu.memory_space<hbm>>
    tpu.wait_indirect_dma semaphore(%arg11 : memref<!tpu.dma_semaphore, #tpu.memory_space<semaphore_mem>>) src(%dma_wait3A_206 : memref<10000x128xf32, #tpu.memory_space<hbm>>) dst(%arg8 : memref<80x128xf32, #tpu.memory_space<vmem>>)
    %dma_start3A_207 = arith.constant 24 : i32
    %dma_start3A_208 = arith.constant 0 : i32
    %dma_start3A_209 = tpu.memref_slice %arg7[%dma_start3A_207, %dma_start3A_208] : memref<25x80xi32, #tpu.memory_space<vmem>> -> memref<1x80xi32, #tpu.memory_space<vmem>>
    %dma_start3A_210 = tpu.memref_squeeze %dma_start3A_209 : memref<1x80xi32, #tpu.memory_space<vmem>> -> memref<80xi32, #tpu.memory_space<vmem>>
    %dma_start3A_211 = arith.constant 0 : i32
    %dma_start3A_212 = arith.constant 0 : i32
    %dma_start3A_213 = tpu.memref_slice %arg10[%dma_start3A_211, %dma_start3A_212] : memref<10000x128xf32, #tpu.memory_space<vmem_shared>> -> memref<10000x128xf32, #tpu.memory_space<vmem_shared>>
    tpu.enqueue_indirect_dma source(%arg8 : memref<80x128xf32, #tpu.memory_space<vmem>>) target(%dma_start3A_213 : memref<10000x128xf32, #tpu.memory_space<vmem_shared>>) offsets(%dma_start3A_210 : memref<80xi32, #tpu.memory_space<vmem>>) semaphore(%arg13 : memref<!tpu.dma_semaphore, #tpu.memory_space<semaphore_mem>>) {add = true}
    %dma_wait3A_214 = arith.constant 0 : i32
    %dma_wait3A_215 = arith.constant 0 : i32
    %dma_wait3A_216 = tpu.memref_slice %arg7[%dma_wait3A_214, %dma_wait3A_215] : memref<25x80xi32, #tpu.memory_space<vmem>> -> memref<1x80xi32, #tpu.memory_space<vmem>>
    %dma_wait3A_217 = tpu.memref_squeeze %dma_wait3A_216 : memref<1x80xi32, #tpu.memory_space<vmem>> -> memref<80xi32, #tpu.memory_space<vmem>>
    %dma_wait3A_218 = arith.constant 0 : i32
    %dma_wait3A_219 = arith.constant 0 : i32
    %dma_wait3A_220 = tpu.memref_slice %arg10[%dma_wait3A_218, %dma_wait3A_219] : memref<10000x128xf32, #tpu.memory_space<vmem_shared>> -> memref<10000x128xf32, #tpu.memory_space<vmem_shared>>
    tpu.wait_indirect_dma semaphore(%arg13 : memref<!tpu.dma_semaphore, #tpu.memory_space<semaphore_mem>>) src(%arg8 : memref<80x128xf32, #tpu.memory_space<vmem>>) dst(%dma_wait3A_220 : memref<10000x128xf32, #tpu.memory_space<vmem_shared>>)
    %run_scoped3A_221 = arith.constant 3 : i32
    "tpu.region"() ({
      %run_scoped3A_500 = tpu.sem_alloc : memref<!tpu.dma_semaphore, #tpu.memory_space<semaphore_mem>>
      %dma_start3A_501 = arith.constant 0 : i32
      %dma_start3A_502 = arith.constant 0 : i32
      %dma_start3A_503 = tpu.memref_slice %arg3[%add3A, %run_scoped3A_221, %dma_start3A_501, %dma_start3A_502] : memref<32x5x25x80xi32, #tpu.memory_space<hbm>> -> memref<1x1x25x80xi32, #tpu.memory_space<hbm>>
      %dma_start3A_504 = tpu.memref_squeeze %dma_start3A_503 : memref<1x1x25x80xi32, #tpu.memory_space<hbm>> -> memref<25x80xi32, #tpu.memory_space<hbm>>
      %dma_start3A_505 = arith.constant 0 : i32
      %dma_start3A_506 = arith.constant 0 : i32
      %dma_start3A_507 = tpu.memref_slice %arg3[%add3A, %run_scoped3A_221, %dma_start3A_505, %dma_start3A_506] : memref<32x5x25x80xi32, #tpu.memory_space<hbm>> -> memref<1x1x25x80xi32, #tpu.memory_space<hbm>>
      %dma_start3A_508 = tpu.memref_squeeze %dma_start3A_507 : memref<1x1x25x80xi32, #tpu.memory_space<hbm>> -> memref<25x80xi32, #tpu.memory_space<hbm>>
      tpu.enqueue_dma source(%dma_start3A_508 : memref<25x80xi32, #tpu.memory_space<hbm>>) target(%arg6 : memref<25x80xi32, #tpu.memory_space<vmem>>) target_semaphore(%run_scoped3A_500 : memref<!tpu.dma_semaphore, #tpu.memory_space<semaphore_mem>>)
      %dma_wait3A_509 = arith.constant 0 : i32
      %dma_wait3A_510 = arith.constant 0 : i32
      %dma_wait3A_511 = tpu.memref_slice %arg3[%add3A, %run_scoped3A_221, %dma_wait3A_509, %dma_wait3A_510] : memref<32x5x25x80xi32, #tpu.memory_space<hbm>> -> memref<1x1x25x80xi32, #tpu.memory_space<hbm>>
      %dma_wait3A_512 = tpu.memref_squeeze %dma_wait3A_511 : memref<1x1x25x80xi32, #tpu.memory_space<hbm>> -> memref<25x80xi32, #tpu.memory_space<hbm>>
      %dma_wait3A_513 = arith.constant 0 : i32
      %dma_wait3A_514 = arith.constant 0 : i32
      %dma_wait3A_515 = tpu.memref_slice %arg3[%add3A, %run_scoped3A_221, %dma_wait3A_513, %dma_wait3A_514] : memref<32x5x25x80xi32, #tpu.memory_space<hbm>> -> memref<1x1x25x80xi32, #tpu.memory_space<hbm>>
      %dma_wait3A_516 = tpu.memref_squeeze %dma_wait3A_515 : memref<1x1x25x80xi32, #tpu.memory_space<hbm>> -> memref<25x80xi32, #tpu.memory_space<hbm>>
      tpu.wait_dma2 semaphore(%run_scoped3A_500 : memref<!tpu.dma_semaphore, #tpu.memory_space<semaphore_mem>>) src(%dma_wait3A_516 : memref<25x80xi32, #tpu.memory_space<hbm>>) dst(%arg6 : memref<25x80xi32, #tpu.memory_space<vmem>>)
      tpu.yield
    }) : () -> ()
    %run_scoped3A_222 = arith.constant 3 : i32
    "tpu.region"() ({
      %run_scoped3A_500 = tpu.sem_alloc : memref<!tpu.dma_semaphore, #tpu.memory_space<semaphore_mem>>
      %dma_start3A_501 = arith.constant 0 : i32
      %dma_start3A_502 = arith.constant 0 : i32
      %dma_start3A_503 = tpu.memref_slice %arg4[%add3A, %run_scoped3A_222, %dma_start3A_501, %dma_start3A_502] : memref<32x5x25x80xi32, #tpu.memory_space<hbm>> -> memref<1x1x25x80xi32, #tpu.memory_space<hbm>>
      %dma_start3A_504 = tpu.memref_squeeze %dma_start3A_503 : memref<1x1x25x80xi32, #tpu.memory_space<hbm>> -> memref<25x80xi32, #tpu.memory_space<hbm>>
      %dma_start3A_505 = arith.constant 0 : i32
      %dma_start3A_506 = arith.constant 0 : i32
      %dma_start3A_507 = tpu.memref_slice %arg4[%add3A, %run_scoped3A_222, %dma_start3A_505, %dma_start3A_506] : memref<32x5x25x80xi32, #tpu.memory_space<hbm>> -> memref<1x1x25x80xi32, #tpu.memory_space<hbm>>
      %dma_start3A_508 = tpu.memref_squeeze %dma_start3A_507 : memref<1x1x25x80xi32, #tpu.memory_space<hbm>> -> memref<25x80xi32, #tpu.memory_space<hbm>>
      tpu.enqueue_dma source(%dma_start3A_508 : memref<25x80xi32, #tpu.memory_space<hbm>>) target(%arg7 : memref<25x80xi32, #tpu.memory_space<vmem>>) target_semaphore(%run_scoped3A_500 : memref<!tpu.dma_semaphore, #tpu.memory_space<semaphore_mem>>)
      %dma_wait3A_509 = arith.constant 0 : i32
      %dma_wait3A_510 = arith.constant 0 : i32
      %dma_wait3A_511 = tpu.memref_slice %arg4[%add3A, %run_scoped3A_222, %dma_wait3A_509, %dma_wait3A_510] : memref<32x5x25x80xi32, #tpu.memory_space<hbm>> -> memref<1x1x25x80xi32, #tpu.memory_space<hbm>>
      %dma_wait3A_512 = tpu.memref_squeeze %dma_wait3A_511 : memref<1x1x25x80xi32, #tpu.memory_space<hbm>> -> memref<25x80xi32, #tpu.memory_space<hbm>>
      %dma_wait3A_513 = arith.constant 0 : i32
      %dma_wait3A_514 = arith.constant 0 : i32
      %dma_wait3A_515 = tpu.memref_slice %arg4[%add3A, %run_scoped3A_222, %dma_wait3A_513, %dma_wait3A_514] : memref<32x5x25x80xi32, #tpu.memory_space<hbm>> -> memref<1x1x25x80xi32, #tpu.memory_space<hbm>>
      %dma_wait3A_516 = tpu.memref_squeeze %dma_wait3A_515 : memref<1x1x25x80xi32, #tpu.memory_space<hbm>> -> memref<25x80xi32, #tpu.memory_space<hbm>>
      tpu.wait_dma2 semaphore(%run_scoped3A_500 : memref<!tpu.dma_semaphore, #tpu.memory_space<semaphore_mem>>) src(%dma_wait3A_516 : memref<25x80xi32, #tpu.memory_space<hbm>>) dst(%arg7 : memref<25x80xi32, #tpu.memory_space<vmem>>)
      tpu.yield
    }) : () -> ()
    %scan3A_223 = arith.constant 0 : i32
    %scan3A_224 = arith.constant 0 : i32
    %scan3A_225 = arith.constant 12 : i32
    %scan3A_226 = arith.addi %scan3A_224, %scan3A_225 : i32
    %scan3A_227 = arith.constant 1 : i32
    scf.for %scan3A_500 = %scan3A_224 to %scan3A_226 step %scan3A_227  : i32 {
      %mul3A_501 = arith.constant 2 : i32
      %mul3A_502 = arith.muli %mul3A_501, %scan3A_500 : i32
      %dma_start3A_503 = arith.constant 0 : i32
      %dma_start3A_504 = tpu.memref_slice %arg6[%mul3A_502, %dma_start3A_503] : memref<25x80xi32, #tpu.memory_space<vmem>> -> memref<1x80xi32, #tpu.memory_space<vmem>>
      %dma_start3A_505 = tpu.memref_squeeze %dma_start3A_504 : memref<1x80xi32, #tpu.memory_space<vmem>> -> memref<80xi32, #tpu.memory_space<vmem>>
      %dma_start3A_506 = arith.constant 0 : i32
      %dma_start3A_507 = arith.constant 0 : i32
      %dma_start3A_508 = tpu.memref_slice %arg2[%dma_start3A_506, %dma_start3A_507] : memref<10000x128xf32, #tpu.memory_space<hbm>> -> memref<10000x128xf32, #tpu.memory_space<hbm>>
      tpu.enqueue_indirect_dma source(%dma_start3A_508 : memref<10000x128xf32, #tpu.memory_space<hbm>>) target(%arg8 : memref<80x128xf32, #tpu.memory_space<vmem>>) offsets(%dma_start3A_505 : memref<80xi32, #tpu.memory_space<vmem>>) semaphore(%arg11 : memref<!tpu.dma_semaphore, #tpu.memory_space<semaphore_mem>>)
      %add3A_509 = arith.constant 1 : i32
      %add3A_510 = arith.addi %mul3A_502, %add3A_509 : i32
      %dma_start3A_511 = arith.constant 0 : i32
      %dma_start3A_512 = tpu.memref_slice %arg6[%add3A_510, %dma_start3A_511] : memref<25x80xi32, #tpu.memory_space<vmem>> -> memref<1x80xi32, #tpu.memory_space<vmem>>
      %dma_start3A_513 = tpu.memref_squeeze %dma_start3A_512 : memref<1x80xi32, #tpu.memory_space<vmem>> -> memref<80xi32, #tpu.memory_space<vmem>>
      %dma_start3A_514 = arith.constant 0 : i32
      %dma_start3A_515 = arith.constant 0 : i32
      %dma_start3A_516 = tpu.memref_slice %arg2[%dma_start3A_514, %dma_start3A_515] : memref<10000x128xf32, #tpu.memory_space<hbm>> -> memref<10000x128xf32, #tpu.memory_space<hbm>>
      tpu.enqueue_indirect_dma source(%dma_start3A_516 : memref<10000x128xf32, #tpu.memory_space<hbm>>) target(%arg9 : memref<80x128xf32, #tpu.memory_space<vmem>>) offsets(%dma_start3A_513 : memref<80xi32, #tpu.memory_space<vmem>>) semaphore(%arg12 : memref<!tpu.dma_semaphore, #tpu.memory_space<semaphore_mem>>)
      %dma_wait3A_517 = arith.constant 0 : i32
      %dma_wait3A_518 = arith.constant 0 : i32
      %dma_wait3A_519 = tpu.memref_slice %arg6[%dma_wait3A_517, %dma_wait3A_518] : memref<25x80xi32, #tpu.memory_space<vmem>> -> memref<1x80xi32, #tpu.memory_space<vmem>>
      %dma_wait3A_520 = tpu.memref_squeeze %dma_wait3A_519 : memref<1x80xi32, #tpu.memory_space<vmem>> -> memref<80xi32, #tpu.memory_space<vmem>>
      %dma_wait3A_521 = arith.constant 0 : i32
      %dma_wait3A_522 = arith.constant 0 : i32
      %dma_wait3A_523 = tpu.memref_slice %arg2[%dma_wait3A_521, %dma_wait3A_522] : memref<10000x128xf32, #tpu.memory_space<hbm>> -> memref<10000x128xf32, #tpu.memory_space<hbm>>
      tpu.wait_indirect_dma semaphore(%arg11 : memref<!tpu.dma_semaphore, #tpu.memory_space<semaphore_mem>>) src(%dma_wait3A_523 : memref<10000x128xf32, #tpu.memory_space<hbm>>) dst(%arg8 : memref<80x128xf32, #tpu.memory_space<vmem>>)
      %dma_wait3A_524 = arith.constant 0 : i32
      %dma_wait3A_525 = arith.constant 0 : i32
      %dma_wait3A_526 = tpu.memref_slice %arg6[%dma_wait3A_524, %dma_wait3A_525] : memref<25x80xi32, #tpu.memory_space<vmem>> -> memref<1x80xi32, #tpu.memory_space<vmem>>
      %dma_wait3A_527 = tpu.memref_squeeze %dma_wait3A_526 : memref<1x80xi32, #tpu.memory_space<vmem>> -> memref<80xi32, #tpu.memory_space<vmem>>
      %dma_wait3A_528 = arith.constant 0 : i32
      %dma_wait3A_529 = arith.constant 0 : i32
      %dma_wait3A_530 = tpu.memref_slice %arg2[%dma_wait3A_528, %dma_wait3A_529] : memref<10000x128xf32, #tpu.memory_space<hbm>> -> memref<10000x128xf32, #tpu.memory_space<hbm>>
      tpu.wait_indirect_dma semaphore(%arg12 : memref<!tpu.dma_semaphore, #tpu.memory_space<semaphore_mem>>) src(%dma_wait3A_530 : memref<10000x128xf32, #tpu.memory_space<hbm>>) dst(%arg9 : memref<80x128xf32, #tpu.memory_space<vmem>>)
      %dma_start3A_531 = arith.constant 0 : i32
      %dma_start3A_532 = tpu.memref_slice %arg7[%mul3A_502, %dma_start3A_531] : memref<25x80xi32, #tpu.memory_space<vmem>> -> memref<1x80xi32, #tpu.memory_space<vmem>>
      %dma_start3A_533 = tpu.memref_squeeze %dma_start3A_532 : memref<1x80xi32, #tpu.memory_space<vmem>> -> memref<80xi32, #tpu.memory_space<vmem>>
      %dma_start3A_534 = arith.constant 0 : i32
      %dma_start3A_535 = arith.constant 0 : i32
      %dma_start3A_536 = tpu.memref_slice %arg10[%dma_start3A_534, %dma_start3A_535] : memref<10000x128xf32, #tpu.memory_space<vmem_shared>> -> memref<10000x128xf32, #tpu.memory_space<vmem_shared>>
      tpu.enqueue_indirect_dma source(%arg8 : memref<80x128xf32, #tpu.memory_space<vmem>>) target(%dma_start3A_536 : memref<10000x128xf32, #tpu.memory_space<vmem_shared>>) offsets(%dma_start3A_533 : memref<80xi32, #tpu.memory_space<vmem>>) semaphore(%arg13 : memref<!tpu.dma_semaphore, #tpu.memory_space<semaphore_mem>>) {add = true}
      %add3A_537 = arith.constant 1 : i32
      %add3A_538 = arith.addi %mul3A_502, %add3A_537 : i32
      %dma_start3A_539 = arith.constant 0 : i32
      %dma_start3A_540 = tpu.memref_slice %arg7[%add3A_538, %dma_start3A_539] : memref<25x80xi32, #tpu.memory_space<vmem>> -> memref<1x80xi32, #tpu.memory_space<vmem>>
      %dma_start3A_541 = tpu.memref_squeeze %dma_start3A_540 : memref<1x80xi32, #tpu.memory_space<vmem>> -> memref<80xi32, #tpu.memory_space<vmem>>
      %dma_start3A_542 = arith.constant 0 : i32
      %dma_start3A_543 = arith.constant 0 : i32
      %dma_start3A_544 = tpu.memref_slice %arg10[%dma_start3A_542, %dma_start3A_543] : memref<10000x128xf32, #tpu.memory_space<vmem_shared>> -> memref<10000x128xf32, #tpu.memory_space<vmem_shared>>
      tpu.enqueue_indirect_dma source(%arg9 : memref<80x128xf32, #tpu.memory_space<vmem>>) target(%dma_start3A_544 : memref<10000x128xf32, #tpu.memory_space<vmem_shared>>) offsets(%dma_start3A_541 : memref<80xi32, #tpu.memory_space<vmem>>) semaphore(%arg14 : memref<!tpu.dma_semaphore, #tpu.memory_space<semaphore_mem>>) {add = true}
      %dma_wait3A_545 = arith.constant 0 : i32
      %dma_wait3A_546 = arith.constant 0 : i32
      %dma_wait3A_547 = tpu.memref_slice %arg7[%dma_wait3A_545, %dma_wait3A_546] : memref<25x80xi32, #tpu.memory_space<vmem>> -> memref<1x80xi32, #tpu.memory_space<vmem>>
      %dma_wait3A_548 = tpu.memref_squeeze %dma_wait3A_547 : memref<1x80xi32, #tpu.memory_space<vmem>> -> memref<80xi32, #tpu.memory_space<vmem>>
      %dma_wait3A_549 = arith.constant 0 : i32
      %dma_wait3A_550 = arith.constant 0 : i32
      %dma_wait3A_551 = tpu.memref_slice %arg10[%dma_wait3A_549, %dma_wait3A_550] : memref<10000x128xf32, #tpu.memory_space<vmem_shared>> -> memref<10000x128xf32, #tpu.memory_space<vmem_shared>>
      tpu.wait_indirect_dma semaphore(%arg13 : memref<!tpu.dma_semaphore, #tpu.memory_space<semaphore_mem>>) src(%arg8 : memref<80x128xf32, #tpu.memory_space<vmem>>) dst(%dma_wait3A_551 : memref<10000x128xf32, #tpu.memory_space<vmem_shared>>)
      %dma_wait3A_552 = arith.constant 0 : i32
      %dma_wait3A_553 = arith.constant 0 : i32
      %dma_wait3A_554 = tpu.memref_slice %arg7[%dma_wait3A_552, %dma_wait3A_553] : memref<25x80xi32, #tpu.memory_space<vmem>> -> memref<1x80xi32, #tpu.memory_space<vmem>>
      %dma_wait3A_555 = tpu.memref_squeeze %dma_wait3A_554 : memref<1x80xi32, #tpu.memory_space<vmem>> -> memref<80xi32, #tpu.memory_space<vmem>>
      %dma_wait3A_556 = arith.constant 0 : i32
      %dma_wait3A_557 = arith.constant 0 : i32
      %dma_wait3A_558 = tpu.memref_slice %arg10[%dma_wait3A_556, %dma_wait3A_557] : memref<10000x128xf32, #tpu.memory_space<vmem_shared>> -> memref<10000x128xf32, #tpu.memory_space<vmem_shared>>
      tpu.wait_indirect_dma semaphore(%arg14 : memref<!tpu.dma_semaphore, #tpu.memory_space<semaphore_mem>>) src(%arg9 : memref<80x128xf32, #tpu.memory_space<vmem>>) dst(%dma_wait3A_558 : memref<10000x128xf32, #tpu.memory_space<vmem_shared>>)
    }
    %scan3A_228 = arith.constant 12 : i32
    %dma_start3A_229 = arith.constant 24 : i32
    %dma_start3A_230 = arith.constant 0 : i32
    %dma_start3A_231 = tpu.memref_slice %arg6[%dma_start3A_229, %dma_start3A_230] : memref<25x80xi32, #tpu.memory_space<vmem>> -> memref<1x80xi32, #tpu.memory_space<vmem>>
    %dma_start3A_232 = tpu.memref_squeeze %dma_start3A_231 : memref<1x80xi32, #tpu.memory_space<vmem>> -> memref<80xi32, #tpu.memory_space<vmem>>
    %dma_start3A_233 = arith.constant 0 : i32
    %dma_start3A_234 = arith.constant 0 : i32
    %dma_start3A_235 = tpu.memref_slice %arg2[%dma_start3A_233, %dma_start3A_234] : memref<10000x128xf32, #tpu.memory_space<hbm>> -> memref<10000x128xf32, #tpu.memory_space<hbm>>
    tpu.enqueue_indirect_dma source(%dma_start3A_235 : memref<10000x128xf32, #tpu.memory_space<hbm>>) target(%arg8 : memref<80x128xf32, #tpu.memory_space<vmem>>) offsets(%dma_start3A_232 : memref<80xi32, #tpu.memory_space<vmem>>) semaphore(%arg11 : memref<!tpu.dma_semaphore, #tpu.memory_space<semaphore_mem>>)
    %dma_wait3A_236 = arith.constant 0 : i32
    %dma_wait3A_237 = arith.constant 0 : i32
    %dma_wait3A_238 = tpu.memref_slice %arg6[%dma_wait3A_236, %dma_wait3A_237] : memref<25x80xi32, #tpu.memory_space<vmem>> -> memref<1x80xi32, #tpu.memory_space<vmem>>
    %dma_wait3A_239 = tpu.memref_squeeze %dma_wait3A_238 : memref<1x80xi32, #tpu.memory_space<vmem>> -> memref<80xi32, #tpu.memory_space<vmem>>
    %dma_wait3A_240 = arith.constant 0 : i32
    %dma_wait3A_241 = arith.constant 0 : i32
    %dma_wait3A_242 = tpu.memref_slice %arg2[%dma_wait3A_240, %dma_wait3A_241] : memref<10000x128xf32, #tpu.memory_space<hbm>> -> memref<10000x128xf32, #tpu.memory_space<hbm>>
    tpu.wait_indirect_dma semaphore(%arg11 : memref<!tpu.dma_semaphore, #tpu.memory_space<semaphore_mem>>) src(%dma_wait3A_242 : memref<10000x128xf32, #tpu.memory_space<hbm>>) dst(%arg8 : memref<80x128xf32, #tpu.memory_space<vmem>>)
    %dma_start3A_243 = arith.constant 24 : i32
    %dma_start3A_244 = arith.constant 0 : i32
    %dma_start3A_245 = tpu.memref_slice %arg7[%dma_start3A_243, %dma_start3A_244] : memref<25x80xi32, #tpu.memory_space<vmem>> -> memref<1x80xi32, #tpu.memory_space<vmem>>
    %dma_start3A_246 = tpu.memref_squeeze %dma_start3A_245 : memref<1x80xi32, #tpu.memory_space<vmem>> -> memref<80xi32, #tpu.memory_space<vmem>>
    %dma_start3A_247 = arith.constant 0 : i32
    %dma_start3A_248 = arith.constant 0 : i32
    %dma_start3A_249 = tpu.memref_slice %arg10[%dma_start3A_247, %dma_start3A_248] : memref<10000x128xf32, #tpu.memory_space<vmem_shared>> -> memref<10000x128xf32, #tpu.memory_space<vmem_shared>>
    tpu.enqueue_indirect_dma source(%arg8 : memref<80x128xf32, #tpu.memory_space<vmem>>) target(%dma_start3A_249 : memref<10000x128xf32, #tpu.memory_space<vmem_shared>>) offsets(%dma_start3A_246 : memref<80xi32, #tpu.memory_space<vmem>>) semaphore(%arg13 : memref<!tpu.dma_semaphore, #tpu.memory_space<semaphore_mem>>) {add = true}
    %dma_wait3A_250 = arith.constant 0 : i32
    %dma_wait3A_251 = arith.constant 0 : i32
    %dma_wait3A_252 = tpu.memref_slice %arg7[%dma_wait3A_250, %dma_wait3A_251] : memref<25x80xi32, #tpu.memory_space<vmem>> -> memref<1x80xi32, #tpu.memory_space<vmem>>
    %dma_wait3A_253 = tpu.memref_squeeze %dma_wait3A_252 : memref<1x80xi32, #tpu.memory_space<vmem>> -> memref<80xi32, #tpu.memory_space<vmem>>
    %dma_wait3A_254 = arith.constant 0 : i32
    %dma_wait3A_255 = arith.constant 0 : i32
    %dma_wait3A_256 = tpu.memref_slice %arg10[%dma_wait3A_254, %dma_wait3A_255] : memref<10000x128xf32, #tpu.memory_space<vmem_shared>> -> memref<10000x128xf32, #tpu.memory_space<vmem_shared>>
    tpu.wait_indirect_dma semaphore(%arg13 : memref<!tpu.dma_semaphore, #tpu.memory_space<semaphore_mem>>) src(%arg8 : memref<80x128xf32, #tpu.memory_space<vmem>>) dst(%dma_wait3A_256 : memref<10000x128xf32, #tpu.memory_space<vmem_shared>>)
    %run_scoped3A_257 = arith.constant 4 : i32
    "tpu.region"() ({
      %run_scoped3A_500 = tpu.sem_alloc : memref<!tpu.dma_semaphore, #tpu.memory_space<semaphore_mem>>
      %dma_start3A_501 = arith.constant 0 : i32
      %dma_start3A_502 = arith.constant 0 : i32
      %dma_start3A_503 = tpu.memref_slice %arg3[%add3A, %run_scoped3A_257, %dma_start3A_501, %dma_start3A_502] : memref<32x5x25x80xi32, #tpu.memory_space<hbm>> -> memref<1x1x25x80xi32, #tpu.memory_space<hbm>>
      %dma_start3A_504 = tpu.memref_squeeze %dma_start3A_503 : memref<1x1x25x80xi32, #tpu.memory_space<hbm>> -> memref<25x80xi32, #tpu.memory_space<hbm>>
      %dma_start3A_505 = arith.constant 0 : i32
      %dma_start3A_506 = arith.constant 0 : i32
      %dma_start3A_507 = tpu.memref_slice %arg3[%add3A, %run_scoped3A_257, %dma_start3A_505, %dma_start3A_506] : memref<32x5x25x80xi32, #tpu.memory_space<hbm>> -> memref<1x1x25x80xi32, #tpu.memory_space<hbm>>
      %dma_start3A_508 = tpu.memref_squeeze %dma_start3A_507 : memref<1x1x25x80xi32, #tpu.memory_space<hbm>> -> memref<25x80xi32, #tpu.memory_space<hbm>>
      tpu.enqueue_dma source(%dma_start3A_508 : memref<25x80xi32, #tpu.memory_space<hbm>>) target(%arg6 : memref<25x80xi32, #tpu.memory_space<vmem>>) target_semaphore(%run_scoped3A_500 : memref<!tpu.dma_semaphore, #tpu.memory_space<semaphore_mem>>)
      %dma_wait3A_509 = arith.constant 0 : i32
      %dma_wait3A_510 = arith.constant 0 : i32
      %dma_wait3A_511 = tpu.memref_slice %arg3[%add3A, %run_scoped3A_257, %dma_wait3A_509, %dma_wait3A_510] : memref<32x5x25x80xi32, #tpu.memory_space<hbm>> -> memref<1x1x25x80xi32, #tpu.memory_space<hbm>>
      %dma_wait3A_512 = tpu.memref_squeeze %dma_wait3A_511 : memref<1x1x25x80xi32, #tpu.memory_space<hbm>> -> memref<25x80xi32, #tpu.memory_space<hbm>>
      %dma_wait3A_513 = arith.constant 0 : i32
      %dma_wait3A_514 = arith.constant 0 : i32
      %dma_wait3A_515 = tpu.memref_slice %arg3[%add3A, %run_scoped3A_257, %dma_wait3A_513, %dma_wait3A_514] : memref<32x5x25x80xi32, #tpu.memory_space<hbm>> -> memref<1x1x25x80xi32, #tpu.memory_space<hbm>>
      %dma_wait3A_516 = tpu.memref_squeeze %dma_wait3A_515 : memref<1x1x25x80xi32, #tpu.memory_space<hbm>> -> memref<25x80xi32, #tpu.memory_space<hbm>>
      tpu.wait_dma2 semaphore(%run_scoped3A_500 : memref<!tpu.dma_semaphore, #tpu.memory_space<semaphore_mem>>) src(%dma_wait3A_516 : memref<25x80xi32, #tpu.memory_space<hbm>>) dst(%arg6 : memref<25x80xi32, #tpu.memory_space<vmem>>)
      tpu.yield
    }) : () -> ()
    %run_scoped3A_258 = arith.constant 4 : i32
    "tpu.region"() ({
      %run_scoped3A_500 = tpu.sem_alloc : memref<!tpu.dma_semaphore, #tpu.memory_space<semaphore_mem>>
      %dma_start3A_501 = arith.constant 0 : i32
      %dma_start3A_502 = arith.constant 0 : i32
      %dma_start3A_503 = tpu.memref_slice %arg4[%add3A, %run_scoped3A_258, %dma_start3A_501, %dma_start3A_502] : memref<32x5x25x80xi32, #tpu.memory_space<hbm>> -> memref<1x1x25x80xi32, #tpu.memory_space<hbm>>
      %dma_start3A_504 = tpu.memref_squeeze %dma_start3A_503 : memref<1x1x25x80xi32, #tpu.memory_space<hbm>> -> memref<25x80xi32, #tpu.memory_space<hbm>>
      %dma_start3A_505 = arith.constant 0 : i32
      %dma_start3A_506 = arith.constant 0 : i32
      %dma_start3A_507 = tpu.memref_slice %arg4[%add3A, %run_scoped3A_258, %dma_start3A_505, %dma_start3A_506] : memref<32x5x25x80xi32, #tpu.memory_space<hbm>> -> memref<1x1x25x80xi32, #tpu.memory_space<hbm>>
      %dma_start3A_508 = tpu.memref_squeeze %dma_start3A_507 : memref<1x1x25x80xi32, #tpu.memory_space<hbm>> -> memref<25x80xi32, #tpu.memory_space<hbm>>
      tpu.enqueue_dma source(%dma_start3A_508 : memref<25x80xi32, #tpu.memory_space<hbm>>) target(%arg7 : memref<25x80xi32, #tpu.memory_space<vmem>>) target_semaphore(%run_scoped3A_500 : memref<!tpu.dma_semaphore, #tpu.memory_space<semaphore_mem>>)
      %dma_wait3A_509 = arith.constant 0 : i32
      %dma_wait3A_510 = arith.constant 0 : i32
      %dma_wait3A_511 = tpu.memref_slice %arg4[%add3A, %run_scoped3A_258, %dma_wait3A_509, %dma_wait3A_510] : memref<32x5x25x80xi32, #tpu.memory_space<hbm>> -> memref<1x1x25x80xi32, #tpu.memory_space<hbm>>
      %dma_wait3A_512 = tpu.memref_squeeze %dma_wait3A_511 : memref<1x1x25x80xi32, #tpu.memory_space<hbm>> -> memref<25x80xi32, #tpu.memory_space<hbm>>
      %dma_wait3A_513 = arith.constant 0 : i32
      %dma_wait3A_514 = arith.constant 0 : i32
      %dma_wait3A_515 = tpu.memref_slice %arg4[%add3A, %run_scoped3A_258, %dma_wait3A_513, %dma_wait3A_514] : memref<32x5x25x80xi32, #tpu.memory_space<hbm>> -> memref<1x1x25x80xi32, #tpu.memory_space<hbm>>
      %dma_wait3A_516 = tpu.memref_squeeze %dma_wait3A_515 : memref<1x1x25x80xi32, #tpu.memory_space<hbm>> -> memref<25x80xi32, #tpu.memory_space<hbm>>
      tpu.wait_dma2 semaphore(%run_scoped3A_500 : memref<!tpu.dma_semaphore, #tpu.memory_space<semaphore_mem>>) src(%dma_wait3A_516 : memref<25x80xi32, #tpu.memory_space<hbm>>) dst(%arg7 : memref<25x80xi32, #tpu.memory_space<vmem>>)
      tpu.yield
    }) : () -> ()
    %scan3A_259 = arith.constant 0 : i32
    %scan3A_260 = arith.constant 0 : i32
    %scan3A_261 = arith.constant 12 : i32
    %scan3A_262 = arith.addi %scan3A_260, %scan3A_261 : i32
    %scan3A_263 = arith.constant 1 : i32
    scf.for %scan3A_500 = %scan3A_260 to %scan3A_262 step %scan3A_263  : i32 {
      %mul3A_501 = arith.constant 2 : i32
      %mul3A_502 = arith.muli %mul3A_501, %scan3A_500 : i32
      %dma_start3A_503 = arith.constant 0 : i32
      %dma_start3A_504 = tpu.memref_slice %arg6[%mul3A_502, %dma_start3A_503] : memref<25x80xi32, #tpu.memory_space<vmem>> -> memref<1x80xi32, #tpu.memory_space<vmem>>
      %dma_start3A_505 = tpu.memref_squeeze %dma_start3A_504 : memref<1x80xi32, #tpu.memory_space<vmem>> -> memref<80xi32, #tpu.memory_space<vmem>>
      %dma_start3A_506 = arith.constant 0 : i32
      %dma_start3A_507 = arith.constant 0 : i32
      %dma_start3A_508 = tpu.memref_slice %arg2[%dma_start3A_506, %dma_start3A_507] : memref<10000x128xf32, #tpu.memory_space<hbm>> -> memref<10000x128xf32, #tpu.memory_space<hbm>>
      tpu.enqueue_indirect_dma source(%dma_start3A_508 : memref<10000x128xf32, #tpu.memory_space<hbm>>) target(%arg8 : memref<80x128xf32, #tpu.memory_space<vmem>>) offsets(%dma_start3A_505 : memref<80xi32, #tpu.memory_space<vmem>>) semaphore(%arg11 : memref<!tpu.dma_semaphore, #tpu.memory_space<semaphore_mem>>)
      %add3A_509 = arith.constant 1 : i32
      %add3A_510 = arith.addi %mul3A_502, %add3A_509 : i32
      %dma_start3A_511 = arith.constant 0 : i32
      %dma_start3A_512 = tpu.memref_slice %arg6[%add3A_510, %dma_start3A_511] : memref<25x80xi32, #tpu.memory_space<vmem>> -> memref<1x80xi32, #tpu.memory_space<vmem>>
      %dma_start3A_513 = tpu.memref_squeeze %dma_start3A_512 : memref<1x80xi32, #tpu.memory_space<vmem>> -> memref<80xi32, #tpu.memory_space<vmem>>
      %dma_start3A_514 = arith.constant 0 : i32
      %dma_start3A_515 = arith.constant 0 : i32
      %dma_start3A_516 = tpu.memref_slice %arg2[%dma_start3A_514, %dma_start3A_515] : memref<10000x128xf32, #tpu.memory_space<hbm>> -> memref<10000x128xf32, #tpu.memory_space<hbm>>
      tpu.enqueue_indirect_dma source(%dma_start3A_516 : memref<10000x128xf32, #tpu.memory_space<hbm>>) target(%arg9 : memref<80x128xf32, #tpu.memory_space<vmem>>) offsets(%dma_start3A_513 : memref<80xi32, #tpu.memory_space<vmem>>) semaphore(%arg12 : memref<!tpu.dma_semaphore, #tpu.memory_space<semaphore_mem>>)
      %dma_wait3A_517 = arith.constant 0 : i32
      %dma_wait3A_518 = arith.constant 0 : i32
      %dma_wait3A_519 = tpu.memref_slice %arg6[%dma_wait3A_517, %dma_wait3A_518] : memref<25x80xi32, #tpu.memory_space<vmem>> -> memref<1x80xi32, #tpu.memory_space<vmem>>
      %dma_wait3A_520 = tpu.memref_squeeze %dma_wait3A_519 : memref<1x80xi32, #tpu.memory_space<vmem>> -> memref<80xi32, #tpu.memory_space<vmem>>
      %dma_wait3A_521 = arith.constant 0 : i32
      %dma_wait3A_522 = arith.constant 0 : i32
      %dma_wait3A_523 = tpu.memref_slice %arg2[%dma_wait3A_521, %dma_wait3A_522] : memref<10000x128xf32, #tpu.memory_space<hbm>> -> memref<10000x128xf32, #tpu.memory_space<hbm>>
      tpu.wait_indirect_dma semaphore(%arg11 : memref<!tpu.dma_semaphore, #tpu.memory_space<semaphore_mem>>) src(%dma_wait3A_523 : memref<10000x128xf32, #tpu.memory_space<hbm>>) dst(%arg8 : memref<80x128xf32, #tpu.memory_space<vmem>>)
      %dma_wait3A_524 = arith.constant 0 : i32
      %dma_wait3A_525 = arith.constant 0 : i32
      %dma_wait3A_526 = tpu.memref_slice %arg6[%dma_wait3A_524, %dma_wait3A_525] : memref<25x80xi32, #tpu.memory_space<vmem>> -> memref<1x80xi32, #tpu.memory_space<vmem>>
      %dma_wait3A_527 = tpu.memref_squeeze %dma_wait3A_526 : memref<1x80xi32, #tpu.memory_space<vmem>> -> memref<80xi32, #tpu.memory_space<vmem>>
      %dma_wait3A_528 = arith.constant 0 : i32
      %dma_wait3A_529 = arith.constant 0 : i32
      %dma_wait3A_530 = tpu.memref_slice %arg2[%dma_wait3A_528, %dma_wait3A_529] : memref<10000x128xf32, #tpu.memory_space<hbm>> -> memref<10000x128xf32, #tpu.memory_space<hbm>>
      tpu.wait_indirect_dma semaphore(%arg12 : memref<!tpu.dma_semaphore, #tpu.memory_space<semaphore_mem>>) src(%dma_wait3A_530 : memref<10000x128xf32, #tpu.memory_space<hbm>>) dst(%arg9 : memref<80x128xf32, #tpu.memory_space<vmem>>)
      %dma_start3A_531 = arith.constant 0 : i32
      %dma_start3A_532 = tpu.memref_slice %arg7[%mul3A_502, %dma_start3A_531] : memref<25x80xi32, #tpu.memory_space<vmem>> -> memref<1x80xi32, #tpu.memory_space<vmem>>
      %dma_start3A_533 = tpu.memref_squeeze %dma_start3A_532 : memref<1x80xi32, #tpu.memory_space<vmem>> -> memref<80xi32, #tpu.memory_space<vmem>>
      %dma_start3A_534 = arith.constant 0 : i32
      %dma_start3A_535 = arith.constant 0 : i32
      %dma_start3A_536 = tpu.memref_slice %arg10[%dma_start3A_534, %dma_start3A_535] : memref<10000x128xf32, #tpu.memory_space<vmem_shared>> -> memref<10000x128xf32, #tpu.memory_space<vmem_shared>>
      tpu.enqueue_indirect_dma source(%arg8 : memref<80x128xf32, #tpu.memory_space<vmem>>) target(%dma_start3A_536 : memref<10000x128xf32, #tpu.memory_space<vmem_shared>>) offsets(%dma_start3A_533 : memref<80xi32, #tpu.memory_space<vmem>>) semaphore(%arg13 : memref<!tpu.dma_semaphore, #tpu.memory_space<semaphore_mem>>) {add = true}
      %add3A_537 = arith.constant 1 : i32
      %add3A_538 = arith.addi %mul3A_502, %add3A_537 : i32
      %dma_start3A_539 = arith.constant 0 : i32
      %dma_start3A_540 = tpu.memref_slice %arg7[%add3A_538, %dma_start3A_539] : memref<25x80xi32, #tpu.memory_space<vmem>> -> memref<1x80xi32, #tpu.memory_space<vmem>>
      %dma_start3A_541 = tpu.memref_squeeze %dma_start3A_540 : memref<1x80xi32, #tpu.memory_space<vmem>> -> memref<80xi32, #tpu.memory_space<vmem>>
      %dma_start3A_542 = arith.constant 0 : i32
      %dma_start3A_543 = arith.constant 0 : i32
      %dma_start3A_544 = tpu.memref_slice %arg10[%dma_start3A_542, %dma_start3A_543] : memref<10000x128xf32, #tpu.memory_space<vmem_shared>> -> memref<10000x128xf32, #tpu.memory_space<vmem_shared>>
      tpu.enqueue_indirect_dma source(%arg9 : memref<80x128xf32, #tpu.memory_space<vmem>>) target(%dma_start3A_544 : memref<10000x128xf32, #tpu.memory_space<vmem_shared>>) offsets(%dma_start3A_541 : memref<80xi32, #tpu.memory_space<vmem>>) semaphore(%arg14 : memref<!tpu.dma_semaphore, #tpu.memory_space<semaphore_mem>>) {add = true}
      %dma_wait3A_545 = arith.constant 0 : i32
      %dma_wait3A_546 = arith.constant 0 : i32
      %dma_wait3A_547 = tpu.memref_slice %arg7[%dma_wait3A_545, %dma_wait3A_546] : memref<25x80xi32, #tpu.memory_space<vmem>> -> memref<1x80xi32, #tpu.memory_space<vmem>>
      %dma_wait3A_548 = tpu.memref_squeeze %dma_wait3A_547 : memref<1x80xi32, #tpu.memory_space<vmem>> -> memref<80xi32, #tpu.memory_space<vmem>>
      %dma_wait3A_549 = arith.constant 0 : i32
      %dma_wait3A_550 = arith.constant 0 : i32
      %dma_wait3A_551 = tpu.memref_slice %arg10[%dma_wait3A_549, %dma_wait3A_550] : memref<10000x128xf32, #tpu.memory_space<vmem_shared>> -> memref<10000x128xf32, #tpu.memory_space<vmem_shared>>
      tpu.wait_indirect_dma semaphore(%arg13 : memref<!tpu.dma_semaphore, #tpu.memory_space<semaphore_mem>>) src(%arg8 : memref<80x128xf32, #tpu.memory_space<vmem>>) dst(%dma_wait3A_551 : memref<10000x128xf32, #tpu.memory_space<vmem_shared>>)
      %dma_wait3A_552 = arith.constant 0 : i32
      %dma_wait3A_553 = arith.constant 0 : i32
      %dma_wait3A_554 = tpu.memref_slice %arg7[%dma_wait3A_552, %dma_wait3A_553] : memref<25x80xi32, #tpu.memory_space<vmem>> -> memref<1x80xi32, #tpu.memory_space<vmem>>
      %dma_wait3A_555 = tpu.memref_squeeze %dma_wait3A_554 : memref<1x80xi32, #tpu.memory_space<vmem>> -> memref<80xi32, #tpu.memory_space<vmem>>
      %dma_wait3A_556 = arith.constant 0 : i32
      %dma_wait3A_557 = arith.constant 0 : i32
      %dma_wait3A_558 = tpu.memref_slice %arg10[%dma_wait3A_556, %dma_wait3A_557] : memref<10000x128xf32, #tpu.memory_space<vmem_shared>> -> memref<10000x128xf32, #tpu.memory_space<vmem_shared>>
      tpu.wait_indirect_dma semaphore(%arg14 : memref<!tpu.dma_semaphore, #tpu.memory_space<semaphore_mem>>) src(%arg9 : memref<80x128xf32, #tpu.memory_space<vmem>>) dst(%dma_wait3A_558 : memref<10000x128xf32, #tpu.memory_space<vmem_shared>>)
    }
    %scan3A_264 = arith.constant 12 : i32
    %dma_start3A_265 = arith.constant 24 : i32
    %dma_start3A_266 = arith.constant 0 : i32
    %dma_start3A_267 = tpu.memref_slice %arg6[%dma_start3A_265, %dma_start3A_266] : memref<25x80xi32, #tpu.memory_space<vmem>> -> memref<1x80xi32, #tpu.memory_space<vmem>>
    %dma_start3A_268 = tpu.memref_squeeze %dma_start3A_267 : memref<1x80xi32, #tpu.memory_space<vmem>> -> memref<80xi32, #tpu.memory_space<vmem>>
    %dma_start3A_269 = arith.constant 0 : i32
    %dma_start3A_270 = arith.constant 0 : i32
    %dma_start3A_271 = tpu.memref_slice %arg2[%dma_start3A_269, %dma_start3A_270] : memref<10000x128xf32, #tpu.memory_space<hbm>> -> memref<10000x128xf32, #tpu.memory_space<hbm>>
    tpu.enqueue_indirect_dma source(%dma_start3A_271 : memref<10000x128xf32, #tpu.memory_space<hbm>>) target(%arg8 : memref<80x128xf32, #tpu.memory_space<vmem>>) offsets(%dma_start3A_268 : memref<80xi32, #tpu.memory_space<vmem>>) semaphore(%arg11 : memref<!tpu.dma_semaphore, #tpu.memory_space<semaphore_mem>>)
    %dma_wait3A_272 = arith.constant 0 : i32
    %dma_wait3A_273 = arith.constant 0 : i32
    %dma_wait3A_274 = tpu.memref_slice %arg6[%dma_wait3A_272, %dma_wait3A_273] : memref<25x80xi32, #tpu.memory_space<vmem>> -> memref<1x80xi32, #tpu.memory_space<vmem>>
    %dma_wait3A_275 = tpu.memref_squeeze %dma_wait3A_274 : memref<1x80xi32, #tpu.memory_space<vmem>> -> memref<80xi32, #tpu.memory_space<vmem>>
    %dma_wait3A_276 = arith.constant 0 : i32
    %dma_wait3A_277 = arith.constant 0 : i32
    %dma_wait3A_278 = tpu.memref_slice %arg2[%dma_wait3A_276, %dma_wait3A_277] : memref<10000x128xf32, #tpu.memory_space<hbm>> -> memref<10000x128xf32, #tpu.memory_space<hbm>>
    tpu.wait_indirect_dma semaphore(%arg11 : memref<!tpu.dma_semaphore, #tpu.memory_space<semaphore_mem>>) src(%dma_wait3A_278 : memref<10000x128xf32, #tpu.memory_space<hbm>>) dst(%arg8 : memref<80x128xf32, #tpu.memory_space<vmem>>)
    %dma_start3A_279 = arith.constant 24 : i32
    %dma_start3A_280 = arith.constant 0 : i32
    %dma_start3A_281 = tpu.memref_slice %arg7[%dma_start3A_279, %dma_start3A_280] : memref<25x80xi32, #tpu.memory_space<vmem>> -> memref<1x80xi32, #tpu.memory_space<vmem>>
    %dma_start3A_282 = tpu.memref_squeeze %dma_start3A_281 : memref<1x80xi32, #tpu.memory_space<vmem>> -> memref<80xi32, #tpu.memory_space<vmem>>
    %dma_start3A_283 = arith.constant 0 : i32
    %dma_start3A_284 = arith.constant 0 : i32
    %dma_start3A_285 = tpu.memref_slice %arg10[%dma_start3A_283, %dma_start3A_284] : memref<10000x128xf32, #tpu.memory_space<vmem_shared>> -> memref<10000x128xf32, #tpu.memory_space<vmem_shared>>
    tpu.enqueue_indirect_dma source(%arg8 : memref<80x128xf32, #tpu.memory_space<vmem>>) target(%dma_start3A_285 : memref<10000x128xf32, #tpu.memory_space<vmem_shared>>) offsets(%dma_start3A_282 : memref<80xi32, #tpu.memory_space<vmem>>) semaphore(%arg13 : memref<!tpu.dma_semaphore, #tpu.memory_space<semaphore_mem>>) {add = true}
    %dma_wait3A_286 = arith.constant 0 : i32
    %dma_wait3A_287 = arith.constant 0 : i32
    %dma_wait3A_288 = tpu.memref_slice %arg7[%dma_wait3A_286, %dma_wait3A_287] : memref<25x80xi32, #tpu.memory_space<vmem>> -> memref<1x80xi32, #tpu.memory_space<vmem>>
    %dma_wait3A_289 = tpu.memref_squeeze %dma_wait3A_288 : memref<1x80xi32, #tpu.memory_space<vmem>> -> memref<80xi32, #tpu.memory_space<vmem>>
    %dma_wait3A_290 = arith.constant 0 : i32
    %dma_wait3A_291 = arith.constant 0 : i32
    %dma_wait3A_292 = tpu.memref_slice %arg10[%dma_wait3A_290, %dma_wait3A_291] : memref<10000x128xf32, #tpu.memory_space<vmem_shared>> -> memref<10000x128xf32, #tpu.memory_space<vmem_shared>>
    tpu.wait_indirect_dma semaphore(%arg13 : memref<!tpu.dma_semaphore, #tpu.memory_space<semaphore_mem>>) src(%arg8 : memref<80x128xf32, #tpu.memory_space<vmem>>) dst(%dma_wait3A_292 : memref<10000x128xf32, #tpu.memory_space<vmem_shared>>)
    %barrier3A_293 = arith.constant 0 : index
    tpu.barrier barrier_id(%barrier3A_293)
    %add3A_294 = arith.constant 0 : i32
    %add3A_295 = arith.addi %arg1, %add3A_294 : i32
    %lt3A_296 = arith.constant 125 : i32
    %lt3A_297 = arith.cmpi slt, %add3A_295, %lt3A_296 : i32
    %convert_element_type3A_298 = arith.extui %lt3A_297 : i1 to i32
    %cond3A_299 = arith.constant 0 : i32
    %cond3A_300 = arith.cmpi ne, %convert_element_type3A_298, %cond3A_299 : i32
    scf.if %cond3A_300 {
      %mul3A_500 = arith.constant 80 : i32
      %mul3A_501 = arith.muli %add3A_295, %mul3A_500 : i32
      %dma_start3A_502 = arith.constant 0 : i32
      %dma_start3A_503 = tpu.memref_slice %arg10[%mul3A_501, %dma_start3A_502] : memref<10000x128xf32, #tpu.memory_space<vmem_shared>> -> memref<80x128xf32, #tpu.memory_space<vmem_shared>>
      %dma_start3A_504 = arith.constant 0 : i32
      %dma_start3A_505 = tpu.memref_slice %arg10[%mul3A_501, %dma_start3A_504] : memref<10000x128xf32, #tpu.memory_space<vmem_shared>> -> memref<80x128xf32, #tpu.memory_space<vmem_shared>>
      tpu.enqueue_dma source(%dma_start3A_505 : memref<80x128xf32, #tpu.memory_space<vmem_shared>>) target(%arg8 : memref<80x128xf32, #tpu.memory_space<vmem>>) target_semaphore(%arg11 : memref<!tpu.dma_semaphore, #tpu.memory_space<semaphore_mem>>)
    } else {
    }
    %add3A_301 = arith.constant 16 : i32
    %add3A_302 = arith.addi %arg1, %add3A_301 : i32
    %lt3A_303 = arith.constant 125 : i32
    %lt3A_304 = arith.cmpi slt, %add3A_302, %lt3A_303 : i32
    %convert_element_type3A_305 = arith.extui %lt3A_304 : i1 to i32
    %cond3A_306 = arith.constant 0 : i32
    %cond3A_307 = arith.cmpi ne, %convert_element_type3A_305, %cond3A_306 : i32
    scf.if %cond3A_307 {
      %mul3A_500 = arith.constant 80 : i32
      %mul3A_501 = arith.muli %add3A_302, %mul3A_500 : i32
      %dma_start3A_502 = arith.constant 0 : i32
      %dma_start3A_503 = tpu.memref_slice %arg10[%mul3A_501, %dma_start3A_502] : memref<10000x128xf32, #tpu.memory_space<vmem_shared>> -> memref<80x128xf32, #tpu.memory_space<vmem_shared>>
      %dma_start3A_504 = arith.constant 0 : i32
      %dma_start3A_505 = tpu.memref_slice %arg10[%mul3A_501, %dma_start3A_504] : memref<10000x128xf32, #tpu.memory_space<vmem_shared>> -> memref<80x128xf32, #tpu.memory_space<vmem_shared>>
      tpu.enqueue_dma source(%dma_start3A_505 : memref<80x128xf32, #tpu.memory_space<vmem_shared>>) target(%arg9 : memref<80x128xf32, #tpu.memory_space<vmem>>) target_semaphore(%arg12 : memref<!tpu.dma_semaphore, #tpu.memory_space<semaphore_mem>>)
    } else {
    }
    %add3A_308 = arith.constant 0 : i32
    %add3A_309 = arith.addi %arg1, %add3A_308 : i32
    %lt3A_310 = arith.constant 125 : i32
    %lt3A_311 = arith.cmpi slt, %add3A_309, %lt3A_310 : i32
    %convert_element_type3A_312 = arith.extui %lt3A_311 : i1 to i32
    %cond3A_313 = arith.constant 0 : i32
    %cond3A_314 = arith.cmpi ne, %convert_element_type3A_312, %cond3A_313 : i32
    scf.if %cond3A_314 {
      %dma_wait3A_500 = arith.constant 0 : i32
      %dma_wait3A_501 = arith.constant 0 : i32
      %dma_wait3A_502 = tpu.memref_slice %arg10[%dma_wait3A_500, %dma_wait3A_501] : memref<10000x128xf32, #tpu.memory_space<vmem_shared>> -> memref<80x128xf32, #tpu.memory_space<vmem_shared>>
      %dma_wait3A_503 = arith.constant 0 : i32
      %dma_wait3A_504 = arith.constant 0 : i32
      %dma_wait3A_505 = tpu.memref_slice %arg10[%dma_wait3A_503, %dma_wait3A_504] : memref<10000x128xf32, #tpu.memory_space<vmem_shared>> -> memref<80x128xf32, #tpu.memory_space<vmem_shared>>
      tpu.wait_dma2 semaphore(%arg11 : memref<!tpu.dma_semaphore, #tpu.memory_space<semaphore_mem>>) src(%dma_wait3A_505 : memref<80x128xf32, #tpu.memory_space<vmem_shared>>) dst(%arg8 : memref<80x128xf32, #tpu.memory_space<vmem>>)
      %mul3A_506 = arith.constant 80 : i32
      %mul3A_507 = arith.muli %add3A_309, %mul3A_506 : i32
      %dma_start3A_508 = arith.constant 0 : i32
      %dma_start3A_509 = tpu.memref_slice %arg5[%arg0, %mul3A_507, %dma_start3A_508] : memref<2x10000x128xf32, #tpu.memory_space<hbm>> -> memref<1x80x128xf32, #tpu.memory_space<hbm>>
      %dma_start3A_510 = tpu.memref_squeeze %dma_start3A_509 : memref<1x80x128xf32, #tpu.memory_space<hbm>> -> memref<80x128xf32, #tpu.memory_space<hbm>>
      %dma_start3A_511 = arith.constant 0 : i32
      %dma_start3A_512 = tpu.memref_slice %arg5[%arg0, %mul3A_507, %dma_start3A_511] : memref<2x10000x128xf32, #tpu.memory_space<hbm>> -> memref<1x80x128xf32, #tpu.memory_space<hbm>>
      %dma_start3A_513 = tpu.memref_squeeze %dma_start3A_512 : memref<1x80x128xf32, #tpu.memory_space<hbm>> -> memref<80x128xf32, #tpu.memory_space<hbm>>
      tpu.enqueue_dma source(%arg8 : memref<80x128xf32, #tpu.memory_space<vmem>>) target(%dma_start3A_513 : memref<80x128xf32, #tpu.memory_space<hbm>>) target_semaphore(%arg13 : memref<!tpu.dma_semaphore, #tpu.memory_space<semaphore_mem>>)
    } else {
    }
    %add3A_315 = arith.constant 32 : i32
    %add3A_316 = arith.addi %arg1, %add3A_315 : i32
    %lt3A_317 = arith.constant 125 : i32
    %lt3A_318 = arith.cmpi slt, %add3A_316, %lt3A_317 : i32
    %convert_element_type3A_319 = arith.extui %lt3A_318 : i1 to i32
    %cond3A_320 = arith.constant 0 : i32
    %cond3A_321 = arith.cmpi ne, %convert_element_type3A_319, %cond3A_320 : i32
    scf.if %cond3A_321 {
      %dma_wait3A_500 = arith.constant 0 : i32
      %dma_wait3A_501 = arith.constant 0 : i32
      %dma_wait3A_502 = tpu.memref_slice %arg5[%arg0, %dma_wait3A_500, %dma_wait3A_501] : memref<2x10000x128xf32, #tpu.memory_space<hbm>> -> memref<1x80x128xf32, #tpu.memory_space<hbm>>
      %dma_wait3A_503 = tpu.memref_squeeze %dma_wait3A_502 : memref<1x80x128xf32, #tpu.memory_space<hbm>> -> memref<80x128xf32, #tpu.memory_space<hbm>>
      %dma_wait3A_504 = arith.constant 0 : i32
      %dma_wait3A_505 = arith.constant 0 : i32
      %dma_wait3A_506 = tpu.memref_slice %arg5[%arg0, %dma_wait3A_504, %dma_wait3A_505] : memref<2x10000x128xf32, #tpu.memory_space<hbm>> -> memref<1x80x128xf32, #tpu.memory_space<hbm>>
      %dma_wait3A_507 = tpu.memref_squeeze %dma_wait3A_506 : memref<1x80x128xf32, #tpu.memory_space<hbm>> -> memref<80x128xf32, #tpu.memory_space<hbm>>
      tpu.wait_dma2 semaphore(%arg13 : memref<!tpu.dma_semaphore, #tpu.memory_space<semaphore_mem>>) src(%arg8 : memref<80x128xf32, #tpu.memory_space<vmem>>) dst(%dma_wait3A_507 : memref<80x128xf32, #tpu.memory_space<hbm>>)
      %mul3A_508 = arith.constant 80 : i32
      %mul3A_509 = arith.muli %add3A_316, %mul3A_508 : i32
      %dma_start3A_510 = arith.constant 0 : i32
      %dma_start3A_511 = tpu.memref_slice %arg10[%mul3A_509, %dma_start3A_510] : memref<10000x128xf32, #tpu.memory_space<vmem_shared>> -> memref<80x128xf32, #tpu.memory_space<vmem_shared>>
      %dma_start3A_512 = arith.constant 0 : i32
      %dma_start3A_513 = tpu.memref_slice %arg10[%mul3A_509, %dma_start3A_512] : memref<10000x128xf32, #tpu.memory_space<vmem_shared>> -> memref<80x128xf32, #tpu.memory_space<vmem_shared>>
      tpu.enqueue_dma source(%dma_start3A_513 : memref<80x128xf32, #tpu.memory_space<vmem_shared>>) target(%arg8 : memref<80x128xf32, #tpu.memory_space<vmem>>) target_semaphore(%arg11 : memref<!tpu.dma_semaphore, #tpu.memory_space<semaphore_mem>>)
    } else {
    }
    %add3A_322 = arith.constant 16 : i32
    %add3A_323 = arith.addi %arg1, %add3A_322 : i32
    %lt3A_324 = arith.constant 125 : i32
    %lt3A_325 = arith.cmpi slt, %add3A_323, %lt3A_324 : i32
    %convert_element_type3A_326 = arith.extui %lt3A_325 : i1 to i32
    %cond3A_327 = arith.constant 0 : i32
    %cond3A_328 = arith.cmpi ne, %convert_element_type3A_326, %cond3A_327 : i32
    scf.if %cond3A_328 {
      %dma_wait3A_500 = arith.constant 0 : i32
      %dma_wait3A_501 = arith.constant 0 : i32
      %dma_wait3A_502 = tpu.memref_slice %arg10[%dma_wait3A_500, %dma_wait3A_501] : memref<10000x128xf32, #tpu.memory_space<vmem_shared>> -> memref<80x128xf32, #tpu.memory_space<vmem_shared>>
      %dma_wait3A_503 = arith.constant 0 : i32
      %dma_wait3A_504 = arith.constant 0 : i32
      %dma_wait3A_505 = tpu.memref_slice %arg10[%dma_wait3A_503, %dma_wait3A_504] : memref<10000x128xf32, #tpu.memory_space<vmem_shared>> -> memref<80x128xf32, #tpu.memory_space<vmem_shared>>
      tpu.wait_dma2 semaphore(%arg12 : memref<!tpu.dma_semaphore, #tpu.memory_space<semaphore_mem>>) src(%dma_wait3A_505 : memref<80x128xf32, #tpu.memory_space<vmem_shared>>) dst(%arg9 : memref<80x128xf32, #tpu.memory_space<vmem>>)
      %mul3A_506 = arith.constant 80 : i32
      %mul3A_507 = arith.muli %add3A_323, %mul3A_506 : i32
      %dma_start3A_508 = arith.constant 0 : i32
      %dma_start3A_509 = tpu.memref_slice %arg5[%arg0, %mul3A_507, %dma_start3A_508] : memref<2x10000x128xf32, #tpu.memory_space<hbm>> -> memref<1x80x128xf32, #tpu.memory_space<hbm>>
      %dma_start3A_510 = tpu.memref_squeeze %dma_start3A_509 : memref<1x80x128xf32, #tpu.memory_space<hbm>> -> memref<80x128xf32, #tpu.memory_space<hbm>>
      %dma_start3A_511 = arith.constant 0 : i32
      %dma_start3A_512 = tpu.memref_slice %arg5[%arg0, %mul3A_507, %dma_start3A_511] : memref<2x10000x128xf32, #tpu.memory_space<hbm>> -> memref<1x80x128xf32, #tpu.memory_space<hbm>>
      %dma_start3A_513 = tpu.memref_squeeze %dma_start3A_512 : memref<1x80x128xf32, #tpu.memory_space<hbm>> -> memref<80x128xf32, #tpu.memory_space<hbm>>
      tpu.enqueue_dma source(%arg9 : memref<80x128xf32, #tpu.memory_space<vmem>>) target(%dma_start3A_513 : memref<80x128xf32, #tpu.memory_space<hbm>>) target_semaphore(%arg14 : memref<!tpu.dma_semaphore, #tpu.memory_space<semaphore_mem>>)
    } else {
    }
    %add3A_329 = arith.constant 48 : i32
    %add3A_330 = arith.addi %arg1, %add3A_329 : i32
    %lt3A_331 = arith.constant 125 : i32
    %lt3A_332 = arith.cmpi slt, %add3A_330, %lt3A_331 : i32
    %convert_element_type3A_333 = arith.extui %lt3A_332 : i1 to i32
    %cond3A_334 = arith.constant 0 : i32
    %cond3A_335 = arith.cmpi ne, %convert_element_type3A_333, %cond3A_334 : i32
    scf.if %cond3A_335 {
      %dma_wait3A_500 = arith.constant 0 : i32
      %dma_wait3A_501 = arith.constant 0 : i32
      %dma_wait3A_502 = tpu.memref_slice %arg5[%arg0, %dma_wait3A_500, %dma_wait3A_501] : memref<2x10000x128xf32, #tpu.memory_space<hbm>> -> memref<1x80x128xf32, #tpu.memory_space<hbm>>
      %dma_wait3A_503 = tpu.memref_squeeze %dma_wait3A_502 : memref<1x80x128xf32, #tpu.memory_space<hbm>> -> memref<80x128xf32, #tpu.memory_space<hbm>>
      %dma_wait3A_504 = arith.constant 0 : i32
      %dma_wait3A_505 = arith.constant 0 : i32
      %dma_wait3A_506 = tpu.memref_slice %arg5[%arg0, %dma_wait3A_504, %dma_wait3A_505] : memref<2x10000x128xf32, #tpu.memory_space<hbm>> -> memref<1x80x128xf32, #tpu.memory_space<hbm>>
      %dma_wait3A_507 = tpu.memref_squeeze %dma_wait3A_506 : memref<1x80x128xf32, #tpu.memory_space<hbm>> -> memref<80x128xf32, #tpu.memory_space<hbm>>
      tpu.wait_dma2 semaphore(%arg14 : memref<!tpu.dma_semaphore, #tpu.memory_space<semaphore_mem>>) src(%arg9 : memref<80x128xf32, #tpu.memory_space<vmem>>) dst(%dma_wait3A_507 : memref<80x128xf32, #tpu.memory_space<hbm>>)
      %mul3A_508 = arith.constant 80 : i32
      %mul3A_509 = arith.muli %add3A_330, %mul3A_508 : i32
      %dma_start3A_510 = arith.constant 0 : i32
      %dma_start3A_511 = tpu.memref_slice %arg10[%mul3A_509, %dma_start3A_510] : memref<10000x128xf32, #tpu.memory_space<vmem_shared>> -> memref<80x128xf32, #tpu.memory_space<vmem_shared>>
      %dma_start3A_512 = arith.constant 0 : i32
      %dma_start3A_513 = tpu.memref_slice %arg10[%mul3A_509, %dma_start3A_512] : memref<10000x128xf32, #tpu.memory_space<vmem_shared>> -> memref<80x128xf32, #tpu.memory_space<vmem_shared>>
      tpu.enqueue_dma source(%dma_start3A_513 : memref<80x128xf32, #tpu.memory_space<vmem_shared>>) target(%arg9 : memref<80x128xf32, #tpu.memory_space<vmem>>) target_semaphore(%arg12 : memref<!tpu.dma_semaphore, #tpu.memory_space<semaphore_mem>>)
    } else {
    }
    %add3A_336 = arith.constant 32 : i32
    %add3A_337 = arith.addi %arg1, %add3A_336 : i32
    %lt3A_338 = arith.constant 125 : i32
    %lt3A_339 = arith.cmpi slt, %add3A_337, %lt3A_338 : i32
    %convert_element_type3A_340 = arith.extui %lt3A_339 : i1 to i32
    %cond3A_341 = arith.constant 0 : i32
    %cond3A_342 = arith.cmpi ne, %convert_element_type3A_340, %cond3A_341 : i32
    scf.if %cond3A_342 {
      %dma_wait3A_500 = arith.constant 0 : i32
      %dma_wait3A_501 = arith.constant 0 : i32
      %dma_wait3A_502 = tpu.memref_slice %arg10[%dma_wait3A_500, %dma_wait3A_501] : memref<10000x128xf32, #tpu.memory_space<vmem_shared>> -> memref<80x128xf32, #tpu.memory_space<vmem_shared>>
      %dma_wait3A_503 = arith.constant 0 : i32
      %dma_wait3A_504 = arith.constant 0 : i32
      %dma_wait3A_505 = tpu.memref_slice %arg10[%dma_wait3A_503, %dma_wait3A_504] : memref<10000x128xf32, #tpu.memory_space<vmem_shared>> -> memref<80x128xf32, #tpu.memory_space<vmem_shared>>
      tpu.wait_dma2 semaphore(%arg11 : memref<!tpu.dma_semaphore, #tpu.memory_space<semaphore_mem>>) src(%dma_wait3A_505 : memref<80x128xf32, #tpu.memory_space<vmem_shared>>) dst(%arg8 : memref<80x128xf32, #tpu.memory_space<vmem>>)
      %mul3A_506 = arith.constant 80 : i32
      %mul3A_507 = arith.muli %add3A_337, %mul3A_506 : i32
      %dma_start3A_508 = arith.constant 0 : i32
      %dma_start3A_509 = tpu.memref_slice %arg5[%arg0, %mul3A_507, %dma_start3A_508] : memref<2x10000x128xf32, #tpu.memory_space<hbm>> -> memref<1x80x128xf32, #tpu.memory_space<hbm>>
      %dma_start3A_510 = tpu.memref_squeeze %dma_start3A_509 : memref<1x80x128xf32, #tpu.memory_space<hbm>> -> memref<80x128xf32, #tpu.memory_space<hbm>>
      %dma_start3A_511 = arith.constant 0 : i32
      %dma_start3A_512 = tpu.memref_slice %arg5[%arg0, %mul3A_507, %dma_start3A_511] : memref<2x10000x128xf32, #tpu.memory_space<hbm>> -> memref<1x80x128xf32, #tpu.memory_space<hbm>>
      %dma_start3A_513 = tpu.memref_squeeze %dma_start3A_512 : memref<1x80x128xf32, #tpu.memory_space<hbm>> -> memref<80x128xf32, #tpu.memory_space<hbm>>
      tpu.enqueue_dma source(%arg8 : memref<80x128xf32, #tpu.memory_space<vmem>>) target(%dma_start3A_513 : memref<80x128xf32, #tpu.memory_space<hbm>>) target_semaphore(%arg13 : memref<!tpu.dma_semaphore, #tpu.memory_space<semaphore_mem>>)
    } else {
    }
    %add3A_343 = arith.constant 64 : i32
    %add3A_344 = arith.addi %arg1, %add3A_343 : i32
    %lt3A_345 = arith.constant 125 : i32
    %lt3A_346 = arith.cmpi slt, %add3A_344, %lt3A_345 : i32
    %convert_element_type3A_347 = arith.extui %lt3A_346 : i1 to i32
    %cond3A_348 = arith.constant 0 : i32
    %cond3A_349 = arith.cmpi ne, %convert_element_type3A_347, %cond3A_348 : i32
    scf.if %cond3A_349 {
      %dma_wait3A_500 = arith.constant 0 : i32
      %dma_wait3A_501 = arith.constant 0 : i32
      %dma_wait3A_502 = tpu.memref_slice %arg5[%arg0, %dma_wait3A_500, %dma_wait3A_501] : memref<2x10000x128xf32, #tpu.memory_space<hbm>> -> memref<1x80x128xf32, #tpu.memory_space<hbm>>
      %dma_wait3A_503 = tpu.memref_squeeze %dma_wait3A_502 : memref<1x80x128xf32, #tpu.memory_space<hbm>> -> memref<80x128xf32, #tpu.memory_space<hbm>>
      %dma_wait3A_504 = arith.constant 0 : i32
      %dma_wait3A_505 = arith.constant 0 : i32
      %dma_wait3A_506 = tpu.memref_slice %arg5[%arg0, %dma_wait3A_504, %dma_wait3A_505] : memref<2x10000x128xf32, #tpu.memory_space<hbm>> -> memref<1x80x128xf32, #tpu.memory_space<hbm>>
      %dma_wait3A_507 = tpu.memref_squeeze %dma_wait3A_506 : memref<1x80x128xf32, #tpu.memory_space<hbm>> -> memref<80x128xf32, #tpu.memory_space<hbm>>
      tpu.wait_dma2 semaphore(%arg13 : memref<!tpu.dma_semaphore, #tpu.memory_space<semaphore_mem>>) src(%arg8 : memref<80x128xf32, #tpu.memory_space<vmem>>) dst(%dma_wait3A_507 : memref<80x128xf32, #tpu.memory_space<hbm>>)
      %mul3A_508 = arith.constant 80 : i32
      %mul3A_509 = arith.muli %add3A_344, %mul3A_508 : i32
      %dma_start3A_510 = arith.constant 0 : i32
      %dma_start3A_511 = tpu.memref_slice %arg10[%mul3A_509, %dma_start3A_510] : memref<10000x128xf32, #tpu.memory_space<vmem_shared>> -> memref<80x128xf32, #tpu.memory_space<vmem_shared>>
      %dma_start3A_512 = arith.constant 0 : i32
      %dma_start3A_513 = tpu.memref_slice %arg10[%mul3A_509, %dma_start3A_512] : memref<10000x128xf32, #tpu.memory_space<vmem_shared>> -> memref<80x128xf32, #tpu.memory_space<vmem_shared>>
      tpu.enqueue_dma source(%dma_start3A_513 : memref<80x128xf32, #tpu.memory_space<vmem_shared>>) target(%arg8 : memref<80x128xf32, #tpu.memory_space<vmem>>) target_semaphore(%arg11 : memref<!tpu.dma_semaphore, #tpu.memory_space<semaphore_mem>>)
    } else {
    }
    %add3A_350 = arith.constant 48 : i32
    %add3A_351 = arith.addi %arg1, %add3A_350 : i32
    %lt3A_352 = arith.constant 125 : i32
    %lt3A_353 = arith.cmpi slt, %add3A_351, %lt3A_352 : i32
    %convert_element_type3A_354 = arith.extui %lt3A_353 : i1 to i32
    %cond3A_355 = arith.constant 0 : i32
    %cond3A_356 = arith.cmpi ne, %convert_element_type3A_354, %cond3A_355 : i32
    scf.if %cond3A_356 {
      %dma_wait3A_500 = arith.constant 0 : i32
      %dma_wait3A_501 = arith.constant 0 : i32
      %dma_wait3A_502 = tpu.memref_slice %arg10[%dma_wait3A_500, %dma_wait3A_501] : memref<10000x128xf32, #tpu.memory_space<vmem_shared>> -> memref<80x128xf32, #tpu.memory_space<vmem_shared>>
      %dma_wait3A_503 = arith.constant 0 : i32
      %dma_wait3A_504 = arith.constant 0 : i32
      %dma_wait3A_505 = tpu.memref_slice %arg10[%dma_wait3A_503, %dma_wait3A_504] : memref<10000x128xf32, #tpu.memory_space<vmem_shared>> -> memref<80x128xf32, #tpu.memory_space<vmem_shared>>
      tpu.wait_dma2 semaphore(%arg12 : memref<!tpu.dma_semaphore, #tpu.memory_space<semaphore_mem>>) src(%dma_wait3A_505 : memref<80x128xf32, #tpu.memory_space<vmem_shared>>) dst(%arg9 : memref<80x128xf32, #tpu.memory_space<vmem>>)
      %mul3A_506 = arith.constant 80 : i32
      %mul3A_507 = arith.muli %add3A_351, %mul3A_506 : i32
      %dma_start3A_508 = arith.constant 0 : i32
      %dma_start3A_509 = tpu.memref_slice %arg5[%arg0, %mul3A_507, %dma_start3A_508] : memref<2x10000x128xf32, #tpu.memory_space<hbm>> -> memref<1x80x128xf32, #tpu.memory_space<hbm>>
      %dma_start3A_510 = tpu.memref_squeeze %dma_start3A_509 : memref<1x80x128xf32, #tpu.memory_space<hbm>> -> memref<80x128xf32, #tpu.memory_space<hbm>>
      %dma_start3A_511 = arith.constant 0 : i32
      %dma_start3A_512 = tpu.memref_slice %arg5[%arg0, %mul3A_507, %dma_start3A_511] : memref<2x10000x128xf32, #tpu.memory_space<hbm>> -> memref<1x80x128xf32, #tpu.memory_space<hbm>>
      %dma_start3A_513 = tpu.memref_squeeze %dma_start3A_512 : memref<1x80x128xf32, #tpu.memory_space<hbm>> -> memref<80x128xf32, #tpu.memory_space<hbm>>
      tpu.enqueue_dma source(%arg9 : memref<80x128xf32, #tpu.memory_space<vmem>>) target(%dma_start3A_513 : memref<80x128xf32, #tpu.memory_space<hbm>>) target_semaphore(%arg14 : memref<!tpu.dma_semaphore, #tpu.memory_space<semaphore_mem>>)
    } else {
    }
    %add3A_357 = arith.constant 80 : i32
    %add3A_358 = arith.addi %arg1, %add3A_357 : i32
    %lt3A_359 = arith.constant 125 : i32
    %lt3A_360 = arith.cmpi slt, %add3A_358, %lt3A_359 : i32
    %convert_element_type3A_361 = arith.extui %lt3A_360 : i1 to i32
    %cond3A_362 = arith.constant 0 : i32
    %cond3A_363 = arith.cmpi ne, %convert_element_type3A_361, %cond3A_362 : i32
    scf.if %cond3A_363 {
      %dma_wait3A_500 = arith.constant 0 : i32
      %dma_wait3A_501 = arith.constant 0 : i32
      %dma_wait3A_502 = tpu.memref_slice %arg5[%arg0, %dma_wait3A_500, %dma_wait3A_501] : memref<2x10000x128xf32, #tpu.memory_space<hbm>> -> memref<1x80x128xf32, #tpu.memory_space<hbm>>
      %dma_wait3A_503 = tpu.memref_squeeze %dma_wait3A_502 : memref<1x80x128xf32, #tpu.memory_space<hbm>> -> memref<80x128xf32, #tpu.memory_space<hbm>>
      %dma_wait3A_504 = arith.constant 0 : i32
      %dma_wait3A_505 = arith.constant 0 : i32
      %dma_wait3A_506 = tpu.memref_slice %arg5[%arg0, %dma_wait3A_504, %dma_wait3A_505] : memref<2x10000x128xf32, #tpu.memory_space<hbm>> -> memref<1x80x128xf32, #tpu.memory_space<hbm>>
      %dma_wait3A_507 = tpu.memref_squeeze %dma_wait3A_506 : memref<1x80x128xf32, #tpu.memory_space<hbm>> -> memref<80x128xf32, #tpu.memory_space<hbm>>
      tpu.wait_dma2 semaphore(%arg14 : memref<!tpu.dma_semaphore, #tpu.memory_space<semaphore_mem>>) src(%arg9 : memref<80x128xf32, #tpu.memory_space<vmem>>) dst(%dma_wait3A_507 : memref<80x128xf32, #tpu.memory_space<hbm>>)
      %mul3A_508 = arith.constant 80 : i32
      %mul3A_509 = arith.muli %add3A_358, %mul3A_508 : i32
      %dma_start3A_510 = arith.constant 0 : i32
      %dma_start3A_511 = tpu.memref_slice %arg10[%mul3A_509, %dma_start3A_510] : memref<10000x128xf32, #tpu.memory_space<vmem_shared>> -> memref<80x128xf32, #tpu.memory_space<vmem_shared>>
      %dma_start3A_512 = arith.constant 0 : i32
      %dma_start3A_513 = tpu.memref_slice %arg10[%mul3A_509, %dma_start3A_512] : memref<10000x128xf32, #tpu.memory_space<vmem_shared>> -> memref<80x128xf32, #tpu.memory_space<vmem_shared>>
      tpu.enqueue_dma source(%dma_start3A_513 : memref<80x128xf32, #tpu.memory_space<vmem_shared>>) target(%arg9 : memref<80x128xf32, #tpu.memory_space<vmem>>) target_semaphore(%arg12 : memref<!tpu.dma_semaphore, #tpu.memory_space<semaphore_mem>>)
    } else {
    }
    %add3A_364 = arith.constant 64 : i32
    %add3A_365 = arith.addi %arg1, %add3A_364 : i32
    %lt3A_366 = arith.constant 125 : i32
    %lt3A_367 = arith.cmpi slt, %add3A_365, %lt3A_366 : i32
    %convert_element_type3A_368 = arith.extui %lt3A_367 : i1 to i32
    %cond3A_369 = arith.constant 0 : i32
    %cond3A_370 = arith.cmpi ne, %convert_element_type3A_368, %cond3A_369 : i32
    scf.if %cond3A_370 {
      %dma_wait3A_500 = arith.constant 0 : i32
      %dma_wait3A_501 = arith.constant 0 : i32
      %dma_wait3A_502 = tpu.memref_slice %arg10[%dma_wait3A_500, %dma_wait3A_501] : memref<10000x128xf32, #tpu.memory_space<vmem_shared>> -> memref<80x128xf32, #tpu.memory_space<vmem_shared>>
      %dma_wait3A_503 = arith.constant 0 : i32
      %dma_wait3A_504 = arith.constant 0 : i32
      %dma_wait3A_505 = tpu.memref_slice %arg10[%dma_wait3A_503, %dma_wait3A_504] : memref<10000x128xf32, #tpu.memory_space<vmem_shared>> -> memref<80x128xf32, #tpu.memory_space<vmem_shared>>
      tpu.wait_dma2 semaphore(%arg11 : memref<!tpu.dma_semaphore, #tpu.memory_space<semaphore_mem>>) src(%dma_wait3A_505 : memref<80x128xf32, #tpu.memory_space<vmem_shared>>) dst(%arg8 : memref<80x128xf32, #tpu.memory_space<vmem>>)
      %mul3A_506 = arith.constant 80 : i32
      %mul3A_507 = arith.muli %add3A_365, %mul3A_506 : i32
      %dma_start3A_508 = arith.constant 0 : i32
      %dma_start3A_509 = tpu.memref_slice %arg5[%arg0, %mul3A_507, %dma_start3A_508] : memref<2x10000x128xf32, #tpu.memory_space<hbm>> -> memref<1x80x128xf32, #tpu.memory_space<hbm>>
      %dma_start3A_510 = tpu.memref_squeeze %dma_start3A_509 : memref<1x80x128xf32, #tpu.memory_space<hbm>> -> memref<80x128xf32, #tpu.memory_space<hbm>>
      %dma_start3A_511 = arith.constant 0 : i32
      %dma_start3A_512 = tpu.memref_slice %arg5[%arg0, %mul3A_507, %dma_start3A_511] : memref<2x10000x128xf32, #tpu.memory_space<hbm>> -> memref<1x80x128xf32, #tpu.memory_space<hbm>>
      %dma_start3A_513 = tpu.memref_squeeze %dma_start3A_512 : memref<1x80x128xf32, #tpu.memory_space<hbm>> -> memref<80x128xf32, #tpu.memory_space<hbm>>
      tpu.enqueue_dma source(%arg8 : memref<80x128xf32, #tpu.memory_space<vmem>>) target(%dma_start3A_513 : memref<80x128xf32, #tpu.memory_space<hbm>>) target_semaphore(%arg13 : memref<!tpu.dma_semaphore, #tpu.memory_space<semaphore_mem>>)
    } else {
    }
    %add3A_371 = arith.constant 96 : i32
    %add3A_372 = arith.addi %arg1, %add3A_371 : i32
    %lt3A_373 = arith.constant 125 : i32
    %lt3A_374 = arith.cmpi slt, %add3A_372, %lt3A_373 : i32
    %convert_element_type3A_375 = arith.extui %lt3A_374 : i1 to i32
    %cond3A_376 = arith.constant 0 : i32
    %cond3A_377 = arith.cmpi ne, %convert_element_type3A_375, %cond3A_376 : i32
    scf.if %cond3A_377 {
      %dma_wait3A_500 = arith.constant 0 : i32
      %dma_wait3A_501 = arith.constant 0 : i32
      %dma_wait3A_502 = tpu.memref_slice %arg5[%arg0, %dma_wait3A_500, %dma_wait3A_501] : memref<2x10000x128xf32, #tpu.memory_space<hbm>> -> memref<1x80x128xf32, #tpu.memory_space<hbm>>
      %dma_wait3A_503 = tpu.memref_squeeze %dma_wait3A_502 : memref<1x80x128xf32, #tpu.memory_space<hbm>> -> memref<80x128xf32, #tpu.memory_space<hbm>>
      %dma_wait3A_504 = arith.constant 0 : i32
      %dma_wait3A_505 = arith.constant 0 : i32
      %dma_wait3A_506 = tpu.memref_slice %arg5[%arg0, %dma_wait3A_504, %dma_wait3A_505] : memref<2x10000x128xf32, #tpu.memory_space<hbm>> -> memref<1x80x128xf32, #tpu.memory_space<hbm>>
      %dma_wait3A_507 = tpu.memref_squeeze %dma_wait3A_506 : memref<1x80x128xf32, #tpu.memory_space<hbm>> -> memref<80x128xf32, #tpu.memory_space<hbm>>
      tpu.wait_dma2 semaphore(%arg13 : memref<!tpu.dma_semaphore, #tpu.memory_space<semaphore_mem>>) src(%arg8 : memref<80x128xf32, #tpu.memory_space<vmem>>) dst(%dma_wait3A_507 : memref<80x128xf32, #tpu.memory_space<hbm>>)
      %mul3A_508 = arith.constant 80 : i32
      %mul3A_509 = arith.muli %add3A_372, %mul3A_508 : i32
      %dma_start3A_510 = arith.constant 0 : i32
      %dma_start3A_511 = tpu.memref_slice %arg10[%mul3A_509, %dma_start3A_510] : memref<10000x128xf32, #tpu.memory_space<vmem_shared>> -> memref<80x128xf32, #tpu.memory_space<vmem_shared>>
      %dma_start3A_512 = arith.constant 0 : i32
      %dma_start3A_513 = tpu.memref_slice %arg10[%mul3A_509, %dma_start3A_512] : memref<10000x128xf32, #tpu.memory_space<vmem_shared>> -> memref<80x128xf32, #tpu.memory_space<vmem_shared>>
      tpu.enqueue_dma source(%dma_start3A_513 : memref<80x128xf32, #tpu.memory_space<vmem_shared>>) target(%arg8 : memref<80x128xf32, #tpu.memory_space<vmem>>) target_semaphore(%arg11 : memref<!tpu.dma_semaphore, #tpu.memory_space<semaphore_mem>>)
    } else {
    }
    %add3A_378 = arith.constant 80 : i32
    %add3A_379 = arith.addi %arg1, %add3A_378 : i32
    %lt3A_380 = arith.constant 125 : i32
    %lt3A_381 = arith.cmpi slt, %add3A_379, %lt3A_380 : i32
    %convert_element_type3A_382 = arith.extui %lt3A_381 : i1 to i32
    %cond3A_383 = arith.constant 0 : i32
    %cond3A_384 = arith.cmpi ne, %convert_element_type3A_382, %cond3A_383 : i32
    scf.if %cond3A_384 {
      %dma_wait3A_500 = arith.constant 0 : i32
      %dma_wait3A_501 = arith.constant 0 : i32
      %dma_wait3A_502 = tpu.memref_slice %arg10[%dma_wait3A_500, %dma_wait3A_501] : memref<10000x128xf32, #tpu.memory_space<vmem_shared>> -> memref<80x128xf32, #tpu.memory_space<vmem_shared>>
      %dma_wait3A_503 = arith.constant 0 : i32
      %dma_wait3A_504 = arith.constant 0 : i32
      %dma_wait3A_505 = tpu.memref_slice %arg10[%dma_wait3A_503, %dma_wait3A_504] : memref<10000x128xf32, #tpu.memory_space<vmem_shared>> -> memref<80x128xf32, #tpu.memory_space<vmem_shared>>
      tpu.wait_dma2 semaphore(%arg12 : memref<!tpu.dma_semaphore, #tpu.memory_space<semaphore_mem>>) src(%dma_wait3A_505 : memref<80x128xf32, #tpu.memory_space<vmem_shared>>) dst(%arg9 : memref<80x128xf32, #tpu.memory_space<vmem>>)
      %mul3A_506 = arith.constant 80 : i32
      %mul3A_507 = arith.muli %add3A_379, %mul3A_506 : i32
      %dma_start3A_508 = arith.constant 0 : i32
      %dma_start3A_509 = tpu.memref_slice %arg5[%arg0, %mul3A_507, %dma_start3A_508] : memref<2x10000x128xf32, #tpu.memory_space<hbm>> -> memref<1x80x128xf32, #tpu.memory_space<hbm>>
      %dma_start3A_510 = tpu.memref_squeeze %dma_start3A_509 : memref<1x80x128xf32, #tpu.memory_space<hbm>> -> memref<80x128xf32, #tpu.memory_space<hbm>>
      %dma_start3A_511 = arith.constant 0 : i32
      %dma_start3A_512 = tpu.memref_slice %arg5[%arg0, %mul3A_507, %dma_start3A_511] : memref<2x10000x128xf32, #tpu.memory_space<hbm>> -> memref<1x80x128xf32, #tpu.memory_space<hbm>>
      %dma_start3A_513 = tpu.memref_squeeze %dma_start3A_512 : memref<1x80x128xf32, #tpu.memory_space<hbm>> -> memref<80x128xf32, #tpu.memory_space<hbm>>
      tpu.enqueue_dma source(%arg9 : memref<80x128xf32, #tpu.memory_space<vmem>>) target(%dma_start3A_513 : memref<80x128xf32, #tpu.memory_space<hbm>>) target_semaphore(%arg14 : memref<!tpu.dma_semaphore, #tpu.memory_space<semaphore_mem>>)
    } else {
    }
    %add3A_385 = arith.constant 112 : i32
    %add3A_386 = arith.addi %arg1, %add3A_385 : i32
    %lt3A_387 = arith.constant 125 : i32
    %lt3A_388 = arith.cmpi slt, %add3A_386, %lt3A_387 : i32
    %convert_element_type3A_389 = arith.extui %lt3A_388 : i1 to i32
    %cond3A_390 = arith.constant 0 : i32
    %cond3A_391 = arith.cmpi ne, %convert_element_type3A_389, %cond3A_390 : i32
    scf.if %cond3A_391 {
      %dma_wait3A_500 = arith.constant 0 : i32
      %dma_wait3A_501 = arith.constant 0 : i32
      %dma_wait3A_502 = tpu.memref_slice %arg5[%arg0, %dma_wait3A_500, %dma_wait3A_501] : memref<2x10000x128xf32, #tpu.memory_space<hbm>> -> memref<1x80x128xf32, #tpu.memory_space<hbm>>
      %dma_wait3A_503 = tpu.memref_squeeze %dma_wait3A_502 : memref<1x80x128xf32, #tpu.memory_space<hbm>> -> memref<80x128xf32, #tpu.memory_space<hbm>>
      %dma_wait3A_504 = arith.constant 0 : i32
      %dma_wait3A_505 = arith.constant 0 : i32
      %dma_wait3A_506 = tpu.memref_slice %arg5[%arg0, %dma_wait3A_504, %dma_wait3A_505] : memref<2x10000x128xf32, #tpu.memory_space<hbm>> -> memref<1x80x128xf32, #tpu.memory_space<hbm>>
      %dma_wait3A_507 = tpu.memref_squeeze %dma_wait3A_506 : memref<1x80x128xf32, #tpu.memory_space<hbm>> -> memref<80x128xf32, #tpu.memory_space<hbm>>
      tpu.wait_dma2 semaphore(%arg14 : memref<!tpu.dma_semaphore, #tpu.memory_space<semaphore_mem>>) src(%arg9 : memref<80x128xf32, #tpu.memory_space<vmem>>) dst(%dma_wait3A_507 : memref<80x128xf32, #tpu.memory_space<hbm>>)
      %mul3A_508 = arith.constant 80 : i32
      %mul3A_509 = arith.muli %add3A_386, %mul3A_508 : i32
      %dma_start3A_510 = arith.constant 0 : i32
      %dma_start3A_511 = tpu.memref_slice %arg10[%mul3A_509, %dma_start3A_510] : memref<10000x128xf32, #tpu.memory_space<vmem_shared>> -> memref<80x128xf32, #tpu.memory_space<vmem_shared>>
      %dma_start3A_512 = arith.constant 0 : i32
      %dma_start3A_513 = tpu.memref_slice %arg10[%mul3A_509, %dma_start3A_512] : memref<10000x128xf32, #tpu.memory_space<vmem_shared>> -> memref<80x128xf32, #tpu.memory_space<vmem_shared>>
      tpu.enqueue_dma source(%dma_start3A_513 : memref<80x128xf32, #tpu.memory_space<vmem_shared>>) target(%arg9 : memref<80x128xf32, #tpu.memory_space<vmem>>) target_semaphore(%arg12 : memref<!tpu.dma_semaphore, #tpu.memory_space<semaphore_mem>>)
    } else {
    }
    %add3A_392 = arith.constant 96 : i32
    %add3A_393 = arith.addi %arg1, %add3A_392 : i32
    %lt3A_394 = arith.constant 125 : i32
    %lt3A_395 = arith.cmpi slt, %add3A_393, %lt3A_394 : i32
    %convert_element_type3A_396 = arith.extui %lt3A_395 : i1 to i32
    %cond3A_397 = arith.constant 0 : i32
    %cond3A_398 = arith.cmpi ne, %convert_element_type3A_396, %cond3A_397 : i32
    scf.if %cond3A_398 {
      %dma_wait3A_500 = arith.constant 0 : i32
      %dma_wait3A_501 = arith.constant 0 : i32
      %dma_wait3A_502 = tpu.memref_slice %arg10[%dma_wait3A_500, %dma_wait3A_501] : memref<10000x128xf32, #tpu.memory_space<vmem_shared>> -> memref<80x128xf32, #tpu.memory_space<vmem_shared>>
      %dma_wait3A_503 = arith.constant 0 : i32
      %dma_wait3A_504 = arith.constant 0 : i32
      %dma_wait3A_505 = tpu.memref_slice %arg10[%dma_wait3A_503, %dma_wait3A_504] : memref<10000x128xf32, #tpu.memory_space<vmem_shared>> -> memref<80x128xf32, #tpu.memory_space<vmem_shared>>
      tpu.wait_dma2 semaphore(%arg11 : memref<!tpu.dma_semaphore, #tpu.memory_space<semaphore_mem>>) src(%dma_wait3A_505 : memref<80x128xf32, #tpu.memory_space<vmem_shared>>) dst(%arg8 : memref<80x128xf32, #tpu.memory_space<vmem>>)
      %mul3A_506 = arith.constant 80 : i32
      %mul3A_507 = arith.muli %add3A_393, %mul3A_506 : i32
      %dma_start3A_508 = arith.constant 0 : i32
      %dma_start3A_509 = tpu.memref_slice %arg5[%arg0, %mul3A_507, %dma_start3A_508] : memref<2x10000x128xf32, #tpu.memory_space<hbm>> -> memref<1x80x128xf32, #tpu.memory_space<hbm>>
      %dma_start3A_510 = tpu.memref_squeeze %dma_start3A_509 : memref<1x80x128xf32, #tpu.memory_space<hbm>> -> memref<80x128xf32, #tpu.memory_space<hbm>>
      %dma_start3A_511 = arith.constant 0 : i32
      %dma_start3A_512 = tpu.memref_slice %arg5[%arg0, %mul3A_507, %dma_start3A_511] : memref<2x10000x128xf32, #tpu.memory_space<hbm>> -> memref<1x80x128xf32, #tpu.memory_space<hbm>>
      %dma_start3A_513 = tpu.memref_squeeze %dma_start3A_512 : memref<1x80x128xf32, #tpu.memory_space<hbm>> -> memref<80x128xf32, #tpu.memory_space<hbm>>
      tpu.enqueue_dma source(%arg8 : memref<80x128xf32, #tpu.memory_space<vmem>>) target(%dma_start3A_513 : memref<80x128xf32, #tpu.memory_space<hbm>>) target_semaphore(%arg13 : memref<!tpu.dma_semaphore, #tpu.memory_space<semaphore_mem>>)
    } else {
    }
    %add3A_399 = arith.constant 112 : i32
    %add3A_400 = arith.addi %arg1, %add3A_399 : i32
    %lt3A_401 = arith.constant 125 : i32
    %lt3A_402 = arith.cmpi slt, %add3A_400, %lt3A_401 : i32
    %convert_element_type3A_403 = arith.extui %lt3A_402 : i1 to i32
    %cond3A_404 = arith.constant 0 : i32
    %cond3A_405 = arith.cmpi ne, %convert_element_type3A_403, %cond3A_404 : i32
    scf.if %cond3A_405 {
      %dma_wait3A_500 = arith.constant 0 : i32
      %dma_wait3A_501 = arith.constant 0 : i32
      %dma_wait3A_502 = tpu.memref_slice %arg10[%dma_wait3A_500, %dma_wait3A_501] : memref<10000x128xf32, #tpu.memory_space<vmem_shared>> -> memref<80x128xf32, #tpu.memory_space<vmem_shared>>
      %dma_wait3A_503 = arith.constant 0 : i32
      %dma_wait3A_504 = arith.constant 0 : i32
      %dma_wait3A_505 = tpu.memref_slice %arg10[%dma_wait3A_503, %dma_wait3A_504] : memref<10000x128xf32, #tpu.memory_space<vmem_shared>> -> memref<80x128xf32, #tpu.memory_space<vmem_shared>>
      tpu.wait_dma2 semaphore(%arg12 : memref<!tpu.dma_semaphore, #tpu.memory_space<semaphore_mem>>) src(%dma_wait3A_505 : memref<80x128xf32, #tpu.memory_space<vmem_shared>>) dst(%arg9 : memref<80x128xf32, #tpu.memory_space<vmem>>)
      %mul3A_506 = arith.constant 80 : i32
      %mul3A_507 = arith.muli %add3A_400, %mul3A_506 : i32
      %dma_start3A_508 = arith.constant 0 : i32
      %dma_start3A_509 = tpu.memref_slice %arg5[%arg0, %mul3A_507, %dma_start3A_508] : memref<2x10000x128xf32, #tpu.memory_space<hbm>> -> memref<1x80x128xf32, #tpu.memory_space<hbm>>
      %dma_start3A_510 = tpu.memref_squeeze %dma_start3A_509 : memref<1x80x128xf32, #tpu.memory_space<hbm>> -> memref<80x128xf32, #tpu.memory_space<hbm>>
      %dma_start3A_511 = arith.constant 0 : i32
      %dma_start3A_512 = tpu.memref_slice %arg5[%arg0, %mul3A_507, %dma_start3A_511] : memref<2x10000x128xf32, #tpu.memory_space<hbm>> -> memref<1x80x128xf32, #tpu.memory_space<hbm>>
      %dma_start3A_513 = tpu.memref_squeeze %dma_start3A_512 : memref<1x80x128xf32, #tpu.memory_space<hbm>> -> memref<80x128xf32, #tpu.memory_space<hbm>>
      tpu.enqueue_dma source(%arg9 : memref<80x128xf32, #tpu.memory_space<vmem>>) target(%dma_start3A_513 : memref<80x128xf32, #tpu.memory_space<hbm>>) target_semaphore(%arg14 : memref<!tpu.dma_semaphore, #tpu.memory_space<semaphore_mem>>)
    } else {
    }
    %add3A_406 = arith.constant 0 : i32
    %add3A_407 = arith.addi %arg1, %add3A_406 : i32
    %add3A_408 = arith.constant 32 : i32
    %add3A_409 = arith.addi %arg1, %add3A_408 : i32
    %lt3A_410 = arith.constant 125 : i32
    %lt3A_411 = arith.cmpi slt, %add3A_407, %lt3A_410 : i32
    %ge3A = arith.constant 125 : i32
    %ge3A_412 = arith.cmpi sge, %add3A_409, %ge3A : i32
    %and3A = arith.andi %lt3A_411, %ge3A_412 : i1
    %convert_element_type3A_413 = arith.extui %and3A : i1 to i32
    %cond3A_414 = arith.constant 0 : i32
    %cond3A_415 = arith.cmpi ne, %convert_element_type3A_413, %cond3A_414 : i32
    scf.if %cond3A_415 {
      %dma_wait3A_500 = arith.constant 0 : i32
      %dma_wait3A_501 = arith.constant 0 : i32
      %dma_wait3A_502 = tpu.memref_slice %arg5[%arg0, %dma_wait3A_500, %dma_wait3A_501] : memref<2x10000x128xf32, #tpu.memory_space<hbm>> -> memref<1x80x128xf32, #tpu.memory_space<hbm>>
      %dma_wait3A_503 = tpu.memref_squeeze %dma_wait3A_502 : memref<1x80x128xf32, #tpu.memory_space<hbm>> -> memref<80x128xf32, #tpu.memory_space<hbm>>
      %dma_wait3A_504 = arith.constant 0 : i32
      %dma_wait3A_505 = arith.constant 0 : i32
      %dma_wait3A_506 = tpu.memref_slice %arg5[%arg0, %dma_wait3A_504, %dma_wait3A_505] : memref<2x10000x128xf32, #tpu.memory_space<hbm>> -> memref<1x80x128xf32, #tpu.memory_space<hbm>>
      %dma_wait3A_507 = tpu.memref_squeeze %dma_wait3A_506 : memref<1x80x128xf32, #tpu.memory_space<hbm>> -> memref<80x128xf32, #tpu.memory_space<hbm>>
      tpu.wait_dma2 semaphore(%arg13 : memref<!tpu.dma_semaphore, #tpu.memory_space<semaphore_mem>>) src(%arg8 : memref<80x128xf32, #tpu.memory_space<vmem>>) dst(%dma_wait3A_507 : memref<80x128xf32, #tpu.memory_space<hbm>>)
    } else {
    }
    %add3A_416 = arith.constant 16 : i32
    %add3A_417 = arith.addi %arg1, %add3A_416 : i32
    %add3A_418 = arith.constant 48 : i32
    %add3A_419 = arith.addi %arg1, %add3A_418 : i32
    %lt3A_420 = arith.constant 125 : i32
    %lt3A_421 = arith.cmpi slt, %add3A_417, %lt3A_420 : i32
    %ge3A_422 = arith.constant 125 : i32
    %ge3A_423 = arith.cmpi sge, %add3A_419, %ge3A_422 : i32
    %and3A_424 = arith.andi %lt3A_421, %ge3A_423 : i1
    %convert_element_type3A_425 = arith.extui %and3A_424 : i1 to i32
    %cond3A_426 = arith.constant 0 : i32
    %cond3A_427 = arith.cmpi ne, %convert_element_type3A_425, %cond3A_426 : i32
    scf.if %cond3A_427 {
      %dma_wait3A_500 = arith.constant 0 : i32
      %dma_wait3A_501 = arith.constant 0 : i32
      %dma_wait3A_502 = tpu.memref_slice %arg5[%arg0, %dma_wait3A_500, %dma_wait3A_501] : memref<2x10000x128xf32, #tpu.memory_space<hbm>> -> memref<1x80x128xf32, #tpu.memory_space<hbm>>
      %dma_wait3A_503 = tpu.memref_squeeze %dma_wait3A_502 : memref<1x80x128xf32, #tpu.memory_space<hbm>> -> memref<80x128xf32, #tpu.memory_space<hbm>>
      %dma_wait3A_504 = arith.constant 0 : i32
      %dma_wait3A_505 = arith.constant 0 : i32
      %dma_wait3A_506 = tpu.memref_slice %arg5[%arg0, %dma_wait3A_504, %dma_wait3A_505] : memref<2x10000x128xf32, #tpu.memory_space<hbm>> -> memref<1x80x128xf32, #tpu.memory_space<hbm>>
      %dma_wait3A_507 = tpu.memref_squeeze %dma_wait3A_506 : memref<1x80x128xf32, #tpu.memory_space<hbm>> -> memref<80x128xf32, #tpu.memory_space<hbm>>
      tpu.wait_dma2 semaphore(%arg14 : memref<!tpu.dma_semaphore, #tpu.memory_space<semaphore_mem>>) src(%arg9 : memref<80x128xf32, #tpu.memory_space<vmem>>) dst(%dma_wait3A_507 : memref<80x128xf32, #tpu.memory_space<hbm>>)
    } else {
    }
    %add3A_428 = arith.constant 32 : i32
    %add3A_429 = arith.addi %arg1, %add3A_428 : i32
    %add3A_430 = arith.constant 64 : i32
    %add3A_431 = arith.addi %arg1, %add3A_430 : i32
    %lt3A_432 = arith.constant 125 : i32
    %lt3A_433 = arith.cmpi slt, %add3A_429, %lt3A_432 : i32
    %ge3A_434 = arith.constant 125 : i32
    %ge3A_435 = arith.cmpi sge, %add3A_431, %ge3A_434 : i32
    %and3A_436 = arith.andi %lt3A_433, %ge3A_435 : i1
    %convert_element_type3A_437 = arith.extui %and3A_436 : i1 to i32
    %cond3A_438 = arith.constant 0 : i32
    %cond3A_439 = arith.cmpi ne, %convert_element_type3A_437, %cond3A_438 : i32
    scf.if %cond3A_439 {
      %dma_wait3A_500 = arith.constant 0 : i32
      %dma_wait3A_501 = arith.constant 0 : i32
      %dma_wait3A_502 = tpu.memref_slice %arg5[%arg0, %dma_wait3A_500, %dma_wait3A_501] : memref<2x10000x128xf32, #tpu.memory_space<hbm>> -> memref<1x80x128xf32, #tpu.memory_space<hbm>>
      %dma_wait3A_503 = tpu.memref_squeeze %dma_wait3A_502 : memref<1x80x128xf32, #tpu.memory_space<hbm>> -> memref<80x128xf32, #tpu.memory_space<hbm>>
      %dma_wait3A_504 = arith.constant 0 : i32
      %dma_wait3A_505 = arith.constant 0 : i32
      %dma_wait3A_506 = tpu.memref_slice %arg5[%arg0, %dma_wait3A_504, %dma_wait3A_505] : memref<2x10000x128xf32, #tpu.memory_space<hbm>> -> memref<1x80x128xf32, #tpu.memory_space<hbm>>
      %dma_wait3A_507 = tpu.memref_squeeze %dma_wait3A_506 : memref<1x80x128xf32, #tpu.memory_space<hbm>> -> memref<80x128xf32, #tpu.memory_space<hbm>>
      tpu.wait_dma2 semaphore(%arg13 : memref<!tpu.dma_semaphore, #tpu.memory_space<semaphore_mem>>) src(%arg8 : memref<80x128xf32, #tpu.memory_space<vmem>>) dst(%dma_wait3A_507 : memref<80x128xf32, #tpu.memory_space<hbm>>)
    } else {
    }
    %add3A_440 = arith.constant 48 : i32
    %add3A_441 = arith.addi %arg1, %add3A_440 : i32
    %add3A_442 = arith.constant 80 : i32
    %add3A_443 = arith.addi %arg1, %add3A_442 : i32
    %lt3A_444 = arith.constant 125 : i32
    %lt3A_445 = arith.cmpi slt, %add3A_441, %lt3A_444 : i32
    %ge3A_446 = arith.constant 125 : i32
    %ge3A_447 = arith.cmpi sge, %add3A_443, %ge3A_446 : i32
    %and3A_448 = arith.andi %lt3A_445, %ge3A_447 : i1
    %convert_element_type3A_449 = arith.extui %and3A_448 : i1 to i32
    %cond3A_450 = arith.constant 0 : i32
    %cond3A_451 = arith.cmpi ne, %convert_element_type3A_449, %cond3A_450 : i32
    scf.if %cond3A_451 {
      %dma_wait3A_500 = arith.constant 0 : i32
      %dma_wait3A_501 = arith.constant 0 : i32
      %dma_wait3A_502 = tpu.memref_slice %arg5[%arg0, %dma_wait3A_500, %dma_wait3A_501] : memref<2x10000x128xf32, #tpu.memory_space<hbm>> -> memref<1x80x128xf32, #tpu.memory_space<hbm>>
      %dma_wait3A_503 = tpu.memref_squeeze %dma_wait3A_502 : memref<1x80x128xf32, #tpu.memory_space<hbm>> -> memref<80x128xf32, #tpu.memory_space<hbm>>
      %dma_wait3A_504 = arith.constant 0 : i32
      %dma_wait3A_505 = arith.constant 0 : i32
      %dma_wait3A_506 = tpu.memref_slice %arg5[%arg0, %dma_wait3A_504, %dma_wait3A_505] : memref<2x10000x128xf32, #tpu.memory_space<hbm>> -> memref<1x80x128xf32, #tpu.memory_space<hbm>>
      %dma_wait3A_507 = tpu.memref_squeeze %dma_wait3A_506 : memref<1x80x128xf32, #tpu.memory_space<hbm>> -> memref<80x128xf32, #tpu.memory_space<hbm>>
      tpu.wait_dma2 semaphore(%arg14 : memref<!tpu.dma_semaphore, #tpu.memory_space<semaphore_mem>>) src(%arg9 : memref<80x128xf32, #tpu.memory_space<vmem>>) dst(%dma_wait3A_507 : memref<80x128xf32, #tpu.memory_space<hbm>>)
    } else {
    }
    %add3A_452 = arith.constant 64 : i32
    %add3A_453 = arith.addi %arg1, %add3A_452 : i32
    %add3A_454 = arith.constant 96 : i32
    %add3A_455 = arith.addi %arg1, %add3A_454 : i32
    %lt3A_456 = arith.constant 125 : i32
    %lt3A_457 = arith.cmpi slt, %add3A_453, %lt3A_456 : i32
    %ge3A_458 = arith.constant 125 : i32
    %ge3A_459 = arith.cmpi sge, %add3A_455, %ge3A_458 : i32
    %and3A_460 = arith.andi %lt3A_457, %ge3A_459 : i1
    %convert_element_type3A_461 = arith.extui %and3A_460 : i1 to i32
    %cond3A_462 = arith.constant 0 : i32
    %cond3A_463 = arith.cmpi ne, %convert_element_type3A_461, %cond3A_462 : i32
    scf.if %cond3A_463 {
      %dma_wait3A_500 = arith.constant 0 : i32
      %dma_wait3A_501 = arith.constant 0 : i32
      %dma_wait3A_502 = tpu.memref_slice %arg5[%arg0, %dma_wait3A_500, %dma_wait3A_501] : memref<2x10000x128xf32, #tpu.memory_space<hbm>> -> memref<1x80x128xf32, #tpu.memory_space<hbm>>
      %dma_wait3A_503 = tpu.memref_squeeze %dma_wait3A_502 : memref<1x80x128xf32, #tpu.memory_space<hbm>> -> memref<80x128xf32, #tpu.memory_space<hbm>>
      %dma_wait3A_504 = arith.constant 0 : i32
      %dma_wait3A_505 = arith.constant 0 : i32
      %dma_wait3A_506 = tpu.memref_slice %arg5[%arg0, %dma_wait3A_504, %dma_wait3A_505] : memref<2x10000x128xf32, #tpu.memory_space<hbm>> -> memref<1x80x128xf32, #tpu.memory_space<hbm>>
      %dma_wait3A_507 = tpu.memref_squeeze %dma_wait3A_506 : memref<1x80x128xf32, #tpu.memory_space<hbm>> -> memref<80x128xf32, #tpu.memory_space<hbm>>
      tpu.wait_dma2 semaphore(%arg13 : memref<!tpu.dma_semaphore, #tpu.memory_space<semaphore_mem>>) src(%arg8 : memref<80x128xf32, #tpu.memory_space<vmem>>) dst(%dma_wait3A_507 : memref<80x128xf32, #tpu.memory_space<hbm>>)
    } else {
    }
    %add3A_464 = arith.constant 80 : i32
    %add3A_465 = arith.addi %arg1, %add3A_464 : i32
    %add3A_466 = arith.constant 112 : i32
    %add3A_467 = arith.addi %arg1, %add3A_466 : i32
    %lt3A_468 = arith.constant 125 : i32
    %lt3A_469 = arith.cmpi slt, %add3A_465, %lt3A_468 : i32
    %ge3A_470 = arith.constant 125 : i32
    %ge3A_471 = arith.cmpi sge, %add3A_467, %ge3A_470 : i32
    %and3A_472 = arith.andi %lt3A_469, %ge3A_471 : i1
    %convert_element_type3A_473 = arith.extui %and3A_472 : i1 to i32
    %cond3A_474 = arith.constant 0 : i32
    %cond3A_475 = arith.cmpi ne, %convert_element_type3A_473, %cond3A_474 : i32
    scf.if %cond3A_475 {
      %dma_wait3A_500 = arith.constant 0 : i32
      %dma_wait3A_501 = arith.constant 0 : i32
      %dma_wait3A_502 = tpu.memref_slice %arg5[%arg0, %dma_wait3A_500, %dma_wait3A_501] : memref<2x10000x128xf32, #tpu.memory_space<hbm>> -> memref<1x80x128xf32, #tpu.memory_space<hbm>>
      %dma_wait3A_503 = tpu.memref_squeeze %dma_wait3A_502 : memref<1x80x128xf32, #tpu.memory_space<hbm>> -> memref<80x128xf32, #tpu.memory_space<hbm>>
      %dma_wait3A_504 = arith.constant 0 : i32
      %dma_wait3A_505 = arith.constant 0 : i32
      %dma_wait3A_506 = tpu.memref_slice %arg5[%arg0, %dma_wait3A_504, %dma_wait3A_505] : memref<2x10000x128xf32, #tpu.memory_space<hbm>> -> memref<1x80x128xf32, #tpu.memory_space<hbm>>
      %dma_wait3A_507 = tpu.memref_squeeze %dma_wait3A_506 : memref<1x80x128xf32, #tpu.memory_space<hbm>> -> memref<80x128xf32, #tpu.memory_space<hbm>>
      tpu.wait_dma2 semaphore(%arg14 : memref<!tpu.dma_semaphore, #tpu.memory_space<semaphore_mem>>) src(%arg9 : memref<80x128xf32, #tpu.memory_space<vmem>>) dst(%dma_wait3A_507 : memref<80x128xf32, #tpu.memory_space<hbm>>)
    } else {
    }
    %add3A_476 = arith.constant 96 : i32
    %add3A_477 = arith.addi %arg1, %add3A_476 : i32
    %add3A_478 = arith.constant 128 : i32
    %add3A_479 = arith.addi %arg1, %add3A_478 : i32
    %lt3A_480 = arith.constant 125 : i32
    %lt3A_481 = arith.cmpi slt, %add3A_477, %lt3A_480 : i32
    %ge3A_482 = arith.constant 125 : i32
    %ge3A_483 = arith.cmpi sge, %add3A_479, %ge3A_482 : i32
    %and3A_484 = arith.andi %lt3A_481, %ge3A_483 : i1
    %convert_element_type3A_485 = arith.extui %and3A_484 : i1 to i32
    %cond3A_486 = arith.constant 0 : i32
    %cond3A_487 = arith.cmpi ne, %convert_element_type3A_485, %cond3A_486 : i32
    scf.if %cond3A_487 {
      %dma_wait3A_500 = arith.constant 0 : i32
      %dma_wait3A_501 = arith.constant 0 : i32
      %dma_wait3A_502 = tpu.memref_slice %arg5[%arg0, %dma_wait3A_500, %dma_wait3A_501] : memref<2x10000x128xf32, #tpu.memory_space<hbm>> -> memref<1x80x128xf32, #tpu.memory_space<hbm>>
      %dma_wait3A_503 = tpu.memref_squeeze %dma_wait3A_502 : memref<1x80x128xf32, #tpu.memory_space<hbm>> -> memref<80x128xf32, #tpu.memory_space<hbm>>
      %dma_wait3A_504 = arith.constant 0 : i32
      %dma_wait3A_505 = arith.constant 0 : i32
      %dma_wait3A_506 = tpu.memref_slice %arg5[%arg0, %dma_wait3A_504, %dma_wait3A_505] : memref<2x10000x128xf32, #tpu.memory_space<hbm>> -> memref<1x80x128xf32, #tpu.memory_space<hbm>>
      %dma_wait3A_507 = tpu.memref_squeeze %dma_wait3A_506 : memref<1x80x128xf32, #tpu.memory_space<hbm>> -> memref<80x128xf32, #tpu.memory_space<hbm>>
      tpu.wait_dma2 semaphore(%arg13 : memref<!tpu.dma_semaphore, #tpu.memory_space<semaphore_mem>>) src(%arg8 : memref<80x128xf32, #tpu.memory_space<vmem>>) dst(%dma_wait3A_507 : memref<80x128xf32, #tpu.memory_space<hbm>>)
    } else {
    }
    %add3A_488 = arith.constant 112 : i32
    %add3A_489 = arith.addi %arg1, %add3A_488 : i32
    %add3A_490 = arith.constant 144 : i32
    %add3A_491 = arith.addi %arg1, %add3A_490 : i32
    %lt3A_492 = arith.constant 125 : i32
    %lt3A_493 = arith.cmpi slt, %add3A_489, %lt3A_492 : i32
    %ge3A_494 = arith.constant 125 : i32
    %ge3A_495 = arith.cmpi sge, %add3A_491, %ge3A_494 : i32
    %and3A_496 = arith.andi %lt3A_493, %ge3A_495 : i1
    %convert_element_type3A_497 = arith.extui %and3A_496 : i1 to i32
    %cond3A_498 = arith.constant 0 : i32
    %cond3A_499 = arith.cmpi ne, %convert_element_type3A_497, %cond3A_498 : i32
    scf.if %cond3A_499 {
      %dma_wait3A_500 = arith.constant 0 : i32
      %dma_wait3A_501 = arith.constant 0 : i32
      %dma_wait3A_502 = tpu.memref_slice %arg5[%arg0, %dma_wait3A_500, %dma_wait3A_501] : memref<2x10000x128xf32, #tpu.memory_space<hbm>> -> memref<1x80x128xf32, #tpu.memory_space<hbm>>
      %dma_wait3A_503 = tpu.memref_squeeze %dma_wait3A_502 : memref<1x80x128xf32, #tpu.memory_space<hbm>> -> memref<80x128xf32, #tpu.memory_space<hbm>>
      %dma_wait3A_504 = arith.constant 0 : i32
      %dma_wait3A_505 = arith.constant 0 : i32
      %dma_wait3A_506 = tpu.memref_slice %arg5[%arg0, %dma_wait3A_504, %dma_wait3A_505] : memref<2x10000x128xf32, #tpu.memory_space<hbm>> -> memref<1x80x128xf32, #tpu.memory_space<hbm>>
      %dma_wait3A_507 = tpu.memref_squeeze %dma_wait3A_506 : memref<1x80x128xf32, #tpu.memory_space<hbm>> -> memref<80x128xf32, #tpu.memory_space<hbm>>
      tpu.wait_dma2 semaphore(%arg14 : memref<!tpu.dma_semaphore, #tpu.memory_space<semaphore_mem>>) src(%arg9 : memref<80x128xf32, #tpu.memory_space<vmem>>) dst(%dma_wait3A_507 : memref<80x128xf32, #tpu.memory_space<hbm>>)
    } else {
    }
    return
  }
}

#map = affine_map<(d0, d1) -> (0, 0)>
#map1 = affine_map<(d0, d1) -> (0, 0, 0, 0)>
#map2 = affine_map<(d0, d1) -> (0, 0, 0)>
module attributes {stable_mosaic.version = 14 : i64} {
  func.func @agg_kernel(%arg0: i32, %arg1: i32, %arg2: memref<10000x128xf32, #tpu.memory_space<hbm>>, %arg3: memref<32x5x25x80xi32, #tpu.memory_space<hbm>>, %arg4: memref<32x5x25x80xi32, #tpu.memory_space<hbm>>, %arg5: memref<2x10000x128xf32, #tpu.memory_space<hbm>>, %arg6: memref<25x80xi32, #tpu.memory_space<vmem>>, %arg7: memref<25x80xi32, #tpu.memory_space<vmem>>, %arg8: memref<80x128xf32, #tpu.memory_space<vmem>>, %arg9: memref<80x128xf32, #tpu.memory_space<vmem>>, %arg10: memref<10000x128xf32, #tpu.memory_space<vmem_shared>>, %arg11: memref<!tpu.dma_semaphore, #tpu.memory_space<semaphore_mem>>, %arg12: memref<!tpu.dma_semaphore, #tpu.memory_space<semaphore_mem>>, %arg13: memref<!tpu.dma_semaphore, #tpu.memory_space<semaphore_mem>>, %arg14: memref<!tpu.dma_semaphore, #tpu.memory_space<semaphore_mem>>) attributes {dimension_semantics = [#tpu.dimension_semantics<core_parallel>, #tpu.dimension_semantics<subcore_parallel>], iteration_bounds = array<i64: 2, 16>, scalar_prefetch = 0 : i64, scratch_operands = 9 : i64, tpu.core_type = #tpu.core_type<sc_vector_subcore>, window_params = [{transform_indices = #map}, {transform_indices = #map1}, {transform_indices = #map1}, {transform_indices = #map2}]} {
    %mul3A = arith.constant 16 : i32
    %mul3A_0 = arith.muli %arg0, %mul3A : i32
    %add3A = arith.addi %mul3A_0, %arg1 : i32
    %run_scoped3A = arith.constant 0 : i32
    "tpu.region"() ({
      %run_scoped3A_500 = tpu.sem_alloc : memref<!tpu.dma_semaphore, #tpu.memory_space<semaphore_mem>>
      %dma_start3A_501 = arith.constant 0 : i32
      %dma_start3A_502 = arith.constant 0 : i32
      %dma_start3A_503 = tpu.memref_slice %arg3[%add3A, %run_scoped3A, %dma_start3A_501, %dma_start3A_502] : memref<32x5x25x80xi32, #tpu.memory_space<hbm>> -> memref<1x1x25x80xi32, #tpu.memory_space<hbm>>
      %dma_start3A_504 = tpu.memref_squeeze %dma_start3A_503 : memref<1x1x25x80xi32, #tpu.memory_space<hbm>> -> memref<25x80xi32, #tpu.memory_space<hbm>>
      %dma_start3A_505 = arith.constant 0 : i32
      %dma_start3A_506 = arith.constant 0 : i32
      %dma_start3A_507 = tpu.memref_slice %arg3[%add3A, %run_scoped3A, %dma_start3A_505, %dma_start3A_506] : memref<32x5x25x80xi32, #tpu.memory_space<hbm>> -> memref<1x1x25x80xi32, #tpu.memory_space<hbm>>
      %dma_start3A_508 = tpu.memref_squeeze %dma_start3A_507 : memref<1x1x25x80xi32, #tpu.memory_space<hbm>> -> memref<25x80xi32, #tpu.memory_space<hbm>>
      tpu.enqueue_dma source(%dma_start3A_508 : memref<25x80xi32, #tpu.memory_space<hbm>>) target(%arg6 : memref<25x80xi32, #tpu.memory_space<vmem>>) target_semaphore(%run_scoped3A_500 : memref<!tpu.dma_semaphore, #tpu.memory_space<semaphore_mem>>)
      %dma_wait3A_509 = arith.constant 0 : i32
      %dma_wait3A_510 = arith.constant 0 : i32
      %dma_wait3A_511 = tpu.memref_slice %arg3[%add3A, %run_scoped3A, %dma_wait3A_509, %dma_wait3A_510] : memref<32x5x25x80xi32, #tpu.memory_space<hbm>> -> memref<1x1x25x80xi32, #tpu.memory_space<hbm>>
      %dma_wait3A_512 = tpu.memref_squeeze %dma_wait3A_511 : memref<1x1x25x80xi32, #tpu.memory_space<hbm>> -> memref<25x80xi32, #tpu.memory_space<hbm>>
      %dma_wait3A_513 = arith.constant 0 : i32
      %dma_wait3A_514 = arith.constant 0 : i32
      %dma_wait3A_515 = tpu.memref_slice %arg3[%add3A, %run_scoped3A, %dma_wait3A_513, %dma_wait3A_514] : memref<32x5x25x80xi32, #tpu.memory_space<hbm>> -> memref<1x1x25x80xi32, #tpu.memory_space<hbm>>
      %dma_wait3A_516 = tpu.memref_squeeze %dma_wait3A_515 : memref<1x1x25x80xi32, #tpu.memory_space<hbm>> -> memref<25x80xi32, #tpu.memory_space<hbm>>
      tpu.wait_dma2 semaphore(%run_scoped3A_500 : memref<!tpu.dma_semaphore, #tpu.memory_space<semaphore_mem>>) src(%dma_wait3A_516 : memref<25x80xi32, #tpu.memory_space<hbm>>) dst(%arg6 : memref<25x80xi32, #tpu.memory_space<vmem>>)
      tpu.yield
    }) : () -> ()
    %run_scoped3A_1 = arith.constant 0 : i32
    "tpu.region"() ({
      %run_scoped3A_500 = tpu.sem_alloc : memref<!tpu.dma_semaphore, #tpu.memory_space<semaphore_mem>>
      %dma_start3A_501 = arith.constant 0 : i32
      %dma_start3A_502 = arith.constant 0 : i32
      %dma_start3A_503 = tpu.memref_slice %arg4[%add3A, %run_scoped3A_1, %dma_start3A_501, %dma_start3A_502] : memref<32x5x25x80xi32, #tpu.memory_space<hbm>> -> memref<1x1x25x80xi32, #tpu.memory_space<hbm>>
      %dma_start3A_504 = tpu.memref_squeeze %dma_start3A_503 : memref<1x1x25x80xi32, #tpu.memory_space<hbm>> -> memref<25x80xi32, #tpu.memory_space<hbm>>
      %dma_start3A_505 = arith.constant 0 : i32
      %dma_start3A_506 = arith.constant 0 : i32
      %dma_start3A_507 = tpu.memref_slice %arg4[%add3A, %run_scoped3A_1, %dma_start3A_505, %dma_start3A_506] : memref<32x5x25x80xi32, #tpu.memory_space<hbm>> -> memref<1x1x25x80xi32, #tpu.memory_space<hbm>>
      %dma_start3A_508 = tpu.memref_squeeze %dma_start3A_507 : memref<1x1x25x80xi32, #tpu.memory_space<hbm>> -> memref<25x80xi32, #tpu.memory_space<hbm>>
      tpu.enqueue_dma source(%dma_start3A_508 : memref<25x80xi32, #tpu.memory_space<hbm>>) target(%arg7 : memref<25x80xi32, #tpu.memory_space<vmem>>) target_semaphore(%run_scoped3A_500 : memref<!tpu.dma_semaphore, #tpu.memory_space<semaphore_mem>>)
      %dma_wait3A_509 = arith.constant 0 : i32
      %dma_wait3A_510 = arith.constant 0 : i32
      %dma_wait3A_511 = tpu.memref_slice %arg4[%add3A, %run_scoped3A_1, %dma_wait3A_509, %dma_wait3A_510] : memref<32x5x25x80xi32, #tpu.memory_space<hbm>> -> memref<1x1x25x80xi32, #tpu.memory_space<hbm>>
      %dma_wait3A_512 = tpu.memref_squeeze %dma_wait3A_511 : memref<1x1x25x80xi32, #tpu.memory_space<hbm>> -> memref<25x80xi32, #tpu.memory_space<hbm>>
      %dma_wait3A_513 = arith.constant 0 : i32
      %dma_wait3A_514 = arith.constant 0 : i32
      %dma_wait3A_515 = tpu.memref_slice %arg4[%add3A, %run_scoped3A_1, %dma_wait3A_513, %dma_wait3A_514] : memref<32x5x25x80xi32, #tpu.memory_space<hbm>> -> memref<1x1x25x80xi32, #tpu.memory_space<hbm>>
      %dma_wait3A_516 = tpu.memref_squeeze %dma_wait3A_515 : memref<1x1x25x80xi32, #tpu.memory_space<hbm>> -> memref<25x80xi32, #tpu.memory_space<hbm>>
      tpu.wait_dma2 semaphore(%run_scoped3A_500 : memref<!tpu.dma_semaphore, #tpu.memory_space<semaphore_mem>>) src(%dma_wait3A_516 : memref<25x80xi32, #tpu.memory_space<hbm>>) dst(%arg7 : memref<25x80xi32, #tpu.memory_space<vmem>>)
      tpu.yield
    }) : () -> ()
    %broadcast_in_dim3A = arith.constant 0.000000e+00 : f32
    %broadcast_in_dim3A_2 = vector.broadcast %broadcast_in_dim3A : f32 to vector<16xf32>
    %scan3A = arith.constant 0 : i32
    %scan3A_3 = arith.constant 0 : i32
    %scan3A_4 = arith.constant 640 : i32
    %scan3A_5 = arith.addi %scan3A_3, %scan3A_4 : i32
    %scan3A_6 = arith.constant 1 : i32
    scf.for %scan3A_500 = %scan3A_3 to %scan3A_5 step %scan3A_6  : i32 {
      %jit3A = arith.constant 8 : i32
      %div3A = arith.divsi %scan3A_500, %jit3A : i32
      %sign3A = arith.constant 0 : i32
      %sign3A_501 = arith.cmpi sgt, %scan3A_500, %sign3A : i32
      %sign3A_502 = arith.extui %sign3A_501 : i1 to i32
      %sign3A_503 = arith.constant 0 : i32
      %sign3A_504 = arith.cmpi slt, %scan3A_500, %sign3A_503 : i32
      %sign3A_505 = arith.extui %sign3A_504 : i1 to i32
      %sign3A_506 = arith.subi %sign3A_502, %sign3A_505 : i32
      %sign3A_507 = arith.constant 0 : i32
      %sign3A_508 = arith.cmpi sgt, %jit3A, %sign3A_507 : i32
      %sign3A_509 = arith.extui %sign3A_508 : i1 to i32
      %sign3A_510 = arith.constant 0 : i32
      %sign3A_511 = arith.cmpi slt, %jit3A, %sign3A_510 : i32
      %sign3A_512 = arith.extui %sign3A_511 : i1 to i32
      %sign3A_513 = arith.subi %sign3A_509, %sign3A_512 : i32
      %ne3A = arith.cmpi ne, %sign3A_506, %sign3A_513 : i32
      %rem3A = arith.remsi %scan3A_500, %jit3A : i32
      %ne3A_514 = arith.constant 0 : i32
      %ne3A_515 = arith.cmpi ne, %rem3A, %ne3A_514 : i32
      %and3A_516 = arith.andi %ne3A, %ne3A_515 : i1
      %sub3A = arith.constant 1 : i32
      %sub3A_517 = arith.subi %div3A, %sub3A : i32
      %select_n3A = arith.select %and3A_516, %sub3A_517, %div3A : i32
      %jit3A_518 = arith.constant 8 : i32
      %eq3A = arith.constant 0 : i32
      %eq3A_519 = arith.cmpi eq, %jit3A_518, %eq3A : i32
      %jit3A_520 = arith.constant 1 : i32
      %select_n3A_521 = arith.select %eq3A_519, %jit3A_520, %jit3A_518 : i32
      %rem3A_522 = arith.remsi %scan3A_500, %select_n3A_521 : i32
      %ne3A_523 = arith.constant 0 : i32
      %ne3A_524 = arith.cmpi ne, %rem3A_522, %ne3A_523 : i32
      %lt3A_525 = arith.constant 0 : i32
      %lt3A_526 = arith.cmpi slt, %rem3A_522, %lt3A_525 : i32
      %lt3A_527 = arith.constant 0 : i32
      %lt3A_528 = arith.cmpi slt, %select_n3A_521, %lt3A_527 : i32
      %ne3A_529 = arith.xori %lt3A_526, %lt3A_528 : i1
      %and3A_530 = arith.andi %ne3A_529, %ne3A_524 : i1
      %add3A_531 = arith.addi %rem3A_522, %select_n3A_521 : i32
      %select_n3A_532 = arith.select %and3A_530, %add3A_531, %rem3A_522 : i32
      %mul3A_533 = arith.constant 16 : i32
      %mul3A_534 = arith.muli %select_n3A_532, %mul3A_533 : i32
      %swap3A = arith.index_cast %select_n3A : i32 to index
      %swap3A_535 = arith.index_cast %mul3A_534 : i32 to index
      %swap3A_536 = tpu.vector_load %arg9[%swap3A, %swap3A_535] {strides = array<i32>} : memref<80x128xf32, #tpu.memory_space<vmem>>, vector<1x16xf32>,
      %swap3A_537 = vector.shape_cast %swap3A_536 : vector<1x16xf32> to vector<16xf32>
      %swap3A_538 = vector.shape_cast %broadcast_in_dim3A_2 : vector<16xf32> to vector<1x16xf32>
      tpu.vector_store %arg9[%swap3A, %swap3A_535], %swap3A_538 {strides = array<i32>} : memref<80x128xf32, #tpu.memory_space<vmem>>, vector<1x16xf32>,
    }
    %scan3A_7 = arith.constant 640 : i32
    %add3A_8 = arith.constant 0 : i32
    %add3A_9 = arith.addi %arg1, %add3A_8 : i32
    %lt3A = arith.constant 125 : i32
    %lt3A_10 = arith.cmpi slt, %add3A_9, %lt3A : i32
    %convert_element_type3A = arith.extui %lt3A_10 : i1 to i32
    %cond3A = arith.constant 0 : i32
    %cond3A_11 = arith.cmpi ne, %convert_element_type3A, %cond3A : i32
    scf.if %cond3A_11 {
      %mul3A_500 = arith.constant 80 : i32
      %mul3A_501 = arith.muli %add3A_9, %mul3A_500 : i32
      %dma_start3A_502 = arith.constant 0 : i32
      %dma_start3A_503 = tpu.memref_slice %arg10[%mul3A_501, %dma_start3A_502] : memref<10000x128xf32, #tpu.memory_space<vmem_shared>> -> memref<80x128xf32, #tpu.memory_space<vmem_shared>>
      %dma_start3A_504 = arith.constant 0 : i32
      %dma_start3A_505 = tpu.memref_slice %arg10[%mul3A_501, %dma_start3A_504] : memref<10000x128xf32, #tpu.memory_space<vmem_shared>> -> memref<80x128xf32, #tpu.memory_space<vmem_shared>>
      tpu.enqueue_dma source(%arg9 : memref<80x128xf32, #tpu.memory_space<vmem>>) target(%dma_start3A_505 : memref<80x128xf32, #tpu.memory_space<vmem_shared>>) target_semaphore(%arg13 : memref<!tpu.dma_semaphore, #tpu.memory_space<semaphore_mem>>)
    } else {
    }
    %add3A_12 = arith.constant 16 : i32
    %add3A_13 = arith.addi %arg1, %add3A_12 : i32
    %lt3A_14 = arith.constant 125 : i32
    %lt3A_15 = arith.cmpi slt, %add3A_13, %lt3A_14 : i32
    %convert_element_type3A_16 = arith.extui %lt3A_15 : i1 to i32
    %cond3A_17 = arith.constant 0 : i32
    %cond3A_18 = arith.cmpi ne, %convert_element_type3A_16, %cond3A_17 : i32
    scf.if %cond3A_18 {
      %mul3A_500 = arith.constant 80 : i32
      %mul3A_501 = arith.muli %add3A_13, %mul3A_500 : i32
      %dma_start3A_502 = arith.constant 0 : i32
      %dma_start3A_503 = tpu.memref_slice %arg10[%mul3A_501, %dma_start3A_502] : memref<10000x128xf32, #tpu.memory_space<vmem_shared>> -> memref<80x128xf32, #tpu.memory_space<vmem_shared>>
      %dma_start3A_504 = arith.constant 0 : i32
      %dma_start3A_505 = tpu.memref_slice %arg10[%mul3A_501, %dma_start3A_504] : memref<10000x128xf32, #tpu.memory_space<vmem_shared>> -> memref<80x128xf32, #tpu.memory_space<vmem_shared>>
      tpu.enqueue_dma source(%arg9 : memref<80x128xf32, #tpu.memory_space<vmem>>) target(%dma_start3A_505 : memref<80x128xf32, #tpu.memory_space<vmem_shared>>) target_semaphore(%arg13 : memref<!tpu.dma_semaphore, #tpu.memory_space<semaphore_mem>>)
    } else {
    }
    %add3A_19 = arith.constant 32 : i32
    %add3A_20 = arith.addi %arg1, %add3A_19 : i32
    %lt3A_21 = arith.constant 125 : i32
    %lt3A_22 = arith.cmpi slt, %add3A_20, %lt3A_21 : i32
    %convert_element_type3A_23 = arith.extui %lt3A_22 : i1 to i32
    %cond3A_24 = arith.constant 0 : i32
    %cond3A_25 = arith.cmpi ne, %convert_element_type3A_23, %cond3A_24 : i32
    scf.if %cond3A_25 {
      %mul3A_500 = arith.constant 80 : i32
      %mul3A_501 = arith.muli %add3A_20, %mul3A_500 : i32
      %dma_start3A_502 = arith.constant 0 : i32
      %dma_start3A_503 = tpu.memref_slice %arg10[%mul3A_501, %dma_start3A_502] : memref<10000x128xf32, #tpu.memory_space<vmem_shared>> -> memref<80x128xf32, #tpu.memory_space<vmem_shared>>
      %dma_start3A_504 = arith.constant 0 : i32
      %dma_start3A_505 = tpu.memref_slice %arg10[%mul3A_501, %dma_start3A_504] : memref<10000x128xf32, #tpu.memory_space<vmem_shared>> -> memref<80x128xf32, #tpu.memory_space<vmem_shared>>
      tpu.enqueue_dma source(%arg9 : memref<80x128xf32, #tpu.memory_space<vmem>>) target(%dma_start3A_505 : memref<80x128xf32, #tpu.memory_space<vmem_shared>>) target_semaphore(%arg13 : memref<!tpu.dma_semaphore, #tpu.memory_space<semaphore_mem>>)
    } else {
    }
    %add3A_26 = arith.constant 48 : i32
    %add3A_27 = arith.addi %arg1, %add3A_26 : i32
    %lt3A_28 = arith.constant 125 : i32
    %lt3A_29 = arith.cmpi slt, %add3A_27, %lt3A_28 : i32
    %convert_element_type3A_30 = arith.extui %lt3A_29 : i1 to i32
    %cond3A_31 = arith.constant 0 : i32
    %cond3A_32 = arith.cmpi ne, %convert_element_type3A_30, %cond3A_31 : i32
    scf.if %cond3A_32 {
      %mul3A_500 = arith.constant 80 : i32
      %mul3A_501 = arith.muli %add3A_27, %mul3A_500 : i32
      %dma_start3A_502 = arith.constant 0 : i32
      %dma_start3A_503 = tpu.memref_slice %arg10[%mul3A_501, %dma_start3A_502] : memref<10000x128xf32, #tpu.memory_space<vmem_shared>> -> memref<80x128xf32, #tpu.memory_space<vmem_shared>>
      %dma_start3A_504 = arith.constant 0 : i32
      %dma_start3A_505 = tpu.memref_slice %arg10[%mul3A_501, %dma_start3A_504] : memref<10000x128xf32, #tpu.memory_space<vmem_shared>> -> memref<80x128xf32, #tpu.memory_space<vmem_shared>>
      tpu.enqueue_dma source(%arg9 : memref<80x128xf32, #tpu.memory_space<vmem>>) target(%dma_start3A_505 : memref<80x128xf32, #tpu.memory_space<vmem_shared>>) target_semaphore(%arg13 : memref<!tpu.dma_semaphore, #tpu.memory_space<semaphore_mem>>)
    } else {
    }
    %add3A_33 = arith.constant 64 : i32
    %add3A_34 = arith.addi %arg1, %add3A_33 : i32
    %lt3A_35 = arith.constant 125 : i32
    %lt3A_36 = arith.cmpi slt, %add3A_34, %lt3A_35 : i32
    %convert_element_type3A_37 = arith.extui %lt3A_36 : i1 to i32
    %cond3A_38 = arith.constant 0 : i32
    %cond3A_39 = arith.cmpi ne, %convert_element_type3A_37, %cond3A_38 : i32
    scf.if %cond3A_39 {
      %mul3A_500 = arith.constant 80 : i32
      %mul3A_501 = arith.muli %add3A_34, %mul3A_500 : i32
      %dma_start3A_502 = arith.constant 0 : i32
      %dma_start3A_503 = tpu.memref_slice %arg10[%mul3A_501, %dma_start3A_502] : memref<10000x128xf32, #tpu.memory_space<vmem_shared>> -> memref<80x128xf32, #tpu.memory_space<vmem_shared>>
      %dma_start3A_504 = arith.constant 0 : i32
      %dma_start3A_505 = tpu.memref_slice %arg10[%mul3A_501, %dma_start3A_504] : memref<10000x128xf32, #tpu.memory_space<vmem_shared>> -> memref<80x128xf32, #tpu.memory_space<vmem_shared>>
      tpu.enqueue_dma source(%arg9 : memref<80x128xf32, #tpu.memory_space<vmem>>) target(%dma_start3A_505 : memref<80x128xf32, #tpu.memory_space<vmem_shared>>) target_semaphore(%arg13 : memref<!tpu.dma_semaphore, #tpu.memory_space<semaphore_mem>>)
    } else {
    }
    %add3A_40 = arith.constant 80 : i32
    %add3A_41 = arith.addi %arg1, %add3A_40 : i32
    %lt3A_42 = arith.constant 125 : i32
    %lt3A_43 = arith.cmpi slt, %add3A_41, %lt3A_42 : i32
    %convert_element_type3A_44 = arith.extui %lt3A_43 : i1 to i32
    %cond3A_45 = arith.constant 0 : i32
    %cond3A_46 = arith.cmpi ne, %convert_element_type3A_44, %cond3A_45 : i32
    scf.if %cond3A_46 {
      %mul3A_500 = arith.constant 80 : i32
      %mul3A_501 = arith.muli %add3A_41, %mul3A_500 : i32
      %dma_start3A_502 = arith.constant 0 : i32
      %dma_start3A_503 = tpu.memref_slice %arg10[%mul3A_501, %dma_start3A_502] : memref<10000x128xf32, #tpu.memory_space<vmem_shared>> -> memref<80x128xf32, #tpu.memory_space<vmem_shared>>
      %dma_start3A_504 = arith.constant 0 : i32
      %dma_start3A_505 = tpu.memref_slice %arg10[%mul3A_501, %dma_start3A_504] : memref<10000x128xf32, #tpu.memory_space<vmem_shared>> -> memref<80x128xf32, #tpu.memory_space<vmem_shared>>
      tpu.enqueue_dma source(%arg9 : memref<80x128xf32, #tpu.memory_space<vmem>>) target(%dma_start3A_505 : memref<80x128xf32, #tpu.memory_space<vmem_shared>>) target_semaphore(%arg13 : memref<!tpu.dma_semaphore, #tpu.memory_space<semaphore_mem>>)
    } else {
    }
    %add3A_47 = arith.constant 96 : i32
    %add3A_48 = arith.addi %arg1, %add3A_47 : i32
    %lt3A_49 = arith.constant 125 : i32
    %lt3A_50 = arith.cmpi slt, %add3A_48, %lt3A_49 : i32
    %convert_element_type3A_51 = arith.extui %lt3A_50 : i1 to i32
    %cond3A_52 = arith.constant 0 : i32
    %cond3A_53 = arith.cmpi ne, %convert_element_type3A_51, %cond3A_52 : i32
    scf.if %cond3A_53 {
      %mul3A_500 = arith.constant 80 : i32
      %mul3A_501 = arith.muli %add3A_48, %mul3A_500 : i32
      %dma_start3A_502 = arith.constant 0 : i32
      %dma_start3A_503 = tpu.memref_slice %arg10[%mul3A_501, %dma_start3A_502] : memref<10000x128xf32, #tpu.memory_space<vmem_shared>> -> memref<80x128xf32, #tpu.memory_space<vmem_shared>>
      %dma_start3A_504 = arith.constant 0 : i32
      %dma_start3A_505 = tpu.memref_slice %arg10[%mul3A_501, %dma_start3A_504] : memref<10000x128xf32, #tpu.memory_space<vmem_shared>> -> memref<80x128xf32, #tpu.memory_space<vmem_shared>>
      tpu.enqueue_dma source(%arg9 : memref<80x128xf32, #tpu.memory_space<vmem>>) target(%dma_start3A_505 : memref<80x128xf32, #tpu.memory_space<vmem_shared>>) target_semaphore(%arg13 : memref<!tpu.dma_semaphore, #tpu.memory_space<semaphore_mem>>)
    } else {
    }
    %add3A_54 = arith.constant 112 : i32
    %add3A_55 = arith.addi %arg1, %add3A_54 : i32
    %lt3A_56 = arith.constant 125 : i32
    %lt3A_57 = arith.cmpi slt, %add3A_55, %lt3A_56 : i32
    %convert_element_type3A_58 = arith.extui %lt3A_57 : i1 to i32
    %cond3A_59 = arith.constant 0 : i32
    %cond3A_60 = arith.cmpi ne, %convert_element_type3A_58, %cond3A_59 : i32
    scf.if %cond3A_60 {
      %mul3A_500 = arith.constant 80 : i32
      %mul3A_501 = arith.muli %add3A_55, %mul3A_500 : i32
      %dma_start3A_502 = arith.constant 0 : i32
      %dma_start3A_503 = tpu.memref_slice %arg10[%mul3A_501, %dma_start3A_502] : memref<10000x128xf32, #tpu.memory_space<vmem_shared>> -> memref<80x128xf32, #tpu.memory_space<vmem_shared>>
      %dma_start3A_504 = arith.constant 0 : i32
      %dma_start3A_505 = tpu.memref_slice %arg10[%mul3A_501, %dma_start3A_504] : memref<10000x128xf32, #tpu.memory_space<vmem_shared>> -> memref<80x128xf32, #tpu.memory_space<vmem_shared>>
      tpu.enqueue_dma source(%arg9 : memref<80x128xf32, #tpu.memory_space<vmem>>) target(%dma_start3A_505 : memref<80x128xf32, #tpu.memory_space<vmem_shared>>) target_semaphore(%arg13 : memref<!tpu.dma_semaphore, #tpu.memory_space<semaphore_mem>>)
    } else {
    }
    %add3A_61 = arith.constant 0 : i32
    %add3A_62 = arith.addi %arg1, %add3A_61 : i32
    %lt3A_63 = arith.constant 125 : i32
    %lt3A_64 = arith.cmpi slt, %add3A_62, %lt3A_63 : i32
    %convert_element_type3A_65 = arith.extui %lt3A_64 : i1 to i32
    %cond3A_66 = arith.constant 0 : i32
    %cond3A_67 = arith.cmpi ne, %convert_element_type3A_65, %cond3A_66 : i32
    scf.if %cond3A_67 {
      %dma_wait3A_500 = arith.constant 0 : i32
      %dma_wait3A_501 = arith.constant 0 : i32
      %dma_wait3A_502 = tpu.memref_slice %arg10[%dma_wait3A_500, %dma_wait3A_501] : memref<10000x128xf32, #tpu.memory_space<vmem_shared>> -> memref<80x128xf32, #tpu.memory_space<vmem_shared>>
      %dma_wait3A_503 = arith.constant 0 : i32
      %dma_wait3A_504 = arith.constant 0 : i32
      %dma_wait3A_505 = tpu.memref_slice %arg10[%dma_wait3A_503, %dma_wait3A_504] : memref<10000x128xf32, #tpu.memory_space<vmem_shared>> -> memref<80x128xf32, #tpu.memory_space<vmem_shared>>
      tpu.wait_dma2 semaphore(%arg13 : memref<!tpu.dma_semaphore, #tpu.memory_space<semaphore_mem>>) src(%arg9 : memref<80x128xf32, #tpu.memory_space<vmem>>) dst(%dma_wait3A_505 : memref<80x128xf32, #tpu.memory_space<vmem_shared>>)
    } else {
    }
    %add3A_68 = arith.constant 16 : i32
    %add3A_69 = arith.addi %arg1, %add3A_68 : i32
    %lt3A_70 = arith.constant 125 : i32
    %lt3A_71 = arith.cmpi slt, %add3A_69, %lt3A_70 : i32
    %convert_element_type3A_72 = arith.extui %lt3A_71 : i1 to i32
    %cond3A_73 = arith.constant 0 : i32
    %cond3A_74 = arith.cmpi ne, %convert_element_type3A_72, %cond3A_73 : i32
    scf.if %cond3A_74 {
      %dma_wait3A_500 = arith.constant 0 : i32
      %dma_wait3A_501 = arith.constant 0 : i32
      %dma_wait3A_502 = tpu.memref_slice %arg10[%dma_wait3A_500, %dma_wait3A_501] : memref<10000x128xf32, #tpu.memory_space<vmem_shared>> -> memref<80x128xf32, #tpu.memory_space<vmem_shared>>
      %dma_wait3A_503 = arith.constant 0 : i32
      %dma_wait3A_504 = arith.constant 0 : i32
      %dma_wait3A_505 = tpu.memref_slice %arg10[%dma_wait3A_503, %dma_wait3A_504] : memref<10000x128xf32, #tpu.memory_space<vmem_shared>> -> memref<80x128xf32, #tpu.memory_space<vmem_shared>>
      tpu.wait_dma2 semaphore(%arg13 : memref<!tpu.dma_semaphore, #tpu.memory_space<semaphore_mem>>) src(%arg9 : memref<80x128xf32, #tpu.memory_space<vmem>>) dst(%dma_wait3A_505 : memref<80x128xf32, #tpu.memory_space<vmem_shared>>)
    } else {
    }
    %add3A_75 = arith.constant 32 : i32
    %add3A_76 = arith.addi %arg1, %add3A_75 : i32
    %lt3A_77 = arith.constant 125 : i32
    %lt3A_78 = arith.cmpi slt, %add3A_76, %lt3A_77 : i32
    %convert_element_type3A_79 = arith.extui %lt3A_78 : i1 to i32
    %cond3A_80 = arith.constant 0 : i32
    %cond3A_81 = arith.cmpi ne, %convert_element_type3A_79, %cond3A_80 : i32
    scf.if %cond3A_81 {
      %dma_wait3A_500 = arith.constant 0 : i32
      %dma_wait3A_501 = arith.constant 0 : i32
      %dma_wait3A_502 = tpu.memref_slice %arg10[%dma_wait3A_500, %dma_wait3A_501] : memref<10000x128xf32, #tpu.memory_space<vmem_shared>> -> memref<80x128xf32, #tpu.memory_space<vmem_shared>>
      %dma_wait3A_503 = arith.constant 0 : i32
      %dma_wait3A_504 = arith.constant 0 : i32
      %dma_wait3A_505 = tpu.memref_slice %arg10[%dma_wait3A_503, %dma_wait3A_504] : memref<10000x128xf32, #tpu.memory_space<vmem_shared>> -> memref<80x128xf32, #tpu.memory_space<vmem_shared>>
      tpu.wait_dma2 semaphore(%arg13 : memref<!tpu.dma_semaphore, #tpu.memory_space<semaphore_mem>>) src(%arg9 : memref<80x128xf32, #tpu.memory_space<vmem>>) dst(%dma_wait3A_505 : memref<80x128xf32, #tpu.memory_space<vmem_shared>>)
    } else {
    }
    %add3A_82 = arith.constant 48 : i32
    %add3A_83 = arith.addi %arg1, %add3A_82 : i32
    %lt3A_84 = arith.constant 125 : i32
    %lt3A_85 = arith.cmpi slt, %add3A_83, %lt3A_84 : i32
    %convert_element_type3A_86 = arith.extui %lt3A_85 : i1 to i32
    %cond3A_87 = arith.constant 0 : i32
    %cond3A_88 = arith.cmpi ne, %convert_element_type3A_86, %cond3A_87 : i32
    scf.if %cond3A_88 {
      %dma_wait3A_500 = arith.constant 0 : i32
      %dma_wait3A_501 = arith.constant 0 : i32
      %dma_wait3A_502 = tpu.memref_slice %arg10[%dma_wait3A_500, %dma_wait3A_501] : memref<10000x128xf32, #tpu.memory_space<vmem_shared>> -> memref<80x128xf32, #tpu.memory_space<vmem_shared>>
      %dma_wait3A_503 = arith.constant 0 : i32
      %dma_wait3A_504 = arith.constant 0 : i32
      %dma_wait3A_505 = tpu.memref_slice %arg10[%dma_wait3A_503, %dma_wait3A_504] : memref<10000x128xf32, #tpu.memory_space<vmem_shared>> -> memref<80x128xf32, #tpu.memory_space<vmem_shared>>
      tpu.wait_dma2 semaphore(%arg13 : memref<!tpu.dma_semaphore, #tpu.memory_space<semaphore_mem>>) src(%arg9 : memref<80x128xf32, #tpu.memory_space<vmem>>) dst(%dma_wait3A_505 : memref<80x128xf32, #tpu.memory_space<vmem_shared>>)
    } else {
    }
    %add3A_89 = arith.constant 64 : i32
    %add3A_90 = arith.addi %arg1, %add3A_89 : i32
    %lt3A_91 = arith.constant 125 : i32
    %lt3A_92 = arith.cmpi slt, %add3A_90, %lt3A_91 : i32
    %convert_element_type3A_93 = arith.extui %lt3A_92 : i1 to i32
    %cond3A_94 = arith.constant 0 : i32
    %cond3A_95 = arith.cmpi ne, %convert_element_type3A_93, %cond3A_94 : i32
    scf.if %cond3A_95 {
      %dma_wait3A_500 = arith.constant 0 : i32
      %dma_wait3A_501 = arith.constant 0 : i32
      %dma_wait3A_502 = tpu.memref_slice %arg10[%dma_wait3A_500, %dma_wait3A_501] : memref<10000x128xf32, #tpu.memory_space<vmem_shared>> -> memref<80x128xf32, #tpu.memory_space<vmem_shared>>
      %dma_wait3A_503 = arith.constant 0 : i32
      %dma_wait3A_504 = arith.constant 0 : i32
      %dma_wait3A_505 = tpu.memref_slice %arg10[%dma_wait3A_503, %dma_wait3A_504] : memref<10000x128xf32, #tpu.memory_space<vmem_shared>> -> memref<80x128xf32, #tpu.memory_space<vmem_shared>>
      tpu.wait_dma2 semaphore(%arg13 : memref<!tpu.dma_semaphore, #tpu.memory_space<semaphore_mem>>) src(%arg9 : memref<80x128xf32, #tpu.memory_space<vmem>>) dst(%dma_wait3A_505 : memref<80x128xf32, #tpu.memory_space<vmem_shared>>)
    } else {
    }
    %add3A_96 = arith.constant 80 : i32
    %add3A_97 = arith.addi %arg1, %add3A_96 : i32
    %lt3A_98 = arith.constant 125 : i32
    %lt3A_99 = arith.cmpi slt, %add3A_97, %lt3A_98 : i32
    %convert_element_type3A_100 = arith.extui %lt3A_99 : i1 to i32
    %cond3A_101 = arith.constant 0 : i32
    %cond3A_102 = arith.cmpi ne, %convert_element_type3A_100, %cond3A_101 : i32
    scf.if %cond3A_102 {
      %dma_wait3A_500 = arith.constant 0 : i32
      %dma_wait3A_501 = arith.constant 0 : i32
      %dma_wait3A_502 = tpu.memref_slice %arg10[%dma_wait3A_500, %dma_wait3A_501] : memref<10000x128xf32, #tpu.memory_space<vmem_shared>> -> memref<80x128xf32, #tpu.memory_space<vmem_shared>>
      %dma_wait3A_503 = arith.constant 0 : i32
      %dma_wait3A_504 = arith.constant 0 : i32
      %dma_wait3A_505 = tpu.memref_slice %arg10[%dma_wait3A_503, %dma_wait3A_504] : memref<10000x128xf32, #tpu.memory_space<vmem_shared>> -> memref<80x128xf32, #tpu.memory_space<vmem_shared>>
      tpu.wait_dma2 semaphore(%arg13 : memref<!tpu.dma_semaphore, #tpu.memory_space<semaphore_mem>>) src(%arg9 : memref<80x128xf32, #tpu.memory_space<vmem>>) dst(%dma_wait3A_505 : memref<80x128xf32, #tpu.memory_space<vmem_shared>>)
    } else {
    }
    %add3A_103 = arith.constant 96 : i32
    %add3A_104 = arith.addi %arg1, %add3A_103 : i32
    %lt3A_105 = arith.constant 125 : i32
    %lt3A_106 = arith.cmpi slt, %add3A_104, %lt3A_105 : i32
    %convert_element_type3A_107 = arith.extui %lt3A_106 : i1 to i32
    %cond3A_108 = arith.constant 0 : i32
    %cond3A_109 = arith.cmpi ne, %convert_element_type3A_107, %cond3A_108 : i32
    scf.if %cond3A_109 {
      %dma_wait3A_500 = arith.constant 0 : i32
      %dma_wait3A_501 = arith.constant 0 : i32
      %dma_wait3A_502 = tpu.memref_slice %arg10[%dma_wait3A_500, %dma_wait3A_501] : memref<10000x128xf32, #tpu.memory_space<vmem_shared>> -> memref<80x128xf32, #tpu.memory_space<vmem_shared>>
      %dma_wait3A_503 = arith.constant 0 : i32
      %dma_wait3A_504 = arith.constant 0 : i32
      %dma_wait3A_505 = tpu.memref_slice %arg10[%dma_wait3A_503, %dma_wait3A_504] : memref<10000x128xf32, #tpu.memory_space<vmem_shared>> -> memref<80x128xf32, #tpu.memory_space<vmem_shared>>
      tpu.wait_dma2 semaphore(%arg13 : memref<!tpu.dma_semaphore, #tpu.memory_space<semaphore_mem>>) src(%arg9 : memref<80x128xf32, #tpu.memory_space<vmem>>) dst(%dma_wait3A_505 : memref<80x128xf32, #tpu.memory_space<vmem_shared>>)
    } else {
    }
    %add3A_110 = arith.constant 112 : i32
    %add3A_111 = arith.addi %arg1, %add3A_110 : i32
    %lt3A_112 = arith.constant 125 : i32
    %lt3A_113 = arith.cmpi slt, %add3A_111, %lt3A_112 : i32
    %convert_element_type3A_114 = arith.extui %lt3A_113 : i1 to i32
    %cond3A_115 = arith.constant 0 : i32
    %cond3A_116 = arith.cmpi ne, %convert_element_type3A_114, %cond3A_115 : i32
    scf.if %cond3A_116 {
      %dma_wait3A_500 = arith.constant 0 : i32
      %dma_wait3A_501 = arith.constant 0 : i32
      %dma_wait3A_502 = tpu.memref_slice %arg10[%dma_wait3A_500, %dma_wait3A_501] : memref<10000x128xf32, #tpu.memory_space<vmem_shared>> -> memref<80x128xf32, #tpu.memory_space<vmem_shared>>
      %dma_wait3A_503 = arith.constant 0 : i32
      %dma_wait3A_504 = arith.constant 0 : i32
      %dma_wait3A_505 = tpu.memref_slice %arg10[%dma_wait3A_503, %dma_wait3A_504] : memref<10000x128xf32, #tpu.memory_space<vmem_shared>> -> memref<80x128xf32, #tpu.memory_space<vmem_shared>>
      tpu.wait_dma2 semaphore(%arg13 : memref<!tpu.dma_semaphore, #tpu.memory_space<semaphore_mem>>) src(%arg9 : memref<80x128xf32, #tpu.memory_space<vmem>>) dst(%dma_wait3A_505 : memref<80x128xf32, #tpu.memory_space<vmem_shared>>)
    } else {
    }
    %barrier3A = arith.constant 0 : index
    tpu.barrier barrier_id(%barrier3A)
    %scan3A_117 = arith.constant 0 : i32
    %scan3A_118 = arith.constant 0 : i32
    %scan3A_119 = arith.constant 12 : i32
    %scan3A_120 = arith.addi %scan3A_118, %scan3A_119 : i32
    %scan3A_121 = arith.constant 1 : i32
    scf.for %scan3A_500 = %scan3A_118 to %scan3A_120 step %scan3A_121  : i32 {
      %mul3A_501 = arith.constant 2 : i32
      %mul3A_502 = arith.muli %mul3A_501, %scan3A_500 : i32
      %dma_start3A_503 = arith.constant 0 : i32
      %dma_start3A_504 = tpu.memref_slice %arg6[%mul3A_502, %dma_start3A_503] : memref<25x80xi32, #tpu.memory_space<vmem>> -> memref<1x80xi32, #tpu.memory_space<vmem>>
      %dma_start3A_505 = tpu.memref_squeeze %dma_start3A_504 : memref<1x80xi32, #tpu.memory_space<vmem>> -> memref<80xi32, #tpu.memory_space<vmem>>
      %dma_start3A_506 = arith.constant 0 : i32
      %dma_start3A_507 = arith.constant 0 : i32
      %dma_start3A_508 = tpu.memref_slice %arg2[%dma_start3A_506, %dma_start3A_507] : memref<10000x128xf32, #tpu.memory_space<hbm>> -> memref<10000x128xf32, #tpu.memory_space<hbm>>
      tpu.enqueue_indirect_dma source(%dma_start3A_508 : memref<10000x128xf32, #tpu.memory_space<hbm>>) target(%arg8 : memref<80x128xf32, #tpu.memory_space<vmem>>) offsets(%dma_start3A_505 : memref<80xi32, #tpu.memory_space<vmem>>) semaphore(%arg11 : memref<!tpu.dma_semaphore, #tpu.memory_space<semaphore_mem>>)
      %add3A_509 = arith.constant 1 : i32
      %add3A_510 = arith.addi %mul3A_502, %add3A_509 : i32
      %dma_start3A_511 = arith.constant 0 : i32
      %dma_start3A_512 = tpu.memref_slice %arg6[%add3A_510, %dma_start3A_511] : memref<25x80xi32, #tpu.memory_space<vmem>> -> memref<1x80xi32, #tpu.memory_space<vmem>>
      %dma_start3A_513 = tpu.memref_squeeze %dma_start3A_512 : memref<1x80xi32, #tpu.memory_space<vmem>> -> memref<80xi32, #tpu.memory_space<vmem>>
      %dma_start3A_514 = arith.constant 0 : i32
      %dma_start3A_515 = arith.constant 0 : i32
      %dma_start3A_516 = tpu.memref_slice %arg2[%dma_start3A_514, %dma_start3A_515] : memref<10000x128xf32, #tpu.memory_space<hbm>> -> memref<10000x128xf32, #tpu.memory_space<hbm>>
      tpu.enqueue_indirect_dma source(%dma_start3A_516 : memref<10000x128xf32, #tpu.memory_space<hbm>>) target(%arg9 : memref<80x128xf32, #tpu.memory_space<vmem>>) offsets(%dma_start3A_513 : memref<80xi32, #tpu.memory_space<vmem>>) semaphore(%arg12 : memref<!tpu.dma_semaphore, #tpu.memory_space<semaphore_mem>>)
      %dma_wait3A_517 = arith.constant 0 : i32
      %dma_wait3A_518 = arith.constant 0 : i32
      %dma_wait3A_519 = tpu.memref_slice %arg6[%dma_wait3A_517, %dma_wait3A_518] : memref<25x80xi32, #tpu.memory_space<vmem>> -> memref<1x80xi32, #tpu.memory_space<vmem>>
      %dma_wait3A_520 = tpu.memref_squeeze %dma_wait3A_519 : memref<1x80xi32, #tpu.memory_space<vmem>> -> memref<80xi32, #tpu.memory_space<vmem>>
      %dma_wait3A_521 = arith.constant 0 : i32
      %dma_wait3A_522 = arith.constant 0 : i32
      %dma_wait3A_523 = tpu.memref_slice %arg2[%dma_wait3A_521, %dma_wait3A_522] : memref<10000x128xf32, #tpu.memory_space<hbm>> -> memref<10000x128xf32, #tpu.memory_space<hbm>>
      tpu.wait_indirect_dma semaphore(%arg11 : memref<!tpu.dma_semaphore, #tpu.memory_space<semaphore_mem>>) src(%dma_wait3A_523 : memref<10000x128xf32, #tpu.memory_space<hbm>>) dst(%arg8 : memref<80x128xf32, #tpu.memory_space<vmem>>)
      %dma_wait3A_524 = arith.constant 0 : i32
      %dma_wait3A_525 = arith.constant 0 : i32
      %dma_wait3A_526 = tpu.memref_slice %arg6[%dma_wait3A_524, %dma_wait3A_525] : memref<25x80xi32, #tpu.memory_space<vmem>> -> memref<1x80xi32, #tpu.memory_space<vmem>>
      %dma_wait3A_527 = tpu.memref_squeeze %dma_wait3A_526 : memref<1x80xi32, #tpu.memory_space<vmem>> -> memref<80xi32, #tpu.memory_space<vmem>>
      %dma_wait3A_528 = arith.constant 0 : i32
      %dma_wait3A_529 = arith.constant 0 : i32
      %dma_wait3A_530 = tpu.memref_slice %arg2[%dma_wait3A_528, %dma_wait3A_529] : memref<10000x128xf32, #tpu.memory_space<hbm>> -> memref<10000x128xf32, #tpu.memory_space<hbm>>
      tpu.wait_indirect_dma semaphore(%arg12 : memref<!tpu.dma_semaphore, #tpu.memory_space<semaphore_mem>>) src(%dma_wait3A_530 : memref<10000x128xf32, #tpu.memory_space<hbm>>) dst(%arg9 : memref<80x128xf32, #tpu.memory_space<vmem>>)
      %dma_start3A_531 = arith.constant 0 : i32
      %dma_start3A_532 = tpu.memref_slice %arg7[%mul3A_502, %dma_start3A_531] : memref<25x80xi32, #tpu.memory_space<vmem>> -> memref<1x80xi32, #tpu.memory_space<vmem>>
      %dma_start3A_533 = tpu.memref_squeeze %dma_start3A_532 : memref<1x80xi32, #tpu.memory_space<vmem>> -> memref<80xi32, #tpu.memory_space<vmem>>
      %dma_start3A_534 = arith.constant 0 : i32
      %dma_start3A_535 = arith.constant 0 : i32
      %dma_start3A_536 = tpu.memref_slice %arg10[%dma_start3A_534, %dma_start3A_535] : memref<10000x128xf32, #tpu.memory_space<vmem_shared>> -> memref<10000x128xf32, #tpu.memory_space<vmem_shared>>
      tpu.enqueue_indirect_dma source(%arg8 : memref<80x128xf32, #tpu.memory_space<vmem>>) target(%dma_start3A_536 : memref<10000x128xf32, #tpu.memory_space<vmem_shared>>) offsets(%dma_start3A_533 : memref<80xi32, #tpu.memory_space<vmem>>) semaphore(%arg13 : memref<!tpu.dma_semaphore, #tpu.memory_space<semaphore_mem>>) {add = true}
      %add3A_537 = arith.constant 1 : i32
      %add3A_538 = arith.addi %mul3A_502, %add3A_537 : i32
      %dma_start3A_539 = arith.constant 0 : i32
      %dma_start3A_540 = tpu.memref_slice %arg7[%add3A_538, %dma_start3A_539] : memref<25x80xi32, #tpu.memory_space<vmem>> -> memref<1x80xi32, #tpu.memory_space<vmem>>
      %dma_start3A_541 = tpu.memref_squeeze %dma_start3A_540 : memref<1x80xi32, #tpu.memory_space<vmem>> -> memref<80xi32, #tpu.memory_space<vmem>>
      %dma_start3A_542 = arith.constant 0 : i32
      %dma_start3A_543 = arith.constant 0 : i32
      %dma_start3A_544 = tpu.memref_slice %arg10[%dma_start3A_542, %dma_start3A_543] : memref<10000x128xf32, #tpu.memory_space<vmem_shared>> -> memref<10000x128xf32, #tpu.memory_space<vmem_shared>>
      tpu.enqueue_indirect_dma source(%arg9 : memref<80x128xf32, #tpu.memory_space<vmem>>) target(%dma_start3A_544 : memref<10000x128xf32, #tpu.memory_space<vmem_shared>>) offsets(%dma_start3A_541 : memref<80xi32, #tpu.memory_space<vmem>>) semaphore(%arg14 : memref<!tpu.dma_semaphore, #tpu.memory_space<semaphore_mem>>) {add = true}
      %dma_wait3A_545 = arith.constant 0 : i32
      %dma_wait3A_546 = arith.constant 0 : i32
      %dma_wait3A_547 = tpu.memref_slice %arg7[%dma_wait3A_545, %dma_wait3A_546] : memref<25x80xi32, #tpu.memory_space<vmem>> -> memref<1x80xi32, #tpu.memory_space<vmem>>
      %dma_wait3A_548 = tpu.memref_squeeze %dma_wait3A_547 : memref<1x80xi32, #tpu.memory_space<vmem>> -> memref<80xi32, #tpu.memory_space<vmem>>
      %dma_wait3A_549 = arith.constant 0 : i32
      %dma_wait3A_550 = arith.constant 0 : i32
      %dma_wait3A_551 = tpu.memref_slice %arg10[%dma_wait3A_549, %dma_wait3A_550] : memref<10000x128xf32, #tpu.memory_space<vmem_shared>> -> memref<10000x128xf32, #tpu.memory_space<vmem_shared>>
      tpu.wait_indirect_dma semaphore(%arg13 : memref<!tpu.dma_semaphore, #tpu.memory_space<semaphore_mem>>) src(%arg8 : memref<80x128xf32, #tpu.memory_space<vmem>>) dst(%dma_wait3A_551 : memref<10000x128xf32, #tpu.memory_space<vmem_shared>>)
      %dma_wait3A_552 = arith.constant 0 : i32
      %dma_wait3A_553 = arith.constant 0 : i32
      %dma_wait3A_554 = tpu.memref_slice %arg7[%dma_wait3A_552, %dma_wait3A_553] : memref<25x80xi32, #tpu.memory_space<vmem>> -> memref<1x80xi32, #tpu.memory_space<vmem>>
      %dma_wait3A_555 = tpu.memref_squeeze %dma_wait3A_554 : memref<1x80xi32, #tpu.memory_space<vmem>> -> memref<80xi32, #tpu.memory_space<vmem>>
      %dma_wait3A_556 = arith.constant 0 : i32
      %dma_wait3A_557 = arith.constant 0 : i32
      %dma_wait3A_558 = tpu.memref_slice %arg10[%dma_wait3A_556, %dma_wait3A_557] : memref<10000x128xf32, #tpu.memory_space<vmem_shared>> -> memref<10000x128xf32, #tpu.memory_space<vmem_shared>>
      tpu.wait_indirect_dma semaphore(%arg14 : memref<!tpu.dma_semaphore, #tpu.memory_space<semaphore_mem>>) src(%arg9 : memref<80x128xf32, #tpu.memory_space<vmem>>) dst(%dma_wait3A_558 : memref<10000x128xf32, #tpu.memory_space<vmem_shared>>)
    }
    %scan3A_122 = arith.constant 12 : i32
    %dma_start3A = arith.constant 24 : i32
    %dma_start3A_123 = arith.constant 0 : i32
    %dma_start3A_124 = tpu.memref_slice %arg6[%dma_start3A, %dma_start3A_123] : memref<25x80xi32, #tpu.memory_space<vmem>> -> memref<1x80xi32, #tpu.memory_space<vmem>>
    %dma_start3A_125 = tpu.memref_squeeze %dma_start3A_124 : memref<1x80xi32, #tpu.memory_space<vmem>> -> memref<80xi32, #tpu.memory_space<vmem>>
    %dma_start3A_126 = arith.constant 0 : i32
    %dma_start3A_127 = arith.constant 0 : i32
    %dma_start3A_128 = tpu.memref_slice %arg2[%dma_start3A_126, %dma_start3A_127] : memref<10000x128xf32, #tpu.memory_space<hbm>> -> memref<10000x128xf32, #tpu.memory_space<hbm>>
    tpu.enqueue_indirect_dma source(%dma_start3A_128 : memref<10000x128xf32, #tpu.memory_space<hbm>>) target(%arg8 : memref<80x128xf32, #tpu.memory_space<vmem>>) offsets(%dma_start3A_125 : memref<80xi32, #tpu.memory_space<vmem>>) semaphore(%arg11 : memref<!tpu.dma_semaphore, #tpu.memory_space<semaphore_mem>>)
    %dma_wait3A = arith.constant 0 : i32
    %dma_wait3A_129 = arith.constant 0 : i32
    %dma_wait3A_130 = tpu.memref_slice %arg6[%dma_wait3A, %dma_wait3A_129] : memref<25x80xi32, #tpu.memory_space<vmem>> -> memref<1x80xi32, #tpu.memory_space<vmem>>
    %dma_wait3A_131 = tpu.memref_squeeze %dma_wait3A_130 : memref<1x80xi32, #tpu.memory_space<vmem>> -> memref<80xi32, #tpu.memory_space<vmem>>
    %dma_wait3A_132 = arith.constant 0 : i32
    %dma_wait3A_133 = arith.constant 0 : i32
    %dma_wait3A_134 = tpu.memref_slice %arg2[%dma_wait3A_132, %dma_wait3A_133] : memref<10000x128xf32, #tpu.memory_space<hbm>> -> memref<10000x128xf32, #tpu.memory_space<hbm>>
    tpu.wait_indirect_dma semaphore(%arg11 : memref<!tpu.dma_semaphore, #tpu.memory_space<semaphore_mem>>) src(%dma_wait3A_134 : memref<10000x128xf32, #tpu.memory_space<hbm>>) dst(%arg8 : memref<80x128xf32, #tpu.memory_space<vmem>>)
    %dma_start3A_135 = arith.constant 24 : i32
    %dma_start3A_136 = arith.constant 0 : i32
    %dma_start3A_137 = tpu.memref_slice %arg7[%dma_start3A_135, %dma_start3A_136] : memref<25x80xi32, #tpu.memory_space<vmem>> -> memref<1x80xi32, #tpu.memory_space<vmem>>
    %dma_start3A_138 = tpu.memref_squeeze %dma_start3A_137 : memref<1x80xi32, #tpu.memory_space<vmem>> -> memref<80xi32, #tpu.memory_space<vmem>>
    %dma_start3A_139 = arith.constant 0 : i32
    %dma_start3A_140 = arith.constant 0 : i32
    %dma_start3A_141 = tpu.memref_slice %arg10[%dma_start3A_139, %dma_start3A_140] : memref<10000x128xf32, #tpu.memory_space<vmem_shared>> -> memref<10000x128xf32, #tpu.memory_space<vmem_shared>>
    tpu.enqueue_indirect_dma source(%arg8 : memref<80x128xf32, #tpu.memory_space<vmem>>) target(%dma_start3A_141 : memref<10000x128xf32, #tpu.memory_space<vmem_shared>>) offsets(%dma_start3A_138 : memref<80xi32, #tpu.memory_space<vmem>>) semaphore(%arg13 : memref<!tpu.dma_semaphore, #tpu.memory_space<semaphore_mem>>) {add = true}
    %dma_wait3A_142 = arith.constant 0 : i32
    %dma_wait3A_143 = arith.constant 0 : i32
    %dma_wait3A_144 = tpu.memref_slice %arg7[%dma_wait3A_142, %dma_wait3A_143] : memref<25x80xi32, #tpu.memory_space<vmem>> -> memref<1x80xi32, #tpu.memory_space<vmem>>
    %dma_wait3A_145 = tpu.memref_squeeze %dma_wait3A_144 : memref<1x80xi32, #tpu.memory_space<vmem>> -> memref<80xi32, #tpu.memory_space<vmem>>
    %dma_wait3A_146 = arith.constant 0 : i32
    %dma_wait3A_147 = arith.constant 0 : i32
    %dma_wait3A_148 = tpu.memref_slice %arg10[%dma_wait3A_146, %dma_wait3A_147] : memref<10000x128xf32, #tpu.memory_space<vmem_shared>> -> memref<10000x128xf32, #tpu.memory_space<vmem_shared>>
    tpu.wait_indirect_dma semaphore(%arg13 : memref<!tpu.dma_semaphore, #tpu.memory_space<semaphore_mem>>) src(%arg8 : memref<80x128xf32, #tpu.memory_space<vmem>>) dst(%dma_wait3A_148 : memref<10000x128xf32, #tpu.memory_space<vmem_shared>>)
    %run_scoped3A_149 = arith.constant 1 : i32
    "tpu.region"() ({
      %run_scoped3A_500 = tpu.sem_alloc : memref<!tpu.dma_semaphore, #tpu.memory_space<semaphore_mem>>
      %dma_start3A_501 = arith.constant 0 : i32
      %dma_start3A_502 = arith.constant 0 : i32
      %dma_start3A_503 = tpu.memref_slice %arg3[%add3A, %run_scoped3A_149, %dma_start3A_501, %dma_start3A_502] : memref<32x5x25x80xi32, #tpu.memory_space<hbm>> -> memref<1x1x25x80xi32, #tpu.memory_space<hbm>>
      %dma_start3A_504 = tpu.memref_squeeze %dma_start3A_503 : memref<1x1x25x80xi32, #tpu.memory_space<hbm>> -> memref<25x80xi32, #tpu.memory_space<hbm>>
      %dma_start3A_505 = arith.constant 0 : i32
      %dma_start3A_506 = arith.constant 0 : i32
      %dma_start3A_507 = tpu.memref_slice %arg3[%add3A, %run_scoped3A_149, %dma_start3A_505, %dma_start3A_506] : memref<32x5x25x80xi32, #tpu.memory_space<hbm>> -> memref<1x1x25x80xi32, #tpu.memory_space<hbm>>
      %dma_start3A_508 = tpu.memref_squeeze %dma_start3A_507 : memref<1x1x25x80xi32, #tpu.memory_space<hbm>> -> memref<25x80xi32, #tpu.memory_space<hbm>>
      tpu.enqueue_dma source(%dma_start3A_508 : memref<25x80xi32, #tpu.memory_space<hbm>>) target(%arg6 : memref<25x80xi32, #tpu.memory_space<vmem>>) target_semaphore(%run_scoped3A_500 : memref<!tpu.dma_semaphore, #tpu.memory_space<semaphore_mem>>)
      %dma_wait3A_509 = arith.constant 0 : i32
      %dma_wait3A_510 = arith.constant 0 : i32
      %dma_wait3A_511 = tpu.memref_slice %arg3[%add3A, %run_scoped3A_149, %dma_wait3A_509, %dma_wait3A_510] : memref<32x5x25x80xi32, #tpu.memory_space<hbm>> -> memref<1x1x25x80xi32, #tpu.memory_space<hbm>>
      %dma_wait3A_512 = tpu.memref_squeeze %dma_wait3A_511 : memref<1x1x25x80xi32, #tpu.memory_space<hbm>> -> memref<25x80xi32, #tpu.memory_space<hbm>>
      %dma_wait3A_513 = arith.constant 0 : i32
      %dma_wait3A_514 = arith.constant 0 : i32
      %dma_wait3A_515 = tpu.memref_slice %arg3[%add3A, %run_scoped3A_149, %dma_wait3A_513, %dma_wait3A_514] : memref<32x5x25x80xi32, #tpu.memory_space<hbm>> -> memref<1x1x25x80xi32, #tpu.memory_space<hbm>>
      %dma_wait3A_516 = tpu.memref_squeeze %dma_wait3A_515 : memref<1x1x25x80xi32, #tpu.memory_space<hbm>> -> memref<25x80xi32, #tpu.memory_space<hbm>>
      tpu.wait_dma2 semaphore(%run_scoped3A_500 : memref<!tpu.dma_semaphore, #tpu.memory_space<semaphore_mem>>) src(%dma_wait3A_516 : memref<25x80xi32, #tpu.memory_space<hbm>>) dst(%arg6 : memref<25x80xi32, #tpu.memory_space<vmem>>)
      tpu.yield
    }) : () -> ()
    %run_scoped3A_150 = arith.constant 1 : i32
    "tpu.region"() ({
      %run_scoped3A_500 = tpu.sem_alloc : memref<!tpu.dma_semaphore, #tpu.memory_space<semaphore_mem>>
      %dma_start3A_501 = arith.constant 0 : i32
      %dma_start3A_502 = arith.constant 0 : i32
      %dma_start3A_503 = tpu.memref_slice %arg4[%add3A, %run_scoped3A_150, %dma_start3A_501, %dma_start3A_502] : memref<32x5x25x80xi32, #tpu.memory_space<hbm>> -> memref<1x1x25x80xi32, #tpu.memory_space<hbm>>
      %dma_start3A_504 = tpu.memref_squeeze %dma_start3A_503 : memref<1x1x25x80xi32, #tpu.memory_space<hbm>> -> memref<25x80xi32, #tpu.memory_space<hbm>>
      %dma_start3A_505 = arith.constant 0 : i32
      %dma_start3A_506 = arith.constant 0 : i32
      %dma_start3A_507 = tpu.memref_slice %arg4[%add3A, %run_scoped3A_150, %dma_start3A_505, %dma_start3A_506] : memref<32x5x25x80xi32, #tpu.memory_space<hbm>> -> memref<1x1x25x80xi32, #tpu.memory_space<hbm>>
      %dma_start3A_508 = tpu.memref_squeeze %dma_start3A_507 : memref<1x1x25x80xi32, #tpu.memory_space<hbm>> -> memref<25x80xi32, #tpu.memory_space<hbm>>
      tpu.enqueue_dma source(%dma_start3A_508 : memref<25x80xi32, #tpu.memory_space<hbm>>) target(%arg7 : memref<25x80xi32, #tpu.memory_space<vmem>>) target_semaphore(%run_scoped3A_500 : memref<!tpu.dma_semaphore, #tpu.memory_space<semaphore_mem>>)
      %dma_wait3A_509 = arith.constant 0 : i32
      %dma_wait3A_510 = arith.constant 0 : i32
      %dma_wait3A_511 = tpu.memref_slice %arg4[%add3A, %run_scoped3A_150, %dma_wait3A_509, %dma_wait3A_510] : memref<32x5x25x80xi32, #tpu.memory_space<hbm>> -> memref<1x1x25x80xi32, #tpu.memory_space<hbm>>
      %dma_wait3A_512 = tpu.memref_squeeze %dma_wait3A_511 : memref<1x1x25x80xi32, #tpu.memory_space<hbm>> -> memref<25x80xi32, #tpu.memory_space<hbm>>
      %dma_wait3A_513 = arith.constant 0 : i32
      %dma_wait3A_514 = arith.constant 0 : i32
      %dma_wait3A_515 = tpu.memref_slice %arg4[%add3A, %run_scoped3A_150, %dma_wait3A_513, %dma_wait3A_514] : memref<32x5x25x80xi32, #tpu.memory_space<hbm>> -> memref<1x1x25x80xi32, #tpu.memory_space<hbm>>
      %dma_wait3A_516 = tpu.memref_squeeze %dma_wait3A_515 : memref<1x1x25x80xi32, #tpu.memory_space<hbm>> -> memref<25x80xi32, #tpu.memory_space<hbm>>
      tpu.wait_dma2 semaphore(%run_scoped3A_500 : memref<!tpu.dma_semaphore, #tpu.memory_space<semaphore_mem>>) src(%dma_wait3A_516 : memref<25x80xi32, #tpu.memory_space<hbm>>) dst(%arg7 : memref<25x80xi32, #tpu.memory_space<vmem>>)
      tpu.yield
    }) : () -> ()
    %scan3A_151 = arith.constant 0 : i32
    %scan3A_152 = arith.constant 0 : i32
    %scan3A_153 = arith.constant 12 : i32
    %scan3A_154 = arith.addi %scan3A_152, %scan3A_153 : i32
    %scan3A_155 = arith.constant 1 : i32
    scf.for %scan3A_500 = %scan3A_152 to %scan3A_154 step %scan3A_155  : i32 {
      %mul3A_501 = arith.constant 2 : i32
      %mul3A_502 = arith.muli %mul3A_501, %scan3A_500 : i32
      %dma_start3A_503 = arith.constant 0 : i32
      %dma_start3A_504 = tpu.memref_slice %arg6[%mul3A_502, %dma_start3A_503] : memref<25x80xi32, #tpu.memory_space<vmem>> -> memref<1x80xi32, #tpu.memory_space<vmem>>
      %dma_start3A_505 = tpu.memref_squeeze %dma_start3A_504 : memref<1x80xi32, #tpu.memory_space<vmem>> -> memref<80xi32, #tpu.memory_space<vmem>>
      %dma_start3A_506 = arith.constant 0 : i32
      %dma_start3A_507 = arith.constant 0 : i32
      %dma_start3A_508 = tpu.memref_slice %arg2[%dma_start3A_506, %dma_start3A_507] : memref<10000x128xf32, #tpu.memory_space<hbm>> -> memref<10000x128xf32, #tpu.memory_space<hbm>>
      tpu.enqueue_indirect_dma source(%dma_start3A_508 : memref<10000x128xf32, #tpu.memory_space<hbm>>) target(%arg8 : memref<80x128xf32, #tpu.memory_space<vmem>>) offsets(%dma_start3A_505 : memref<80xi32, #tpu.memory_space<vmem>>) semaphore(%arg11 : memref<!tpu.dma_semaphore, #tpu.memory_space<semaphore_mem>>)
      %add3A_509 = arith.constant 1 : i32
      %add3A_510 = arith.addi %mul3A_502, %add3A_509 : i32
      %dma_start3A_511 = arith.constant 0 : i32
      %dma_start3A_512 = tpu.memref_slice %arg6[%add3A_510, %dma_start3A_511] : memref<25x80xi32, #tpu.memory_space<vmem>> -> memref<1x80xi32, #tpu.memory_space<vmem>>
      %dma_start3A_513 = tpu.memref_squeeze %dma_start3A_512 : memref<1x80xi32, #tpu.memory_space<vmem>> -> memref<80xi32, #tpu.memory_space<vmem>>
      %dma_start3A_514 = arith.constant 0 : i32
      %dma_start3A_515 = arith.constant 0 : i32
      %dma_start3A_516 = tpu.memref_slice %arg2[%dma_start3A_514, %dma_start3A_515] : memref<10000x128xf32, #tpu.memory_space<hbm>> -> memref<10000x128xf32, #tpu.memory_space<hbm>>
      tpu.enqueue_indirect_dma source(%dma_start3A_516 : memref<10000x128xf32, #tpu.memory_space<hbm>>) target(%arg9 : memref<80x128xf32, #tpu.memory_space<vmem>>) offsets(%dma_start3A_513 : memref<80xi32, #tpu.memory_space<vmem>>) semaphore(%arg12 : memref<!tpu.dma_semaphore, #tpu.memory_space<semaphore_mem>>)
      %dma_wait3A_517 = arith.constant 0 : i32
      %dma_wait3A_518 = arith.constant 0 : i32
      %dma_wait3A_519 = tpu.memref_slice %arg6[%dma_wait3A_517, %dma_wait3A_518] : memref<25x80xi32, #tpu.memory_space<vmem>> -> memref<1x80xi32, #tpu.memory_space<vmem>>
      %dma_wait3A_520 = tpu.memref_squeeze %dma_wait3A_519 : memref<1x80xi32, #tpu.memory_space<vmem>> -> memref<80xi32, #tpu.memory_space<vmem>>
      %dma_wait3A_521 = arith.constant 0 : i32
      %dma_wait3A_522 = arith.constant 0 : i32
      %dma_wait3A_523 = tpu.memref_slice %arg2[%dma_wait3A_521, %dma_wait3A_522] : memref<10000x128xf32, #tpu.memory_space<hbm>> -> memref<10000x128xf32, #tpu.memory_space<hbm>>
      tpu.wait_indirect_dma semaphore(%arg11 : memref<!tpu.dma_semaphore, #tpu.memory_space<semaphore_mem>>) src(%dma_wait3A_523 : memref<10000x128xf32, #tpu.memory_space<hbm>>) dst(%arg8 : memref<80x128xf32, #tpu.memory_space<vmem>>)
      %dma_wait3A_524 = arith.constant 0 : i32
      %dma_wait3A_525 = arith.constant 0 : i32
      %dma_wait3A_526 = tpu.memref_slice %arg6[%dma_wait3A_524, %dma_wait3A_525] : memref<25x80xi32, #tpu.memory_space<vmem>> -> memref<1x80xi32, #tpu.memory_space<vmem>>
      %dma_wait3A_527 = tpu.memref_squeeze %dma_wait3A_526 : memref<1x80xi32, #tpu.memory_space<vmem>> -> memref<80xi32, #tpu.memory_space<vmem>>
      %dma_wait3A_528 = arith.constant 0 : i32
      %dma_wait3A_529 = arith.constant 0 : i32
      %dma_wait3A_530 = tpu.memref_slice %arg2[%dma_wait3A_528, %dma_wait3A_529] : memref<10000x128xf32, #tpu.memory_space<hbm>> -> memref<10000x128xf32, #tpu.memory_space<hbm>>
      tpu.wait_indirect_dma semaphore(%arg12 : memref<!tpu.dma_semaphore, #tpu.memory_space<semaphore_mem>>) src(%dma_wait3A_530 : memref<10000x128xf32, #tpu.memory_space<hbm>>) dst(%arg9 : memref<80x128xf32, #tpu.memory_space<vmem>>)
      %dma_start3A_531 = arith.constant 0 : i32
      %dma_start3A_532 = tpu.memref_slice %arg7[%mul3A_502, %dma_start3A_531] : memref<25x80xi32, #tpu.memory_space<vmem>> -> memref<1x80xi32, #tpu.memory_space<vmem>>
      %dma_start3A_533 = tpu.memref_squeeze %dma_start3A_532 : memref<1x80xi32, #tpu.memory_space<vmem>> -> memref<80xi32, #tpu.memory_space<vmem>>
      %dma_start3A_534 = arith.constant 0 : i32
      %dma_start3A_535 = arith.constant 0 : i32
      %dma_start3A_536 = tpu.memref_slice %arg10[%dma_start3A_534, %dma_start3A_535] : memref<10000x128xf32, #tpu.memory_space<vmem_shared>> -> memref<10000x128xf32, #tpu.memory_space<vmem_shared>>
      tpu.enqueue_indirect_dma source(%arg8 : memref<80x128xf32, #tpu.memory_space<vmem>>) target(%dma_start3A_536 : memref<10000x128xf32, #tpu.memory_space<vmem_shared>>) offsets(%dma_start3A_533 : memref<80xi32, #tpu.memory_space<vmem>>) semaphore(%arg13 : memref<!tpu.dma_semaphore, #tpu.memory_space<semaphore_mem>>) {add = true}
      %add3A_537 = arith.constant 1 : i32
      %add3A_538 = arith.addi %mul3A_502, %add3A_537 : i32
      %dma_start3A_539 = arith.constant 0 : i32
      %dma_start3A_540 = tpu.memref_slice %arg7[%add3A_538, %dma_start3A_539] : memref<25x80xi32, #tpu.memory_space<vmem>> -> memref<1x80xi32, #tpu.memory_space<vmem>>
      %dma_start3A_541 = tpu.memref_squeeze %dma_start3A_540 : memref<1x80xi32, #tpu.memory_space<vmem>> -> memref<80xi32, #tpu.memory_space<vmem>>
      %dma_start3A_542 = arith.constant 0 : i32
      %dma_start3A_543 = arith.constant 0 : i32
      %dma_start3A_544 = tpu.memref_slice %arg10[%dma_start3A_542, %dma_start3A_543] : memref<10000x128xf32, #tpu.memory_space<vmem_shared>> -> memref<10000x128xf32, #tpu.memory_space<vmem_shared>>
      tpu.enqueue_indirect_dma source(%arg9 : memref<80x128xf32, #tpu.memory_space<vmem>>) target(%dma_start3A_544 : memref<10000x128xf32, #tpu.memory_space<vmem_shared>>) offsets(%dma_start3A_541 : memref<80xi32, #tpu.memory_space<vmem>>) semaphore(%arg14 : memref<!tpu.dma_semaphore, #tpu.memory_space<semaphore_mem>>) {add = true}
      %dma_wait3A_545 = arith.constant 0 : i32
      %dma_wait3A_546 = arith.constant 0 : i32
      %dma_wait3A_547 = tpu.memref_slice %arg7[%dma_wait3A_545, %dma_wait3A_546] : memref<25x80xi32, #tpu.memory_space<vmem>> -> memref<1x80xi32, #tpu.memory_space<vmem>>
      %dma_wait3A_548 = tpu.memref_squeeze %dma_wait3A_547 : memref<1x80xi32, #tpu.memory_space<vmem>> -> memref<80xi32, #tpu.memory_space<vmem>>
      %dma_wait3A_549 = arith.constant 0 : i32
      %dma_wait3A_550 = arith.constant 0 : i32
      %dma_wait3A_551 = tpu.memref_slice %arg10[%dma_wait3A_549, %dma_wait3A_550] : memref<10000x128xf32, #tpu.memory_space<vmem_shared>> -> memref<10000x128xf32, #tpu.memory_space<vmem_shared>>
      tpu.wait_indirect_dma semaphore(%arg13 : memref<!tpu.dma_semaphore, #tpu.memory_space<semaphore_mem>>) src(%arg8 : memref<80x128xf32, #tpu.memory_space<vmem>>) dst(%dma_wait3A_551 : memref<10000x128xf32, #tpu.memory_space<vmem_shared>>)
      %dma_wait3A_552 = arith.constant 0 : i32
      %dma_wait3A_553 = arith.constant 0 : i32
      %dma_wait3A_554 = tpu.memref_slice %arg7[%dma_wait3A_552, %dma_wait3A_553] : memref<25x80xi32, #tpu.memory_space<vmem>> -> memref<1x80xi32, #tpu.memory_space<vmem>>
      %dma_wait3A_555 = tpu.memref_squeeze %dma_wait3A_554 : memref<1x80xi32, #tpu.memory_space<vmem>> -> memref<80xi32, #tpu.memory_space<vmem>>
      %dma_wait3A_556 = arith.constant 0 : i32
      %dma_wait3A_557 = arith.constant 0 : i32
      %dma_wait3A_558 = tpu.memref_slice %arg10[%dma_wait3A_556, %dma_wait3A_557] : memref<10000x128xf32, #tpu.memory_space<vmem_shared>> -> memref<10000x128xf32, #tpu.memory_space<vmem_shared>>
      tpu.wait_indirect_dma semaphore(%arg14 : memref<!tpu.dma_semaphore, #tpu.memory_space<semaphore_mem>>) src(%arg9 : memref<80x128xf32, #tpu.memory_space<vmem>>) dst(%dma_wait3A_558 : memref<10000x128xf32, #tpu.memory_space<vmem_shared>>)
    }
    %scan3A_156 = arith.constant 12 : i32
    %dma_start3A_157 = arith.constant 24 : i32
    %dma_start3A_158 = arith.constant 0 : i32
    %dma_start3A_159 = tpu.memref_slice %arg6[%dma_start3A_157, %dma_start3A_158] : memref<25x80xi32, #tpu.memory_space<vmem>> -> memref<1x80xi32, #tpu.memory_space<vmem>>
    %dma_start3A_160 = tpu.memref_squeeze %dma_start3A_159 : memref<1x80xi32, #tpu.memory_space<vmem>> -> memref<80xi32, #tpu.memory_space<vmem>>
    %dma_start3A_161 = arith.constant 0 : i32
    %dma_start3A_162 = arith.constant 0 : i32
    %dma_start3A_163 = tpu.memref_slice %arg2[%dma_start3A_161, %dma_start3A_162] : memref<10000x128xf32, #tpu.memory_space<hbm>> -> memref<10000x128xf32, #tpu.memory_space<hbm>>
    tpu.enqueue_indirect_dma source(%dma_start3A_163 : memref<10000x128xf32, #tpu.memory_space<hbm>>) target(%arg8 : memref<80x128xf32, #tpu.memory_space<vmem>>) offsets(%dma_start3A_160 : memref<80xi32, #tpu.memory_space<vmem>>) semaphore(%arg11 : memref<!tpu.dma_semaphore, #tpu.memory_space<semaphore_mem>>)
    %dma_wait3A_164 = arith.constant 0 : i32
    %dma_wait3A_165 = arith.constant 0 : i32
    %dma_wait3A_166 = tpu.memref_slice %arg6[%dma_wait3A_164, %dma_wait3A_165] : memref<25x80xi32, #tpu.memory_space<vmem>> -> memref<1x80xi32, #tpu.memory_space<vmem>>
    %dma_wait3A_167 = tpu.memref_squeeze %dma_wait3A_166 : memref<1x80xi32, #tpu.memory_space<vmem>> -> memref<80xi32, #tpu.memory_space<vmem>>
    %dma_wait3A_168 = arith.constant 0 : i32
    %dma_wait3A_169 = arith.constant 0 : i32
    %dma_wait3A_170 = tpu.memref_slice %arg2[%dma_wait3A_168, %dma_wait3A_169] : memref<10000x128xf32, #tpu.memory_space<hbm>> -> memref<10000x128xf32, #tpu.memory_space<hbm>>
    tpu.wait_indirect_dma semaphore(%arg11 : memref<!tpu.dma_semaphore, #tpu.memory_space<semaphore_mem>>) src(%dma_wait3A_170 : memref<10000x128xf32, #tpu.memory_space<hbm>>) dst(%arg8 : memref<80x128xf32, #tpu.memory_space<vmem>>)
    %dma_start3A_171 = arith.constant 24 : i32
    %dma_start3A_172 = arith.constant 0 : i32
    %dma_start3A_173 = tpu.memref_slice %arg7[%dma_start3A_171, %dma_start3A_172] : memref<25x80xi32, #tpu.memory_space<vmem>> -> memref<1x80xi32, #tpu.memory_space<vmem>>
    %dma_start3A_174 = tpu.memref_squeeze %dma_start3A_173 : memref<1x80xi32, #tpu.memory_space<vmem>> -> memref<80xi32, #tpu.memory_space<vmem>>
    %dma_start3A_175 = arith.constant 0 : i32
    %dma_start3A_176 = arith.constant 0 : i32
    %dma_start3A_177 = tpu.memref_slice %arg10[%dma_start3A_175, %dma_start3A_176] : memref<10000x128xf32, #tpu.memory_space<vmem_shared>> -> memref<10000x128xf32, #tpu.memory_space<vmem_shared>>
    tpu.enqueue_indirect_dma source(%arg8 : memref<80x128xf32, #tpu.memory_space<vmem>>) target(%dma_start3A_177 : memref<10000x128xf32, #tpu.memory_space<vmem_shared>>) offsets(%dma_start3A_174 : memref<80xi32, #tpu.memory_space<vmem>>) semaphore(%arg13 : memref<!tpu.dma_semaphore, #tpu.memory_space<semaphore_mem>>) {add = true}
    %dma_wait3A_178 = arith.constant 0 : i32
    %dma_wait3A_179 = arith.constant 0 : i32
    %dma_wait3A_180 = tpu.memref_slice %arg7[%dma_wait3A_178, %dma_wait3A_179] : memref<25x80xi32, #tpu.memory_space<vmem>> -> memref<1x80xi32, #tpu.memory_space<vmem>>
    %dma_wait3A_181 = tpu.memref_squeeze %dma_wait3A_180 : memref<1x80xi32, #tpu.memory_space<vmem>> -> memref<80xi32, #tpu.memory_space<vmem>>
    %dma_wait3A_182 = arith.constant 0 : i32
    %dma_wait3A_183 = arith.constant 0 : i32
    %dma_wait3A_184 = tpu.memref_slice %arg10[%dma_wait3A_182, %dma_wait3A_183] : memref<10000x128xf32, #tpu.memory_space<vmem_shared>> -> memref<10000x128xf32, #tpu.memory_space<vmem_shared>>
    tpu.wait_indirect_dma semaphore(%arg13 : memref<!tpu.dma_semaphore, #tpu.memory_space<semaphore_mem>>) src(%arg8 : memref<80x128xf32, #tpu.memory_space<vmem>>) dst(%dma_wait3A_184 : memref<10000x128xf32, #tpu.memory_space<vmem_shared>>)
    %run_scoped3A_185 = arith.constant 2 : i32
    "tpu.region"() ({
      %run_scoped3A_500 = tpu.sem_alloc : memref<!tpu.dma_semaphore, #tpu.memory_space<semaphore_mem>>
      %dma_start3A_501 = arith.constant 0 : i32
      %dma_start3A_502 = arith.constant 0 : i32
      %dma_start3A_503 = tpu.memref_slice %arg3[%add3A, %run_scoped3A_185, %dma_start3A_501, %dma_start3A_502] : memref<32x5x25x80xi32, #tpu.memory_space<hbm>> -> memref<1x1x25x80xi32, #tpu.memory_space<hbm>>
      %dma_start3A_504 = tpu.memref_squeeze %dma_start3A_503 : memref<1x1x25x80xi32, #tpu.memory_space<hbm>> -> memref<25x80xi32, #tpu.memory_space<hbm>>
      %dma_start3A_505 = arith.constant 0 : i32
      %dma_start3A_506 = arith.constant 0 : i32
      %dma_start3A_507 = tpu.memref_slice %arg3[%add3A, %run_scoped3A_185, %dma_start3A_505, %dma_start3A_506] : memref<32x5x25x80xi32, #tpu.memory_space<hbm>> -> memref<1x1x25x80xi32, #tpu.memory_space<hbm>>
      %dma_start3A_508 = tpu.memref_squeeze %dma_start3A_507 : memref<1x1x25x80xi32, #tpu.memory_space<hbm>> -> memref<25x80xi32, #tpu.memory_space<hbm>>
      tpu.enqueue_dma source(%dma_start3A_508 : memref<25x80xi32, #tpu.memory_space<hbm>>) target(%arg6 : memref<25x80xi32, #tpu.memory_space<vmem>>) target_semaphore(%run_scoped3A_500 : memref<!tpu.dma_semaphore, #tpu.memory_space<semaphore_mem>>)
      %dma_wait3A_509 = arith.constant 0 : i32
      %dma_wait3A_510 = arith.constant 0 : i32
      %dma_wait3A_511 = tpu.memref_slice %arg3[%add3A, %run_scoped3A_185, %dma_wait3A_509, %dma_wait3A_510] : memref<32x5x25x80xi32, #tpu.memory_space<hbm>> -> memref<1x1x25x80xi32, #tpu.memory_space<hbm>>
      %dma_wait3A_512 = tpu.memref_squeeze %dma_wait3A_511 : memref<1x1x25x80xi32, #tpu.memory_space<hbm>> -> memref<25x80xi32, #tpu.memory_space<hbm>>
      %dma_wait3A_513 = arith.constant 0 : i32
      %dma_wait3A_514 = arith.constant 0 : i32
      %dma_wait3A_515 = tpu.memref_slice %arg3[%add3A, %run_scoped3A_185, %dma_wait3A_513, %dma_wait3A_514] : memref<32x5x25x80xi32, #tpu.memory_space<hbm>> -> memref<1x1x25x80xi32, #tpu.memory_space<hbm>>
      %dma_wait3A_516 = tpu.memref_squeeze %dma_wait3A_515 : memref<1x1x25x80xi32, #tpu.memory_space<hbm>> -> memref<25x80xi32, #tpu.memory_space<hbm>>
      tpu.wait_dma2 semaphore(%run_scoped3A_500 : memref<!tpu.dma_semaphore, #tpu.memory_space<semaphore_mem>>) src(%dma_wait3A_516 : memref<25x80xi32, #tpu.memory_space<hbm>>) dst(%arg6 : memref<25x80xi32, #tpu.memory_space<vmem>>)
      tpu.yield
    }) : () -> ()
    %run_scoped3A_186 = arith.constant 2 : i32
    "tpu.region"() ({
      %run_scoped3A_500 = tpu.sem_alloc : memref<!tpu.dma_semaphore, #tpu.memory_space<semaphore_mem>>
      %dma_start3A_501 = arith.constant 0 : i32
      %dma_start3A_502 = arith.constant 0 : i32
      %dma_start3A_503 = tpu.memref_slice %arg4[%add3A, %run_scoped3A_186, %dma_start3A_501, %dma_start3A_502] : memref<32x5x25x80xi32, #tpu.memory_space<hbm>> -> memref<1x1x25x80xi32, #tpu.memory_space<hbm>>
      %dma_start3A_504 = tpu.memref_squeeze %dma_start3A_503 : memref<1x1x25x80xi32, #tpu.memory_space<hbm>> -> memref<25x80xi32, #tpu.memory_space<hbm>>
      %dma_start3A_505 = arith.constant 0 : i32
      %dma_start3A_506 = arith.constant 0 : i32
      %dma_start3A_507 = tpu.memref_slice %arg4[%add3A, %run_scoped3A_186, %dma_start3A_505, %dma_start3A_506] : memref<32x5x25x80xi32, #tpu.memory_space<hbm>> -> memref<1x1x25x80xi32, #tpu.memory_space<hbm>>
      %dma_start3A_508 = tpu.memref_squeeze %dma_start3A_507 : memref<1x1x25x80xi32, #tpu.memory_space<hbm>> -> memref<25x80xi32, #tpu.memory_space<hbm>>
      tpu.enqueue_dma source(%dma_start3A_508 : memref<25x80xi32, #tpu.memory_space<hbm>>) target(%arg7 : memref<25x80xi32, #tpu.memory_space<vmem>>) target_semaphore(%run_scoped3A_500 : memref<!tpu.dma_semaphore, #tpu.memory_space<semaphore_mem>>)
      %dma_wait3A_509 = arith.constant 0 : i32
      %dma_wait3A_510 = arith.constant 0 : i32
      %dma_wait3A_511 = tpu.memref_slice %arg4[%add3A, %run_scoped3A_186, %dma_wait3A_509, %dma_wait3A_510] : memref<32x5x25x80xi32, #tpu.memory_space<hbm>> -> memref<1x1x25x80xi32, #tpu.memory_space<hbm>>
      %dma_wait3A_512 = tpu.memref_squeeze %dma_wait3A_511 : memref<1x1x25x80xi32, #tpu.memory_space<hbm>> -> memref<25x80xi32, #tpu.memory_space<hbm>>
      %dma_wait3A_513 = arith.constant 0 : i32
      %dma_wait3A_514 = arith.constant 0 : i32
      %dma_wait3A_515 = tpu.memref_slice %arg4[%add3A, %run_scoped3A_186, %dma_wait3A_513, %dma_wait3A_514] : memref<32x5x25x80xi32, #tpu.memory_space<hbm>> -> memref<1x1x25x80xi32, #tpu.memory_space<hbm>>
      %dma_wait3A_516 = tpu.memref_squeeze %dma_wait3A_515 : memref<1x1x25x80xi32, #tpu.memory_space<hbm>> -> memref<25x80xi32, #tpu.memory_space<hbm>>
      tpu.wait_dma2 semaphore(%run_scoped3A_500 : memref<!tpu.dma_semaphore, #tpu.memory_space<semaphore_mem>>) src(%dma_wait3A_516 : memref<25x80xi32, #tpu.memory_space<hbm>>) dst(%arg7 : memref<25x80xi32, #tpu.memory_space<vmem>>)
      tpu.yield
    }) : () -> ()
    %scan3A_187 = arith.constant 0 : i32
    %scan3A_188 = arith.constant 0 : i32
    %scan3A_189 = arith.constant 12 : i32
    %scan3A_190 = arith.addi %scan3A_188, %scan3A_189 : i32
    %scan3A_191 = arith.constant 1 : i32
    scf.for %scan3A_500 = %scan3A_188 to %scan3A_190 step %scan3A_191  : i32 {
      %mul3A_501 = arith.constant 2 : i32
      %mul3A_502 = arith.muli %mul3A_501, %scan3A_500 : i32
      %dma_start3A_503 = arith.constant 0 : i32
      %dma_start3A_504 = tpu.memref_slice %arg6[%mul3A_502, %dma_start3A_503] : memref<25x80xi32, #tpu.memory_space<vmem>> -> memref<1x80xi32, #tpu.memory_space<vmem>>
      %dma_start3A_505 = tpu.memref_squeeze %dma_start3A_504 : memref<1x80xi32, #tpu.memory_space<vmem>> -> memref<80xi32, #tpu.memory_space<vmem>>
      %dma_start3A_506 = arith.constant 0 : i32
      %dma_start3A_507 = arith.constant 0 : i32
      %dma_start3A_508 = tpu.memref_slice %arg2[%dma_start3A_506, %dma_start3A_507] : memref<10000x128xf32, #tpu.memory_space<hbm>> -> memref<10000x128xf32, #tpu.memory_space<hbm>>
      tpu.enqueue_indirect_dma source(%dma_start3A_508 : memref<10000x128xf32, #tpu.memory_space<hbm>>) target(%arg8 : memref<80x128xf32, #tpu.memory_space<vmem>>) offsets(%dma_start3A_505 : memref<80xi32, #tpu.memory_space<vmem>>) semaphore(%arg11 : memref<!tpu.dma_semaphore, #tpu.memory_space<semaphore_mem>>)
      %add3A_509 = arith.constant 1 : i32
      %add3A_510 = arith.addi %mul3A_502, %add3A_509 : i32
      %dma_start3A_511 = arith.constant 0 : i32
      %dma_start3A_512 = tpu.memref_slice %arg6[%add3A_510, %dma_start3A_511] : memref<25x80xi32, #tpu.memory_space<vmem>> -> memref<1x80xi32, #tpu.memory_space<vmem>>
      %dma_start3A_513 = tpu.memref_squeeze %dma_start3A_512 : memref<1x80xi32, #tpu.memory_space<vmem>> -> memref<80xi32, #tpu.memory_space<vmem>>
      %dma_start3A_514 = arith.constant 0 : i32
      %dma_start3A_515 = arith.constant 0 : i32
      %dma_start3A_516 = tpu.memref_slice %arg2[%dma_start3A_514, %dma_start3A_515] : memref<10000x128xf32, #tpu.memory_space<hbm>> -> memref<10000x128xf32, #tpu.memory_space<hbm>>
      tpu.enqueue_indirect_dma source(%dma_start3A_516 : memref<10000x128xf32, #tpu.memory_space<hbm>>) target(%arg9 : memref<80x128xf32, #tpu.memory_space<vmem>>) offsets(%dma_start3A_513 : memref<80xi32, #tpu.memory_space<vmem>>) semaphore(%arg12 : memref<!tpu.dma_semaphore, #tpu.memory_space<semaphore_mem>>)
      %dma_wait3A_517 = arith.constant 0 : i32
      %dma_wait3A_518 = arith.constant 0 : i32
      %dma_wait3A_519 = tpu.memref_slice %arg6[%dma_wait3A_517, %dma_wait3A_518] : memref<25x80xi32, #tpu.memory_space<vmem>> -> memref<1x80xi32, #tpu.memory_space<vmem>>
      %dma_wait3A_520 = tpu.memref_squeeze %dma_wait3A_519 : memref<1x80xi32, #tpu.memory_space<vmem>> -> memref<80xi32, #tpu.memory_space<vmem>>
      %dma_wait3A_521 = arith.constant 0 : i32
      %dma_wait3A_522 = arith.constant 0 : i32
      %dma_wait3A_523 = tpu.memref_slice %arg2[%dma_wait3A_521, %dma_wait3A_522] : memref<10000x128xf32, #tpu.memory_space<hbm>> -> memref<10000x128xf32, #tpu.memory_space<hbm>>
      tpu.wait_indirect_dma semaphore(%arg11 : memref<!tpu.dma_semaphore, #tpu.memory_space<semaphore_mem>>) src(%dma_wait3A_523 : memref<10000x128xf32, #tpu.memory_space<hbm>>) dst(%arg8 : memref<80x128xf32, #tpu.memory_space<vmem>>)
      %dma_wait3A_524 = arith.constant 0 : i32
      %dma_wait3A_525 = arith.constant 0 : i32
      %dma_wait3A_526 = tpu.memref_slice %arg6[%dma_wait3A_524, %dma_wait3A_525] : memref<25x80xi32, #tpu.memory_space<vmem>> -> memref<1x80xi32, #tpu.memory_space<vmem>>
      %dma_wait3A_527 = tpu.memref_squeeze %dma_wait3A_526 : memref<1x80xi32, #tpu.memory_space<vmem>> -> memref<80xi32, #tpu.memory_space<vmem>>
      %dma_wait3A_528 = arith.constant 0 : i32
      %dma_wait3A_529 = arith.constant 0 : i32
      %dma_wait3A_530 = tpu.memref_slice %arg2[%dma_wait3A_528, %dma_wait3A_529] : memref<10000x128xf32, #tpu.memory_space<hbm>> -> memref<10000x128xf32, #tpu.memory_space<hbm>>
      tpu.wait_indirect_dma semaphore(%arg12 : memref<!tpu.dma_semaphore, #tpu.memory_space<semaphore_mem>>) src(%dma_wait3A_530 : memref<10000x128xf32, #tpu.memory_space<hbm>>) dst(%arg9 : memref<80x128xf32, #tpu.memory_space<vmem>>)
      %dma_start3A_531 = arith.constant 0 : i32
      %dma_start3A_532 = tpu.memref_slice %arg7[%mul3A_502, %dma_start3A_531] : memref<25x80xi32, #tpu.memory_space<vmem>> -> memref<1x80xi32, #tpu.memory_space<vmem>>
      %dma_start3A_533 = tpu.memref_squeeze %dma_start3A_532 : memref<1x80xi32, #tpu.memory_space<vmem>> -> memref<80xi32, #tpu.memory_space<vmem>>
      %dma_start3A_534 = arith.constant 0 : i32
      %dma_start3A_535 = arith.constant 0 : i32
      %dma_start3A_536 = tpu.memref_slice %arg10[%dma_start3A_534, %dma_start3A_535] : memref<10000x128xf32, #tpu.memory_space<vmem_shared>> -> memref<10000x128xf32, #tpu.memory_space<vmem_shared>>
      tpu.enqueue_indirect_dma source(%arg8 : memref<80x128xf32, #tpu.memory_space<vmem>>) target(%dma_start3A_536 : memref<10000x128xf32, #tpu.memory_space<vmem_shared>>) offsets(%dma_start3A_533 : memref<80xi32, #tpu.memory_space<vmem>>) semaphore(%arg13 : memref<!tpu.dma_semaphore, #tpu.memory_space<semaphore_mem>>) {add = true}
      %add3A_537 = arith.constant 1 : i32
      %add3A_538 = arith.addi %mul3A_502, %add3A_537 : i32
      %dma_start3A_539 = arith.constant 0 : i32
      %dma_start3A_540 = tpu.memref_slice %arg7[%add3A_538, %dma_start3A_539] : memref<25x80xi32, #tpu.memory_space<vmem>> -> memref<1x80xi32, #tpu.memory_space<vmem>>
      %dma_start3A_541 = tpu.memref_squeeze %dma_start3A_540 : memref<1x80xi32, #tpu.memory_space<vmem>> -> memref<80xi32, #tpu.memory_space<vmem>>
      %dma_start3A_542 = arith.constant 0 : i32
      %dma_start3A_543 = arith.constant 0 : i32
      %dma_start3A_544 = tpu.memref_slice %arg10[%dma_start3A_542, %dma_start3A_543] : memref<10000x128xf32, #tpu.memory_space<vmem_shared>> -> memref<10000x128xf32, #tpu.memory_space<vmem_shared>>
      tpu.enqueue_indirect_dma source(%arg9 : memref<80x128xf32, #tpu.memory_space<vmem>>) target(%dma_start3A_544 : memref<10000x128xf32, #tpu.memory_space<vmem_shared>>) offsets(%dma_start3A_541 : memref<80xi32, #tpu.memory_space<vmem>>) semaphore(%arg14 : memref<!tpu.dma_semaphore, #tpu.memory_space<semaphore_mem>>) {add = true}
      %dma_wait3A_545 = arith.constant 0 : i32
      %dma_wait3A_546 = arith.constant 0 : i32
      %dma_wait3A_547 = tpu.memref_slice %arg7[%dma_wait3A_545, %dma_wait3A_546] : memref<25x80xi32, #tpu.memory_space<vmem>> -> memref<1x80xi32, #tpu.memory_space<vmem>>
      %dma_wait3A_548 = tpu.memref_squeeze %dma_wait3A_547 : memref<1x80xi32, #tpu.memory_space<vmem>> -> memref<80xi32, #tpu.memory_space<vmem>>
      %dma_wait3A_549 = arith.constant 0 : i32
      %dma_wait3A_550 = arith.constant 0 : i32
      %dma_wait3A_551 = tpu.memref_slice %arg10[%dma_wait3A_549, %dma_wait3A_550] : memref<10000x128xf32, #tpu.memory_space<vmem_shared>> -> memref<10000x128xf32, #tpu.memory_space<vmem_shared>>
      tpu.wait_indirect_dma semaphore(%arg13 : memref<!tpu.dma_semaphore, #tpu.memory_space<semaphore_mem>>) src(%arg8 : memref<80x128xf32, #tpu.memory_space<vmem>>) dst(%dma_wait3A_551 : memref<10000x128xf32, #tpu.memory_space<vmem_shared>>)
      %dma_wait3A_552 = arith.constant 0 : i32
      %dma_wait3A_553 = arith.constant 0 : i32
      %dma_wait3A_554 = tpu.memref_slice %arg7[%dma_wait3A_552, %dma_wait3A_553] : memref<25x80xi32, #tpu.memory_space<vmem>> -> memref<1x80xi32, #tpu.memory_space<vmem>>
      %dma_wait3A_555 = tpu.memref_squeeze %dma_wait3A_554 : memref<1x80xi32, #tpu.memory_space<vmem>> -> memref<80xi32, #tpu.memory_space<vmem>>
      %dma_wait3A_556 = arith.constant 0 : i32
      %dma_wait3A_557 = arith.constant 0 : i32
      %dma_wait3A_558 = tpu.memref_slice %arg10[%dma_wait3A_556, %dma_wait3A_557] : memref<10000x128xf32, #tpu.memory_space<vmem_shared>> -> memref<10000x128xf32, #tpu.memory_space<vmem_shared>>
      tpu.wait_indirect_dma semaphore(%arg14 : memref<!tpu.dma_semaphore, #tpu.memory_space<semaphore_mem>>) src(%arg9 : memref<80x128xf32, #tpu.memory_space<vmem>>) dst(%dma_wait3A_558 : memref<10000x128xf32, #tpu.memory_space<vmem_shared>>)
    }
    %scan3A_192 = arith.constant 12 : i32
    %dma_start3A_193 = arith.constant 24 : i32
    %dma_start3A_194 = arith.constant 0 : i32
    %dma_start3A_195 = tpu.memref_slice %arg6[%dma_start3A_193, %dma_start3A_194] : memref<25x80xi32, #tpu.memory_space<vmem>> -> memref<1x80xi32, #tpu.memory_space<vmem>>
    %dma_start3A_196 = tpu.memref_squeeze %dma_start3A_195 : memref<1x80xi32, #tpu.memory_space<vmem>> -> memref<80xi32, #tpu.memory_space<vmem>>
    %dma_start3A_197 = arith.constant 0 : i32
    %dma_start3A_198 = arith.constant 0 : i32
    %dma_start3A_199 = tpu.memref_slice %arg2[%dma_start3A_197, %dma_start3A_198] : memref<10000x128xf32, #tpu.memory_space<hbm>> -> memref<10000x128xf32, #tpu.memory_space<hbm>>
    tpu.enqueue_indirect_dma source(%dma_start3A_199 : memref<10000x128xf32, #tpu.memory_space<hbm>>) target(%arg8 : memref<80x128xf32, #tpu.memory_space<vmem>>) offsets(%dma_start3A_196 : memref<80xi32, #tpu.memory_space<vmem>>) semaphore(%arg11 : memref<!tpu.dma_semaphore, #tpu.memory_space<semaphore_mem>>)
    %dma_wait3A_200 = arith.constant 0 : i32
    %dma_wait3A_201 = arith.constant 0 : i32
    %dma_wait3A_202 = tpu.memref_slice %arg6[%dma_wait3A_200, %dma_wait3A_201] : memref<25x80xi32, #tpu.memory_space<vmem>> -> memref<1x80xi32, #tpu.memory_space<vmem>>
    %dma_wait3A_203 = tpu.memref_squeeze %dma_wait3A_202 : memref<1x80xi32, #tpu.memory_space<vmem>> -> memref<80xi32, #tpu.memory_space<vmem>>
    %dma_wait3A_204 = arith.constant 0 : i32
    %dma_wait3A_205 = arith.constant 0 : i32
    %dma_wait3A_206 = tpu.memref_slice %arg2[%dma_wait3A_204, %dma_wait3A_205] : memref<10000x128xf32, #tpu.memory_space<hbm>> -> memref<10000x128xf32, #tpu.memory_space<hbm>>
    tpu.wait_indirect_dma semaphore(%arg11 : memref<!tpu.dma_semaphore, #tpu.memory_space<semaphore_mem>>) src(%dma_wait3A_206 : memref<10000x128xf32, #tpu.memory_space<hbm>>) dst(%arg8 : memref<80x128xf32, #tpu.memory_space<vmem>>)
    %dma_start3A_207 = arith.constant 24 : i32
    %dma_start3A_208 = arith.constant 0 : i32
    %dma_start3A_209 = tpu.memref_slice %arg7[%dma_start3A_207, %dma_start3A_208] : memref<25x80xi32, #tpu.memory_space<vmem>> -> memref<1x80xi32, #tpu.memory_space<vmem>>
    %dma_start3A_210 = tpu.memref_squeeze %dma_start3A_209 : memref<1x80xi32, #tpu.memory_space<vmem>> -> memref<80xi32, #tpu.memory_space<vmem>>
    %dma_start3A_211 = arith.constant 0 : i32
    %dma_start3A_212 = arith.constant 0 : i32
    %dma_start3A_213 = tpu.memref_slice %arg10[%dma_start3A_211, %dma_start3A_212] : memref<10000x128xf32, #tpu.memory_space<vmem_shared>> -> memref<10000x128xf32, #tpu.memory_space<vmem_shared>>
    tpu.enqueue_indirect_dma source(%arg8 : memref<80x128xf32, #tpu.memory_space<vmem>>) target(%dma_start3A_213 : memref<10000x128xf32, #tpu.memory_space<vmem_shared>>) offsets(%dma_start3A_210 : memref<80xi32, #tpu.memory_space<vmem>>) semaphore(%arg13 : memref<!tpu.dma_semaphore, #tpu.memory_space<semaphore_mem>>) {add = true}
    %dma_wait3A_214 = arith.constant 0 : i32
    %dma_wait3A_215 = arith.constant 0 : i32
    %dma_wait3A_216 = tpu.memref_slice %arg7[%dma_wait3A_214, %dma_wait3A_215] : memref<25x80xi32, #tpu.memory_space<vmem>> -> memref<1x80xi32, #tpu.memory_space<vmem>>
    %dma_wait3A_217 = tpu.memref_squeeze %dma_wait3A_216 : memref<1x80xi32, #tpu.memory_space<vmem>> -> memref<80xi32, #tpu.memory_space<vmem>>
    %dma_wait3A_218 = arith.constant 0 : i32
    %dma_wait3A_219 = arith.constant 0 : i32
    %dma_wait3A_220 = tpu.memref_slice %arg10[%dma_wait3A_218, %dma_wait3A_219] : memref<10000x128xf32, #tpu.memory_space<vmem_shared>> -> memref<10000x128xf32, #tpu.memory_space<vmem_shared>>
    tpu.wait_indirect_dma semaphore(%arg13 : memref<!tpu.dma_semaphore, #tpu.memory_space<semaphore_mem>>) src(%arg8 : memref<80x128xf32, #tpu.memory_space<vmem>>) dst(%dma_wait3A_220 : memref<10000x128xf32, #tpu.memory_space<vmem_shared>>)
    %run_scoped3A_221 = arith.constant 3 : i32
    "tpu.region"() ({
      %run_scoped3A_500 = tpu.sem_alloc : memref<!tpu.dma_semaphore, #tpu.memory_space<semaphore_mem>>
      %dma_start3A_501 = arith.constant 0 : i32
      %dma_start3A_502 = arith.constant 0 : i32
      %dma_start3A_503 = tpu.memref_slice %arg3[%add3A, %run_scoped3A_221, %dma_start3A_501, %dma_start3A_502] : memref<32x5x25x80xi32, #tpu.memory_space<hbm>> -> memref<1x1x25x80xi32, #tpu.memory_space<hbm>>
      %dma_start3A_504 = tpu.memref_squeeze %dma_start3A_503 : memref<1x1x25x80xi32, #tpu.memory_space<hbm>> -> memref<25x80xi32, #tpu.memory_space<hbm>>
      %dma_start3A_505 = arith.constant 0 : i32
      %dma_start3A_506 = arith.constant 0 : i32
      %dma_start3A_507 = tpu.memref_slice %arg3[%add3A, %run_scoped3A_221, %dma_start3A_505, %dma_start3A_506] : memref<32x5x25x80xi32, #tpu.memory_space<hbm>> -> memref<1x1x25x80xi32, #tpu.memory_space<hbm>>
      %dma_start3A_508 = tpu.memref_squeeze %dma_start3A_507 : memref<1x1x25x80xi32, #tpu.memory_space<hbm>> -> memref<25x80xi32, #tpu.memory_space<hbm>>
      tpu.enqueue_dma source(%dma_start3A_508 : memref<25x80xi32, #tpu.memory_space<hbm>>) target(%arg6 : memref<25x80xi32, #tpu.memory_space<vmem>>) target_semaphore(%run_scoped3A_500 : memref<!tpu.dma_semaphore, #tpu.memory_space<semaphore_mem>>)
      %dma_wait3A_509 = arith.constant 0 : i32
      %dma_wait3A_510 = arith.constant 0 : i32
      %dma_wait3A_511 = tpu.memref_slice %arg3[%add3A, %run_scoped3A_221, %dma_wait3A_509, %dma_wait3A_510] : memref<32x5x25x80xi32, #tpu.memory_space<hbm>> -> memref<1x1x25x80xi32, #tpu.memory_space<hbm>>
      %dma_wait3A_512 = tpu.memref_squeeze %dma_wait3A_511 : memref<1x1x25x80xi32, #tpu.memory_space<hbm>> -> memref<25x80xi32, #tpu.memory_space<hbm>>
      %dma_wait3A_513 = arith.constant 0 : i32
      %dma_wait3A_514 = arith.constant 0 : i32
      %dma_wait3A_515 = tpu.memref_slice %arg3[%add3A, %run_scoped3A_221, %dma_wait3A_513, %dma_wait3A_514] : memref<32x5x25x80xi32, #tpu.memory_space<hbm>> -> memref<1x1x25x80xi32, #tpu.memory_space<hbm>>
      %dma_wait3A_516 = tpu.memref_squeeze %dma_wait3A_515 : memref<1x1x25x80xi32, #tpu.memory_space<hbm>> -> memref<25x80xi32, #tpu.memory_space<hbm>>
      tpu.wait_dma2 semaphore(%run_scoped3A_500 : memref<!tpu.dma_semaphore, #tpu.memory_space<semaphore_mem>>) src(%dma_wait3A_516 : memref<25x80xi32, #tpu.memory_space<hbm>>) dst(%arg6 : memref<25x80xi32, #tpu.memory_space<vmem>>)
      tpu.yield
    }) : () -> ()
    %run_scoped3A_222 = arith.constant 3 : i32
    "tpu.region"() ({
      %run_scoped3A_500 = tpu.sem_alloc : memref<!tpu.dma_semaphore, #tpu.memory_space<semaphore_mem>>
      %dma_start3A_501 = arith.constant 0 : i32
      %dma_start3A_502 = arith.constant 0 : i32
      %dma_start3A_503 = tpu.memref_slice %arg4[%add3A, %run_scoped3A_222, %dma_start3A_501, %dma_start3A_502] : memref<32x5x25x80xi32, #tpu.memory_space<hbm>> -> memref<1x1x25x80xi32, #tpu.memory_space<hbm>>
      %dma_start3A_504 = tpu.memref_squeeze %dma_start3A_503 : memref<1x1x25x80xi32, #tpu.memory_space<hbm>> -> memref<25x80xi32, #tpu.memory_space<hbm>>
      %dma_start3A_505 = arith.constant 0 : i32
      %dma_start3A_506 = arith.constant 0 : i32
      %dma_start3A_507 = tpu.memref_slice %arg4[%add3A, %run_scoped3A_222, %dma_start3A_505, %dma_start3A_506] : memref<32x5x25x80xi32, #tpu.memory_space<hbm>> -> memref<1x1x25x80xi32, #tpu.memory_space<hbm>>
      %dma_start3A_508 = tpu.memref_squeeze %dma_start3A_507 : memref<1x1x25x80xi32, #tpu.memory_space<hbm>> -> memref<25x80xi32, #tpu.memory_space<hbm>>
      tpu.enqueue_dma source(%dma_start3A_508 : memref<25x80xi32, #tpu.memory_space<hbm>>) target(%arg7 : memref<25x80xi32, #tpu.memory_space<vmem>>) target_semaphore(%run_scoped3A_500 : memref<!tpu.dma_semaphore, #tpu.memory_space<semaphore_mem>>)
      %dma_wait3A_509 = arith.constant 0 : i32
      %dma_wait3A_510 = arith.constant 0 : i32
      %dma_wait3A_511 = tpu.memref_slice %arg4[%add3A, %run_scoped3A_222, %dma_wait3A_509, %dma_wait3A_510] : memref<32x5x25x80xi32, #tpu.memory_space<hbm>> -> memref<1x1x25x80xi32, #tpu.memory_space<hbm>>
      %dma_wait3A_512 = tpu.memref_squeeze %dma_wait3A_511 : memref<1x1x25x80xi32, #tpu.memory_space<hbm>> -> memref<25x80xi32, #tpu.memory_space<hbm>>
      %dma_wait3A_513 = arith.constant 0 : i32
      %dma_wait3A_514 = arith.constant 0 : i32
      %dma_wait3A_515 = tpu.memref_slice %arg4[%add3A, %run_scoped3A_222, %dma_wait3A_513, %dma_wait3A_514] : memref<32x5x25x80xi32, #tpu.memory_space<hbm>> -> memref<1x1x25x80xi32, #tpu.memory_space<hbm>>
      %dma_wait3A_516 = tpu.memref_squeeze %dma_wait3A_515 : memref<1x1x25x80xi32, #tpu.memory_space<hbm>> -> memref<25x80xi32, #tpu.memory_space<hbm>>
      tpu.wait_dma2 semaphore(%run_scoped3A_500 : memref<!tpu.dma_semaphore, #tpu.memory_space<semaphore_mem>>) src(%dma_wait3A_516 : memref<25x80xi32, #tpu.memory_space<hbm>>) dst(%arg7 : memref<25x80xi32, #tpu.memory_space<vmem>>)
      tpu.yield
    }) : () -> ()
    %scan3A_223 = arith.constant 0 : i32
    %scan3A_224 = arith.constant 0 : i32
    %scan3A_225 = arith.constant 12 : i32
    %scan3A_226 = arith.addi %scan3A_224, %scan3A_225 : i32
    %scan3A_227 = arith.constant 1 : i32
    scf.for %scan3A_500 = %scan3A_224 to %scan3A_226 step %scan3A_227  : i32 {
      %mul3A_501 = arith.constant 2 : i32
      %mul3A_502 = arith.muli %mul3A_501, %scan3A_500 : i32
      %dma_start3A_503 = arith.constant 0 : i32
      %dma_start3A_504 = tpu.memref_slice %arg6[%mul3A_502, %dma_start3A_503] : memref<25x80xi32, #tpu.memory_space<vmem>> -> memref<1x80xi32, #tpu.memory_space<vmem>>
      %dma_start3A_505 = tpu.memref_squeeze %dma_start3A_504 : memref<1x80xi32, #tpu.memory_space<vmem>> -> memref<80xi32, #tpu.memory_space<vmem>>
      %dma_start3A_506 = arith.constant 0 : i32
      %dma_start3A_507 = arith.constant 0 : i32
      %dma_start3A_508 = tpu.memref_slice %arg2[%dma_start3A_506, %dma_start3A_507] : memref<10000x128xf32, #tpu.memory_space<hbm>> -> memref<10000x128xf32, #tpu.memory_space<hbm>>
      tpu.enqueue_indirect_dma source(%dma_start3A_508 : memref<10000x128xf32, #tpu.memory_space<hbm>>) target(%arg8 : memref<80x128xf32, #tpu.memory_space<vmem>>) offsets(%dma_start3A_505 : memref<80xi32, #tpu.memory_space<vmem>>) semaphore(%arg11 : memref<!tpu.dma_semaphore, #tpu.memory_space<semaphore_mem>>)
      %add3A_509 = arith.constant 1 : i32
      %add3A_510 = arith.addi %mul3A_502, %add3A_509 : i32
      %dma_start3A_511 = arith.constant 0 : i32
      %dma_start3A_512 = tpu.memref_slice %arg6[%add3A_510, %dma_start3A_511] : memref<25x80xi32, #tpu.memory_space<vmem>> -> memref<1x80xi32, #tpu.memory_space<vmem>>
      %dma_start3A_513 = tpu.memref_squeeze %dma_start3A_512 : memref<1x80xi32, #tpu.memory_space<vmem>> -> memref<80xi32, #tpu.memory_space<vmem>>
      %dma_start3A_514 = arith.constant 0 : i32
      %dma_start3A_515 = arith.constant 0 : i32
      %dma_start3A_516 = tpu.memref_slice %arg2[%dma_start3A_514, %dma_start3A_515] : memref<10000x128xf32, #tpu.memory_space<hbm>> -> memref<10000x128xf32, #tpu.memory_space<hbm>>
      tpu.enqueue_indirect_dma source(%dma_start3A_516 : memref<10000x128xf32, #tpu.memory_space<hbm>>) target(%arg9 : memref<80x128xf32, #tpu.memory_space<vmem>>) offsets(%dma_start3A_513 : memref<80xi32, #tpu.memory_space<vmem>>) semaphore(%arg12 : memref<!tpu.dma_semaphore, #tpu.memory_space<semaphore_mem>>)
      %dma_wait3A_517 = arith.constant 0 : i32
      %dma_wait3A_518 = arith.constant 0 : i32
      %dma_wait3A_519 = tpu.memref_slice %arg6[%dma_wait3A_517, %dma_wait3A_518] : memref<25x80xi32, #tpu.memory_space<vmem>> -> memref<1x80xi32, #tpu.memory_space<vmem>>
      %dma_wait3A_520 = tpu.memref_squeeze %dma_wait3A_519 : memref<1x80xi32, #tpu.memory_space<vmem>> -> memref<80xi32, #tpu.memory_space<vmem>>
      %dma_wait3A_521 = arith.constant 0 : i32
      %dma_wait3A_522 = arith.constant 0 : i32
      %dma_wait3A_523 = tpu.memref_slice %arg2[%dma_wait3A_521, %dma_wait3A_522] : memref<10000x128xf32, #tpu.memory_space<hbm>> -> memref<10000x128xf32, #tpu.memory_space<hbm>>
      tpu.wait_indirect_dma semaphore(%arg11 : memref<!tpu.dma_semaphore, #tpu.memory_space<semaphore_mem>>) src(%dma_wait3A_523 : memref<10000x128xf32, #tpu.memory_space<hbm>>) dst(%arg8 : memref<80x128xf32, #tpu.memory_space<vmem>>)
      %dma_wait3A_524 = arith.constant 0 : i32
      %dma_wait3A_525 = arith.constant 0 : i32
      %dma_wait3A_526 = tpu.memref_slice %arg6[%dma_wait3A_524, %dma_wait3A_525] : memref<25x80xi32, #tpu.memory_space<vmem>> -> memref<1x80xi32, #tpu.memory_space<vmem>>
      %dma_wait3A_527 = tpu.memref_squeeze %dma_wait3A_526 : memref<1x80xi32, #tpu.memory_space<vmem>> -> memref<80xi32, #tpu.memory_space<vmem>>
      %dma_wait3A_528 = arith.constant 0 : i32
      %dma_wait3A_529 = arith.constant 0 : i32
      %dma_wait3A_530 = tpu.memref_slice %arg2[%dma_wait3A_528, %dma_wait3A_529] : memref<10000x128xf32, #tpu.memory_space<hbm>> -> memref<10000x128xf32, #tpu.memory_space<hbm>>
      tpu.wait_indirect_dma semaphore(%arg12 : memref<!tpu.dma_semaphore, #tpu.memory_space<semaphore_mem>>) src(%dma_wait3A_530 : memref<10000x128xf32, #tpu.memory_space<hbm>>) dst(%arg9 : memref<80x128xf32, #tpu.memory_space<vmem>>)
      %dma_start3A_531 = arith.constant 0 : i32
      %dma_start3A_532 = tpu.memref_slice %arg7[%mul3A_502, %dma_start3A_531] : memref<25x80xi32, #tpu.memory_space<vmem>> -> memref<1x80xi32, #tpu.memory_space<vmem>>
      %dma_start3A_533 = tpu.memref_squeeze %dma_start3A_532 : memref<1x80xi32, #tpu.memory_space<vmem>> -> memref<80xi32, #tpu.memory_space<vmem>>
      %dma_start3A_534 = arith.constant 0 : i32
      %dma_start3A_535 = arith.constant 0 : i32
      %dma_start3A_536 = tpu.memref_slice %arg10[%dma_start3A_534, %dma_start3A_535] : memref<10000x128xf32, #tpu.memory_space<vmem_shared>> -> memref<10000x128xf32, #tpu.memory_space<vmem_shared>>
      tpu.enqueue_indirect_dma source(%arg8 : memref<80x128xf32, #tpu.memory_space<vmem>>) target(%dma_start3A_536 : memref<10000x128xf32, #tpu.memory_space<vmem_shared>>) offsets(%dma_start3A_533 : memref<80xi32, #tpu.memory_space<vmem>>) semaphore(%arg13 : memref<!tpu.dma_semaphore, #tpu.memory_space<semaphore_mem>>) {add = true}
      %add3A_537 = arith.constant 1 : i32
      %add3A_538 = arith.addi %mul3A_502, %add3A_537 : i32
      %dma_start3A_539 = arith.constant 0 : i32
      %dma_start3A_540 = tpu.memref_slice %arg7[%add3A_538, %dma_start3A_539] : memref<25x80xi32, #tpu.memory_space<vmem>> -> memref<1x80xi32, #tpu.memory_space<vmem>>
      %dma_start3A_541 = tpu.memref_squeeze %dma_start3A_540 : memref<1x80xi32, #tpu.memory_space<vmem>> -> memref<80xi32, #tpu.memory_space<vmem>>
      %dma_start3A_542 = arith.constant 0 : i32
      %dma_start3A_543 = arith.constant 0 : i32
      %dma_start3A_544 = tpu.memref_slice %arg10[%dma_start3A_542, %dma_start3A_543] : memref<10000x128xf32, #tpu.memory_space<vmem_shared>> -> memref<10000x128xf32, #tpu.memory_space<vmem_shared>>
      tpu.enqueue_indirect_dma source(%arg9 : memref<80x128xf32, #tpu.memory_space<vmem>>) target(%dma_start3A_544 : memref<10000x128xf32, #tpu.memory_space<vmem_shared>>) offsets(%dma_start3A_541 : memref<80xi32, #tpu.memory_space<vmem>>) semaphore(%arg14 : memref<!tpu.dma_semaphore, #tpu.memory_space<semaphore_mem>>) {add = true}
      %dma_wait3A_545 = arith.constant 0 : i32
      %dma_wait3A_546 = arith.constant 0 : i32
      %dma_wait3A_547 = tpu.memref_slice %arg7[%dma_wait3A_545, %dma_wait3A_546] : memref<25x80xi32, #tpu.memory_space<vmem>> -> memref<1x80xi32, #tpu.memory_space<vmem>>
      %dma_wait3A_548 = tpu.memref_squeeze %dma_wait3A_547 : memref<1x80xi32, #tpu.memory_space<vmem>> -> memref<80xi32, #tpu.memory_space<vmem>>
      %dma_wait3A_549 = arith.constant 0 : i32
      %dma_wait3A_550 = arith.constant 0 : i32
      %dma_wait3A_551 = tpu.memref_slice %arg10[%dma_wait3A_549, %dma_wait3A_550] : memref<10000x128xf32, #tpu.memory_space<vmem_shared>> -> memref<10000x128xf32, #tpu.memory_space<vmem_shared>>
      tpu.wait_indirect_dma semaphore(%arg13 : memref<!tpu.dma_semaphore, #tpu.memory_space<semaphore_mem>>) src(%arg8 : memref<80x128xf32, #tpu.memory_space<vmem>>) dst(%dma_wait3A_551 : memref<10000x128xf32, #tpu.memory_space<vmem_shared>>)
      %dma_wait3A_552 = arith.constant 0 : i32
      %dma_wait3A_553 = arith.constant 0 : i32
      %dma_wait3A_554 = tpu.memref_slice %arg7[%dma_wait3A_552, %dma_wait3A_553] : memref<25x80xi32, #tpu.memory_space<vmem>> -> memref<1x80xi32, #tpu.memory_space<vmem>>
      %dma_wait3A_555 = tpu.memref_squeeze %dma_wait3A_554 : memref<1x80xi32, #tpu.memory_space<vmem>> -> memref<80xi32, #tpu.memory_space<vmem>>
      %dma_wait3A_556 = arith.constant 0 : i32
      %dma_wait3A_557 = arith.constant 0 : i32
      %dma_wait3A_558 = tpu.memref_slice %arg10[%dma_wait3A_556, %dma_wait3A_557] : memref<10000x128xf32, #tpu.memory_space<vmem_shared>> -> memref<10000x128xf32, #tpu.memory_space<vmem_shared>>
      tpu.wait_indirect_dma semaphore(%arg14 : memref<!tpu.dma_semaphore, #tpu.memory_space<semaphore_mem>>) src(%arg9 : memref<80x128xf32, #tpu.memory_space<vmem>>) dst(%dma_wait3A_558 : memref<10000x128xf32, #tpu.memory_space<vmem_shared>>)
    }
    %scan3A_228 = arith.constant 12 : i32
    %dma_start3A_229 = arith.constant 24 : i32
    %dma_start3A_230 = arith.constant 0 : i32
    %dma_start3A_231 = tpu.memref_slice %arg6[%dma_start3A_229, %dma_start3A_230] : memref<25x80xi32, #tpu.memory_space<vmem>> -> memref<1x80xi32, #tpu.memory_space<vmem>>
    %dma_start3A_232 = tpu.memref_squeeze %dma_start3A_231 : memref<1x80xi32, #tpu.memory_space<vmem>> -> memref<80xi32, #tpu.memory_space<vmem>>
    %dma_start3A_233 = arith.constant 0 : i32
    %dma_start3A_234 = arith.constant 0 : i32
    %dma_start3A_235 = tpu.memref_slice %arg2[%dma_start3A_233, %dma_start3A_234] : memref<10000x128xf32, #tpu.memory_space<hbm>> -> memref<10000x128xf32, #tpu.memory_space<hbm>>
    tpu.enqueue_indirect_dma source(%dma_start3A_235 : memref<10000x128xf32, #tpu.memory_space<hbm>>) target(%arg8 : memref<80x128xf32, #tpu.memory_space<vmem>>) offsets(%dma_start3A_232 : memref<80xi32, #tpu.memory_space<vmem>>) semaphore(%arg11 : memref<!tpu.dma_semaphore, #tpu.memory_space<semaphore_mem>>)
    %dma_wait3A_236 = arith.constant 0 : i32
    %dma_wait3A_237 = arith.constant 0 : i32
    %dma_wait3A_238 = tpu.memref_slice %arg6[%dma_wait3A_236, %dma_wait3A_237] : memref<25x80xi32, #tpu.memory_space<vmem>> -> memref<1x80xi32, #tpu.memory_space<vmem>>
    %dma_wait3A_239 = tpu.memref_squeeze %dma_wait3A_238 : memref<1x80xi32, #tpu.memory_space<vmem>> -> memref<80xi32, #tpu.memory_space<vmem>>
    %dma_wait3A_240 = arith.constant 0 : i32
    %dma_wait3A_241 = arith.constant 0 : i32
    %dma_wait3A_242 = tpu.memref_slice %arg2[%dma_wait3A_240, %dma_wait3A_241] : memref<10000x128xf32, #tpu.memory_space<hbm>> -> memref<10000x128xf32, #tpu.memory_space<hbm>>
    tpu.wait_indirect_dma semaphore(%arg11 : memref<!tpu.dma_semaphore, #tpu.memory_space<semaphore_mem>>) src(%dma_wait3A_242 : memref<10000x128xf32, #tpu.memory_space<hbm>>) dst(%arg8 : memref<80x128xf32, #tpu.memory_space<vmem>>)
    %dma_start3A_243 = arith.constant 24 : i32
    %dma_start3A_244 = arith.constant 0 : i32
    %dma_start3A_245 = tpu.memref_slice %arg7[%dma_start3A_243, %dma_start3A_244] : memref<25x80xi32, #tpu.memory_space<vmem>> -> memref<1x80xi32, #tpu.memory_space<vmem>>
    %dma_start3A_246 = tpu.memref_squeeze %dma_start3A_245 : memref<1x80xi32, #tpu.memory_space<vmem>> -> memref<80xi32, #tpu.memory_space<vmem>>
    %dma_start3A_247 = arith.constant 0 : i32
    %dma_start3A_248 = arith.constant 0 : i32
    %dma_start3A_249 = tpu.memref_slice %arg10[%dma_start3A_247, %dma_start3A_248] : memref<10000x128xf32, #tpu.memory_space<vmem_shared>> -> memref<10000x128xf32, #tpu.memory_space<vmem_shared>>
    tpu.enqueue_indirect_dma source(%arg8 : memref<80x128xf32, #tpu.memory_space<vmem>>) target(%dma_start3A_249 : memref<10000x128xf32, #tpu.memory_space<vmem_shared>>) offsets(%dma_start3A_246 : memref<80xi32, #tpu.memory_space<vmem>>) semaphore(%arg13 : memref<!tpu.dma_semaphore, #tpu.memory_space<semaphore_mem>>) {add = true}
    %dma_wait3A_250 = arith.constant 0 : i32
    %dma_wait3A_251 = arith.constant 0 : i32
    %dma_wait3A_252 = tpu.memref_slice %arg7[%dma_wait3A_250, %dma_wait3A_251] : memref<25x80xi32, #tpu.memory_space<vmem>> -> memref<1x80xi32, #tpu.memory_space<vmem>>
    %dma_wait3A_253 = tpu.memref_squeeze %dma_wait3A_252 : memref<1x80xi32, #tpu.memory_space<vmem>> -> memref<80xi32, #tpu.memory_space<vmem>>
    %dma_wait3A_254 = arith.constant 0 : i32
    %dma_wait3A_255 = arith.constant 0 : i32
    %dma_wait3A_256 = tpu.memref_slice %arg10[%dma_wait3A_254, %dma_wait3A_255] : memref<10000x128xf32, #tpu.memory_space<vmem_shared>> -> memref<10000x128xf32, #tpu.memory_space<vmem_shared>>
    tpu.wait_indirect_dma semaphore(%arg13 : memref<!tpu.dma_semaphore, #tpu.memory_space<semaphore_mem>>) src(%arg8 : memref<80x128xf32, #tpu.memory_space<vmem>>) dst(%dma_wait3A_256 : memref<10000x128xf32, #tpu.memory_space<vmem_shared>>)
    %run_scoped3A_257 = arith.constant 4 : i32
    "tpu.region"() ({
      %run_scoped3A_500 = tpu.sem_alloc : memref<!tpu.dma_semaphore, #tpu.memory_space<semaphore_mem>>
      %dma_start3A_501 = arith.constant 0 : i32
      %dma_start3A_502 = arith.constant 0 : i32
      %dma_start3A_503 = tpu.memref_slice %arg3[%add3A, %run_scoped3A_257, %dma_start3A_501, %dma_start3A_502] : memref<32x5x25x80xi32, #tpu.memory_space<hbm>> -> memref<1x1x25x80xi32, #tpu.memory_space<hbm>>
      %dma_start3A_504 = tpu.memref_squeeze %dma_start3A_503 : memref<1x1x25x80xi32, #tpu.memory_space<hbm>> -> memref<25x80xi32, #tpu.memory_space<hbm>>
      %dma_start3A_505 = arith.constant 0 : i32
      %dma_start3A_506 = arith.constant 0 : i32
      %dma_start3A_507 = tpu.memref_slice %arg3[%add3A, %run_scoped3A_257, %dma_start3A_505, %dma_start3A_506] : memref<32x5x25x80xi32, #tpu.memory_space<hbm>> -> memref<1x1x25x80xi32, #tpu.memory_space<hbm>>
      %dma_start3A_508 = tpu.memref_squeeze %dma_start3A_507 : memref<1x1x25x80xi32, #tpu.memory_space<hbm>> -> memref<25x80xi32, #tpu.memory_space<hbm>>
      tpu.enqueue_dma source(%dma_start3A_508 : memref<25x80xi32, #tpu.memory_space<hbm>>) target(%arg6 : memref<25x80xi32, #tpu.memory_space<vmem>>) target_semaphore(%run_scoped3A_500 : memref<!tpu.dma_semaphore, #tpu.memory_space<semaphore_mem>>)
      %dma_wait3A_509 = arith.constant 0 : i32
      %dma_wait3A_510 = arith.constant 0 : i32
      %dma_wait3A_511 = tpu.memref_slice %arg3[%add3A, %run_scoped3A_257, %dma_wait3A_509, %dma_wait3A_510] : memref<32x5x25x80xi32, #tpu.memory_space<hbm>> -> memref<1x1x25x80xi32, #tpu.memory_space<hbm>>
      %dma_wait3A_512 = tpu.memref_squeeze %dma_wait3A_511 : memref<1x1x25x80xi32, #tpu.memory_space<hbm>> -> memref<25x80xi32, #tpu.memory_space<hbm>>
      %dma_wait3A_513 = arith.constant 0 : i32
      %dma_wait3A_514 = arith.constant 0 : i32
      %dma_wait3A_515 = tpu.memref_slice %arg3[%add3A, %run_scoped3A_257, %dma_wait3A_513, %dma_wait3A_514] : memref<32x5x25x80xi32, #tpu.memory_space<hbm>> -> memref<1x1x25x80xi32, #tpu.memory_space<hbm>>
      %dma_wait3A_516 = tpu.memref_squeeze %dma_wait3A_515 : memref<1x1x25x80xi32, #tpu.memory_space<hbm>> -> memref<25x80xi32, #tpu.memory_space<hbm>>
      tpu.wait_dma2 semaphore(%run_scoped3A_500 : memref<!tpu.dma_semaphore, #tpu.memory_space<semaphore_mem>>) src(%dma_wait3A_516 : memref<25x80xi32, #tpu.memory_space<hbm>>) dst(%arg6 : memref<25x80xi32, #tpu.memory_space<vmem>>)
      tpu.yield
    }) : () -> ()
    %run_scoped3A_258 = arith.constant 4 : i32
    "tpu.region"() ({
      %run_scoped3A_500 = tpu.sem_alloc : memref<!tpu.dma_semaphore, #tpu.memory_space<semaphore_mem>>
      %dma_start3A_501 = arith.constant 0 : i32
      %dma_start3A_502 = arith.constant 0 : i32
      %dma_start3A_503 = tpu.memref_slice %arg4[%add3A, %run_scoped3A_258, %dma_start3A_501, %dma_start3A_502] : memref<32x5x25x80xi32, #tpu.memory_space<hbm>> -> memref<1x1x25x80xi32, #tpu.memory_space<hbm>>
      %dma_start3A_504 = tpu.memref_squeeze %dma_start3A_503 : memref<1x1x25x80xi32, #tpu.memory_space<hbm>> -> memref<25x80xi32, #tpu.memory_space<hbm>>
      %dma_start3A_505 = arith.constant 0 : i32
      %dma_start3A_506 = arith.constant 0 : i32
      %dma_start3A_507 = tpu.memref_slice %arg4[%add3A, %run_scoped3A_258, %dma_start3A_505, %dma_start3A_506] : memref<32x5x25x80xi32, #tpu.memory_space<hbm>> -> memref<1x1x25x80xi32, #tpu.memory_space<hbm>>
      %dma_start3A_508 = tpu.memref_squeeze %dma_start3A_507 : memref<1x1x25x80xi32, #tpu.memory_space<hbm>> -> memref<25x80xi32, #tpu.memory_space<hbm>>
      tpu.enqueue_dma source(%dma_start3A_508 : memref<25x80xi32, #tpu.memory_space<hbm>>) target(%arg7 : memref<25x80xi32, #tpu.memory_space<vmem>>) target_semaphore(%run_scoped3A_500 : memref<!tpu.dma_semaphore, #tpu.memory_space<semaphore_mem>>)
      %dma_wait3A_509 = arith.constant 0 : i32
      %dma_wait3A_510 = arith.constant 0 : i32
      %dma_wait3A_511 = tpu.memref_slice %arg4[%add3A, %run_scoped3A_258, %dma_wait3A_509, %dma_wait3A_510] : memref<32x5x25x80xi32, #tpu.memory_space<hbm>> -> memref<1x1x25x80xi32, #tpu.memory_space<hbm>>
      %dma_wait3A_512 = tpu.memref_squeeze %dma_wait3A_511 : memref<1x1x25x80xi32, #tpu.memory_space<hbm>> -> memref<25x80xi32, #tpu.memory_space<hbm>>
      %dma_wait3A_513 = arith.constant 0 : i32
      %dma_wait3A_514 = arith.constant 0 : i32
      %dma_wait3A_515 = tpu.memref_slice %arg4[%add3A, %run_scoped3A_258, %dma_wait3A_513, %dma_wait3A_514] : memref<32x5x25x80xi32, #tpu.memory_space<hbm>> -> memref<1x1x25x80xi32, #tpu.memory_space<hbm>>
      %dma_wait3A_516 = tpu.memref_squeeze %dma_wait3A_515 : memref<1x1x25x80xi32, #tpu.memory_space<hbm>> -> memref<25x80xi32, #tpu.memory_space<hbm>>
      tpu.wait_dma2 semaphore(%run_scoped3A_500 : memref<!tpu.dma_semaphore, #tpu.memory_space<semaphore_mem>>) src(%dma_wait3A_516 : memref<25x80xi32, #tpu.memory_space<hbm>>) dst(%arg7 : memref<25x80xi32, #tpu.memory_space<vmem>>)
      tpu.yield
    }) : () -> ()
    %scan3A_259 = arith.constant 0 : i32
    %scan3A_260 = arith.constant 0 : i32
    %scan3A_261 = arith.constant 12 : i32
    %scan3A_262 = arith.addi %scan3A_260, %scan3A_261 : i32
    %scan3A_263 = arith.constant 1 : i32
    scf.for %scan3A_500 = %scan3A_260 to %scan3A_262 step %scan3A_263  : i32 {
      %mul3A_501 = arith.constant 2 : i32
      %mul3A_502 = arith.muli %mul3A_501, %scan3A_500 : i32
      %dma_start3A_503 = arith.constant 0 : i32
      %dma_start3A_504 = tpu.memref_slice %arg6[%mul3A_502, %dma_start3A_503] : memref<25x80xi32, #tpu.memory_space<vmem>> -> memref<1x80xi32, #tpu.memory_space<vmem>>
      %dma_start3A_505 = tpu.memref_squeeze %dma_start3A_504 : memref<1x80xi32, #tpu.memory_space<vmem>> -> memref<80xi32, #tpu.memory_space<vmem>>
      %dma_start3A_506 = arith.constant 0 : i32
      %dma_start3A_507 = arith.constant 0 : i32
      %dma_start3A_508 = tpu.memref_slice %arg2[%dma_start3A_506, %dma_start3A_507] : memref<10000x128xf32, #tpu.memory_space<hbm>> -> memref<10000x128xf32, #tpu.memory_space<hbm>>
      tpu.enqueue_indirect_dma source(%dma_start3A_508 : memref<10000x128xf32, #tpu.memory_space<hbm>>) target(%arg8 : memref<80x128xf32, #tpu.memory_space<vmem>>) offsets(%dma_start3A_505 : memref<80xi32, #tpu.memory_space<vmem>>) semaphore(%arg11 : memref<!tpu.dma_semaphore, #tpu.memory_space<semaphore_mem>>)
      %add3A_509 = arith.constant 1 : i32
      %add3A_510 = arith.addi %mul3A_502, %add3A_509 : i32
      %dma_start3A_511 = arith.constant 0 : i32
      %dma_start3A_512 = tpu.memref_slice %arg6[%add3A_510, %dma_start3A_511] : memref<25x80xi32, #tpu.memory_space<vmem>> -> memref<1x80xi32, #tpu.memory_space<vmem>>
      %dma_start3A_513 = tpu.memref_squeeze %dma_start3A_512 : memref<1x80xi32, #tpu.memory_space<vmem>> -> memref<80xi32, #tpu.memory_space<vmem>>
      %dma_start3A_514 = arith.constant 0 : i32
      %dma_start3A_515 = arith.constant 0 : i32
      %dma_start3A_516 = tpu.memref_slice %arg2[%dma_start3A_514, %dma_start3A_515] : memref<10000x128xf32, #tpu.memory_space<hbm>> -> memref<10000x128xf32, #tpu.memory_space<hbm>>
      tpu.enqueue_indirect_dma source(%dma_start3A_516 : memref<10000x128xf32, #tpu.memory_space<hbm>>) target(%arg9 : memref<80x128xf32, #tpu.memory_space<vmem>>) offsets(%dma_start3A_513 : memref<80xi32, #tpu.memory_space<vmem>>) semaphore(%arg12 : memref<!tpu.dma_semaphore, #tpu.memory_space<semaphore_mem>>)
      %dma_wait3A_517 = arith.constant 0 : i32
      %dma_wait3A_518 = arith.constant 0 : i32
      %dma_wait3A_519 = tpu.memref_slice %arg6[%dma_wait3A_517, %dma_wait3A_518] : memref<25x80xi32, #tpu.memory_space<vmem>> -> memref<1x80xi32, #tpu.memory_space<vmem>>
      %dma_wait3A_520 = tpu.memref_squeeze %dma_wait3A_519 : memref<1x80xi32, #tpu.memory_space<vmem>> -> memref<80xi32, #tpu.memory_space<vmem>>
      %dma_wait3A_521 = arith.constant 0 : i32
      %dma_wait3A_522 = arith.constant 0 : i32
      %dma_wait3A_523 = tpu.memref_slice %arg2[%dma_wait3A_521, %dma_wait3A_522] : memref<10000x128xf32, #tpu.memory_space<hbm>> -> memref<10000x128xf32, #tpu.memory_space<hbm>>
      tpu.wait_indirect_dma semaphore(%arg11 : memref<!tpu.dma_semaphore, #tpu.memory_space<semaphore_mem>>) src(%dma_wait3A_523 : memref<10000x128xf32, #tpu.memory_space<hbm>>) dst(%arg8 : memref<80x128xf32, #tpu.memory_space<vmem>>)
      %dma_wait3A_524 = arith.constant 0 : i32
      %dma_wait3A_525 = arith.constant 0 : i32
      %dma_wait3A_526 = tpu.memref_slice %arg6[%dma_wait3A_524, %dma_wait3A_525] : memref<25x80xi32, #tpu.memory_space<vmem>> -> memref<1x80xi32, #tpu.memory_space<vmem>>
      %dma_wait3A_527 = tpu.memref_squeeze %dma_wait3A_526 : memref<1x80xi32, #tpu.memory_space<vmem>> -> memref<80xi32, #tpu.memory_space<vmem>>
      %dma_wait3A_528 = arith.constant 0 : i32
      %dma_wait3A_529 = arith.constant 0 : i32
      %dma_wait3A_530 = tpu.memref_slice %arg2[%dma_wait3A_528, %dma_wait3A_529] : memref<10000x128xf32, #tpu.memory_space<hbm>> -> memref<10000x128xf32, #tpu.memory_space<hbm>>
      tpu.wait_indirect_dma semaphore(%arg12 : memref<!tpu.dma_semaphore, #tpu.memory_space<semaphore_mem>>) src(%dma_wait3A_530 : memref<10000x128xf32, #tpu.memory_space<hbm>>) dst(%arg9 : memref<80x128xf32, #tpu.memory_space<vmem>>)
      %dma_start3A_531 = arith.constant 0 : i32
      %dma_start3A_532 = tpu.memref_slice %arg7[%mul3A_502, %dma_start3A_531] : memref<25x80xi32, #tpu.memory_space<vmem>> -> memref<1x80xi32, #tpu.memory_space<vmem>>
      %dma_start3A_533 = tpu.memref_squeeze %dma_start3A_532 : memref<1x80xi32, #tpu.memory_space<vmem>> -> memref<80xi32, #tpu.memory_space<vmem>>
      %dma_start3A_534 = arith.constant 0 : i32
      %dma_start3A_535 = arith.constant 0 : i32
      %dma_start3A_536 = tpu.memref_slice %arg10[%dma_start3A_534, %dma_start3A_535] : memref<10000x128xf32, #tpu.memory_space<vmem_shared>> -> memref<10000x128xf32, #tpu.memory_space<vmem_shared>>
      tpu.enqueue_indirect_dma source(%arg8 : memref<80x128xf32, #tpu.memory_space<vmem>>) target(%dma_start3A_536 : memref<10000x128xf32, #tpu.memory_space<vmem_shared>>) offsets(%dma_start3A_533 : memref<80xi32, #tpu.memory_space<vmem>>) semaphore(%arg13 : memref<!tpu.dma_semaphore, #tpu.memory_space<semaphore_mem>>) {add = true}
      %add3A_537 = arith.constant 1 : i32
      %add3A_538 = arith.addi %mul3A_502, %add3A_537 : i32
      %dma_start3A_539 = arith.constant 0 : i32
      %dma_start3A_540 = tpu.memref_slice %arg7[%add3A_538, %dma_start3A_539] : memref<25x80xi32, #tpu.memory_space<vmem>> -> memref<1x80xi32, #tpu.memory_space<vmem>>
      %dma_start3A_541 = tpu.memref_squeeze %dma_start3A_540 : memref<1x80xi32, #tpu.memory_space<vmem>> -> memref<80xi32, #tpu.memory_space<vmem>>
      %dma_start3A_542 = arith.constant 0 : i32
      %dma_start3A_543 = arith.constant 0 : i32
      %dma_start3A_544 = tpu.memref_slice %arg10[%dma_start3A_542, %dma_start3A_543] : memref<10000x128xf32, #tpu.memory_space<vmem_shared>> -> memref<10000x128xf32, #tpu.memory_space<vmem_shared>>
      tpu.enqueue_indirect_dma source(%arg9 : memref<80x128xf32, #tpu.memory_space<vmem>>) target(%dma_start3A_544 : memref<10000x128xf32, #tpu.memory_space<vmem_shared>>) offsets(%dma_start3A_541 : memref<80xi32, #tpu.memory_space<vmem>>) semaphore(%arg14 : memref<!tpu.dma_semaphore, #tpu.memory_space<semaphore_mem>>) {add = true}
      %dma_wait3A_545 = arith.constant 0 : i32
      %dma_wait3A_546 = arith.constant 0 : i32
      %dma_wait3A_547 = tpu.memref_slice %arg7[%dma_wait3A_545, %dma_wait3A_546] : memref<25x80xi32, #tpu.memory_space<vmem>> -> memref<1x80xi32, #tpu.memory_space<vmem>>
      %dma_wait3A_548 = tpu.memref_squeeze %dma_wait3A_547 : memref<1x80xi32, #tpu.memory_space<vmem>> -> memref<80xi32, #tpu.memory_space<vmem>>
      %dma_wait3A_549 = arith.constant 0 : i32
      %dma_wait3A_550 = arith.constant 0 : i32
      %dma_wait3A_551 = tpu.memref_slice %arg10[%dma_wait3A_549, %dma_wait3A_550] : memref<10000x128xf32, #tpu.memory_space<vmem_shared>> -> memref<10000x128xf32, #tpu.memory_space<vmem_shared>>
      tpu.wait_indirect_dma semaphore(%arg13 : memref<!tpu.dma_semaphore, #tpu.memory_space<semaphore_mem>>) src(%arg8 : memref<80x128xf32, #tpu.memory_space<vmem>>) dst(%dma_wait3A_551 : memref<10000x128xf32, #tpu.memory_space<vmem_shared>>)
      %dma_wait3A_552 = arith.constant 0 : i32
      %dma_wait3A_553 = arith.constant 0 : i32
      %dma_wait3A_554 = tpu.memref_slice %arg7[%dma_wait3A_552, %dma_wait3A_553] : memref<25x80xi32, #tpu.memory_space<vmem>> -> memref<1x80xi32, #tpu.memory_space<vmem>>
      %dma_wait3A_555 = tpu.memref_squeeze %dma_wait3A_554 : memref<1x80xi32, #tpu.memory_space<vmem>> -> memref<80xi32, #tpu.memory_space<vmem>>
      %dma_wait3A_556 = arith.constant 0 : i32
      %dma_wait3A_557 = arith.constant 0 : i32
      %dma_wait3A_558 = tpu.memref_slice %arg10[%dma_wait3A_556, %dma_wait3A_557] : memref<10000x128xf32, #tpu.memory_space<vmem_shared>> -> memref<10000x128xf32, #tpu.memory_space<vmem_shared>>
      tpu.wait_indirect_dma semaphore(%arg14 : memref<!tpu.dma_semaphore, #tpu.memory_space<semaphore_mem>>) src(%arg9 : memref<80x128xf32, #tpu.memory_space<vmem>>) dst(%dma_wait3A_558 : memref<10000x128xf32, #tpu.memory_space<vmem_shared>>)
    }
    %scan3A_264 = arith.constant 12 : i32
    %dma_start3A_265 = arith.constant 24 : i32
    %dma_start3A_266 = arith.constant 0 : i32
    %dma_start3A_267 = tpu.memref_slice %arg6[%dma_start3A_265, %dma_start3A_266] : memref<25x80xi32, #tpu.memory_space<vmem>> -> memref<1x80xi32, #tpu.memory_space<vmem>>
    %dma_start3A_268 = tpu.memref_squeeze %dma_start3A_267 : memref<1x80xi32, #tpu.memory_space<vmem>> -> memref<80xi32, #tpu.memory_space<vmem>>
    %dma_start3A_269 = arith.constant 0 : i32
    %dma_start3A_270 = arith.constant 0 : i32
    %dma_start3A_271 = tpu.memref_slice %arg2[%dma_start3A_269, %dma_start3A_270] : memref<10000x128xf32, #tpu.memory_space<hbm>> -> memref<10000x128xf32, #tpu.memory_space<hbm>>
    tpu.enqueue_indirect_dma source(%dma_start3A_271 : memref<10000x128xf32, #tpu.memory_space<hbm>>) target(%arg8 : memref<80x128xf32, #tpu.memory_space<vmem>>) offsets(%dma_start3A_268 : memref<80xi32, #tpu.memory_space<vmem>>) semaphore(%arg11 : memref<!tpu.dma_semaphore, #tpu.memory_space<semaphore_mem>>)
    %dma_wait3A_272 = arith.constant 0 : i32
    %dma_wait3A_273 = arith.constant 0 : i32
    %dma_wait3A_274 = tpu.memref_slice %arg6[%dma_wait3A_272, %dma_wait3A_273] : memref<25x80xi32, #tpu.memory_space<vmem>> -> memref<1x80xi32, #tpu.memory_space<vmem>>
    %dma_wait3A_275 = tpu.memref_squeeze %dma_wait3A_274 : memref<1x80xi32, #tpu.memory_space<vmem>> -> memref<80xi32, #tpu.memory_space<vmem>>
    %dma_wait3A_276 = arith.constant 0 : i32
    %dma_wait3A_277 = arith.constant 0 : i32
    %dma_wait3A_278 = tpu.memref_slice %arg2[%dma_wait3A_276, %dma_wait3A_277] : memref<10000x128xf32, #tpu.memory_space<hbm>> -> memref<10000x128xf32, #tpu.memory_space<hbm>>
    tpu.wait_indirect_dma semaphore(%arg11 : memref<!tpu.dma_semaphore, #tpu.memory_space<semaphore_mem>>) src(%dma_wait3A_278 : memref<10000x128xf32, #tpu.memory_space<hbm>>) dst(%arg8 : memref<80x128xf32, #tpu.memory_space<vmem>>)
    %dma_start3A_279 = arith.constant 24 : i32
    %dma_start3A_280 = arith.constant 0 : i32
    %dma_start3A_281 = tpu.memref_slice %arg7[%dma_start3A_279, %dma_start3A_280] : memref<25x80xi32, #tpu.memory_space<vmem>> -> memref<1x80xi32, #tpu.memory_space<vmem>>
    %dma_start3A_282 = tpu.memref_squeeze %dma_start3A_281 : memref<1x80xi32, #tpu.memory_space<vmem>> -> memref<80xi32, #tpu.memory_space<vmem>>
    %dma_start3A_283 = arith.constant 0 : i32
    %dma_start3A_284 = arith.constant 0 : i32
    %dma_start3A_285 = tpu.memref_slice %arg10[%dma_start3A_283, %dma_start3A_284] : memref<10000x128xf32, #tpu.memory_space<vmem_shared>> -> memref<10000x128xf32, #tpu.memory_space<vmem_shared>>
    tpu.enqueue_indirect_dma source(%arg8 : memref<80x128xf32, #tpu.memory_space<vmem>>) target(%dma_start3A_285 : memref<10000x128xf32, #tpu.memory_space<vmem_shared>>) offsets(%dma_start3A_282 : memref<80xi32, #tpu.memory_space<vmem>>) semaphore(%arg13 : memref<!tpu.dma_semaphore, #tpu.memory_space<semaphore_mem>>) {add = true}
    %dma_wait3A_286 = arith.constant 0 : i32
    %dma_wait3A_287 = arith.constant 0 : i32
    %dma_wait3A_288 = tpu.memref_slice %arg7[%dma_wait3A_286, %dma_wait3A_287] : memref<25x80xi32, #tpu.memory_space<vmem>> -> memref<1x80xi32, #tpu.memory_space<vmem>>
    %dma_wait3A_289 = tpu.memref_squeeze %dma_wait3A_288 : memref<1x80xi32, #tpu.memory_space<vmem>> -> memref<80xi32, #tpu.memory_space<vmem>>
    %dma_wait3A_290 = arith.constant 0 : i32
    %dma_wait3A_291 = arith.constant 0 : i32
    %dma_wait3A_292 = tpu.memref_slice %arg10[%dma_wait3A_290, %dma_wait3A_291] : memref<10000x128xf32, #tpu.memory_space<vmem_shared>> -> memref<10000x128xf32, #tpu.memory_space<vmem_shared>>
    tpu.wait_indirect_dma semaphore(%arg13 : memref<!tpu.dma_semaphore, #tpu.memory_space<semaphore_mem>>) src(%arg8 : memref<80x128xf32, #tpu.memory_space<vmem>>) dst(%dma_wait3A_292 : memref<10000x128xf32, #tpu.memory_space<vmem_shared>>)
    %barrier3A_293 = arith.constant 0 : index
    tpu.barrier barrier_id(%barrier3A_293)
    %add3A_294 = arith.constant 0 : i32
    %add3A_295 = arith.addi %arg1, %add3A_294 : i32
    %lt3A_296 = arith.constant 125 : i32
    %lt3A_297 = arith.cmpi slt, %add3A_295, %lt3A_296 : i32
    %convert_element_type3A_298 = arith.extui %lt3A_297 : i1 to i32
    %cond3A_299 = arith.constant 0 : i32
    %cond3A_300 = arith.cmpi ne, %convert_element_type3A_298, %cond3A_299 : i32
    scf.if %cond3A_300 {
      %mul3A_500 = arith.constant 80 : i32
      %mul3A_501 = arith.muli %add3A_295, %mul3A_500 : i32
      %dma_start3A_502 = arith.constant 0 : i32
      %dma_start3A_503 = tpu.memref_slice %arg10[%mul3A_501, %dma_start3A_502] : memref<10000x128xf32, #tpu.memory_space<vmem_shared>> -> memref<80x128xf32, #tpu.memory_space<vmem_shared>>
      %dma_start3A_504 = arith.constant 0 : i32
      %dma_start3A_505 = tpu.memref_slice %arg10[%mul3A_501, %dma_start3A_504] : memref<10000x128xf32, #tpu.memory_space<vmem_shared>> -> memref<80x128xf32, #tpu.memory_space<vmem_shared>>
      tpu.enqueue_dma source(%dma_start3A_505 : memref<80x128xf32, #tpu.memory_space<vmem_shared>>) target(%arg8 : memref<80x128xf32, #tpu.memory_space<vmem>>) target_semaphore(%arg11 : memref<!tpu.dma_semaphore, #tpu.memory_space<semaphore_mem>>)
    } else {
    }
    %add3A_301 = arith.constant 16 : i32
    %add3A_302 = arith.addi %arg1, %add3A_301 : i32
    %lt3A_303 = arith.constant 125 : i32
    %lt3A_304 = arith.cmpi slt, %add3A_302, %lt3A_303 : i32
    %convert_element_type3A_305 = arith.extui %lt3A_304 : i1 to i32
    %cond3A_306 = arith.constant 0 : i32
    %cond3A_307 = arith.cmpi ne, %convert_element_type3A_305, %cond3A_306 : i32
    scf.if %cond3A_307 {
      %mul3A_500 = arith.constant 80 : i32
      %mul3A_501 = arith.muli %add3A_302, %mul3A_500 : i32
      %dma_start3A_502 = arith.constant 0 : i32
      %dma_start3A_503 = tpu.memref_slice %arg10[%mul3A_501, %dma_start3A_502] : memref<10000x128xf32, #tpu.memory_space<vmem_shared>> -> memref<80x128xf32, #tpu.memory_space<vmem_shared>>
      %dma_start3A_504 = arith.constant 0 : i32
      %dma_start3A_505 = tpu.memref_slice %arg10[%mul3A_501, %dma_start3A_504] : memref<10000x128xf32, #tpu.memory_space<vmem_shared>> -> memref<80x128xf32, #tpu.memory_space<vmem_shared>>
      tpu.enqueue_dma source(%dma_start3A_505 : memref<80x128xf32, #tpu.memory_space<vmem_shared>>) target(%arg9 : memref<80x128xf32, #tpu.memory_space<vmem>>) target_semaphore(%arg12 : memref<!tpu.dma_semaphore, #tpu.memory_space<semaphore_mem>>)
    } else {
    }
    %add3A_308 = arith.constant 0 : i32
    %add3A_309 = arith.addi %arg1, %add3A_308 : i32
    %lt3A_310 = arith.constant 125 : i32
    %lt3A_311 = arith.cmpi slt, %add3A_309, %lt3A_310 : i32
    %convert_element_type3A_312 = arith.extui %lt3A_311 : i1 to i32
    %cond3A_313 = arith.constant 0 : i32
    %cond3A_314 = arith.cmpi ne, %convert_element_type3A_312, %cond3A_313 : i32
    scf.if %cond3A_314 {
      %dma_wait3A_500 = arith.constant 0 : i32
      %dma_wait3A_501 = arith.constant 0 : i32
      %dma_wait3A_502 = tpu.memref_slice %arg10[%dma_wait3A_500, %dma_wait3A_501] : memref<10000x128xf32, #tpu.memory_space<vmem_shared>> -> memref<80x128xf32, #tpu.memory_space<vmem_shared>>
      %dma_wait3A_503 = arith.constant 0 : i32
      %dma_wait3A_504 = arith.constant 0 : i32
      %dma_wait3A_505 = tpu.memref_slice %arg10[%dma_wait3A_503, %dma_wait3A_504] : memref<10000x128xf32, #tpu.memory_space<vmem_shared>> -> memref<80x128xf32, #tpu.memory_space<vmem_shared>>
      tpu.wait_dma2 semaphore(%arg11 : memref<!tpu.dma_semaphore, #tpu.memory_space<semaphore_mem>>) src(%dma_wait3A_505 : memref<80x128xf32, #tpu.memory_space<vmem_shared>>) dst(%arg8 : memref<80x128xf32, #tpu.memory_space<vmem>>)
      %mul3A_506 = arith.constant 80 : i32
      %mul3A_507 = arith.muli %add3A_309, %mul3A_506 : i32
      %dma_start3A_508 = arith.constant 0 : i32
      %dma_start3A_509 = tpu.memref_slice %arg5[%arg0, %mul3A_507, %dma_start3A_508] : memref<2x10000x128xf32, #tpu.memory_space<hbm>> -> memref<1x80x128xf32, #tpu.memory_space<hbm>>
      %dma_start3A_510 = tpu.memref_squeeze %dma_start3A_509 : memref<1x80x128xf32, #tpu.memory_space<hbm>> -> memref<80x128xf32, #tpu.memory_space<hbm>>
      %dma_start3A_511 = arith.constant 0 : i32
      %dma_start3A_512 = tpu.memref_slice %arg5[%arg0, %mul3A_507, %dma_start3A_511] : memref<2x10000x128xf32, #tpu.memory_space<hbm>> -> memref<1x80x128xf32, #tpu.memory_space<hbm>>
      %dma_start3A_513 = tpu.memref_squeeze %dma_start3A_512 : memref<1x80x128xf32, #tpu.memory_space<hbm>> -> memref<80x128xf32, #tpu.memory_space<hbm>>
      tpu.enqueue_dma source(%arg8 : memref<80x128xf32, #tpu.memory_space<vmem>>) target(%dma_start3A_513 : memref<80x128xf32, #tpu.memory_space<hbm>>) target_semaphore(%arg13 : memref<!tpu.dma_semaphore, #tpu.memory_space<semaphore_mem>>)
    } else {
    }
    %add3A_315 = arith.constant 32 : i32
    %add3A_316 = arith.addi %arg1, %add3A_315 : i32
    %lt3A_317 = arith.constant 125 : i32
    %lt3A_318 = arith.cmpi slt, %add3A_316, %lt3A_317 : i32
    %convert_element_type3A_319 = arith.extui %lt3A_318 : i1 to i32
    %cond3A_320 = arith.constant 0 : i32
    %cond3A_321 = arith.cmpi ne, %convert_element_type3A_319, %cond3A_320 : i32
    scf.if %cond3A_321 {
      %dma_wait3A_500 = arith.constant 0 : i32
      %dma_wait3A_501 = arith.constant 0 : i32
      %dma_wait3A_502 = tpu.memref_slice %arg5[%arg0, %dma_wait3A_500, %dma_wait3A_501] : memref<2x10000x128xf32, #tpu.memory_space<hbm>> -> memref<1x80x128xf32, #tpu.memory_space<hbm>>
      %dma_wait3A_503 = tpu.memref_squeeze %dma_wait3A_502 : memref<1x80x128xf32, #tpu.memory_space<hbm>> -> memref<80x128xf32, #tpu.memory_space<hbm>>
      %dma_wait3A_504 = arith.constant 0 : i32
      %dma_wait3A_505 = arith.constant 0 : i32
      %dma_wait3A_506 = tpu.memref_slice %arg5[%arg0, %dma_wait3A_504, %dma_wait3A_505] : memref<2x10000x128xf32, #tpu.memory_space<hbm>> -> memref<1x80x128xf32, #tpu.memory_space<hbm>>
      %dma_wait3A_507 = tpu.memref_squeeze %dma_wait3A_506 : memref<1x80x128xf32, #tpu.memory_space<hbm>> -> memref<80x128xf32, #tpu.memory_space<hbm>>
      tpu.wait_dma2 semaphore(%arg13 : memref<!tpu.dma_semaphore, #tpu.memory_space<semaphore_mem>>) src(%arg8 : memref<80x128xf32, #tpu.memory_space<vmem>>) dst(%dma_wait3A_507 : memref<80x128xf32, #tpu.memory_space<hbm>>)
      %mul3A_508 = arith.constant 80 : i32
      %mul3A_509 = arith.muli %add3A_316, %mul3A_508 : i32
      %dma_start3A_510 = arith.constant 0 : i32
      %dma_start3A_511 = tpu.memref_slice %arg10[%mul3A_509, %dma_start3A_510] : memref<10000x128xf32, #tpu.memory_space<vmem_shared>> -> memref<80x128xf32, #tpu.memory_space<vmem_shared>>
      %dma_start3A_512 = arith.constant 0 : i32
      %dma_start3A_513 = tpu.memref_slice %arg10[%mul3A_509, %dma_start3A_512] : memref<10000x128xf32, #tpu.memory_space<vmem_shared>> -> memref<80x128xf32, #tpu.memory_space<vmem_shared>>
      tpu.enqueue_dma source(%dma_start3A_513 : memref<80x128xf32, #tpu.memory_space<vmem_shared>>) target(%arg8 : memref<80x128xf32, #tpu.memory_space<vmem>>) target_semaphore(%arg11 : memref<!tpu.dma_semaphore, #tpu.memory_space<semaphore_mem>>)
    } else {
    }
    %add3A_322 = arith.constant 16 : i32
    %add3A_323 = arith.addi %arg1, %add3A_322 : i32
    %lt3A_324 = arith.constant 125 : i32
    %lt3A_325 = arith.cmpi slt, %add3A_323, %lt3A_324 : i32
    %convert_element_type3A_326 = arith.extui %lt3A_325 : i1 to i32
    %cond3A_327 = arith.constant 0 : i32
    %cond3A_328 = arith.cmpi ne, %convert_element_type3A_326, %cond3A_327 : i32
    scf.if %cond3A_328 {
      %dma_wait3A_500 = arith.constant 0 : i32
      %dma_wait3A_501 = arith.constant 0 : i32
      %dma_wait3A_502 = tpu.memref_slice %arg10[%dma_wait3A_500, %dma_wait3A_501] : memref<10000x128xf32, #tpu.memory_space<vmem_shared>> -> memref<80x128xf32, #tpu.memory_space<vmem_shared>>
      %dma_wait3A_503 = arith.constant 0 : i32
      %dma_wait3A_504 = arith.constant 0 : i32
      %dma_wait3A_505 = tpu.memref_slice %arg10[%dma_wait3A_503, %dma_wait3A_504] : memref<10000x128xf32, #tpu.memory_space<vmem_shared>> -> memref<80x128xf32, #tpu.memory_space<vmem_shared>>
      tpu.wait_dma2 semaphore(%arg12 : memref<!tpu.dma_semaphore, #tpu.memory_space<semaphore_mem>>) src(%dma_wait3A_505 : memref<80x128xf32, #tpu.memory_space<vmem_shared>>) dst(%arg9 : memref<80x128xf32, #tpu.memory_space<vmem>>)
      %mul3A_506 = arith.constant 80 : i32
      %mul3A_507 = arith.muli %add3A_323, %mul3A_506 : i32
      %dma_start3A_508 = arith.constant 0 : i32
      %dma_start3A_509 = tpu.memref_slice %arg5[%arg0, %mul3A_507, %dma_start3A_508] : memref<2x10000x128xf32, #tpu.memory_space<hbm>> -> memref<1x80x128xf32, #tpu.memory_space<hbm>>
      %dma_start3A_510 = tpu.memref_squeeze %dma_start3A_509 : memref<1x80x128xf32, #tpu.memory_space<hbm>> -> memref<80x128xf32, #tpu.memory_space<hbm>>
      %dma_start3A_511 = arith.constant 0 : i32
      %dma_start3A_512 = tpu.memref_slice %arg5[%arg0, %mul3A_507, %dma_start3A_511] : memref<2x10000x128xf32, #tpu.memory_space<hbm>> -> memref<1x80x128xf32, #tpu.memory_space<hbm>>
      %dma_start3A_513 = tpu.memref_squeeze %dma_start3A_512 : memref<1x80x128xf32, #tpu.memory_space<hbm>> -> memref<80x128xf32, #tpu.memory_space<hbm>>
      tpu.enqueue_dma source(%arg9 : memref<80x128xf32, #tpu.memory_space<vmem>>) target(%dma_start3A_513 : memref<80x128xf32, #tpu.memory_space<hbm>>) target_semaphore(%arg14 : memref<!tpu.dma_semaphore, #tpu.memory_space<semaphore_mem>>)
    } else {
    }
    %add3A_329 = arith.constant 48 : i32
    %add3A_330 = arith.addi %arg1, %add3A_329 : i32
    %lt3A_331 = arith.constant 125 : i32
    %lt3A_332 = arith.cmpi slt, %add3A_330, %lt3A_331 : i32
    %convert_element_type3A_333 = arith.extui %lt3A_332 : i1 to i32
    %cond3A_334 = arith.constant 0 : i32
    %cond3A_335 = arith.cmpi ne, %convert_element_type3A_333, %cond3A_334 : i32
    scf.if %cond3A_335 {
      %dma_wait3A_500 = arith.constant 0 : i32
      %dma_wait3A_501 = arith.constant 0 : i32
      %dma_wait3A_502 = tpu.memref_slice %arg5[%arg0, %dma_wait3A_500, %dma_wait3A_501] : memref<2x10000x128xf32, #tpu.memory_space<hbm>> -> memref<1x80x128xf32, #tpu.memory_space<hbm>>
      %dma_wait3A_503 = tpu.memref_squeeze %dma_wait3A_502 : memref<1x80x128xf32, #tpu.memory_space<hbm>> -> memref<80x128xf32, #tpu.memory_space<hbm>>
      %dma_wait3A_504 = arith.constant 0 : i32
      %dma_wait3A_505 = arith.constant 0 : i32
      %dma_wait3A_506 = tpu.memref_slice %arg5[%arg0, %dma_wait3A_504, %dma_wait3A_505] : memref<2x10000x128xf32, #tpu.memory_space<hbm>> -> memref<1x80x128xf32, #tpu.memory_space<hbm>>
      %dma_wait3A_507 = tpu.memref_squeeze %dma_wait3A_506 : memref<1x80x128xf32, #tpu.memory_space<hbm>> -> memref<80x128xf32, #tpu.memory_space<hbm>>
      tpu.wait_dma2 semaphore(%arg14 : memref<!tpu.dma_semaphore, #tpu.memory_space<semaphore_mem>>) src(%arg9 : memref<80x128xf32, #tpu.memory_space<vmem>>) dst(%dma_wait3A_507 : memref<80x128xf32, #tpu.memory_space<hbm>>)
      %mul3A_508 = arith.constant 80 : i32
      %mul3A_509 = arith.muli %add3A_330, %mul3A_508 : i32
      %dma_start3A_510 = arith.constant 0 : i32
      %dma_start3A_511 = tpu.memref_slice %arg10[%mul3A_509, %dma_start3A_510] : memref<10000x128xf32, #tpu.memory_space<vmem_shared>> -> memref<80x128xf32, #tpu.memory_space<vmem_shared>>
      %dma_start3A_512 = arith.constant 0 : i32
      %dma_start3A_513 = tpu.memref_slice %arg10[%mul3A_509, %dma_start3A_512] : memref<10000x128xf32, #tpu.memory_space<vmem_shared>> -> memref<80x128xf32, #tpu.memory_space<vmem_shared>>
      tpu.enqueue_dma source(%dma_start3A_513 : memref<80x128xf32, #tpu.memory_space<vmem_shared>>) target(%arg9 : memref<80x128xf32, #tpu.memory_space<vmem>>) target_semaphore(%arg12 : memref<!tpu.dma_semaphore, #tpu.memory_space<semaphore_mem>>)
    } else {
    }
    %add3A_336 = arith.constant 32 : i32
    %add3A_337 = arith.addi %arg1, %add3A_336 : i32
    %lt3A_338 = arith.constant 125 : i32
    %lt3A_339 = arith.cmpi slt, %add3A_337, %lt3A_338 : i32
    %convert_element_type3A_340 = arith.extui %lt3A_339 : i1 to i32
    %cond3A_341 = arith.constant 0 : i32
    %cond3A_342 = arith.cmpi ne, %convert_element_type3A_340, %cond3A_341 : i32
    scf.if %cond3A_342 {
      %dma_wait3A_500 = arith.constant 0 : i32
      %dma_wait3A_501 = arith.constant 0 : i32
      %dma_wait3A_502 = tpu.memref_slice %arg10[%dma_wait3A_500, %dma_wait3A_501] : memref<10000x128xf32, #tpu.memory_space<vmem_shared>> -> memref<80x128xf32, #tpu.memory_space<vmem_shared>>
      %dma_wait3A_503 = arith.constant 0 : i32
      %dma_wait3A_504 = arith.constant 0 : i32
      %dma_wait3A_505 = tpu.memref_slice %arg10[%dma_wait3A_503, %dma_wait3A_504] : memref<10000x128xf32, #tpu.memory_space<vmem_shared>> -> memref<80x128xf32, #tpu.memory_space<vmem_shared>>
      tpu.wait_dma2 semaphore(%arg11 : memref<!tpu.dma_semaphore, #tpu.memory_space<semaphore_mem>>) src(%dma_wait3A_505 : memref<80x128xf32, #tpu.memory_space<vmem_shared>>) dst(%arg8 : memref<80x128xf32, #tpu.memory_space<vmem>>)
      %mul3A_506 = arith.constant 80 : i32
      %mul3A_507 = arith.muli %add3A_337, %mul3A_506 : i32
      %dma_start3A_508 = arith.constant 0 : i32
      %dma_start3A_509 = tpu.memref_slice %arg5[%arg0, %mul3A_507, %dma_start3A_508] : memref<2x10000x128xf32, #tpu.memory_space<hbm>> -> memref<1x80x128xf32, #tpu.memory_space<hbm>>
      %dma_start3A_510 = tpu.memref_squeeze %dma_start3A_509 : memref<1x80x128xf32, #tpu.memory_space<hbm>> -> memref<80x128xf32, #tpu.memory_space<hbm>>
      %dma_start3A_511 = arith.constant 0 : i32
      %dma_start3A_512 = tpu.memref_slice %arg5[%arg0, %mul3A_507, %dma_start3A_511] : memref<2x10000x128xf32, #tpu.memory_space<hbm>> -> memref<1x80x128xf32, #tpu.memory_space<hbm>>
      %dma_start3A_513 = tpu.memref_squeeze %dma_start3A_512 : memref<1x80x128xf32, #tpu.memory_space<hbm>> -> memref<80x128xf32, #tpu.memory_space<hbm>>
      tpu.enqueue_dma source(%arg8 : memref<80x128xf32, #tpu.memory_space<vmem>>) target(%dma_start3A_513 : memref<80x128xf32, #tpu.memory_space<hbm>>) target_semaphore(%arg13 : memref<!tpu.dma_semaphore, #tpu.memory_space<semaphore_mem>>)
    } else {
    }
    %add3A_343 = arith.constant 64 : i32
    %add3A_344 = arith.addi %arg1, %add3A_343 : i32
    %lt3A_345 = arith.constant 125 : i32
    %lt3A_346 = arith.cmpi slt, %add3A_344, %lt3A_345 : i32
    %convert_element_type3A_347 = arith.extui %lt3A_346 : i1 to i32
    %cond3A_348 = arith.constant 0 : i32
    %cond3A_349 = arith.cmpi ne, %convert_element_type3A_347, %cond3A_348 : i32
    scf.if %cond3A_349 {
      %dma_wait3A_500 = arith.constant 0 : i32
      %dma_wait3A_501 = arith.constant 0 : i32
      %dma_wait3A_502 = tpu.memref_slice %arg5[%arg0, %dma_wait3A_500, %dma_wait3A_501] : memref<2x10000x128xf32, #tpu.memory_space<hbm>> -> memref<1x80x128xf32, #tpu.memory_space<hbm>>
      %dma_wait3A_503 = tpu.memref_squeeze %dma_wait3A_502 : memref<1x80x128xf32, #tpu.memory_space<hbm>> -> memref<80x128xf32, #tpu.memory_space<hbm>>
      %dma_wait3A_504 = arith.constant 0 : i32
      %dma_wait3A_505 = arith.constant 0 : i32
      %dma_wait3A_506 = tpu.memref_slice %arg5[%arg0, %dma_wait3A_504, %dma_wait3A_505] : memref<2x10000x128xf32, #tpu.memory_space<hbm>> -> memref<1x80x128xf32, #tpu.memory_space<hbm>>
      %dma_wait3A_507 = tpu.memref_squeeze %dma_wait3A_506 : memref<1x80x128xf32, #tpu.memory_space<hbm>> -> memref<80x128xf32, #tpu.memory_space<hbm>>
      tpu.wait_dma2 semaphore(%arg13 : memref<!tpu.dma_semaphore, #tpu.memory_space<semaphore_mem>>) src(%arg8 : memref<80x128xf32, #tpu.memory_space<vmem>>) dst(%dma_wait3A_507 : memref<80x128xf32, #tpu.memory_space<hbm>>)
      %mul3A_508 = arith.constant 80 : i32
      %mul3A_509 = arith.muli %add3A_344, %mul3A_508 : i32
      %dma_start3A_510 = arith.constant 0 : i32
      %dma_start3A_511 = tpu.memref_slice %arg10[%mul3A_509, %dma_start3A_510] : memref<10000x128xf32, #tpu.memory_space<vmem_shared>> -> memref<80x128xf32, #tpu.memory_space<vmem_shared>>
      %dma_start3A_512 = arith.constant 0 : i32
      %dma_start3A_513 = tpu.memref_slice %arg10[%mul3A_509, %dma_start3A_512] : memref<10000x128xf32, #tpu.memory_space<vmem_shared>> -> memref<80x128xf32, #tpu.memory_space<vmem_shared>>
      tpu.enqueue_dma source(%dma_start3A_513 : memref<80x128xf32, #tpu.memory_space<vmem_shared>>) target(%arg8 : memref<80x128xf32, #tpu.memory_space<vmem>>) target_semaphore(%arg11 : memref<!tpu.dma_semaphore, #tpu.memory_space<semaphore_mem>>)
    } else {
    }
    %add3A_350 = arith.constant 48 : i32
    %add3A_351 = arith.addi %arg1, %add3A_350 : i32
    %lt3A_352 = arith.constant 125 : i32
    %lt3A_353 = arith.cmpi slt, %add3A_351, %lt3A_352 : i32
    %convert_element_type3A_354 = arith.extui %lt3A_353 : i1 to i32
    %cond3A_355 = arith.constant 0 : i32
    %cond3A_356 = arith.cmpi ne, %convert_element_type3A_354, %cond3A_355 : i32
    scf.if %cond3A_356 {
      %dma_wait3A_500 = arith.constant 0 : i32
      %dma_wait3A_501 = arith.constant 0 : i32
      %dma_wait3A_502 = tpu.memref_slice %arg10[%dma_wait3A_500, %dma_wait3A_501] : memref<10000x128xf32, #tpu.memory_space<vmem_shared>> -> memref<80x128xf32, #tpu.memory_space<vmem_shared>>
      %dma_wait3A_503 = arith.constant 0 : i32
      %dma_wait3A_504 = arith.constant 0 : i32
      %dma_wait3A_505 = tpu.memref_slice %arg10[%dma_wait3A_503, %dma_wait3A_504] : memref<10000x128xf32, #tpu.memory_space<vmem_shared>> -> memref<80x128xf32, #tpu.memory_space<vmem_shared>>
      tpu.wait_dma2 semaphore(%arg12 : memref<!tpu.dma_semaphore, #tpu.memory_space<semaphore_mem>>) src(%dma_wait3A_505 : memref<80x128xf32, #tpu.memory_space<vmem_shared>>) dst(%arg9 : memref<80x128xf32, #tpu.memory_space<vmem>>)
      %mul3A_506 = arith.constant 80 : i32
      %mul3A_507 = arith.muli %add3A_351, %mul3A_506 : i32
      %dma_start3A_508 = arith.constant 0 : i32
      %dma_start3A_509 = tpu.memref_slice %arg5[%arg0, %mul3A_507, %dma_start3A_508] : memref<2x10000x128xf32, #tpu.memory_space<hbm>> -> memref<1x80x128xf32, #tpu.memory_space<hbm>>
      %dma_start3A_510 = tpu.memref_squeeze %dma_start3A_509 : memref<1x80x128xf32, #tpu.memory_space<hbm>> -> memref<80x128xf32, #tpu.memory_space<hbm>>
      %dma_start3A_511 = arith.constant 0 : i32
      %dma_start3A_512 = tpu.memref_slice %arg5[%arg0, %mul3A_507, %dma_start3A_511] : memref<2x10000x128xf32, #tpu.memory_space<hbm>> -> memref<1x80x128xf32, #tpu.memory_space<hbm>>
      %dma_start3A_513 = tpu.memref_squeeze %dma_start3A_512 : memref<1x80x128xf32, #tpu.memory_space<hbm>> -> memref<80x128xf32, #tpu.memory_space<hbm>>
      tpu.enqueue_dma source(%arg9 : memref<80x128xf32, #tpu.memory_space<vmem>>) target(%dma_start3A_513 : memref<80x128xf32, #tpu.memory_space<hbm>>) target_semaphore(%arg14 : memref<!tpu.dma_semaphore, #tpu.memory_space<semaphore_mem>>)
    } else {
    }
    %add3A_357 = arith.constant 80 : i32
    %add3A_358 = arith.addi %arg1, %add3A_357 : i32
    %lt3A_359 = arith.constant 125 : i32
    %lt3A_360 = arith.cmpi slt, %add3A_358, %lt3A_359 : i32
    %convert_element_type3A_361 = arith.extui %lt3A_360 : i1 to i32
    %cond3A_362 = arith.constant 0 : i32
    %cond3A_363 = arith.cmpi ne, %convert_element_type3A_361, %cond3A_362 : i32
    scf.if %cond3A_363 {
      %dma_wait3A_500 = arith.constant 0 : i32
      %dma_wait3A_501 = arith.constant 0 : i32
      %dma_wait3A_502 = tpu.memref_slice %arg5[%arg0, %dma_wait3A_500, %dma_wait3A_501] : memref<2x10000x128xf32, #tpu.memory_space<hbm>> -> memref<1x80x128xf32, #tpu.memory_space<hbm>>
      %dma_wait3A_503 = tpu.memref_squeeze %dma_wait3A_502 : memref<1x80x128xf32, #tpu.memory_space<hbm>> -> memref<80x128xf32, #tpu.memory_space<hbm>>
      %dma_wait3A_504 = arith.constant 0 : i32
      %dma_wait3A_505 = arith.constant 0 : i32
      %dma_wait3A_506 = tpu.memref_slice %arg5[%arg0, %dma_wait3A_504, %dma_wait3A_505] : memref<2x10000x128xf32, #tpu.memory_space<hbm>> -> memref<1x80x128xf32, #tpu.memory_space<hbm>>
      %dma_wait3A_507 = tpu.memref_squeeze %dma_wait3A_506 : memref<1x80x128xf32, #tpu.memory_space<hbm>> -> memref<80x128xf32, #tpu.memory_space<hbm>>
      tpu.wait_dma2 semaphore(%arg14 : memref<!tpu.dma_semaphore, #tpu.memory_space<semaphore_mem>>) src(%arg9 : memref<80x128xf32, #tpu.memory_space<vmem>>) dst(%dma_wait3A_507 : memref<80x128xf32, #tpu.memory_space<hbm>>)
      %mul3A_508 = arith.constant 80 : i32
      %mul3A_509 = arith.muli %add3A_358, %mul3A_508 : i32
      %dma_start3A_510 = arith.constant 0 : i32
      %dma_start3A_511 = tpu.memref_slice %arg10[%mul3A_509, %dma_start3A_510] : memref<10000x128xf32, #tpu.memory_space<vmem_shared>> -> memref<80x128xf32, #tpu.memory_space<vmem_shared>>
      %dma_start3A_512 = arith.constant 0 : i32
      %dma_start3A_513 = tpu.memref_slice %arg10[%mul3A_509, %dma_start3A_512] : memref<10000x128xf32, #tpu.memory_space<vmem_shared>> -> memref<80x128xf32, #tpu.memory_space<vmem_shared>>
      tpu.enqueue_dma source(%dma_start3A_513 : memref<80x128xf32, #tpu.memory_space<vmem_shared>>) target(%arg9 : memref<80x128xf32, #tpu.memory_space<vmem>>) target_semaphore(%arg12 : memref<!tpu.dma_semaphore, #tpu.memory_space<semaphore_mem>>)
    } else {
    }
    %add3A_364 = arith.constant 64 : i32
    %add3A_365 = arith.addi %arg1, %add3A_364 : i32
    %lt3A_366 = arith.constant 125 : i32
    %lt3A_367 = arith.cmpi slt, %add3A_365, %lt3A_366 : i32
    %convert_element_type3A_368 = arith.extui %lt3A_367 : i1 to i32
    %cond3A_369 = arith.constant 0 : i32
    %cond3A_370 = arith.cmpi ne, %convert_element_type3A_368, %cond3A_369 : i32
    scf.if %cond3A_370 {
      %dma_wait3A_500 = arith.constant 0 : i32
      %dma_wait3A_501 = arith.constant 0 : i32
      %dma_wait3A_502 = tpu.memref_slice %arg10[%dma_wait3A_500, %dma_wait3A_501] : memref<10000x128xf32, #tpu.memory_space<vmem_shared>> -> memref<80x128xf32, #tpu.memory_space<vmem_shared>>
      %dma_wait3A_503 = arith.constant 0 : i32
      %dma_wait3A_504 = arith.constant 0 : i32
      %dma_wait3A_505 = tpu.memref_slice %arg10[%dma_wait3A_503, %dma_wait3A_504] : memref<10000x128xf32, #tpu.memory_space<vmem_shared>> -> memref<80x128xf32, #tpu.memory_space<vmem_shared>>
      tpu.wait_dma2 semaphore(%arg11 : memref<!tpu.dma_semaphore, #tpu.memory_space<semaphore_mem>>) src(%dma_wait3A_505 : memref<80x128xf32, #tpu.memory_space<vmem_shared>>) dst(%arg8 : memref<80x128xf32, #tpu.memory_space<vmem>>)
      %mul3A_506 = arith.constant 80 : i32
      %mul3A_507 = arith.muli %add3A_365, %mul3A_506 : i32
      %dma_start3A_508 = arith.constant 0 : i32
      %dma_start3A_509 = tpu.memref_slice %arg5[%arg0, %mul3A_507, %dma_start3A_508] : memref<2x10000x128xf32, #tpu.memory_space<hbm>> -> memref<1x80x128xf32, #tpu.memory_space<hbm>>
      %dma_start3A_510 = tpu.memref_squeeze %dma_start3A_509 : memref<1x80x128xf32, #tpu.memory_space<hbm>> -> memref<80x128xf32, #tpu.memory_space<hbm>>
      %dma_start3A_511 = arith.constant 0 : i32
      %dma_start3A_512 = tpu.memref_slice %arg5[%arg0, %mul3A_507, %dma_start3A_511] : memref<2x10000x128xf32, #tpu.memory_space<hbm>> -> memref<1x80x128xf32, #tpu.memory_space<hbm>>
      %dma_start3A_513 = tpu.memref_squeeze %dma_start3A_512 : memref<1x80x128xf32, #tpu.memory_space<hbm>> -> memref<80x128xf32, #tpu.memory_space<hbm>>
      tpu.enqueue_dma source(%arg8 : memref<80x128xf32, #tpu.memory_space<vmem>>) target(%dma_start3A_513 : memref<80x128xf32, #tpu.memory_space<hbm>>) target_semaphore(%arg13 : memref<!tpu.dma_semaphore, #tpu.memory_space<semaphore_mem>>)
    } else {
    }
    %add3A_371 = arith.constant 96 : i32
    %add3A_372 = arith.addi %arg1, %add3A_371 : i32
    %lt3A_373 = arith.constant 125 : i32
    %lt3A_374 = arith.cmpi slt, %add3A_372, %lt3A_373 : i32
    %convert_element_type3A_375 = arith.extui %lt3A_374 : i1 to i32
    %cond3A_376 = arith.constant 0 : i32
    %cond3A_377 = arith.cmpi ne, %convert_element_type3A_375, %cond3A_376 : i32
    scf.if %cond3A_377 {
      %dma_wait3A_500 = arith.constant 0 : i32
      %dma_wait3A_501 = arith.constant 0 : i32
      %dma_wait3A_502 = tpu.memref_slice %arg5[%arg0, %dma_wait3A_500, %dma_wait3A_501] : memref<2x10000x128xf32, #tpu.memory_space<hbm>> -> memref<1x80x128xf32, #tpu.memory_space<hbm>>
      %dma_wait3A_503 = tpu.memref_squeeze %dma_wait3A_502 : memref<1x80x128xf32, #tpu.memory_space<hbm>> -> memref<80x128xf32, #tpu.memory_space<hbm>>
      %dma_wait3A_504 = arith.constant 0 : i32
      %dma_wait3A_505 = arith.constant 0 : i32
      %dma_wait3A_506 = tpu.memref_slice %arg5[%arg0, %dma_wait3A_504, %dma_wait3A_505] : memref<2x10000x128xf32, #tpu.memory_space<hbm>> -> memref<1x80x128xf32, #tpu.memory_space<hbm>>
      %dma_wait3A_507 = tpu.memref_squeeze %dma_wait3A_506 : memref<1x80x128xf32, #tpu.memory_space<hbm>> -> memref<80x128xf32, #tpu.memory_space<hbm>>
      tpu.wait_dma2 semaphore(%arg13 : memref<!tpu.dma_semaphore, #tpu.memory_space<semaphore_mem>>) src(%arg8 : memref<80x128xf32, #tpu.memory_space<vmem>>) dst(%dma_wait3A_507 : memref<80x128xf32, #tpu.memory_space<hbm>>)
      %mul3A_508 = arith.constant 80 : i32
      %mul3A_509 = arith.muli %add3A_372, %mul3A_508 : i32
      %dma_start3A_510 = arith.constant 0 : i32
      %dma_start3A_511 = tpu.memref_slice %arg10[%mul3A_509, %dma_start3A_510] : memref<10000x128xf32, #tpu.memory_space<vmem_shared>> -> memref<80x128xf32, #tpu.memory_space<vmem_shared>>
      %dma_start3A_512 = arith.constant 0 : i32
      %dma_start3A_513 = tpu.memref_slice %arg10[%mul3A_509, %dma_start3A_512] : memref<10000x128xf32, #tpu.memory_space<vmem_shared>> -> memref<80x128xf32, #tpu.memory_space<vmem_shared>>
      tpu.enqueue_dma source(%dma_start3A_513 : memref<80x128xf32, #tpu.memory_space<vmem_shared>>) target(%arg8 : memref<80x128xf32, #tpu.memory_space<vmem>>) target_semaphore(%arg11 : memref<!tpu.dma_semaphore, #tpu.memory_space<semaphore_mem>>)
    } else {
    }
    %add3A_378 = arith.constant 80 : i32
    %add3A_379 = arith.addi %arg1, %add3A_378 : i32
    %lt3A_380 = arith.constant 125 : i32
    %lt3A_381 = arith.cmpi slt, %add3A_379, %lt3A_380 : i32
    %convert_element_type3A_382 = arith.extui %lt3A_381 : i1 to i32
    %cond3A_383 = arith.constant 0 : i32
    %cond3A_384 = arith.cmpi ne, %convert_element_type3A_382, %cond3A_383 : i32
    scf.if %cond3A_384 {
      %dma_wait3A_500 = arith.constant 0 : i32
      %dma_wait3A_501 = arith.constant 0 : i32
      %dma_wait3A_502 = tpu.memref_slice %arg10[%dma_wait3A_500, %dma_wait3A_501] : memref<10000x128xf32, #tpu.memory_space<vmem_shared>> -> memref<80x128xf32, #tpu.memory_space<vmem_shared>>
      %dma_wait3A_503 = arith.constant 0 : i32
      %dma_wait3A_504 = arith.constant 0 : i32
      %dma_wait3A_505 = tpu.memref_slice %arg10[%dma_wait3A_503, %dma_wait3A_504] : memref<10000x128xf32, #tpu.memory_space<vmem_shared>> -> memref<80x128xf32, #tpu.memory_space<vmem_shared>>
      tpu.wait_dma2 semaphore(%arg12 : memref<!tpu.dma_semaphore, #tpu.memory_space<semaphore_mem>>) src(%dma_wait3A_505 : memref<80x128xf32, #tpu.memory_space<vmem_shared>>) dst(%arg9 : memref<80x128xf32, #tpu.memory_space<vmem>>)
      %mul3A_506 = arith.constant 80 : i32
      %mul3A_507 = arith.muli %add3A_379, %mul3A_506 : i32
      %dma_start3A_508 = arith.constant 0 : i32
      %dma_start3A_509 = tpu.memref_slice %arg5[%arg0, %mul3A_507, %dma_start3A_508] : memref<2x10000x128xf32, #tpu.memory_space<hbm>> -> memref<1x80x128xf32, #tpu.memory_space<hbm>>
      %dma_start3A_510 = tpu.memref_squeeze %dma_start3A_509 : memref<1x80x128xf32, #tpu.memory_space<hbm>> -> memref<80x128xf32, #tpu.memory_space<hbm>>
      %dma_start3A_511 = arith.constant 0 : i32
      %dma_start3A_512 = tpu.memref_slice %arg5[%arg0, %mul3A_507, %dma_start3A_511] : memref<2x10000x128xf32, #tpu.memory_space<hbm>> -> memref<1x80x128xf32, #tpu.memory_space<hbm>>
      %dma_start3A_513 = tpu.memref_squeeze %dma_start3A_512 : memref<1x80x128xf32, #tpu.memory_space<hbm>> -> memref<80x128xf32, #tpu.memory_space<hbm>>
      tpu.enqueue_dma source(%arg9 : memref<80x128xf32, #tpu.memory_space<vmem>>) target(%dma_start3A_513 : memref<80x128xf32, #tpu.memory_space<hbm>>) target_semaphore(%arg14 : memref<!tpu.dma_semaphore, #tpu.memory_space<semaphore_mem>>)
    } else {
    }
    %add3A_385 = arith.constant 112 : i32
    %add3A_386 = arith.addi %arg1, %add3A_385 : i32
    %lt3A_387 = arith.constant 125 : i32
    %lt3A_388 = arith.cmpi slt, %add3A_386, %lt3A_387 : i32
    %convert_element_type3A_389 = arith.extui %lt3A_388 : i1 to i32
    %cond3A_390 = arith.constant 0 : i32
    %cond3A_391 = arith.cmpi ne, %convert_element_type3A_389, %cond3A_390 : i32
    scf.if %cond3A_391 {
      %dma_wait3A_500 = arith.constant 0 : i32
      %dma_wait3A_501 = arith.constant 0 : i32
      %dma_wait3A_502 = tpu.memref_slice %arg5[%arg0, %dma_wait3A_500, %dma_wait3A_501] : memref<2x10000x128xf32, #tpu.memory_space<hbm>> -> memref<1x80x128xf32, #tpu.memory_space<hbm>>
      %dma_wait3A_503 = tpu.memref_squeeze %dma_wait3A_502 : memref<1x80x128xf32, #tpu.memory_space<hbm>> -> memref<80x128xf32, #tpu.memory_space<hbm>>
      %dma_wait3A_504 = arith.constant 0 : i32
      %dma_wait3A_505 = arith.constant 0 : i32
      %dma_wait3A_506 = tpu.memref_slice %arg5[%arg0, %dma_wait3A_504, %dma_wait3A_505] : memref<2x10000x128xf32, #tpu.memory_space<hbm>> -> memref<1x80x128xf32, #tpu.memory_space<hbm>>
      %dma_wait3A_507 = tpu.memref_squeeze %dma_wait3A_506 : memref<1x80x128xf32, #tpu.memory_space<hbm>> -> memref<80x128xf32, #tpu.memory_space<hbm>>
      tpu.wait_dma2 semaphore(%arg14 : memref<!tpu.dma_semaphore, #tpu.memory_space<semaphore_mem>>) src(%arg9 : memref<80x128xf32, #tpu.memory_space<vmem>>) dst(%dma_wait3A_507 : memref<80x128xf32, #tpu.memory_space<hbm>>)
      %mul3A_508 = arith.constant 80 : i32
      %mul3A_509 = arith.muli %add3A_386, %mul3A_508 : i32
      %dma_start3A_510 = arith.constant 0 : i32
      %dma_start3A_511 = tpu.memref_slice %arg10[%mul3A_509, %dma_start3A_510] : memref<10000x128xf32, #tpu.memory_space<vmem_shared>> -> memref<80x128xf32, #tpu.memory_space<vmem_shared>>
      %dma_start3A_512 = arith.constant 0 : i32
      %dma_start3A_513 = tpu.memref_slice %arg10[%mul3A_509, %dma_start3A_512] : memref<10000x128xf32, #tpu.memory_space<vmem_shared>> -> memref<80x128xf32, #tpu.memory_space<vmem_shared>>
      tpu.enqueue_dma source(%dma_start3A_513 : memref<80x128xf32, #tpu.memory_space<vmem_shared>>) target(%arg9 : memref<80x128xf32, #tpu.memory_space<vmem>>) target_semaphore(%arg12 : memref<!tpu.dma_semaphore, #tpu.memory_space<semaphore_mem>>)
    } else {
    }
    %add3A_392 = arith.constant 96 : i32
    %add3A_393 = arith.addi %arg1, %add3A_392 : i32
    %lt3A_394 = arith.constant 125 : i32
    %lt3A_395 = arith.cmpi slt, %add3A_393, %lt3A_394 : i32
    %convert_element_type3A_396 = arith.extui %lt3A_395 : i1 to i32
    %cond3A_397 = arith.constant 0 : i32
    %cond3A_398 = arith.cmpi ne, %convert_element_type3A_396, %cond3A_397 : i32
    scf.if %cond3A_398 {
      %dma_wait3A_500 = arith.constant 0 : i32
      %dma_wait3A_501 = arith.constant 0 : i32
      %dma_wait3A_502 = tpu.memref_slice %arg10[%dma_wait3A_500, %dma_wait3A_501] : memref<10000x128xf32, #tpu.memory_space<vmem_shared>> -> memref<80x128xf32, #tpu.memory_space<vmem_shared>>
      %dma_wait3A_503 = arith.constant 0 : i32
      %dma_wait3A_504 = arith.constant 0 : i32
      %dma_wait3A_505 = tpu.memref_slice %arg10[%dma_wait3A_503, %dma_wait3A_504] : memref<10000x128xf32, #tpu.memory_space<vmem_shared>> -> memref<80x128xf32, #tpu.memory_space<vmem_shared>>
      tpu.wait_dma2 semaphore(%arg11 : memref<!tpu.dma_semaphore, #tpu.memory_space<semaphore_mem>>) src(%dma_wait3A_505 : memref<80x128xf32, #tpu.memory_space<vmem_shared>>) dst(%arg8 : memref<80x128xf32, #tpu.memory_space<vmem>>)
      %mul3A_506 = arith.constant 80 : i32
      %mul3A_507 = arith.muli %add3A_393, %mul3A_506 : i32
      %dma_start3A_508 = arith.constant 0 : i32
      %dma_start3A_509 = tpu.memref_slice %arg5[%arg0, %mul3A_507, %dma_start3A_508] : memref<2x10000x128xf32, #tpu.memory_space<hbm>> -> memref<1x80x128xf32, #tpu.memory_space<hbm>>
      %dma_start3A_510 = tpu.memref_squeeze %dma_start3A_509 : memref<1x80x128xf32, #tpu.memory_space<hbm>> -> memref<80x128xf32, #tpu.memory_space<hbm>>
      %dma_start3A_511 = arith.constant 0 : i32
      %dma_start3A_512 = tpu.memref_slice %arg5[%arg0, %mul3A_507, %dma_start3A_511] : memref<2x10000x128xf32, #tpu.memory_space<hbm>> -> memref<1x80x128xf32, #tpu.memory_space<hbm>>
      %dma_start3A_513 = tpu.memref_squeeze %dma_start3A_512 : memref<1x80x128xf32, #tpu.memory_space<hbm>> -> memref<80x128xf32, #tpu.memory_space<hbm>>
      tpu.enqueue_dma source(%arg8 : memref<80x128xf32, #tpu.memory_space<vmem>>) target(%dma_start3A_513 : memref<80x128xf32, #tpu.memory_space<hbm>>) target_semaphore(%arg13 : memref<!tpu.dma_semaphore, #tpu.memory_space<semaphore_mem>>)
    } else {
    }
    %add3A_399 = arith.constant 112 : i32
    %add3A_400 = arith.addi %arg1, %add3A_399 : i32
    %lt3A_401 = arith.constant 125 : i32
    %lt3A_402 = arith.cmpi slt, %add3A_400, %lt3A_401 : i32
    %convert_element_type3A_403 = arith.extui %lt3A_402 : i1 to i32
    %cond3A_404 = arith.constant 0 : i32
    %cond3A_405 = arith.cmpi ne, %convert_element_type3A_403, %cond3A_404 : i32
    scf.if %cond3A_405 {
      %dma_wait3A_500 = arith.constant 0 : i32
      %dma_wait3A_501 = arith.constant 0 : i32
      %dma_wait3A_502 = tpu.memref_slice %arg10[%dma_wait3A_500, %dma_wait3A_501] : memref<10000x128xf32, #tpu.memory_space<vmem_shared>> -> memref<80x128xf32, #tpu.memory_space<vmem_shared>>
      %dma_wait3A_503 = arith.constant 0 : i32
      %dma_wait3A_504 = arith.constant 0 : i32
      %dma_wait3A_505 = tpu.memref_slice %arg10[%dma_wait3A_503, %dma_wait3A_504] : memref<10000x128xf32, #tpu.memory_space<vmem_shared>> -> memref<80x128xf32, #tpu.memory_space<vmem_shared>>
      tpu.wait_dma2 semaphore(%arg12 : memref<!tpu.dma_semaphore, #tpu.memory_space<semaphore_mem>>) src(%dma_wait3A_505 : memref<80x128xf32, #tpu.memory_space<vmem_shared>>) dst(%arg9 : memref<80x128xf32, #tpu.memory_space<vmem>>)
      %mul3A_506 = arith.constant 80 : i32
      %mul3A_507 = arith.muli %add3A_400, %mul3A_506 : i32
      %dma_start3A_508 = arith.constant 0 : i32
      %dma_start3A_509 = tpu.memref_slice %arg5[%arg0, %mul3A_507, %dma_start3A_508] : memref<2x10000x128xf32, #tpu.memory_space<hbm>> -> memref<1x80x128xf32, #tpu.memory_space<hbm>>
      %dma_start3A_510 = tpu.memref_squeeze %dma_start3A_509 : memref<1x80x128xf32, #tpu.memory_space<hbm>> -> memref<80x128xf32, #tpu.memory_space<hbm>>
      %dma_start3A_511 = arith.constant 0 : i32
      %dma_start3A_512 = tpu.memref_slice %arg5[%arg0, %mul3A_507, %dma_start3A_511] : memref<2x10000x128xf32, #tpu.memory_space<hbm>> -> memref<1x80x128xf32, #tpu.memory_space<hbm>>
      %dma_start3A_513 = tpu.memref_squeeze %dma_start3A_512 : memref<1x80x128xf32, #tpu.memory_space<hbm>> -> memref<80x128xf32, #tpu.memory_space<hbm>>
      tpu.enqueue_dma source(%arg9 : memref<80x128xf32, #tpu.memory_space<vmem>>) target(%dma_start3A_513 : memref<80x128xf32, #tpu.memory_space<hbm>>) target_semaphore(%arg14 : memref<!tpu.dma_semaphore, #tpu.memory_space<semaphore_mem>>)
    } else {
    }
    %add3A_406 = arith.constant 0 : i32
    %add3A_407 = arith.addi %arg1, %add3A_406 : i32
    %add3A_408 = arith.constant 32 : i32
    %add3A_409 = arith.addi %arg1, %add3A_408 : i32
    %lt3A_410 = arith.constant 125 : i32
    %lt3A_411 = arith.cmpi slt, %add3A_407, %lt3A_410 : i32
    %ge3A = arith.constant 125 : i32
    %ge3A_412 = arith.cmpi sge, %add3A_409, %ge3A : i32
    %and3A = arith.andi %lt3A_411, %ge3A_412 : i1
    %convert_element_type3A_413 = arith.extui %and3A : i1 to i32
    %cond3A_414 = arith.constant 0 : i32
    %cond3A_415 = arith.cmpi ne, %convert_element_type3A_413, %cond3A_414 : i32
    scf.if %cond3A_415 {
      %dma_wait3A_500 = arith.constant 0 : i32
      %dma_wait3A_501 = arith.constant 0 : i32
      %dma_wait3A_502 = tpu.memref_slice %arg5[%arg0, %dma_wait3A_500, %dma_wait3A_501] : memref<2x10000x128xf32, #tpu.memory_space<hbm>> -> memref<1x80x128xf32, #tpu.memory_space<hbm>>
      %dma_wait3A_503 = tpu.memref_squeeze %dma_wait3A_502 : memref<1x80x128xf32, #tpu.memory_space<hbm>> -> memref<80x128xf32, #tpu.memory_space<hbm>>
      %dma_wait3A_504 = arith.constant 0 : i32
      %dma_wait3A_505 = arith.constant 0 : i32
      %dma_wait3A_506 = tpu.memref_slice %arg5[%arg0, %dma_wait3A_504, %dma_wait3A_505] : memref<2x10000x128xf32, #tpu.memory_space<hbm>> -> memref<1x80x128xf32, #tpu.memory_space<hbm>>
      %dma_wait3A_507 = tpu.memref_squeeze %dma_wait3A_506 : memref<1x80x128xf32, #tpu.memory_space<hbm>> -> memref<80x128xf32, #tpu.memory_space<hbm>>
      tpu.wait_dma2 semaphore(%arg13 : memref<!tpu.dma_semaphore, #tpu.memory_space<semaphore_mem>>) src(%arg8 : memref<80x128xf32, #tpu.memory_space<vmem>>) dst(%dma_wait3A_507 : memref<80x128xf32, #tpu.memory_space<hbm>>)
    } else {
    }
    %add3A_416 = arith.constant 16 : i32
    %add3A_417 = arith.addi %arg1, %add3A_416 : i32
    %add3A_418 = arith.constant 48 : i32
    %add3A_419 = arith.addi %arg1, %add3A_418 : i32
    %lt3A_420 = arith.constant 125 : i32
    %lt3A_421 = arith.cmpi slt, %add3A_417, %lt3A_420 : i32
    %ge3A_422 = arith.constant 125 : i32
    %ge3A_423 = arith.cmpi sge, %add3A_419, %ge3A_422 : i32
    %and3A_424 = arith.andi %lt3A_421, %ge3A_423 : i1
    %convert_element_type3A_425 = arith.extui %and3A_424 : i1 to i32
    %cond3A_426 = arith.constant 0 : i32
    %cond3A_427 = arith.cmpi ne, %convert_element_type3A_425, %cond3A_426 : i32
    scf.if %cond3A_427 {
      %dma_wait3A_500 = arith.constant 0 : i32
      %dma_wait3A_501 = arith.constant 0 : i32
      %dma_wait3A_502 = tpu.memref_slice %arg5[%arg0, %dma_wait3A_500, %dma_wait3A_501] : memref<2x10000x128xf32, #tpu.memory_space<hbm>> -> memref<1x80x128xf32, #tpu.memory_space<hbm>>
      %dma_wait3A_503 = tpu.memref_squeeze %dma_wait3A_502 : memref<1x80x128xf32, #tpu.memory_space<hbm>> -> memref<80x128xf32, #tpu.memory_space<hbm>>
      %dma_wait3A_504 = arith.constant 0 : i32
      %dma_wait3A_505 = arith.constant 0 : i32
      %dma_wait3A_506 = tpu.memref_slice %arg5[%arg0, %dma_wait3A_504, %dma_wait3A_505] : memref<2x10000x128xf32, #tpu.memory_space<hbm>> -> memref<1x80x128xf32, #tpu.memory_space<hbm>>
      %dma_wait3A_507 = tpu.memref_squeeze %dma_wait3A_506 : memref<1x80x128xf32, #tpu.memory_space<hbm>> -> memref<80x128xf32, #tpu.memory_space<hbm>>
      tpu.wait_dma2 semaphore(%arg14 : memref<!tpu.dma_semaphore, #tpu.memory_space<semaphore_mem>>) src(%arg9 : memref<80x128xf32, #tpu.memory_space<vmem>>) dst(%dma_wait3A_507 : memref<80x128xf32, #tpu.memory_space<hbm>>)
    } else {
    }
    %add3A_428 = arith.constant 32 : i32
    %add3A_429 = arith.addi %arg1, %add3A_428 : i32
    %add3A_430 = arith.constant 64 : i32
    %add3A_431 = arith.addi %arg1, %add3A_430 : i32
    %lt3A_432 = arith.constant 125 : i32
    %lt3A_433 = arith.cmpi slt, %add3A_429, %lt3A_432 : i32
    %ge3A_434 = arith.constant 125 : i32
    %ge3A_435 = arith.cmpi sge, %add3A_431, %ge3A_434 : i32
    %and3A_436 = arith.andi %lt3A_433, %ge3A_435 : i1
    %convert_element_type3A_437 = arith.extui %and3A_436 : i1 to i32
    %cond3A_438 = arith.constant 0 : i32
    %cond3A_439 = arith.cmpi ne, %convert_element_type3A_437, %cond3A_438 : i32
    scf.if %cond3A_439 {
      %dma_wait3A_500 = arith.constant 0 : i32
      %dma_wait3A_501 = arith.constant 0 : i32
      %dma_wait3A_502 = tpu.memref_slice %arg5[%arg0, %dma_wait3A_500, %dma_wait3A_501] : memref<2x10000x128xf32, #tpu.memory_space<hbm>> -> memref<1x80x128xf32, #tpu.memory_space<hbm>>
      %dma_wait3A_503 = tpu.memref_squeeze %dma_wait3A_502 : memref<1x80x128xf32, #tpu.memory_space<hbm>> -> memref<80x128xf32, #tpu.memory_space<hbm>>
      %dma_wait3A_504 = arith.constant 0 : i32
      %dma_wait3A_505 = arith.constant 0 : i32
      %dma_wait3A_506 = tpu.memref_slice %arg5[%arg0, %dma_wait3A_504, %dma_wait3A_505] : memref<2x10000x128xf32, #tpu.memory_space<hbm>> -> memref<1x80x128xf32, #tpu.memory_space<hbm>>
      %dma_wait3A_507 = tpu.memref_squeeze %dma_wait3A_506 : memref<1x80x128xf32, #tpu.memory_space<hbm>> -> memref<80x128xf32, #tpu.memory_space<hbm>>
      tpu.wait_dma2 semaphore(%arg13 : memref<!tpu.dma_semaphore, #tpu.memory_space<semaphore_mem>>) src(%arg8 : memref<80x128xf32, #tpu.memory_space<vmem>>) dst(%dma_wait3A_507 : memref<80x128xf32, #tpu.memory_space<hbm>>)
    } else {
    }
    %add3A_440 = arith.constant 48 : i32
    %add3A_441 = arith.addi %arg1, %add3A_440 : i32
    %add3A_442 = arith.constant 80 : i32
    %add3A_443 = arith.addi %arg1, %add3A_442 : i32
    %lt3A_444 = arith.constant 125 : i32
    %lt3A_445 = arith.cmpi slt, %add3A_441, %lt3A_444 : i32
    %ge3A_446 = arith.constant 125 : i32
    %ge3A_447 = arith.cmpi sge, %add3A_443, %ge3A_446 : i32
    %and3A_448 = arith.andi %lt3A_445, %ge3A_447 : i1
    %convert_element_type3A_449 = arith.extui %and3A_448 : i1 to i32
    %cond3A_450 = arith.constant 0 : i32
    %cond3A_451 = arith.cmpi ne, %convert_element_type3A_449, %cond3A_450 : i32
    scf.if %cond3A_451 {
      %dma_wait3A_500 = arith.constant 0 : i32
      %dma_wait3A_501 = arith.constant 0 : i32
      %dma_wait3A_502 = tpu.memref_slice %arg5[%arg0, %dma_wait3A_500, %dma_wait3A_501] : memref<2x10000x128xf32, #tpu.memory_space<hbm>> -> memref<1x80x128xf32, #tpu.memory_space<hbm>>
      %dma_wait3A_503 = tpu.memref_squeeze %dma_wait3A_502 : memref<1x80x128xf32, #tpu.memory_space<hbm>> -> memref<80x128xf32, #tpu.memory_space<hbm>>
      %dma_wait3A_504 = arith.constant 0 : i32
      %dma_wait3A_505 = arith.constant 0 : i32
      %dma_wait3A_506 = tpu.memref_slice %arg5[%arg0, %dma_wait3A_504, %dma_wait3A_505] : memref<2x10000x128xf32, #tpu.memory_space<hbm>> -> memref<1x80x128xf32, #tpu.memory_space<hbm>>
      %dma_wait3A_507 = tpu.memref_squeeze %dma_wait3A_506 : memref<1x80x128xf32, #tpu.memory_space<hbm>> -> memref<80x128xf32, #tpu.memory_space<hbm>>
      tpu.wait_dma2 semaphore(%arg14 : memref<!tpu.dma_semaphore, #tpu.memory_space<semaphore_mem>>) src(%arg9 : memref<80x128xf32, #tpu.memory_space<vmem>>) dst(%dma_wait3A_507 : memref<80x128xf32, #tpu.memory_space<hbm>>)
    } else {
    }
    %add3A_452 = arith.constant 64 : i32
    %add3A_453 = arith.addi %arg1, %add3A_452 : i32
    %add3A_454 = arith.constant 96 : i32
    %add3A_455 = arith.addi %arg1, %add3A_454 : i32
    %lt3A_456 = arith.constant 125 : i32
    %lt3A_457 = arith.cmpi slt, %add3A_453, %lt3A_456 : i32
    %ge3A_458 = arith.constant 125 : i32
    %ge3A_459 = arith.cmpi sge, %add3A_455, %ge3A_458 : i32
    %and3A_460 = arith.andi %lt3A_457, %ge3A_459 : i1
    %convert_element_type3A_461 = arith.extui %and3A_460 : i1 to i32
    %cond3A_462 = arith.constant 0 : i32
    %cond3A_463 = arith.cmpi ne, %convert_element_type3A_461, %cond3A_462 : i32
    scf.if %cond3A_463 {
      %dma_wait3A_500 = arith.constant 0 : i32
      %dma_wait3A_501 = arith.constant 0 : i32
      %dma_wait3A_502 = tpu.memref_slice %arg5[%arg0, %dma_wait3A_500, %dma_wait3A_501] : memref<2x10000x128xf32, #tpu.memory_space<hbm>> -> memref<1x80x128xf32, #tpu.memory_space<hbm>>
      %dma_wait3A_503 = tpu.memref_squeeze %dma_wait3A_502 : memref<1x80x128xf32, #tpu.memory_space<hbm>> -> memref<80x128xf32, #tpu.memory_space<hbm>>
      %dma_wait3A_504 = arith.constant 0 : i32
      %dma_wait3A_505 = arith.constant 0 : i32
      %dma_wait3A_506 = tpu.memref_slice %arg5[%arg0, %dma_wait3A_504, %dma_wait3A_505] : memref<2x10000x128xf32, #tpu.memory_space<hbm>> -> memref<1x80x128xf32, #tpu.memory_space<hbm>>
      %dma_wait3A_507 = tpu.memref_squeeze %dma_wait3A_506 : memref<1x80x128xf32, #tpu.memory_space<hbm>> -> memref<80x128xf32, #tpu.memory_space<hbm>>
      tpu.wait_dma2 semaphore(%arg13 : memref<!tpu.dma_semaphore, #tpu.memory_space<semaphore_mem>>) src(%arg8 : memref<80x128xf32, #tpu.memory_space<vmem>>) dst(%dma_wait3A_507 : memref<80x128xf32, #tpu.memory_space<hbm>>)
    } else {
    }
    %add3A_464 = arith.constant 80 : i32
    %add3A_465 = arith.addi %arg1, %add3A_464 : i32
    %add3A_466 = arith.constant 112 : i32
    %add3A_467 = arith.addi %arg1, %add3A_466 : i32
    %lt3A_468 = arith.constant 125 : i32
    %lt3A_469 = arith.cmpi slt, %add3A_465, %lt3A_468 : i32
    %ge3A_470 = arith.constant 125 : i32
    %ge3A_471 = arith.cmpi sge, %add3A_467, %ge3A_470 : i32
    %and3A_472 = arith.andi %lt3A_469, %ge3A_471 : i1
    %convert_element_type3A_473 = arith.extui %and3A_472 : i1 to i32
    %cond3A_474 = arith.constant 0 : i32
    %cond3A_475 = arith.cmpi ne, %convert_element_type3A_473, %cond3A_474 : i32
    scf.if %cond3A_475 {
      %dma_wait3A_500 = arith.constant 0 : i32
      %dma_wait3A_501 = arith.constant 0 : i32
      %dma_wait3A_502 = tpu.memref_slice %arg5[%arg0, %dma_wait3A_500, %dma_wait3A_501] : memref<2x10000x128xf32, #tpu.memory_space<hbm>> -> memref<1x80x128xf32, #tpu.memory_space<hbm>>
      %dma_wait3A_503 = tpu.memref_squeeze %dma_wait3A_502 : memref<1x80x128xf32, #tpu.memory_space<hbm>> -> memref<80x128xf32, #tpu.memory_space<hbm>>
      %dma_wait3A_504 = arith.constant 0 : i32
      %dma_wait3A_505 = arith.constant 0 : i32
      %dma_wait3A_506 = tpu.memref_slice %arg5[%arg0, %dma_wait3A_504, %dma_wait3A_505] : memref<2x10000x128xf32, #tpu.memory_space<hbm>> -> memref<1x80x128xf32, #tpu.memory_space<hbm>>
      %dma_wait3A_507 = tpu.memref_squeeze %dma_wait3A_506 : memref<1x80x128xf32, #tpu.memory_space<hbm>> -> memref<80x128xf32, #tpu.memory_space<hbm>>
      tpu.wait_dma2 semaphore(%arg14 : memref<!tpu.dma_semaphore, #tpu.memory_space<semaphore_mem>>) src(%arg9 : memref<80x128xf32, #tpu.memory_space<vmem>>) dst(%dma_wait3A_507 : memref<80x128xf32, #tpu.memory_space<hbm>>)
    } else {
    }
    %add3A_476 = arith.constant 96 : i32
    %add3A_477 = arith.addi %arg1, %add3A_476 : i32
    %add3A_478 = arith.constant 128 : i32
    %add3A_479 = arith.addi %arg1, %add3A_478 : i32
    %lt3A_480 = arith.constant 125 : i32
    %lt3A_481 = arith.cmpi slt, %add3A_477, %lt3A_480 : i32
    %ge3A_482 = arith.constant 125 : i32
    %ge3A_483 = arith.cmpi sge, %add3A_479, %ge3A_482 : i32
    %and3A_484 = arith.andi %lt3A_481, %ge3A_483 : i1
    %convert_element_type3A_485 = arith.extui %and3A_484 : i1 to i32
    %cond3A_486 = arith.constant 0 : i32
    %cond3A_487 = arith.cmpi ne, %convert_element_type3A_485, %cond3A_486 : i32
    scf.if %cond3A_487 {
      %dma_wait3A_500 = arith.constant 0 : i32
      %dma_wait3A_501 = arith.constant 0 : i32
      %dma_wait3A_502 = tpu.memref_slice %arg5[%arg0, %dma_wait3A_500, %dma_wait3A_501] : memref<2x10000x128xf32, #tpu.memory_space<hbm>> -> memref<1x80x128xf32, #tpu.memory_space<hbm>>
      %dma_wait3A_503 = tpu.memref_squeeze %dma_wait3A_502 : memref<1x80x128xf32, #tpu.memory_space<hbm>> -> memref<80x128xf32, #tpu.memory_space<hbm>>
      %dma_wait3A_504 = arith.constant 0 : i32
      %dma_wait3A_505 = arith.constant 0 : i32
      %dma_wait3A_506 = tpu.memref_slice %arg5[%arg0, %dma_wait3A_504, %dma_wait3A_505] : memref<2x10000x128xf32, #tpu.memory_space<hbm>> -> memref<1x80x128xf32, #tpu.memory_space<hbm>>
      %dma_wait3A_507 = tpu.memref_squeeze %dma_wait3A_506 : memref<1x80x128xf32, #tpu.memory_space<hbm>> -> memref<80x128xf32, #tpu.memory_space<hbm>>
      tpu.wait_dma2 semaphore(%arg13 : memref<!tpu.dma_semaphore, #tpu.memory_space<semaphore_mem>>) src(%arg8 : memref<80x128xf32, #tpu.memory_space<vmem>>) dst(%dma_wait3A_507 : memref<80x128xf32, #tpu.memory_space<hbm>>)
    } else {
    }
    %add3A_488 = arith.constant 112 : i32
    %add3A_489 = arith.addi %arg1, %add3A_488 : i32
    %add3A_490 = arith.constant 144 : i32
    %add3A_491 = arith.addi %arg1, %add3A_490 : i32
    %lt3A_492 = arith.constant 125 : i32
    %lt3A_493 = arith.cmpi slt, %add3A_489, %lt3A_492 : i32
    %ge3A_494 = arith.constant 125 : i32
    %ge3A_495 = arith.cmpi sge, %add3A_491, %ge3A_494 : i32
    %and3A_496 = arith.andi %lt3A_493, %ge3A_495 : i1
    %convert_element_type3A_497 = arith.extui %and3A_496 : i1 to i32
    %cond3A_498 = arith.constant 0 : i32
    %cond3A_499 = arith.cmpi ne, %convert_element_type3A_497, %cond3A_498 : i32
    scf.if %cond3A_499 {
      %dma_wait3A_500 = arith.constant 0 : i32
      %dma_wait3A_501 = arith.constant 0 : i32
      %dma_wait3A_502 = tpu.memref_slice %arg5[%arg0, %dma_wait3A_500, %dma_wait3A_501] : memref<2x10000x128xf32, #tpu.memory_space<hbm>> -> memref<1x80x128xf32, #tpu.memory_space<hbm>>
      %dma_wait3A_503 = tpu.memref_squeeze %dma_wait3A_502 : memref<1x80x128xf32, #tpu.memory_space<hbm>> -> memref<80x128xf32, #tpu.memory_space<hbm>>
      %dma_wait3A_504 = arith.constant 0 : i32
      %dma_wait3A_505 = arith.constant 0 : i32
      %dma_wait3A_506 = tpu.memref_slice %arg5[%arg0, %dma_wait3A_504, %dma_wait3A_505] : memref<2x10000x128xf32, #tpu.memory_space<hbm>> -> memref<1x80x128xf32, #tpu.memory_space<hbm>>
      %dma_wait3A_507 = tpu.memref_squeeze %dma_wait3A_506 : memref<1x80x128xf32, #tpu.memory_space<hbm>> -> memref<80x128xf32, #tpu.memory_space<hbm>>
      tpu.wait_dma2 semaphore(%arg14 : memref<!tpu.dma_semaphore, #tpu.memory_space<semaphore_mem>>) src(%arg9 : memref<80x128xf32, #tpu.memory_space<vmem>>) dst(%dma_wait3A_507 : memref<80x128xf32, #tpu.memory_space<hbm>>)
    } else {
    }
    return
  }
}

module attributes {stable_mosaic.version = 14 : i64} {
  func.func @_layer0_body(%arg0: memref<2x10000x128xf32, #tpu.memory_space<vmem>>, %arg1: memref<10000x128xf32, #tpu.memory_space<vmem>>, %arg2: memref<128x128xf32, #tpu.memory_space<vmem>>, %arg3: memref<1x128xf32, #tpu.memory_space<vmem>>, %arg4: memref<128x128xf32, #tpu.memory_space<vmem>>, %arg5: memref<1x128xf32, #tpu.memory_space<vmem>>, %arg6: memref<1x128xf32, #tpu.memory_space<vmem>>, %arg7: memref<1x128xf32, #tpu.memory_space<vmem>>, %arg8: memref<1x128xf32, #tpu.memory_space<vmem>>, %arg9: memref<128x128xf32, #tpu.memory_space<vmem>>, %arg10: memref<1x128xf32, #tpu.memory_space<vmem>>, %arg11: memref<10000x128xf32, #tpu.memory_space<vmem>>, %arg12: memref<1x128xf32, #tpu.memory_space<vmem>>) attributes {dimension_semantics = [], scalar_prefetch = 0 : i64, scratch_operands = 0 : i64, tpu.core_type = #tpu.core_type<tc>} {
    %get3A = arith.constant 0 : index
    %get3A_0 = arith.constant 0 : index
    %get3A_1 = arith.constant 0 : index
    %get3A_2 = vector.load %arg0[%get3A, %get3A_0, %get3A_1] : memref<2x10000x128xf32, #tpu.memory_space<vmem>>, vector<1x10000x128xf32>
    %get3A_3 = vector.shape_cast %get3A_2 : vector<1x10000x128xf32> to vector<10000x128xf32>
    %get3A_4 = arith.constant 1 : index
    %get3A_5 = arith.constant 0 : index
    %get3A_6 = arith.constant 0 : index
    %get3A_7 = vector.load %arg0[%get3A_4, %get3A_5, %get3A_6] : memref<2x10000x128xf32, #tpu.memory_space<vmem>>, vector<1x10000x128xf32>
    %get3A_8 = vector.shape_cast %get3A_7 : vector<1x10000x128xf32> to vector<10000x128xf32>
    %add3A = arith.addf %get3A_3, %get3A_8 : vector<10000x128xf32>
    %get3A_9 = arith.constant 0 : index
    %get3A_10 = arith.constant 0 : index
    %get3A_11 = vector.load %arg1[%get3A_9, %get3A_10] : memref<10000x128xf32, #tpu.memory_space<vmem>>, vector<10000x128xf32>
    %add3A_12 = arith.addf %add3A, %get3A_11 : vector<10000x128xf32>
    %get3A_13 = arith.constant 0 : index
    %get3A_14 = arith.constant 0 : index
    %get3A_15 = vector.load %arg2[%get3A_13, %get3A_14] : memref<128x128xf32, #tpu.memory_space<vmem>>, vector<128x128xf32>
    %dot_general3A = arith.constant dense<0.000000e+00> : vector<10000x128xf32>
    %dot_general3A_16 = tpu.matmul %add3A_12, %get3A_15, %dot_general3A {dimension_numbers = #tpu.dot_dimension_numbers<[1], [0], [0], [1], [0, 0, 1, 1], [], []>, transpose_lhs_hint = false} : vector<10000x128xf32>, vector<128x128xf32>, vector<10000x128xf32> -> vector<10000x128xf32>
    %get3A_17 = arith.constant 0 : index
    %get3A_18 = arith.constant 0 : index
    %get3A_19 = vector.load %arg3[%get3A_17, %get3A_18] : memref<1x128xf32, #tpu.memory_space<vmem>>, vector<1x128xf32>
    %add3A_20 = vector.broadcast %get3A_19 : vector<1x128xf32> to vector<10000x128xf32>
    %add3A_21 = arith.addf %dot_general3A_16, %add3A_20 : vector<10000x128xf32>
    %max3A = arith.constant 0.000000e+00 : f32
    %max3A_22 = vector.broadcast %max3A : f32 to vector<10000x128xf32>
    %max3A_23 = arith.maximumf %add3A_21, %max3A_22 : vector<10000x128xf32>
    %get3A_24 = arith.constant 0 : index
    %get3A_25 = arith.constant 0 : index
    %get3A_26 = vector.load %arg4[%get3A_24, %get3A_25] : memref<128x128xf32, #tpu.memory_space<vmem>>, vector<128x128xf32>
    %dot_general3A_27 = arith.constant dense<0.000000e+00> : vector<10000x128xf32>
    %dot_general3A_28 = tpu.matmul %max3A_23, %get3A_26, %dot_general3A_27 {dimension_numbers = #tpu.dot_dimension_numbers<[1], [0], [0], [1], [0, 0, 1, 1], [], []>, transpose_lhs_hint = false} : vector<10000x128xf32>, vector<128x128xf32>, vector<10000x128xf32> -> vector<10000x128xf32>
    %get3A_29 = arith.constant 0 : index
    %get3A_30 = arith.constant 0 : index
    %get3A_31 = vector.load %arg5[%get3A_29, %get3A_30] : memref<1x128xf32, #tpu.memory_space<vmem>>, vector<1x128xf32>
    %add3A_32 = vector.broadcast %get3A_31 : vector<1x128xf32> to vector<10000x128xf32>
    %add3A_33 = arith.addf %dot_general3A_28, %add3A_32 : vector<10000x128xf32>
    %reduce_sum3A = arith.constant dense<0.000000e+00> : vector<128xf32>
    %reduce_sum3A_34 = vector.multi_reduction <add>, %add3A_33, %reduce_sum3A [0] : vector<10000x128xf32> to vector<128xf32>
    %broadcast_in_dim3A = vector.shape_cast %reduce_sum3A_34 : vector<128xf32> to vector<1x128xf32>
    %div3A = arith.constant 1.000000e+04 : f32
    %div3A_35 = vector.broadcast %div3A : f32 to vector<1x128xf32>
    %div3A_36 = arith.divf %broadcast_in_dim3A, %div3A_35 : vector<1x128xf32>
    %sub3A = vector.broadcast %div3A_36 : vector<1x128xf32> to vector<10000x128xf32>
    %sub3A_37 = arith.subf %add3A_33, %sub3A : vector<10000x128xf32>
    %integer_pow3A = arith.mulf %sub3A_37, %sub3A_37 : vector<10000x128xf32>
    %reduce_sum3A_38 = arith.constant dense<0.000000e+00> : vector<128xf32>
    %reduce_sum3A_39 = vector.multi_reduction <add>, %integer_pow3A, %reduce_sum3A_38 [0] : vector<10000x128xf32> to vector<128xf32>
    %broadcast_in_dim3A_40 = vector.shape_cast %reduce_sum3A_39 : vector<128xf32> to vector<1x128xf32>
    %div3A_41 = arith.constant 1.000000e+04 : f32
    %div3A_42 = vector.broadcast %div3A_41 : f32 to vector<1x128xf32>
    %div3A_43 = arith.divf %broadcast_in_dim3A_40, %div3A_42 : vector<1x128xf32>
    %sub3A_44 = vector.broadcast %div3A_36 : vector<1x128xf32> to vector<10000x128xf32>
    %sub3A_45 = arith.subf %add3A_33, %sub3A_44 : vector<10000x128xf32>
    %add3A_46 = arith.constant 9.99999974E-6 : f32
    %add3A_47 = vector.broadcast %add3A_46 : f32 to vector<1x128xf32>
    %add3A_48 = arith.addf %div3A_43, %add3A_47 : vector<1x128xf32>
    %sqrt3A = math.sqrt %add3A_48 : vector<1x128xf32>
    %div3A_49 = vector.broadcast %sqrt3A : vector<1x128xf32> to vector<10000x128xf32>
    %div3A_50 = arith.divf %sub3A_45, %div3A_49 : vector<10000x128xf32>
    %get3A_51 = arith.constant 0 : index
    %get3A_52 = arith.constant 0 : index
    %get3A_53 = vector.load %arg6[%get3A_51, %get3A_52] : memref<1x128xf32, #tpu.memory_space<vmem>>, vector<1x128xf32>
    %mul3A = vector.broadcast %get3A_53 : vector<1x128xf32> to vector<10000x128xf32>
    %mul3A_54 = arith.mulf %div3A_50, %mul3A : vector<10000x128xf32>
    %get3A_55 = arith.constant 0 : index
    %get3A_56 = arith.constant 0 : index
    %get3A_57 = vector.load %arg7[%get3A_55, %get3A_56] : memref<1x128xf32, #tpu.memory_space<vmem>>, vector<1x128xf32>
    %add3A_58 = vector.broadcast %get3A_57 : vector<1x128xf32> to vector<10000x128xf32>
    %add3A_59 = arith.addf %mul3A_54, %add3A_58 : vector<10000x128xf32>
    %gt3A = arith.constant 0.000000e+00 : f32
    %gt3A_60 = vector.broadcast %gt3A : f32 to vector<10000x128xf32>
    %gt3A_61 = arith.cmpf ogt, %add3A_59, %gt3A_60 : vector<10000x128xf32>
    %get3A_62 = arith.constant 0 : index
    %get3A_63 = arith.constant 0 : index
    %get3A_64 = vector.load %arg8[%get3A_62, %get3A_63] : memref<1x128xf32, #tpu.memory_space<vmem>>, vector<1x128xf32>
    %mul3A_65 = vector.broadcast %get3A_64 : vector<1x128xf32> to vector<10000x128xf32>
    %mul3A_66 = arith.mulf %mul3A_65, %add3A_59 : vector<10000x128xf32>
    %select_n3A = arith.select %gt3A_61, %add3A_59, %mul3A_66 : vector<10000x128xi1>, vector<10000x128xf32>
    %swap3A = arith.constant 0 : index
    %swap3A_67 = arith.constant 0 : index
    %swap3A_68 = vector.load %arg11[%swap3A, %swap3A_67] : memref<10000x128xf32, #tpu.memory_space<vmem>>, vector<10000x128xf32>
    tpu.vector_store %arg11[%swap3A, %swap3A_67], %select_n3A {strides = array<i32>} : memref<10000x128xf32, #tpu.memory_space<vmem>>, vector<10000x128xf32>,
    %get3A_69 = arith.constant 0 : index
    %get3A_70 = arith.constant 0 : index
    %get3A_71 = vector.load %arg1[%get3A_69, %get3A_70] : memref<10000x128xf32, #tpu.memory_space<vmem>>, vector<10000x128xf32>
    %reduce_max3A = arith.constant dense<0xFF800000> : vector<128xf32>
    %reduce_max3A_72 = vector.multi_reduction <maximumf>, %get3A_71, %reduce_max3A [0] : vector<10000x128xf32> to vector<128xf32>
    %broadcast_in_dim3A_73 = vector.shape_cast %reduce_max3A_72 : vector<128xf32> to vector<1x128xf32>
    %get3A_74 = arith.constant 0 : index
    %get3A_75 = arith.constant 0 : index
    %get3A_76 = vector.load %arg9[%get3A_74, %get3A_75] : memref<128x128xf32, #tpu.memory_space<vmem>>, vector<128x128xf32>
    %dot_general3A_77 = arith.constant dense<0.000000e+00> : vector<1x128xf32>
    %dot_general3A_78 = tpu.matmul %broadcast_in_dim3A_73, %get3A_76, %dot_general3A_77 {dimension_numbers = #tpu.dot_dimension_numbers<[1], [0], [0], [1], [0, 0, 1, 1], [], []>, transpose_lhs_hint = false} : vector<1x128xf32>, vector<128x128xf32>, vector<1x128xf32> -> vector<1x128xf32>
    %get3A_79 = arith.constant 0 : index
    %get3A_80 = arith.constant 0 : index
    %get3A_81 = vector.load %arg10[%get3A_79, %get3A_80] : memref<1x128xf32, #tpu.memory_space<vmem>>, vector<1x128xf32>
    %add3A_82 = arith.addf %dot_general3A_78, %get3A_81 : vector<1x128xf32>
    %swap3A_83 = arith.constant 0 : index
    %swap3A_84 = arith.constant 0 : index
    %swap3A_85 = vector.load %arg12[%swap3A_83, %swap3A_84] : memref<1x128xf32, #tpu.memory_space<vmem>>, vector<1x128xf32>
    tpu.vector_store %arg12[%swap3A_83, %swap3A_84], %add3A_82 {strides = array<i32>} : memref<1x128xf32, #tpu.memory_space<vmem>>, vector<1x128xf32>,
    return
  }
}

module attributes {stable_mosaic.version = 14 : i64} {
  func.func @_layer1_body(%arg0: memref<2x10000x128xf32, #tpu.memory_space<vmem>>, %arg1: memref<10000x128xf32, #tpu.memory_space<vmem>>, %arg2: memref<128x128xf32, #tpu.memory_space<vmem>>, %arg3: memref<1x128xf32, #tpu.memory_space<vmem>>, %arg4: memref<128x128xf32, #tpu.memory_space<vmem>>, %arg5: memref<1x128xf32, #tpu.memory_space<vmem>>, %arg6: memref<1x128xf32, #tpu.memory_space<vmem>>, %arg7: memref<1x128xf32, #tpu.memory_space<vmem>>, %arg8: memref<1x128xf32, #tpu.memory_space<vmem>>, %arg9: memref<128x128xf32, #tpu.memory_space<vmem>>, %arg10: memref<1x128xf32, #tpu.memory_space<vmem>>, %arg11: memref<128x128xf32, #tpu.memory_space<vmem>>, %arg12: memref<1x128xf32, #tpu.memory_space<vmem>>, %arg13: memref<1x128xf32, #tpu.memory_space<vmem>>, %arg14: memref<1x128xf32, #tpu.memory_space<vmem>>) attributes {dimension_semantics = [], scalar_prefetch = 0 : i64, scratch_operands = 0 : i64, tpu.core_type = #tpu.core_type<tc>} {
    %get3A = arith.constant 0 : index
    %get3A_0 = arith.constant 0 : index
    %get3A_1 = arith.constant 0 : index
    %get3A_2 = vector.load %arg0[%get3A, %get3A_0, %get3A_1] : memref<2x10000x128xf32, #tpu.memory_space<vmem>>, vector<1x10000x128xf32>
    %get3A_3 = vector.shape_cast %get3A_2 : vector<1x10000x128xf32> to vector<10000x128xf32>
    %get3A_4 = arith.constant 1 : index
    %get3A_5 = arith.constant 0 : index
    %get3A_6 = arith.constant 0 : index
    %get3A_7 = vector.load %arg0[%get3A_4, %get3A_5, %get3A_6] : memref<2x10000x128xf32, #tpu.memory_space<vmem>>, vector<1x10000x128xf32>
    %get3A_8 = vector.shape_cast %get3A_7 : vector<1x10000x128xf32> to vector<10000x128xf32>
    %add3A = arith.addf %get3A_3, %get3A_8 : vector<10000x128xf32>
    %get3A_9 = arith.constant 0 : index
    %get3A_10 = arith.constant 0 : index
    %get3A_11 = vector.load %arg1[%get3A_9, %get3A_10] : memref<10000x128xf32, #tpu.memory_space<vmem>>, vector<10000x128xf32>
    %add3A_12 = arith.addf %add3A, %get3A_11 : vector<10000x128xf32>
    %get3A_13 = arith.constant 0 : index
    %get3A_14 = arith.constant 0 : index
    %get3A_15 = vector.load %arg2[%get3A_13, %get3A_14] : memref<128x128xf32, #tpu.memory_space<vmem>>, vector<128x128xf32>
    %dot_general3A = arith.constant dense<0.000000e+00> : vector<10000x128xf32>
    %dot_general3A_16 = tpu.matmul %add3A_12, %get3A_15, %dot_general3A {dimension_numbers = #tpu.dot_dimension_numbers<[1], [0], [0], [1], [0, 0, 1, 1], [], []>, transpose_lhs_hint = false} : vector<10000x128xf32>, vector<128x128xf32>, vector<10000x128xf32> -> vector<10000x128xf32>
    %get3A_17 = arith.constant 0 : index
    %get3A_18 = arith.constant 0 : index
    %get3A_19 = vector.load %arg3[%get3A_17, %get3A_18] : memref<1x128xf32, #tpu.memory_space<vmem>>, vector<1x128xf32>
    %add3A_20 = vector.broadcast %get3A_19 : vector<1x128xf32> to vector<10000x128xf32>
    %add3A_21 = arith.addf %dot_general3A_16, %add3A_20 : vector<10000x128xf32>
    %max3A = arith.constant 0.000000e+00 : f32
    %max3A_22 = vector.broadcast %max3A : f32 to vector<10000x128xf32>
    %max3A_23 = arith.maximumf %add3A_21, %max3A_22 : vector<10000x128xf32>
    %get3A_24 = arith.constant 0 : index
    %get3A_25 = arith.constant 0 : index
    %get3A_26 = vector.load %arg4[%get3A_24, %get3A_25] : memref<128x128xf32, #tpu.memory_space<vmem>>, vector<128x128xf32>
    %dot_general3A_27 = arith.constant dense<0.000000e+00> : vector<10000x128xf32>
    %dot_general3A_28 = tpu.matmul %max3A_23, %get3A_26, %dot_general3A_27 {dimension_numbers = #tpu.dot_dimension_numbers<[1], [0], [0], [1], [0, 0, 1, 1], [], []>, transpose_lhs_hint = false} : vector<10000x128xf32>, vector<128x128xf32>, vector<10000x128xf32> -> vector<10000x128xf32>
    %get3A_29 = arith.constant 0 : index
    %get3A_30 = arith.constant 0 : index
    %get3A_31 = vector.load %arg5[%get3A_29, %get3A_30] : memref<1x128xf32, #tpu.memory_space<vmem>>, vector<1x128xf32>
    %add3A_32 = vector.broadcast %get3A_31 : vector<1x128xf32> to vector<10000x128xf32>
    %add3A_33 = arith.addf %dot_general3A_28, %add3A_32 : vector<10000x128xf32>
    %reduce_sum3A = arith.constant dense<0.000000e+00> : vector<128xf32>
    %reduce_sum3A_34 = vector.multi_reduction <add>, %add3A_33, %reduce_sum3A [0] : vector<10000x128xf32> to vector<128xf32>
    %broadcast_in_dim3A = vector.shape_cast %reduce_sum3A_34 : vector<128xf32> to vector<1x128xf32>
    %div3A = arith.constant 1.000000e+04 : f32
    %div3A_35 = vector.broadcast %div3A : f32 to vector<1x128xf32>
    %div3A_36 = arith.divf %broadcast_in_dim3A, %div3A_35 : vector<1x128xf32>
    %sub3A = vector.broadcast %div3A_36 : vector<1x128xf32> to vector<10000x128xf32>
    %sub3A_37 = arith.subf %add3A_33, %sub3A : vector<10000x128xf32>
    %integer_pow3A = arith.mulf %sub3A_37, %sub3A_37 : vector<10000x128xf32>
    %reduce_sum3A_38 = arith.constant dense<0.000000e+00> : vector<128xf32>
    %reduce_sum3A_39 = vector.multi_reduction <add>, %integer_pow3A, %reduce_sum3A_38 [0] : vector<10000x128xf32> to vector<128xf32>
    %broadcast_in_dim3A_40 = vector.shape_cast %reduce_sum3A_39 : vector<128xf32> to vector<1x128xf32>
    %div3A_41 = arith.constant 1.000000e+04 : f32
    %div3A_42 = vector.broadcast %div3A_41 : f32 to vector<1x128xf32>
    %div3A_43 = arith.divf %broadcast_in_dim3A_40, %div3A_42 : vector<1x128xf32>
    %sub3A_44 = vector.broadcast %div3A_36 : vector<1x128xf32> to vector<10000x128xf32>
    %sub3A_45 = arith.subf %add3A_33, %sub3A_44 : vector<10000x128xf32>
    %add3A_46 = arith.constant 9.99999974E-6 : f32
    %add3A_47 = vector.broadcast %add3A_46 : f32 to vector<1x128xf32>
    %add3A_48 = arith.addf %div3A_43, %add3A_47 : vector<1x128xf32>
    %sqrt3A = math.sqrt %add3A_48 : vector<1x128xf32>
    %div3A_49 = vector.broadcast %sqrt3A : vector<1x128xf32> to vector<10000x128xf32>
    %div3A_50 = arith.divf %sub3A_45, %div3A_49 : vector<10000x128xf32>
    %get3A_51 = arith.constant 0 : index
    %get3A_52 = arith.constant 0 : index
    %get3A_53 = vector.load %arg6[%get3A_51, %get3A_52] : memref<1x128xf32, #tpu.memory_space<vmem>>, vector<1x128xf32>
    %mul3A = vector.broadcast %get3A_53 : vector<1x128xf32> to vector<10000x128xf32>
    %mul3A_54 = arith.mulf %div3A_50, %mul3A : vector<10000x128xf32>
    %get3A_55 = arith.constant 0 : index
    %get3A_56 = arith.constant 0 : index
    %get3A_57 = vector.load %arg7[%get3A_55, %get3A_56] : memref<1x128xf32, #tpu.memory_space<vmem>>, vector<1x128xf32>
    %add3A_58 = vector.broadcast %get3A_57 : vector<1x128xf32> to vector<10000x128xf32>
    %add3A_59 = arith.addf %mul3A_54, %add3A_58 : vector<10000x128xf32>
    %gt3A = arith.constant 0.000000e+00 : f32
    %gt3A_60 = vector.broadcast %gt3A : f32 to vector<10000x128xf32>
    %gt3A_61 = arith.cmpf ogt, %add3A_59, %gt3A_60 : vector<10000x128xf32>
    %get3A_62 = arith.constant 0 : index
    %get3A_63 = arith.constant 0 : index
    %get3A_64 = vector.load %arg8[%get3A_62, %get3A_63] : memref<1x128xf32, #tpu.memory_space<vmem>>, vector<1x128xf32>
    %mul3A_65 = vector.broadcast %get3A_64 : vector<1x128xf32> to vector<10000x128xf32>
    %mul3A_66 = arith.mulf %mul3A_65, %add3A_59 : vector<10000x128xf32>
    %select_n3A = arith.select %gt3A_61, %add3A_59, %mul3A_66 : vector<10000x128xi1>, vector<10000x128xf32>
    %get3A_67 = arith.constant 0 : index
    %get3A_68 = arith.constant 0 : index
    %get3A_69 = vector.load %arg1[%get3A_67, %get3A_68] : memref<10000x128xf32, #tpu.memory_space<vmem>>, vector<10000x128xf32>
    %reduce_max3A = arith.constant dense<0xFF800000> : vector<128xf32>
    %reduce_max3A_70 = vector.multi_reduction <maximumf>, %get3A_69, %reduce_max3A [0] : vector<10000x128xf32> to vector<128xf32>
    %broadcast_in_dim3A_71 = vector.shape_cast %reduce_max3A_70 : vector<128xf32> to vector<1x128xf32>
    %get3A_72 = arith.constant 0 : index
    %get3A_73 = arith.constant 0 : index
    %get3A_74 = vector.load %arg9[%get3A_72, %get3A_73] : memref<128x128xf32, #tpu.memory_space<vmem>>, vector<128x128xf32>
    %dot_general3A_75 = arith.constant dense<0.000000e+00> : vector<1x128xf32>
    %dot_general3A_76 = tpu.matmul %broadcast_in_dim3A_71, %get3A_74, %dot_general3A_75 {dimension_numbers = #tpu.dot_dimension_numbers<[1], [0], [0], [1], [0, 0, 1, 1], [], []>, transpose_lhs_hint = false} : vector<1x128xf32>, vector<128x128xf32>, vector<1x128xf32> -> vector<1x128xf32>
    %get3A_77 = arith.constant 0 : index
    %get3A_78 = arith.constant 0 : index
    %get3A_79 = vector.load %arg10[%get3A_77, %get3A_78] : memref<1x128xf32, #tpu.memory_space<vmem>>, vector<1x128xf32>
    %add3A_80 = arith.addf %dot_general3A_76, %get3A_79 : vector<1x128xf32>
    %swap3A = arith.constant 0 : index
    %swap3A_81 = arith.constant 0 : index
    %swap3A_82 = vector.load %arg13[%swap3A, %swap3A_81] : memref<1x128xf32, #tpu.memory_space<vmem>>, vector<1x128xf32>
    tpu.vector_store %arg13[%swap3A, %swap3A_81], %add3A_80 {strides = array<i32>} : memref<1x128xf32, #tpu.memory_space<vmem>>, vector<1x128xf32>,
    %reduce_max3A_83 = arith.constant dense<0xFF800000> : vector<128xf32>
    %reduce_max3A_84 = vector.multi_reduction <maximumf>, %select_n3A, %reduce_max3A_83 [0] : vector<10000x128xf32> to vector<128xf32>
    %broadcast_in_dim3A_85 = vector.shape_cast %reduce_max3A_84 : vector<128xf32> to vector<1x128xf32>
    %get3A_86 = arith.constant 0 : index
    %get3A_87 = arith.constant 0 : index
    %get3A_88 = vector.load %arg11[%get3A_86, %get3A_87] : memref<128x128xf32, #tpu.memory_space<vmem>>, vector<128x128xf32>
    %dot_general3A_89 = arith.constant dense<0.000000e+00> : vector<1x128xf32>
    %dot_general3A_90 = tpu.matmul %broadcast_in_dim3A_85, %get3A_88, %dot_general3A_89 {dimension_numbers = #tpu.dot_dimension_numbers<[1], [0], [0], [1], [0, 0, 1, 1], [], []>, transpose_lhs_hint = false} : vector<1x128xf32>, vector<128x128xf32>, vector<1x128xf32> -> vector<1x128xf32>
    %get3A_91 = arith.constant 0 : index
    %get3A_92 = arith.constant 0 : index
    %get3A_93 = vector.load %arg12[%get3A_91, %get3A_92] : memref<1x128xf32, #tpu.memory_space<vmem>>, vector<1x128xf32>
    %add3A_94 = arith.addf %dot_general3A_90, %get3A_93 : vector<1x128xf32>
    %swap3A_95 = arith.constant 0 : index
    %swap3A_96 = arith.constant 0 : index
    %swap3A_97 = vector.load %arg14[%swap3A_95, %swap3A_96] : memref<1x128xf32, #tpu.memory_space<vmem>>, vector<1x128xf32>
    tpu.vector_store %arg14[%swap3A_95, %swap3A_96], %add3A_94 {strides = array<i32>} : memref<1x128xf32, #tpu.memory_space<vmem>>, vector<1x128xf32>,
    return
  }
}

</mosaic_0001>

<sc_bundles>
// kernel: kernel.6.cloned.1.call-start
scs
__scs_entry_jumppad:
0x0: {  	(pc) =	sbr.rel $0x88, $3  }
0x1: {  	(tag) =	ssettag $0x0;
	lr =	simm.s32 $0x1  }
0x2: {  	[smem:$0x3F8C] =	sst lr;
	_ =	strace $0xD0000000  }
0x3: {  	_ = 	snop  }
0x4: {  	_ = 	snop  }
0x5: {  	_ = 	snop  }
0x6: {  	_ = 	snop  }
0x7: {  	_ = 	snop  }
__scs_overlays_trampoline_lowered:
0x8: {  	[smem:$0x3F9B] =	sst s0  }
0x9: {  	[smem:$0x3F9C] =	sst s1  }
0xa: {  	[smem:$0x3F9D] =	sst s2  }
0xb: {  	[smem:$0x3F9E] =	sst s3  }
0xc: {  	[smem:$0x3F9F] =	sst s4  }
0xd: {  	[smem:$0x3FA0] =	sst s5  }
0xe: {  	[smem:$0x3FA1] =	sst s6  }
0xf: {  	[smem:$0x3FA2] =	sst s7  }
0x10: {  	[smem:$0x3FA3] =	sst s8  }
0x11: {  	[smem:$0x3FA4] =	sst s9;
	s0 =	simm.s32 @!p0 $0x0  }
0x12: {  	s1 =	sld [smem:$0x3F8A];
	s0 =	simm.s32 @p0 $0x1  }
0x13: {  	[smem:$0x3FA5] =	sst s0;
	s0 =	simm.s32 @!p1 $0x0  }
0x14: {  	s2 =	sld [smem:$0x3F89];
	s0 =	simm.s32 @p1 $0x1  }
0x15: {  	[smem:$0x3FA6] =	sst s0;
	s0 =	simm.s32 @!p2 $0x0  }
0x16: {  	s3 =	sld [smem:$0x3FDB];
	s0 =	simm.s32 @p2 $0x1  }
0x17: {  	s4 =	simm.s32 $0x1BF5;
	[smem:$0x3FA8] =	sst s0  }
0x18: {  	s0 =	sld [smem:$0x3F8B];
	_ =	swait.ge [sflag:s4], $0x0  }
0x19: {  	s7 =	sld [smem:$0x3F8C]  }
0x1a: {  	s8 =	sadd.s32 $0xFFFFE003, lr  }
0x1b: {  	s9 =	sadd.s32 $0xFFFFFEF7, lr;
	s5 =	simm.s32 $0xFFFFFFFF;
	p2 =	slt.u32 s8, $0xFFFFF086  }
0x1c: {  	p1 =	slt.u32 s9, $0xF7A;
	s5 =	simm.s32 @!p2 $0x0  }
0x1d: {  	s5 =	simm.s32 @p1 $0x1;
	p0 =	seq.s32 s7, s2  }
0x1e: {  	s7 =	smul.u32 @!p0 $0xF7A, s2;
	p2 =	seq.s32 @!p0 s5, $0x0  }
0x1f: {  	s9 =	smul.u32 $0xF7A, s1;
	s8 =	simm.s32 @!p0 $0x1BF5;
	p2 =	por !p2, p0  }
0x20: {  	[sflag:s8] =	ssyncset.s32 @!p0 $0xFFFFF086;
	s6 =	sadd.s32 @!p0 s3, s7;
	s7 =	simm.s32 @!p0 $0x108  }
0x21: {  	s3 =	sadd.s32 s3, s9;
	s6 =	sadd.s32 @!p0 $0x88, s6;
	s7 =	simm.s32 @p2 $0x1082  }
0x22: {  	[simem:s7], [sflag:s8] =	dma.local @!p0 [hbm:s6], $0xF7A  }
0x23: {  	s9 =	sor.u32 $0xD0000000, s2;
	s6 =	simm.s32 $0x108;
	_ =	swait.ge @!p0 [sflag:s8], $0x0  }
0x24: {  	s3 =	sadd.s32 $0x88, s3;
	s6 =	simm.s32 @!p1 $0x1082;
	[sflag:s4] =	ssyncset.s32 $0xFFFFF086  }
0x25: {  	[simem:s6], [sflag:s4] =	dma.local [hbm:s3], $0xF7A  }
0x26: {  	[smem:$0x3F8C] =	sst s1;
	(tag) =	ssettag s2;
	_ =	strace s9  }
0x27: {  	s1 =	sld [smem:$0x3F9C]  }
0x28: {  	s2 =	sld [smem:$0x3F9D]  }
0x29: {  	s4 =	sld [smem:$0x3F9F]  }
0x2a: {  	p0 =	seq.s32 s5, $0x0;
	s5 =	sld [smem:$0x3FA0]  }
0x2b: {  	s6 =	sld [smem:$0x3FA1]  }
0x2c: {  	s7 =	sld [smem:$0x3FA2]  }
0x2d: {  	s3 =	simm.s32 $0x108;
	s8 =	sld [smem:$0x3FA3]  }
0x2e: {  	s3 =	simm.s32 @!p0 $0x1082;
	s9 =	sld [smem:$0x3FA4]  }
0x2f: {  	lr =	sadd.s32 s0, s3;
	s0 =	sld [smem:$0x3F9B]  }
0x30: {  	s3 =	sld [smem:$0x3F9E]  }
0x31: {  	[smem:$0x3FA7] =	sst s10  }
0x32: {  	s10 =	sld [smem:$0x3FA5];
	_ =	sdelay $0x3  }
0x33: {  	p0 =	seq.s32 s10, $0x1;
	s10 =	sld [smem:$0x3FA7];
	_ =	sdelay $0x3  }
0x34: {  	[smem:$0x3FA7] =	sst s10  }
0x35: {  	s10 =	sld [smem:$0x3FA6];
	_ =	sdelay $0x3  }
0x36: {  	p1 =	seq.s32 s10, $0x1;
	s10 =	sld [smem:$0x3FA7];
	_ =	sdelay $0x3  }
0x37: {  	[smem:$0x3FA7] =	sst s10  }
0x38: {  	s10 =	sld [smem:$0x3FA8]  }
0x39: {  	_ = 	snop;
	(pc) =	sbr.ind lr, $3  }
0x3a: {  	_ = 	snop  }
0x3b: {  	_ = 	snop  }
0x3c: {  	p2 =	seq.s32 s10, $0x1;
	s10 =	sld [smem:$0x3FA7]  }
0x3d: {  	_ =	shalt  }
0x3e: {  	_ =	shalt  }
0x3f: {  	_ =	shalt  }
0x40: {  	_ =	shalt  }
0x41: {  	_ =	shalt  }
0x42: {  	_ =	shalt  }
0x43: {  	_ =	shalt  }
0x44: {  	_ =	shalt  }
0x45: {  	_ =	shalt  }
0x46: {  	_ =	shalt  }
0x47: {  	_ =	shalt  }
0x48: {  	_ =	shalt  }
0x49: {  	_ =	shalt  }
0x4a: {  	_ =	shalt  }
0x4b: {  	_ =	shalt  }
0x4c: {  	_ =	shalt  }
0x4d: {  	_ =	shalt  }
0x4e: {  	_ =	shalt  }
0x4f: {  	_ =	shalt  }
0x50: {  	_ =	shalt  }
0x51: {  	_ =	shalt  }
0x52: {  	_ =	shalt  }
0x53: {  	_ =	shalt  }
0x54: {  	_ =	shalt  }
0x55: {  	_ =	shalt  }
0x56: {  	_ =	shalt  }
0x57: {  	_ =	shalt  }
0x58: {  	_ =	shalt  }
0x59: {  	_ =	shalt  }
0x5a: {  	_ =	shalt  }
0x5b: {  	_ =	shalt  }
0x5c: {  	_ =	shalt  }
0x5d: {  	_ =	shalt  }
0x5e: {  	_ =	shalt  }
0x5f: {  	_ =	shalt  }
0x60: {  	_ =	shalt  }
0x61: {  	_ =	shalt  }
0x62: {  	_ =	shalt  }
0x63: {  	_ =	shalt  }
0x64: {  	_ =	shalt  }
0x65: {  	_ =	shalt  }
0x66: {  	_ =	shalt  }
0x67: {  	_ =	shalt  }
0x68: {  	_ =	shalt  }
0x69: {  	_ =	shalt  }
0x6a: {  	_ =	shalt  }
0x6b: {  	_ =	shalt  }
0x6c: {  	_ =	shalt  }
0x6d: {  	_ =	shalt  }
0x6e: {  	_ =	shalt  }
0x6f: {  	_ =	shalt  }
0x70: {  	_ =	shalt  }
0x71: {  	_ =	shalt  }
0x72: {  	_ =	shalt  }
0x73: {  	_ =	shalt  }
0x74: {  	_ =	shalt  }
0x75: {  	_ =	shalt  }
0x76: {  	_ =	shalt  }
0x77: {  	_ =	shalt  }
0x78: {  	_ =	shalt  }
0x79: {  	_ =	shalt  }
0x7a: {  	_ =	shalt  }
0x7b: {  	_ =	shalt  }
0x7c: {  	_ =	shalt  }
0x7d: {  	_ =	shalt  }
0x7e: {  	_ =	shalt  }
0x7f: {  	_ =	shalt  }
0x80: {  	_ =	shalt  }
0x81: {  	_ =	shalt  }
0x82: {  	_ =	shalt  }
0x83: {  	_ =	shalt  }
0x84: {  	_ =	shalt  }
0x85: {  	_ =	shalt  }
0x86: {  	_ =	shalt  }
0x87: {  	_ =	shalt  }
.Lfunc_end0:
.L_simem_size_0:
called_computation_lowered:
.L_overlay_start_0:
0x88: {  	s2 =	sld [smem:$0x3FD9]  }
0x89: {  	s3 =	sld [smem:$0x3FFE];
	_ =	sdelay $0x1  }
0x8a: {  	s1 =	srdreg.scid  }
0x8b: {  	s0 =	sand.u32 $0x1, s1  }
0x8c: {  	s17 =	sshll.u32 s0, $0xA;
	s2 =	sadd.s32 s3, s2  }
0x8d: {  	s2 =	sadd.s32 s2, s17  }
0x8e: {  	[smem:$0x3FB3] =	sst s2  }
0x8f: {  	_ = 	snop  }
0x90: {  	s2 =	sld [smem:$0x3FC9];
	(tm) =	ssettm $0x1  }
0x91: {  	s18 =	sld [smem:$0x3FFB];
	_ =	sdelay $0x3  }
0x92: {  	_ =	strace s18  }
0x93: {  	s3 =	sld [smem:$0x3FFC];
	_ =	sdelay $0x3  }
0x94: {  	_ =	strace s3  }
0x95: {  	s3 =	sld [smem:$0x3FFD];
	_ =	sdelay $0x3  }
0x96: {  	_ =	strace s3  }
0x97: {  	_ =	strace $0x8FFFFFFF  }
0x98: {  	s19 =	sld [smem:$0x3FDB];
	_ =	sdelay $0x1  }
0x99: {  	s4 =	simm.s32 $_scs_section_size  }
0x9a: {  	s5 =	simm.s32 $_size__tile_overlayer_lowered;
	s6 =	simm.s32 $_tile_overlayer_lowered  }
0x9b: {  	s22 =	simm.s32 $0x1BFF;
	s21 =	sshll.u32 s6, $0x1;
	s3 =	sadd.s32 s4, s19  }
0x9c: {  	s7 =	simm.s32 $0x0;
	s20 =	sshll.u32 s5, $0x1;
	s5 =	sadd.s32 s21, s3  }
0x9d: {  	[timem:s7], [sflag:s22] =	dma.local [hbm:s5], s20  }
0x9e: {  	_ =	swait.ge [sflag:s22], s20  }
0x9f: {  	s4 =	ssub.s32 $0x0, s20;
	[sflag:s22] =	ssyncset.done $0x0  }
0xa0: {  	[sflag:s22] =	ssyncadd.s32 s4;
	_ =	sdelay $0x1  }
0xa1: {  	s23 =	simm.s32 $0x1B8B  }
0xa2: {  	_ =	swait.ge [sflag:s23], $0x1  }
0xa3: {  	[sflag:s23] =	ssyncset.done $0x0  }
0xa4: {  	s25 =	simm.s32 $0x1B8E;
	s24 =	sld [smem:$0x3FFE];
	[sflag:s23] =	ssyncadd.s32 $0xFFFFFFFF  }
0xa5: {  	s26 =	simm.s32 $execute0_lowered;
	[smem:$0x3FD2] =	sst s25  }
0xa6: {  	s5 =	sshll.u32 s26, $0x1;
	_ =	strace $0x80000046;
	[dreg:$0x1] =	wrdreg $0xFFFFFFFF  }
0xa7: {  	s28 =	simm.s32 $_size_execute0_lowered;
	s3 =	sadd.s32 s3, s5;
	[dreg:$0x0] =	wrdreg $0x0  }
0xa8: {  	s5 =	sshll.u32 s28, $0x1;
	[dreg:$0x2] =	wrdreg s3  }
0xa9: {  	[dreg:$0x3] =	wrdreg s5  }
0xaa: {  	[dreg:$0x4] =	wrdreg $0xC0  }
0xab: {  	_ =	task [dreg:s7], $0x5FFFF  }
0xac: {  	[dreg:$0x1] =	wrdreg $0xFFFFFFFF  }
0xad: {  	[dreg:$0x0] =	wrdreg $0x60  }
0xae: {  	[dreg:$0x2] =	wrdreg s2  }
0xaf: {  	[dreg:$0x3] =	wrdreg s24  }
0xb0: {  	[dreg:$0x4] =	wrdreg $0x70000  }
0xb1: {  	[dreg:$0x5] =	wrdreg $0x9  }
0xb2: {  	_ =	task.clear_ibuf [dreg:s7], $0x6FFFF;
	_ =	strace $0x90000046  }
0xb3: {  	s29 =	simm.s32 $0x9;
	_ =	strace $0x80000048  }
0xb4: {  	_ =	swait.ge [sflag:s29], $0x1  }
0xb5: {  	[sflag:s29] =	ssyncadd.s32 $0xFFFFFFFF  }
0xb6: {  	_ =	strace $0x90000048  }
0xb7: {  	_ =	sfence  }
0xb8: {  	s30 =	sld [smem:$0x0];
	_ =	sdelay $0x2  }
0xb9: {  	s31 =	sshll.u32 s1, $0xD;
	s1 =	sshrl.u32 s1, $0x2  }
0xba: {  	s3 =	sand.u32 $0x4000, s31;
	s1 =	sadd.s32 s1, s30  }
0xbb: {  	s0 =	sor.u32 s3, s0;
	s1 =	sshll.u32 s1, $0x11  }
0xbc: {  	s0 =	sor.u32 s1, s0  }
0xbd: {  	s0 =	sadd.s32 $0x8F2B, s0  }
0xbe: {  	[sflag:s0] =	ssyncadd.remote.s32 $0x1  }
0xbf: {  	_ =	sfence.sel $0xFFFF  }
0xc0: {  	[dreg:$0x0] =	wrdreg $0xFFFFFFFF;
	(pc) =	sbr.abs _section_cstart, $3  }
0xc1: {  	[dreg:$0x1] =	wrdreg $0xFFFFFFFF  }
0xc2: {  	_ =	task.clear_ibuf [dreg:s7], $0x2FFFF;
	_ =	strace $0x9FFFFFFF  }
0xc3: {  	(tm) =	ssettm $0x7FFFFFFF  }
tec
execute0_lowered:
.L_overlay_start_1:
0x0: {  	(tag) =	ssettag $0x1  }
0x1: {  	s0 =	srdreg.scid;
	s10 =	stileid.u32  }
0x2: {  	s2 =	sand.u32 $0x1, s0;
	s26 =	smul.u32 $0x2800, s10  }
0x3: {  	s8 =	sor.u32 $0x10, s10;
	s12 =	smul.u32 $0x138800, s2  }
0x4: {  	s4 =	rddreg [dreg:$0x1];
	s9 =	sor.u32 $0x20, s10;
	s14 =	smul.u32 $0x2800, s8  }
0x5: {  	s5 =	sadd.s32 $0x17E00, s4;
	s19 =	sor.u32 $0x30, s10;
	s16 =	smul.u32 $0x2800, s9  }
0x6: {  	s6 =	sadd.s32 $0x3E00, s4;
	s4 =	sadd.s32 $0x2BE00, s4;
	s21 =	smul.u32 $0x2800, s19  }
0x7: {  	p0 =	sgt.u32 s10, $0xC;
	s0 =	sshll.u32 s2, $0x4;
	s8 =	smul.u32 $0xA000, s8  }
0x8: {  	s1 =	ssub.s32 $0x2, s2;
	s9 =	smul.u32 $0xA000, s9;
	s0 =	sor.u32 s10, s0  }
0x9: {  	s2 =	sor.u32 $0x60, s10;
	s23 =	sshrl.u32 s1, $0x1;
	s3 =	smul.u32 $0x5000, s0  }
0xa: {  	s0 =	ssub.s32 s1, s23;
	s1 =	sor.u32 $0x50, s10;
	s14 =	sadd.s32 s12, s14  }
0xb: {  	s16 =	sadd.s32 s12, s16;
	s7 =	sshrl.u32 s3, $0x3;
	s3 =	sor.u32 $0x40, s10  }
0xc: {  	s24 =	sadd.s32 s5, s7;
	s25 =	sadd.s32 s6, s7;
	s11 =	sadd.s32 $0x200, s7  }
0xd: {  	s17 =	sadd.s32 $0x400, s7;
	s18 =	sadd.s32 $0x600, s7;
	s22 =	smul.u32 $0x2800, s3  }
0xe: {  	s7 =	sadd.s32 $0x800, s7;
	s3 =	smul.u32 $0xA000, s3;
	[dreg:$0x4] =	wrdreg s24  }
0xf: {  	[dreg:$0x5] =	wrdreg s25;
	s13 =	sadd.s32 s5, s11;
	s11 =	sadd.s32 s6, s11  }
0x10: {  	s15 =	sadd.s32 s5, s17;
	s20 =	sadd.s32 s5, s18;
	[dreg:$0x6] =	wrdreg s13  }
0x11: {  	s5 =	sadd.s32 s5, s7;
	s24 =	smul.u32 $0x2800, s1;
	[dreg:$0x7] =	wrdreg s11  }
0x12: {  	s25 =	sadd.s32 s26, s12;
	s26 =	smul.u32 $0x2800, s2;
	[dreg:$0x8] =	wrdreg s15  }
0x13: {  	s23 =	sadd.s32 s6, s7;
	s1 =	smul.u32 $0xA000, s1;
	[dreg:$0xa] =	wrdreg s20  }
0x14: {  	s7 =	sor.u32 $0x70, s10;
	s2 =	smul.u32 $0xA000, s2;
	[dreg:$0xc] =	wrdreg s5  }
0x15: {  	s11 =	sadd.s32 s6, s17;
	s15 =	sadd.s32 s6, s18;
	[dreg:$0xd] =	wrdreg s23  }
0x16: {  	s17 =	smul.u32 $0x2800, s7;
	s18 =	sadd.s32 s12, s21;
	s6 =	sshrl.u32 s25, $0x3  }
0x17: {  	s20 =	sshrl.u32 s16, $0x3;
	s3 =	sshrl.u32 s3, $0x2;
	[dreg:$0x9] =	wrdreg s11  }
0x18: {  	s16 =	smul.u32 $0xA000, s7;
	s7 =	simm.s32 $0x2;
	[dreg:$0xb] =	wrdreg s15  }
0x19: {  	s15 =	sadd.s32 s12, s22;
	s5 =	sadd.s32 s12, s24;
	s13 =	sadd.s32 s12, s26  }
0x1a: {  	s11 =	simm.s32 $0x0;
	s6 =	sadd.s32 s4, s6;
	s21 =	sshrl.u32 s18, $0x3  }
0x1b: {  	s26 =	smul.u32 $0xA000, s10;
	s1 =	sshrl.u32 s1, $0x2;
	s2 =	sshrl.u32 s2, $0x2  }
0x1c: {  	s10 =	simm.s32 $0x1C00;
	s12 =	sadd.s32 s12, s17;
	[smem:$0x7FF] =	sst s11  }
0x1d: {  	[dreg:$0xe] =	wrdreg s6;
	s17 =	sshrl.u32 s14, $0x3;
	s22 =	sadd.s32 s4, s21  }
0x1e: {  	s23 =	sshrl.u32 s15, $0x3;
	s5 =	sshrl.u32 s5, $0x3;
	s24 =	sshrl.u32 s13, $0x3  }
0x1f: {  	s21 =	rddreg [dreg:$0x2];
	s13 =	smul.u32 $0xA000, s19;
	s14 =	sshrl.u32 s8, $0x2  }
0x20: {  	s19 =	sshrl.u32 s16, $0x2;
	s8 =	simm.s32 $0x4;
	s6 =	sadd.s32 s4, s17  }
0x21: {  	[dreg:$0x11] =	wrdreg s22;
	s17 =	sadd.s32 s4, s5;
	s18 =	sadd.s32 s4, s24  }
0x22: {  	s25 =	sshrl.u32 s12, $0x3;
	s12 =	sshrl.u32 s26, $0x2;
	s24 =	sadd.s32 s14, s21  }
0x23: {  	s28 =	sadd.s32 s3, s21;
	s29 =	sadd.s32 s1, s21;
	s30 =	sadd.s32 s2, s21  }
0x24: {  	s31 =	sadd.s32 s19, s21;
	s19 =	smax.u32 s0, $0x1;
	s0 =	simm.s32 $0x5  }
0x25: {  	s1 =	simm.s32 $0x1000;
	s2 =	simm.s32 $0x4800;
	s3 =	simm.s32 $0x3  }
0x26: {  	s5 =	simm.s32 $0x2000;
	[dreg:$0xf] =	wrdreg s6;
	s6 =	sadd.s32 s4, s20  }
0x27: {  	s20 =	rddreg [dreg:$0x0];
	s22 =	sadd.s32 s4, s25;
	s15 =	sshrl.u32 s13, $0x2  }
0x28: {  	[dreg:$0x10] =	wrdreg s6;
	s6 =	sadd.s32 s4, s23;
	s23 =	sadd.s32 s12, s21  }
0x29: {  	s4 =	sshrl.u32 s9, $0x2;
	s26 =	sadd.s32 s15, s21;
	s9 =	simm.s32 $0xC00  }
0x2a: {  	s12 =	simm.s32 $0x0;
	[dreg:$0x12] =	wrdreg s6;
	s25 =	sadd.s32 s4, s21  }
0x2b: {  	v0 =	vimm.f32 $0.0e+00;
	s4 =	simm.s32 $0x50;
	s6 =	simm.s32 $0x1;
	_ =	strace $0x80000047  }
.LBB2_1:
0x2c: {  	s13 =	rddreg [dreg:$0x4]  }
0x2d: {  	[tilespmem:s11], [sflag:$0x5] =	stream.linear.gather [hbm4b:s13+s11], $0xC80, $0x38;
	[tilespmem:$0x1A880] =	vst v63  }
0x2e: {  	_ =	swait.ge [sflag:s0], $0xC80  }
0x2f: {  	[sflag:s0] =	ssyncset.done $0x0  }
0x30: {  	s15 =	rddreg [dreg:$0x5];
	[sflag:s0] =	ssyncadd.s32 $0xFFFFF380  }
0x31: {  	[tilespmem:s1], [sflag:$0x5] =	stream.linear.gather [hbm4b:s15+s11], $0xC80, $0x38;
	[tilespmem:$0x1A880] =	vst v63  }
0x32: {  	s16 =	sand.u32 $0xFE00, s11;
	s14 =	sand.u32 $0x70, s11;
	_ =	swait.ge [sflag:s0], $0xC80  }
0x33: {  	s13 =	simm.s32 $0x40;
	s15 =	sshrl.u32 s16, $0x2;
	[sflag:s0] =	ssyncset.done $0x0  }
0x34: {  	s15 =	sor.u32 s14, s15;
	s14 =	simm.s32 $0x0;
	[sflag:s0] =	ssyncadd.s32 $0xFFFFF380  }
.LBB2_2:
0x35: {  	p1 =	sne.s32 s13, $0x9FC0  }
0x36: {  	[tilespmem:s15+$0x4800] =	vst v0;
	s14 =	sadd.s32 $0x10, s14;
	s15 =	smov.u32 s13;
	s13 =	sadd.s32 $0x40, s13  }
.Ltmp0:
0x37: {  	(pc) =	sbr.rel @p1 .LBB2_2-.Ltmp0, $4  }
0x38: {  	_ = 	snop  }
0x39: {  	s15 =	sand.u32 $0xFE00, s15  }
0x3a: {  	s16 =	sand.u32 $0x70, s14;
	s15 =	sshrl.u32 s15, $0x2  }
0x3b: {  	s15 =	sor.u32 s16, s15  }
0x3c: {  	[tilespmem:s15+$0x4800] =	vst v0  }
0x3d: {  	[spmem:s23] =	stream.linear.scatter [tilespmem:s2], [sflag:$0x3], $0x2800, $0x38;
	[tilespmem:$0x1A880] =	vst v63  }
0x3e: {  	_ = 	snop  }
0x3f: {  	[spmem:s24] =	stream.linear.scatter [tilespmem:s2], [sflag:$0x3], $0x2800, $0x38;
	[tilespmem:$0x1A880] =	vst v63  }
0x40: {  	_ = 	snop  }
0x41: {  	[spmem:s25] =	stream.linear.scatter [tilespmem:s2], [sflag:$0x3], $0x2800, $0x38;
	[tilespmem:$0x1A880] =	vst v63  }
0x42: {  	_ = 	snop  }
0x43: {  	[spmem:s26] =	stream.linear.scatter [tilespmem:s2], [sflag:$0x3], $0x2800, $0x38;
	[tilespmem:$0x1A880] =	vst v63  }
0x44: {  	_ = 	snop  }
0x45: {  	[spmem:s28] =	stream.linear.scatter [tilespmem:s2], [sflag:$0x3], $0x2800, $0x38;
	[tilespmem:$0x1A880] =	vst v63  }
0x46: {  	_ = 	snop  }
0x47: {  	[spmem:s29] =	stream.linear.scatter [tilespmem:s2], [sflag:$0x3], $0x2800, $0x38;
	[tilespmem:$0x1A880] =	vst v63  }
0x48: {  	_ = 	snop  }
0x49: {  	[spmem:s30] =	stream.linear.scatter [tilespmem:s2], [sflag:$0x3], $0x2800, $0x38;
	[tilespmem:$0x1A880] =	vst v63  }
0x4a: {  	s13 =	simm.s32 @!p0 $0x4800  }
0x4b: {  	[spmem:s31] =	stream.linear.scatter @!p0 [tilespmem:s13], [sflag:$0x3], $0x2800, $0x38;
	[tilespmem:$0x1A880] =	vst v63  }
0x4c: {  	_ =	swait.ge [sflag:s3], $0x2800  }
0x4d: {  	[sflag:s3] =	ssyncset.done $0x0  }
0x4e: {  	[sflag:s3] =	ssyncadd.s32 $0xFFFFD800  }
0x4f: {  	_ =	swait.ge [sflag:s3], $0x2800  }
0x50: {  	[sflag:s3] =	ssyncset.done $0x0  }
0x51: {  	[sflag:s3] =	ssyncadd.s32 $0xFFFFD800  }
0x52: {  	_ =	swait.ge [sflag:s3], $0x2800  }
0x53: {  	[sflag:s3] =	ssyncset.done $0x0  }
0x54: {  	[sflag:s3] =	ssyncadd.s32 $0xFFFFD800  }
0x55: {  	_ =	swait.ge [sflag:s3], $0x2800  }
0x56: {  	[sflag:s3] =	ssyncset.done $0x0  }
0x57: {  	[sflag:s3] =	ssyncadd.s32 $0xFFFFD800  }
0x58: {  	_ =	swait.ge [sflag:s3], $0x2800  }
0x59: {  	[sflag:s3] =	ssyncset.done $0x0  }
0x5a: {  	[sflag:s3] =	ssyncadd.s32 $0xFFFFD800  }
0x5b: {  	_ =	swait.ge [sflag:s3], $0x2800  }
0x5c: {  	[sflag:s3] =	ssyncset.done $0x0  }
0x5d: {  	[sflag:s3] =	ssyncadd.s32 $0xFFFFD800  }
0x5e: {  	_ =	swait.ge [sflag:s3], $0x2800  }
0x5f: {  	[sflag:s3] =	ssyncset.done $0x0  }
0x60: {  	s13 =	simm.s32 @!p0 $0x3;
	[sflag:s3] =	ssyncadd.s32 $0xFFFFD800  }
0x61: {  	_ =	swait.ge @!p0 [sflag:s13], $0x2800  }
0x62: {  	[sflag:s13] =	ssyncset.done @!p0 $0x0  }
0x63: {  	[sflag:s13] =	ssyncadd.s32 @!p0 $0xFFFFD800  }
0x64: {  	s16 =	simm.s32 $0x0;
	[bflag:$0x0] =	sbarrier.arrive $0xFFFF  }
0x65: {  	[tilespmem:s5], [sflag:$0x1] =	stream.indirect.gather [hbm4b:s20+s4], $0x80, s16, s4, $0xb8;
	[tilespmem:$0x1A880] =	vst v63  }
0x66: {  	s14 =	simm.s32 $0x80  }
0x67: {  	[tilespmem:s2], [sflag:$0x2] =	stream.indirect.gather [hbm4b:s20+s4], $0x80, s14, s4, $0xb8;
	[tilespmem:$0x1A880] =	vst v63  }
0x68: {  	_ =	swait.ge [sflag:s6], $0x2800  }
0x69: {  	[sflag:s6] =	ssyncset.done $0x0  }
0x6a: {  	[sflag:s6] =	ssyncadd.s32 $0xFFFFD800  }
0x6b: {  	_ =	swait.ge [sflag:s7], $0x2800  }
0x6c: {  	[sflag:s7] =	ssyncset.done $0x0  }
0x6d: {  	s15 =	simm.s32 $0x1000;
	[sflag:s7] =	ssyncadd.s32 $0xFFFFD800  }
0x6e: {  	[spmem:s21] =	stream.indirect.scatter.add.f32 [tilespmem:s5], [sflag:$0x3], $0x80, s15, s4, $0xb8;
	[tilespmem:$0x1A880] =	vst v63  }
0x6f: {  	s16 =	simm.s32 $0x1080  }
0x70: {  	[spmem:s21] =	stream.indirect.scatter.add.f32 [tilespmem:s2], [sflag:$0x4], $0x80, s16, s4, $0xb8;
	[tilespmem:$0x1A880] =	vst v63  }
0x71: {  	_ =	swait.ge [sflag:s3], $0x2800  }
0x72: {  	[sflag:s3] =	ssyncset.done $0x0  }
0x73: {  	[sflag:s3] =	ssyncadd.s32 $0xFFFFD800  }
0x74: {  	_ =	swait.ge [sflag:s8], $0x2800  }
0x75: {  	s13 =	simm.s32 $0x400;
	s14 =	simm.s32 $0x800;
	[sflag:s8] =	ssyncset.done $0x0  }
.LBB2_4:
0x76: {  	s15 =	sshra.s32 s13, $0x2  }
0x77: {  	[sflag:s8] =	ssyncadd.s32 $0xFFFFD800;
	s13 =	smov.u32 s14;
	s16 =	sadd.s32 $0x400, s14  }
0x78: {  	[tilespmem:s5], [sflag:$0x1] =	stream.indirect.gather [hbm4b:s20+s4], $0x80, s15, s4, $0xb8;
	[tilespmem:$0x1A880] =	vst v63  }
0x79: {  	p1 =	sne.s32 s14, $0x2C00;
	s14 =	sadd.s32 $0x80, s15  }
0x7a: {  	[tilespmem:s2], [sflag:$0x2] =	stream.indirect.gather [hbm4b:s20+s4], $0x80, s14, s4, $0xb8;
	[tilespmem:$0x1A880] =	vst v63  }
0x7b: {  	_ =	swait.ge [sflag:s6], $0x2800  }
0x7c: {  	[sflag:s6] =	ssyncset.done $0x0  }
0x7d: {  	[sflag:s6] =	ssyncadd.s32 $0xFFFFD800  }
0x7e: {  	_ =	swait.ge [sflag:s7], $0x2800  }
0x7f: {  	[sflag:s7] =	ssyncset.done $0x0  }
0x80: {  	s14 =	sadd.s32 $0x1000, s15;
	[sflag:s7] =	ssyncadd.s32 $0xFFFFD800  }
0x81: {  	[spmem:s21] =	stream.indirect.scatter.add.f32 [tilespmem:s5], [sflag:$0x3], $0x80, s14, s4, $0xb8;
	[tilespmem:$0x1A880] =	vst v63  }
0x82: {  	s14 =	sadd.s32 $0x1080, s15  }
0x83: {  	[spmem:s21] =	stream.indirect.scatter.add.f32 [tilespmem:s2], [sflag:$0x4], $0x80, s14, s4, $0xb8;
	[tilespmem:$0x1A880] =	vst v63  }
.Ltmp1:
0x84: {  	_ =	swait.ge [sflag:s3], $0x2800;
	(pc) =	sbr.rel @p1 .LBB2_4-.Ltmp1, $4  }
0x85: {  	[sflag:s3] =	ssyncset.done $0x0  }
0x86: {  	[sflag:s3] =	ssyncadd.s32 $0xFFFFD800  }
0x87: {  	_ =	swait.ge [sflag:s8], $0x2800  }
0x88: {  	s14 =	smov.u32 s16;
	[sflag:s8] =	ssyncset.done $0x0  }
0x89: {  	s13 =	sshra.s32 s13, $0x2;
	[sflag:s8] =	ssyncadd.s32 $0xFFFFD800  }
0x8a: {  	[tilespmem:s5], [sflag:$0x1] =	stream.indirect.gather [hbm4b:s20+s4], $0x80, s13, s4, $0xb8;
	[tilespmem:$0x1A880] =	vst v63  }
0x8b: {  	s14 =	sadd.s32 $0x80, s13  }
0x8c: {  	[tilespmem:s2], [sflag:$0x2] =	stream.indirect.gather [hbm4b:s20+s4], $0x80, s14, s4, $0xb8;
	[tilespmem:$0x1A880] =	vst v63  }
0x8d: {  	_ =	swait.ge [sflag:s6], $0x2800  }
0x8e: {  	[sflag:s6] =	ssyncset.done $0x0  }
0x8f: {  	[sflag:s6] =	ssyncadd.s32 $0xFFFFD800  }
0x90: {  	_ =	swait.ge [sflag:s7], $0x2800  }
0x91: {  	[sflag:s7] =	ssyncset.done $0x0  }
0x92: {  	s15 =	sadd.s32 $0x1000, s13;
	[sflag:s7] =	ssyncadd.s32 $0xFFFFD800  }
0x93: {  	[spmem:s21] =	stream.indirect.scatter.add.f32 [tilespmem:s5], [sflag:$0x3], $0x80, s15, s4, $0xb8;
	[tilespmem:$0x1A880] =	vst v63  }
0x94: {  	s13 =	sadd.s32 $0x1080, s13  }
0x95: {  	[spmem:s21] =	stream.indirect.scatter.add.f32 [tilespmem:s2], [sflag:$0x4], $0x80, s13, s4, $0xb8;
	[tilespmem:$0x1A880] =	vst v63  }
0x96: {  	_ =	swait.ge [sflag:s3], $0x2800  }
0x97: {  	[sflag:s3] =	ssyncset.done $0x0  }
0x98: {  	[sflag:s3] =	ssyncadd.s32 $0xFFFFD800  }
0x99: {  	_ =	swait.ge [sflag:s8], $0x2800  }
0x9a: {  	[sflag:s8] =	ssyncset.done $0x0  }
0x9b: {  	[sflag:s8] =	ssyncadd.s32 $0xFFFFD800  }
0x9c: {  	[tilespmem:s5], [sflag:$0x1] =	stream.indirect.gather [hbm4b:s20+s4], $0x80, s9, s4, $0xb8;
	[tilespmem:$0x1A880] =	vst v63  }
0x9d: {  	_ =	swait.ge [sflag:s6], $0x2800  }
0x9e: {  	[sflag:s6] =	ssyncset.done $0x0  }
0x9f: {  	[sflag:s6] =	ssyncadd.s32 $0xFFFFD800  }
0xa0: {  	[spmem:s21] =	stream.indirect.scatter.add.f32 [tilespmem:s5], [sflag:$0x3], $0x80, s10, s4, $0xb8;
	[tilespmem:$0x1A880] =	vst v63  }
0xa1: {  	_ =	swait.ge [sflag:s3], $0x2800  }
0xa2: {  	[sflag:s3] =	ssyncset.done $0x0  }
0xa3: {  	s13 =	simm.s32 $0x0;
	s16 =	rddreg [dreg:$0x6];
	[sflag:s3] =	ssyncadd.s32 $0xFFFFD800  }
0xa4: {  	[tilespmem:s13], [sflag:$0x5] =	stream.linear.gather [hbm4b:s16+s13], $0xC80, $0x38;
	[tilespmem:$0x1A880] =	vst v63  }
0xa5: {  	_ =	swait.ge [sflag:s0], $0xC80  }
0xa6: {  	[sflag:s0] =	ssyncset.done $0x0  }
0xa7: {  	s15 =	rddreg [dreg:$0x7];
	[sflag:s0] =	ssyncadd.s32 $0xFFFFF380  }
0xa8: {  	[tilespmem:s1], [sflag:$0x5] =	stream.linear.gather [hbm4b:s15+s13], $0xC80, $0x38;
	[tilespmem:$0x1A880] =	vst v63  }
0xa9: {  	_ =	swait.ge [sflag:s0], $0xC80  }
0xaa: {  	[sflag:s0] =	ssyncset.done $0x0  }
0xab: {  	s16 =	simm.s32 $0x0;
	[sflag:s0] =	ssyncadd.s32 $0xFFFFF380  }
0xac: {  	[tilespmem:s5], [sflag:$0x1] =	stream.indirect.gather [hbm4b:s20+s4], $0x80, s16, s4, $0xb8;
	[tilespmem:$0x1A880] =	vst v63  }
0xad: {  	s14 =	simm.s32 $0x80  }
0xae: {  	[tilespmem:s2], [sflag:$0x2] =	stream.indirect.gather [hbm4b:s20+s4], $0x80, s14, s4, $0xb8;
	[tilespmem:$0x1A880] =	vst v63  }
0xaf: {  	_ =	swait.ge [sflag:s6], $0x2800  }
0xb0: {  	[sflag:s6] =	ssyncset.done $0x0  }
0xb1: {  	[sflag:s6] =	ssyncadd.s32 $0xFFFFD800  }
0xb2: {  	_ =	swait.ge [sflag:s7], $0x2800  }
0xb3: {  	[sflag:s7] =	ssyncset.done $0x0  }
0xb4: {  	s15 =	simm.s32 $0x1000;
	[sflag:s7] =	ssyncadd.s32 $0xFFFFD800  }
0xb5: {  	[spmem:s21] =	stream.indirect.scatter.add.f32 [tilespmem:s5], [sflag:$0x3], $0x80, s15, s4, $0xb8;
	[tilespmem:$0x1A880] =	vst v63  }
0xb6: {  	s16 =	simm.s32 $0x1080  }
0xb7: {  	[spmem:s21] =	stream.indirect.scatter.add.f32 [tilespmem:s2], [sflag:$0x4], $0x80, s16, s4, $0xb8;
	[tilespmem:$0x1A880] =	vst v63  }
0xb8: {  	_ =	swait.ge [sflag:s3], $0x2800  }
0xb9: {  	[sflag:s3] =	ssyncset.done $0x0  }
0xba: {  	[sflag:s3] =	ssyncadd.s32 $0xFFFFD800  }
0xbb: {  	_ =	swait.ge [sflag:s8], $0x2800  }
0xbc: {  	s13 =	simm.s32 $0x400;
	s14 =	simm.s32 $0x800;
	[sflag:s8] =	ssyncset.done $0x0  }
.LBB2_6:
0xbd: {  	s15 =	sshra.s32 s13, $0x2  }
0xbe: {  	[sflag:s8] =	ssyncadd.s32 $0xFFFFD800;
	s13 =	smov.u32 s14;
	s16 =	sadd.s32 $0x400, s14  }
0xbf: {  	[tilespmem:s5], [sflag:$0x1] =	stream.indirect.gather [hbm4b:s20+s4], $0x80, s15, s4, $0xb8;
	[tilespmem:$0x1A880] =	vst v63  }
0xc0: {  	p1 =	sne.s32 s14, $0x2C00;
	s14 =	sadd.s32 $0x80, s15  }
0xc1: {  	[tilespmem:s2], [sflag:$0x2] =	stream.indirect.gather [hbm4b:s20+s4], $0x80, s14, s4, $0xb8;
	[tilespmem:$0x1A880] =	vst v63  }
0xc2: {  	_ =	swait.ge [sflag:s6], $0x2800  }
0xc3: {  	[sflag:s6] =	ssyncset.done $0x0  }
0xc4: {  	[sflag:s6] =	ssyncadd.s32 $0xFFFFD800  }
0xc5: {  	_ =	swait.ge [sflag:s7], $0x2800  }
0xc6: {  	[sflag:s7] =	ssyncset.done $0x0  }
0xc7: {  	s14 =	sadd.s32 $0x1000, s15;
	[sflag:s7] =	ssyncadd.s32 $0xFFFFD800  }
0xc8: {  	[spmem:s21] =	stream.indirect.scatter.add.f32 [tilespmem:s5], [sflag:$0x3], $0x80, s14, s4, $0xb8;
	[tilespmem:$0x1A880] =	vst v63  }
0xc9: {  	s14 =	sadd.s32 $0x1080, s15  }
0xca: {  	[spmem:s21] =	stream.indirect.scatter.add.f32 [tilespmem:s2], [sflag:$0x4], $0x80, s14, s4, $0xb8;
	[tilespmem:$0x1A880] =	vst v63  }
.Ltmp2:
0xcb: {  	_ =	swait.ge [sflag:s3], $0x2800;
	(pc) =	sbr.rel @p1 .LBB2_6-.Ltmp2, $4  }
0xcc: {  	[sflag:s3] =	ssyncset.done $0x0  }
0xcd: {  	[sflag:s3] =	ssyncadd.s32 $0xFFFFD800  }
0xce: {  	_ =	swait.ge [sflag:s8], $0x2800  }
0xcf: {  	s14 =	smov.u32 s16;
	[sflag:s8] =	ssyncset.done $0x0  }
0xd0: {  	s13 =	sshra.s32 s13, $0x2;
	[sflag:s8] =	ssyncadd.s32 $0xFFFFD800  }
0xd1: {  	[tilespmem:s5], [sflag:$0x1] =	stream.indirect.gather [hbm4b:s20+s4], $0x80, s13, s4, $0xb8;
	[tilespmem:$0x1A880] =	vst v63  }
0xd2: {  	s14 =	sadd.s32 $0x80, s13  }
0xd3: {  	[tilespmem:s2], [sflag:$0x2] =	stream.indirect.gather [hbm4b:s20+s4], $0x80, s14, s4, $0xb8;
	[tilespmem:$0x1A880] =	vst v63  }
0xd4: {  	_ =	swait.ge [sflag:s6], $0x2800  }
0xd5: {  	[sflag:s6] =	ssyncset.done $0x0  }
0xd6: {  	[sflag:s6] =	ssyncadd.s32 $0xFFFFD800  }
0xd7: {  	_ =	swait.ge [sflag:s7], $0x2800  }
0xd8: {  	[sflag:s7] =	ssyncset.done $0x0  }
0xd9: {  	s15 =	sadd.s32 $0x1000, s13;
	[sflag:s7] =	ssyncadd.s32 $0xFFFFD800  }
0xda: {  	[spmem:s21] =	stream.indirect.scatter.add.f32 [tilespmem:s5], [sflag:$0x3], $0x80, s15, s4, $0xb8;
	[tilespmem:$0x1A880] =	vst v63  }
0xdb: {  	s13 =	sadd.s32 $0x1080, s13  }
0xdc: {  	[spmem:s21] =	stream.indirect.scatter.add.f32 [tilespmem:s2], [sflag:$0x4], $0x80, s13, s4, $0xb8;
	[tilespmem:$0x1A880] =	vst v63  }
0xdd: {  	_ =	swait.ge [sflag:s3], $0x2800  }
0xde: {  	[sflag:s3] =	ssyncset.done $0x0  }
0xdf: {  	[sflag:s3] =	ssyncadd.s32 $0xFFFFD800  }
0xe0: {  	_ =	swait.ge [sflag:s8], $0x2800  }
0xe1: {  	[sflag:s8] =	ssyncset.done $0x0  }
0xe2: {  	[sflag:s8] =	ssyncadd.s32 $0xFFFFD800  }
0xe3: {  	[tilespmem:s5], [sflag:$0x1] =	stream.indirect.gather [hbm4b:s20+s4], $0x80, s9, s4, $0xb8;
	[tilespmem:$0x1A880] =	vst v63  }
0xe4: {  	_ =	swait.ge [sflag:s6], $0x2800  }
0xe5: {  	[sflag:s6] =	ssyncset.done $0x0  }
0xe6: {  	[sflag:s6] =	ssyncadd.s32 $0xFFFFD800  }
0xe7: {  	[spmem:s21] =	stream.indirect.scatter.add.f32 [tilespmem:s5], [sflag:$0x3], $0x80, s10, s4, $0xb8;
	[tilespmem:$0x1A880] =	vst v63  }
0xe8: {  	_ =	swait.ge [sflag:s3], $0x2800  }
0xe9: {  	[sflag:s3] =	ssyncset.done $0x0  }
0xea: {  	s13 =	simm.s32 $0x0;
	s16 =	rddreg [dreg:$0x8];
	[sflag:s3] =	ssyncadd.s32 $0xFFFFD800  }
0xeb: {  	[tilespmem:s13], [sflag:$0x5] =	stream.linear.gather [hbm4b:s16+s13], $0xC80, $0x38;
	[tilespmem:$0x1A880] =	vst v63  }
0xec: {  	_ =	swait.ge [sflag:s0], $0xC80  }
0xed: {  	[sflag:s0] =	ssyncset.done $0x0  }
0xee: {  	s15 =	rddreg [dreg:$0x9];
	[sflag:s0] =	ssyncadd.s32 $0xFFFFF380  }
0xef: {  	[tilespmem:s1], [sflag:$0x5] =	stream.linear.gather [hbm4b:s15+s13], $0xC80, $0x38;
	[tilespmem:$0x1A880] =	vst v63  }
0xf0: {  	_ =	swait.ge [sflag:s0], $0xC80  }
0xf1: {  	[sflag:s0] =	ssyncset.done $0x0  }
0xf2: {  	s16 =	simm.s32 $0x0;
	[sflag:s0] =	ssyncadd.s32 $0xFFFFF380  }
0xf3: {  	[tilespmem:s5], [sflag:$0x1] =	stream.indirect.gather [hbm4b:s20+s4], $0x80, s16, s4, $0xb8;
	[tilespmem:$0x1A880] =	vst v63  }
0xf4: {  	s14 =	simm.s32 $0x80  }
0xf5: {  	[tilespmem:s2], [sflag:$0x2] =	stream.indirect.gather [hbm4b:s20+s4], $0x80, s14, s4, $0xb8;
	[tilespmem:$0x1A880] =	vst v63  }
0xf6: {  	_ =	swait.ge [sflag:s6], $0x2800  }
0xf7: {  	[sflag:s6] =	ssyncset.done $0x0  }
0xf8: {  	[sflag:s6] =	ssyncadd.s32 $0xFFFFD800  }
0xf9: {  	_ =	swait.ge [sflag:s7], $0x2800  }
0xfa: {  	[sflag:s7] =	ssyncset.done $0x0  }
0xfb: {  	s15 =	simm.s32 $0x1000;
	[sflag:s7] =	ssyncadd.s32 $0xFFFFD800  }
0xfc: {  	[spmem:s21] =	stream.indirect.scatter.add.f32 [tilespmem:s5], [sflag:$0x3], $0x80, s15, s4, $0xb8;
	[tilespmem:$0x1A880] =	vst v63  }
0xfd: {  	s16 =	simm.s32 $0x1080  }
0xfe: {  	[spmem:s21] =	stream.indirect.scatter.add.f32 [tilespmem:s2], [sflag:$0x4], $0x80, s16, s4, $0xb8;
	[tilespmem:$0x1A880] =	vst v63  }
0xff: {  	_ =	swait.ge [sflag:s3], $0x2800  }
0x100: {  	[sflag:s3] =	ssyncset.done $0x0  }
0x101: {  	[sflag:s3] =	ssyncadd.s32 $0xFFFFD800  }
0x102: {  	_ =	swait.ge [sflag:s8], $0x2800  }
0x103: {  	s13 =	simm.s32 $0x400;
	s14 =	simm.s32 $0x800;
	[sflag:s8] =	ssyncset.done $0x0  }
.LBB2_8:
0x104: {  	s15 =	sshra.s32 s13, $0x2  }
0x105: {  	[sflag:s8] =	ssyncadd.s32 $0xFFFFD800;
	s13 =	smov.u32 s14;
	s16 =	sadd.s32 $0x400, s14  }
0x106: {  	[tilespmem:s5], [sflag:$0x1] =	stream.indirect.gather [hbm4b:s20+s4], $0x80, s15, s4, $0xb8;
	[tilespmem:$0x1A880] =	vst v63  }
0x107: {  	p1 =	sne.s32 s14, $0x2C00;
	s14 =	sadd.s32 $0x80, s15  }
0x108: {  	[tilespmem:s2], [sflag:$0x2] =	stream.indirect.gather [hbm4b:s20+s4], $0x80, s14, s4, $0xb8;
	[tilespmem:$0x1A880] =	vst v63  }
0x109: {  	_ =	swait.ge [sflag:s6], $0x2800  }
0x10a: {  	[sflag:s6] =	ssyncset.done $0x0  }
0x10b: {  	[sflag:s6] =	ssyncadd.s32 $0xFFFFD800  }
0x10c: {  	_ =	swait.ge [sflag:s7], $0x2800  }
0x10d: {  	[sflag:s7] =	ssyncset.done $0x0  }
0x10e: {  	s14 =	sadd.s32 $0x1000, s15;
	[sflag:s7] =	ssyncadd.s32 $0xFFFFD800  }
0x10f: {  	[spmem:s21] =	stream.indirect.scatter.add.f32 [tilespmem:s5], [sflag:$0x3], $0x80, s14, s4, $0xb8;
	[tilespmem:$0x1A880] =	vst v63  }
0x110: {  	s14 =	sadd.s32 $0x1080, s15  }
0x111: {  	[spmem:s21] =	stream.indirect.scatter.add.f32 [tilespmem:s2], [sflag:$0x4], $0x80, s14, s4, $0xb8;
	[tilespmem:$0x1A880] =	vst v63  }
.Ltmp3:
0x112: {  	_ =	swait.ge [sflag:s3], $0x2800;
	(pc) =	sbr.rel @p1 .LBB2_8-.Ltmp3, $4  }
0x113: {  	[sflag:s3] =	ssyncset.done $0x0  }
0x114: {  	[sflag:s3] =	ssyncadd.s32 $0xFFFFD800  }
0x115: {  	_ =	swait.ge [sflag:s8], $0x2800  }
0x116: {  	s14 =	smov.u32 s16;
	[sflag:s8] =	ssyncset.done $0x0  }
0x117: {  	s13 =	sshra.s32 s13, $0x2;
	[sflag:s8] =	ssyncadd.s32 $0xFFFFD800  }
0x118: {  	[tilespmem:s5], [sflag:$0x1] =	stream.indirect.gather [hbm4b:s20+s4], $0x80, s13, s4, $0xb8;
	[tilespmem:$0x1A880] =	vst v63  }
0x119: {  	s14 =	sadd.s32 $0x80, s13  }
0x11a: {  	[tilespmem:s2], [sflag:$0x2] =	stream.indirect.gather [hbm4b:s20+s4], $0x80, s14, s4, $0xb8;
	[tilespmem:$0x1A880] =	vst v63  }
0x11b: {  	_ =	swait.ge [sflag:s6], $0x2800  }
0x11c: {  	[sflag:s6] =	ssyncset.done $0x0  }
0x11d: {  	[sflag:s6] =	ssyncadd.s32 $0xFFFFD800  }
0x11e: {  	_ =	swait.ge [sflag:s7], $0x2800  }
0x11f: {  	[sflag:s7] =	ssyncset.done $0x0  }
0x120: {  	s15 =	sadd.s32 $0x1000, s13;
	[sflag:s7] =	ssyncadd.s32 $0xFFFFD800  }
0x121: {  	[spmem:s21] =	stream.indirect.scatter.add.f32 [tilespmem:s5], [sflag:$0x3], $0x80, s15, s4, $0xb8;
	[tilespmem:$0x1A880] =	vst v63  }
0x122: {  	s13 =	sadd.s32 $0x1080, s13  }
0x123: {  	[spmem:s21] =	stream.indirect.scatter.add.f32 [tilespmem:s2], [sflag:$0x4], $0x80, s13, s4, $0xb8;
	[tilespmem:$0x1A880] =	vst v63  }
0x124: {  	_ =	swait.ge [sflag:s3], $0x2800  }
0x125: {  	[sflag:s3] =	ssyncset.done $0x0  }
0x126: {  	[sflag:s3] =	ssyncadd.s32 $0xFFFFD800  }
0x127: {  	_ =	swait.ge [sflag:s8], $0x2800  }
0x128: {  	[sflag:s8] =	ssyncset.done $0x0  }
0x129: {  	[sflag:s8] =	ssyncadd.s32 $0xFFFFD800  }
0x12a: {  	[tilespmem:s5], [sflag:$0x1] =	stream.indirect.gather [hbm4b:s20+s4], $0x80, s9, s4, $0xb8;
	[tilespmem:$0x1A880] =	vst v63  }
0x12b: {  	_ =	swait.ge [sflag:s6], $0x2800  }
0x12c: {  	[sflag:s6] =	ssyncset.done $0x0  }
0x12d: {  	[sflag:s6] =	ssyncadd.s32 $0xFFFFD800  }
0x12e: {  	[spmem:s21] =	stream.indirect.scatter.add.f32 [tilespmem:s5], [sflag:$0x3], $0x80, s10, s4, $0xb8;
	[tilespmem:$0x1A880] =	vst v63  }
0x12f: {  	_ =	swait.ge [sflag:s3], $0x2800  }
0x130: {  	[sflag:s3] =	ssyncset.done $0x0  }
0x131: {  	s13 =	simm.s32 $0x0;
	s16 =	rddreg [dreg:$0xa];
	[sflag:s3] =	ssyncadd.s32 $0xFFFFD800  }
0x132: {  	[tilespmem:s13], [sflag:$0x5] =	stream.linear.gather [hbm4b:s16+s13], $0xC80, $0x38;
	[tilespmem:$0x1A880] =	vst v63  }
0x133: {  	_ =	swait.ge [sflag:s0], $0xC80  }
0x134: {  	[sflag:s0] =	ssyncset.done $0x0  }
0x135: {  	s15 =	rddreg [dreg:$0xb];
	[sflag:s0] =	ssyncadd.s32 $0xFFFFF380  }
0x136: {  	[tilespmem:s1], [sflag:$0x5] =	stream.linear.gather [hbm4b:s15+s13], $0xC80, $0x38;
	[tilespmem:$0x1A880] =	vst v63  }
0x137: {  	_ =	swait.ge [sflag:s0], $0xC80  }
0x138: {  	[sflag:s0] =	ssyncset.done $0x0  }
0x139: {  	s16 =	simm.s32 $0x0;
	[sflag:s0] =	ssyncadd.s32 $0xFFFFF380  }
0x13a: {  	[tilespmem:s5], [sflag:$0x1] =	stream.indirect.gather [hbm4b:s20+s4], $0x80, s16, s4, $0xb8;
	[tilespmem:$0x1A880] =	vst v63  }
0x13b: {  	s14 =	simm.s32 $0x80  }
0x13c: {  	[tilespmem:s2], [sflag:$0x2] =	stream.indirect.gather [hbm4b:s20+s4], $0x80, s14, s4, $0xb8;
	[tilespmem:$0x1A880] =	vst v63  }
0x13d: {  	_ =	swait.ge [sflag:s6], $0x2800  }
0x13e: {  	[sflag:s6] =	ssyncset.done $0x0  }
0x13f: {  	[sflag:s6] =	ssyncadd.s32 $0xFFFFD800  }
0x140: {  	_ =	swait.ge [sflag:s7], $0x2800  }
0x141: {  	[sflag:s7] =	ssyncset.done $0x0  }
0x142: {  	s15 =	simm.s32 $0x1000;
	[sflag:s7] =	ssyncadd.s32 $0xFFFFD800  }
0x143: {  	[spmem:s21] =	stream.indirect.scatter.add.f32 [tilespmem:s5], [sflag:$0x3], $0x80, s15, s4, $0xb8;
	[tilespmem:$0x1A880] =	vst v63  }
0x144: {  	s16 =	simm.s32 $0x1080  }
0x145: {  	[spmem:s21] =	stream.indirect.scatter.add.f32 [tilespmem:s2], [sflag:$0x4], $0x80, s16, s4, $0xb8;
	[tilespmem:$0x1A880] =	vst v63  }
0x146: {  	_ =	swait.ge [sflag:s3], $0x2800  }
0x147: {  	[sflag:s3] =	ssyncset.done $0x0  }
0x148: {  	[sflag:s3] =	ssyncadd.s32 $0xFFFFD800  }
0x149: {  	_ =	swait.ge [sflag:s8], $0x2800  }
0x14a: {  	s13 =	simm.s32 $0x400;
	s14 =	simm.s32 $0x800;
	[sflag:s8] =	ssyncset.done $0x0  }
.LBB2_10:
0x14b: {  	s15 =	sshra.s32 s13, $0x2  }
0x14c: {  	[sflag:s8] =	ssyncadd.s32 $0xFFFFD800;
	s13 =	smov.u32 s14;
	s16 =	sadd.s32 $0x400, s14  }
0x14d: {  	[tilespmem:s5], [sflag:$0x1] =	stream.indirect.gather [hbm4b:s20+s4], $0x80, s15, s4, $0xb8;
	[tilespmem:$0x1A880] =	vst v63  }
0x14e: {  	p1 =	sne.s32 s14, $0x2C00;
	s14 =	sadd.s32 $0x80, s15  }
0x14f: {  	[tilespmem:s2], [sflag:$0x2] =	stream.indirect.gather [hbm4b:s20+s4], $0x80, s14, s4, $0xb8;
	[tilespmem:$0x1A880] =	vst v63  }
0x150: {  	_ =	swait.ge [sflag:s6], $0x2800  }
0x151: {  	[sflag:s6] =	ssyncset.done $0x0  }
0x152: {  	[sflag:s6] =	ssyncadd.s32 $0xFFFFD800  }
0x153: {  	_ =	swait.ge [sflag:s7], $0x2800  }
0x154: {  	[sflag:s7] =	ssyncset.done $0x0  }
0x155: {  	s14 =	sadd.s32 $0x1000, s15;
	[sflag:s7] =	ssyncadd.s32 $0xFFFFD800  }
0x156: {  	[spmem:s21] =	stream.indirect.scatter.add.f32 [tilespmem:s5], [sflag:$0x3], $0x80, s14, s4, $0xb8;
	[tilespmem:$0x1A880] =	vst v63  }
0x157: {  	s14 =	sadd.s32 $0x1080, s15  }
0x158: {  	[spmem:s21] =	stream.indirect.scatter.add.f32 [tilespmem:s2], [sflag:$0x4], $0x80, s14, s4, $0xb8;
	[tilespmem:$0x1A880] =	vst v63  }
.Ltmp4:
0x159: {  	_ =	swait.ge [sflag:s3], $0x2800;
	(pc) =	sbr.rel @p1 .LBB2_10-.Ltmp4, $4  }
0x15a: {  	[sflag:s3] =	ssyncset.done $0x0  }
0x15b: {  	[sflag:s3] =	ssyncadd.s32 $0xFFFFD800  }
0x15c: {  	_ =	swait.ge [sflag:s8], $0x2800  }
0x15d: {  	s14 =	smov.u32 s16;
	[sflag:s8] =	ssyncset.done $0x0  }
0x15e: {  	s13 =	sshra.s32 s13, $0x2;
	[sflag:s8] =	ssyncadd.s32 $0xFFFFD800  }
0x15f: {  	[tilespmem:s5], [sflag:$0x1] =	stream.indirect.gather [hbm4b:s20+s4], $0x80, s13, s4, $0xb8;
	[tilespmem:$0x1A880] =	vst v63  }
0x160: {  	s14 =	sadd.s32 $0x80, s13  }
0x161: {  	[tilespmem:s2], [sflag:$0x2] =	stream.indirect.gather [hbm4b:s20+s4], $0x80, s14, s4, $0xb8;
	[tilespmem:$0x1A880] =	vst v63  }
0x162: {  	_ =	swait.ge [sflag:s6], $0x2800  }
0x163: {  	[sflag:s6] =	ssyncset.done $0x0  }
0x164: {  	[sflag:s6] =	ssyncadd.s32 $0xFFFFD800  }
0x165: {  	_ =	swait.ge [sflag:s7], $0x2800  }
0x166: {  	[sflag:s7] =	ssyncset.done $0x0  }
0x167: {  	s15 =	sadd.s32 $0x1000, s13;
	[sflag:s7] =	ssyncadd.s32 $0xFFFFD800  }
0x168: {  	[spmem:s21] =	stream.indirect.scatter.add.f32 [tilespmem:s5], [sflag:$0x3], $0x80, s15, s4, $0xb8;
	[tilespmem:$0x1A880] =	vst v63  }
0x169: {  	s13 =	sadd.s32 $0x1080, s13  }
0x16a: {  	[spmem:s21] =	stream.indirect.scatter.add.f32 [tilespmem:s2], [sflag:$0x4], $0x80, s13, s4, $0xb8;
	[tilespmem:$0x1A880] =	vst v63  }
0x16b: {  	_ =	swait.ge [sflag:s3], $0x2800  }
0x16c: {  	[sflag:s3] =	ssyncset.done $0x0  }
0x16d: {  	[sflag:s3] =	ssyncadd.s32 $0xFFFFD800  }
0x16e: {  	_ =	swait.ge [sflag:s8], $0x2800  }
0x16f: {  	[sflag:s8] =	ssyncset.done $0x0  }
0x170: {  	[sflag:s8] =	ssyncadd.s32 $0xFFFFD800  }
0x171: {  	[tilespmem:s5], [sflag:$0x1] =	stream.indirect.gather [hbm4b:s20+s4], $0x80, s9, s4, $0xb8;
	[tilespmem:$0x1A880] =	vst v63  }
0x172: {  	_ =	swait.ge [sflag:s6], $0x2800  }
0x173: {  	[sflag:s6] =	ssyncset.done $0x0  }
0x174: {  	[sflag:s6] =	ssyncadd.s32 $0xFFFFD800  }
0x175: {  	[spmem:s21] =	stream.indirect.scatter.add.f32 [tilespmem:s5], [sflag:$0x3], $0x80, s10, s4, $0xb8;
	[tilespmem:$0x1A880] =	vst v63  }
0x176: {  	_ =	swait.ge [sflag:s3], $0x2800  }
0x177: {  	[sflag:s3] =	ssyncset.done $0x0  }
0x178: {  	s13 =	simm.s32 $0x0;
	s16 =	rddreg [dreg:$0xc];
	[sflag:s3] =	ssyncadd.s32 $0xFFFFD800  }
0x179: {  	[tilespmem:s13], [sflag:$0x5] =	stream.linear.gather [hbm4b:s16+s13], $0xC80, $0x38;
	[tilespmem:$0x1A880] =	vst v63  }
0x17a: {  	_ =	swait.ge [sflag:s0], $0xC80  }
0x17b: {  	[sflag:s0] =	ssyncset.done $0x0  }
0x17c: {  	s15 =	rddreg [dreg:$0xd];
	[sflag:s0] =	ssyncadd.s32 $0xFFFFF380  }
0x17d: {  	[tilespmem:s1], [sflag:$0x5] =	stream.linear.gather [hbm4b:s15+s13], $0xC80, $0x38;
	[tilespmem:$0x1A880] =	vst v63  }
0x17e: {  	_ =	swait.ge [sflag:s0], $0xC80  }
0x17f: {  	[sflag:s0] =	ssyncset.done $0x0  }
0x180: {  	s16 =	simm.s32 $0x0;
	[sflag:s0] =	ssyncadd.s32 $0xFFFFF380  }
0x181: {  	[tilespmem:s5], [sflag:$0x1] =	stream.indirect.gather [hbm4b:s20+s4], $0x80, s16, s4, $0xb8;
	[tilespmem:$0x1A880] =	vst v63  }
0x182: {  	s14 =	simm.s32 $0x80  }
0x183: {  	[tilespmem:s2], [sflag:$0x2] =	stream.indirect.gather [hbm4b:s20+s4], $0x80, s14, s4, $0xb8;
	[tilespmem:$0x1A880] =	vst v63  }
0x184: {  	_ =	swait.ge [sflag:s6], $0x2800  }
0x185: {  	[sflag:s6] =	ssyncset.done $0x0  }
0x186: {  	[sflag:s6] =	ssyncadd.s32 $0xFFFFD800  }
0x187: {  	_ =	swait.ge [sflag:s7], $0x2800  }
0x188: {  	[sflag:s7] =	ssyncset.done $0x0  }
0x189: {  	s15 =	simm.s32 $0x1000;
	[sflag:s7] =	ssyncadd.s32 $0xFFFFD800  }
0x18a: {  	[spmem:s21] =	stream.indirect.scatter.add.f32 [tilespmem:s5], [sflag:$0x3], $0x80, s15, s4, $0xb8;
	[tilespmem:$0x1A880] =	vst v63  }
0x18b: {  	s16 =	simm.s32 $0x1080  }
0x18c: {  	[spmem:s21] =	stream.indirect.scatter.add.f32 [tilespmem:s2], [sflag:$0x4], $0x80, s16, s4, $0xb8;
	[tilespmem:$0x1A880] =	vst v63  }
0x18d: {  	_ =	swait.ge [sflag:s3], $0x2800  }
0x18e: {  	[sflag:s3] =	ssyncset.done $0x0  }
0x18f: {  	[sflag:s3] =	ssyncadd.s32 $0xFFFFD800  }
0x190: {  	_ =	swait.ge [sflag:s8], $0x2800  }
0x191: {  	s13 =	simm.s32 $0x400;
	s14 =	simm.s32 $0x800;
	[sflag:s8] =	ssyncset.done $0x0  }
.LBB2_12:
0x192: {  	s15 =	sshra.s32 s13, $0x2  }
0x193: {  	[sflag:s8] =	ssyncadd.s32 $0xFFFFD800;
	s13 =	smov.u32 s14;
	s16 =	sadd.s32 $0x400, s14  }
0x194: {  	[tilespmem:s5], [sflag:$0x1] =	stream.indirect.gather [hbm4b:s20+s4], $0x80, s15, s4, $0xb8;
	[tilespmem:$0x1A880] =	vst v63  }
0x195: {  	p1 =	sne.s32 s14, $0x2C00;
	s14 =	sadd.s32 $0x80, s15  }
0x196: {  	[tilespmem:s2], [sflag:$0x2] =	stream.indirect.gather [hbm4b:s20+s4], $0x80, s14, s4, $0xb8;
	[tilespmem:$0x1A880] =	vst v63  }
0x197: {  	_ =	swait.ge [sflag:s6], $0x2800  }
0x198: {  	[sflag:s6] =	ssyncset.done $0x0  }
0x199: {  	[sflag:s6] =	ssyncadd.s32 $0xFFFFD800  }
0x19a: {  	_ =	swait.ge [sflag:s7], $0x2800  }
0x19b: {  	[sflag:s7] =	ssyncset.done $0x0  }
0x19c: {  	s14 =	sadd.s32 $0x1000, s15;
	[sflag:s7] =	ssyncadd.s32 $0xFFFFD800  }
0x19d: {  	[spmem:s21] =	stream.indirect.scatter.add.f32 [tilespmem:s5], [sflag:$0x3], $0x80, s14, s4, $0xb8;
	[tilespmem:$0x1A880] =	vst v63  }
0x19e: {  	s14 =	sadd.s32 $0x1080, s15  }
0x19f: {  	[spmem:s21] =	stream.indirect.scatter.add.f32 [tilespmem:s2], [sflag:$0x4], $0x80, s14, s4, $0xb8;
	[tilespmem:$0x1A880] =	vst v63  }
.Ltmp5:
0x1a0: {  	_ =	swait.ge [sflag:s3], $0x2800;
	(pc) =	sbr.rel @p1 .LBB2_12-.Ltmp5, $4  }
0x1a1: {  	[sflag:s3] =	ssyncset.done $0x0  }
0x1a2: {  	[sflag:s3] =	ssyncadd.s32 $0xFFFFD800  }
0x1a3: {  	_ =	swait.ge [sflag:s8], $0x2800  }
0x1a4: {  	s14 =	smov.u32 s16;
	[sflag:s8] =	ssyncset.done $0x0  }
0x1a5: {  	s13 =	sshra.s32 s13, $0x2;
	[sflag:s8] =	ssyncadd.s32 $0xFFFFD800  }
0x1a6: {  	[tilespmem:s5], [sflag:$0x1] =	stream.indirect.gather [hbm4b:s20+s4], $0x80, s13, s4, $0xb8;
	[tilespmem:$0x1A880] =	vst v63  }
0x1a7: {  	s14 =	sadd.s32 $0x80, s13  }
0x1a8: {  	[tilespmem:s2], [sflag:$0x2] =	stream.indirect.gather [hbm4b:s20+s4], $0x80, s14, s4, $0xb8;
	[tilespmem:$0x1A880] =	vst v63  }
0x1a9: {  	_ =	swait.ge [sflag:s6], $0x2800  }
0x1aa: {  	[sflag:s6] =	ssyncset.done $0x0  }
0x1ab: {  	[sflag:s6] =	ssyncadd.s32 $0xFFFFD800  }
0x1ac: {  	_ =	swait.ge [sflag:s7], $0x2800  }
0x1ad: {  	[sflag:s7] =	ssyncset.done $0x0  }
0x1ae: {  	s16 =	sadd.s32 $0x1000, s13;
	[sflag:s7] =	ssyncadd.s32 $0xFFFFD800  }
0x1af: {  	[spmem:s21] =	stream.indirect.scatter.add.f32 [tilespmem:s5], [sflag:$0x3], $0x80, s16, s4, $0xb8;
	[tilespmem:$0x1A880] =	vst v63  }
0x1b0: {  	s13 =	sadd.s32 $0x1080, s13  }
0x1b1: {  	[spmem:s21] =	stream.indirect.scatter.add.f32 [tilespmem:s2], [sflag:$0x4], $0x80, s13, s4, $0xb8;
	[tilespmem:$0x1A880] =	vst v63  }
0x1b2: {  	_ =	swait.ge [sflag:s3], $0x2800  }
0x1b3: {  	[sflag:s3] =	ssyncset.done $0x0  }
0x1b4: {  	[sflag:s3] =	ssyncadd.s32 $0xFFFFD800  }
0x1b5: {  	_ =	swait.ge [sflag:s8], $0x2800  }
0x1b6: {  	[sflag:s8] =	ssyncset.done $0x0  }
0x1b7: {  	[sflag:s8] =	ssyncadd.s32 $0xFFFFD800  }
0x1b8: {  	[tilespmem:s5], [sflag:$0x1] =	stream.indirect.gather [hbm4b:s20+s4], $0x80, s9, s4, $0xb8;
	[tilespmem:$0x1A880] =	vst v63  }
0x1b9: {  	_ =	swait.ge [sflag:s6], $0x2800  }
0x1ba: {  	[sflag:s6] =	ssyncset.done $0x0  }
0x1bb: {  	[sflag:s6] =	ssyncadd.s32 $0xFFFFD800  }
0x1bc: {  	[spmem:s21] =	stream.indirect.scatter.add.f32 [tilespmem:s5], [sflag:$0x3], $0x80, s10, s4, $0xb8;
	[tilespmem:$0x1A880] =	vst v63  }
0x1bd: {  	_ =	swait.ge [sflag:s3], $0x2800  }
0x1be: {  	[sflag:s3] =	ssyncset.done $0x0  }
0x1bf: {  	[sflag:s3] =	ssyncadd.s32 $0xFFFFD800  }
0x1c0: {  	[bflag:$0x0] =	sbarrier.arrive $0xFFFF  }
0x1c1: {  	[tilespmem:s5], [sflag:$0x1] =	stream.linear.gather [spmem:s23], $0x2800, $0x38;
	[tilespmem:$0x1A880] =	vst v63  }
0x1c2: {  	_ = 	snop  }
0x1c3: {  	[tilespmem:s2], [sflag:$0x2] =	stream.linear.gather [spmem:s24], $0x2800, $0x38;
	[tilespmem:$0x1A880] =	vst v63  }
0x1c4: {  	_ =	swait.ge [sflag:s6], $0x2800  }
0x1c5: {  	[sflag:s6] =	ssyncset.done $0x0  }
0x1c6: {  	s15 =	rddreg [dreg:$0xe];
	[sflag:s6] =	ssyncadd.s32 $0xFFFFD800  }
0x1c7: {  	[hbm4b:s15+s11] =	stream.linear.scatter [tilespmem:s5], [sflag:$0x3], $0x2800, $0x38;
	[tilespmem:$0x1A880] =	vst v63  }
0x1c8: {  	_ =	swait.ge [sflag:s3], $0x2800  }
0x1c9: {  	[sflag:s3] =	ssyncset.done $0x0  }
0x1ca: {  	[sflag:s3] =	ssyncadd.s32 $0xFFFFD800  }
0x1cb: {  	[tilespmem:s5], [sflag:$0x1] =	stream.linear.gather [spmem:s25], $0x2800, $0x38;
	[tilespmem:$0x1A880] =	vst v63  }
0x1cc: {  	_ =	swait.ge [sflag:s7], $0x2800  }
0x1cd: {  	[sflag:s7] =	ssyncset.done $0x0  }
0x1ce: {  	s16 =	rddreg [dreg:$0xf];
	[sflag:s7] =	ssyncadd.s32 $0xFFFFD800  }
0x1cf: {  	[hbm4b:s16+s11] =	stream.linear.scatter [tilespmem:s2], [sflag:$0x4], $0x2800, $0x38;
	[tilespmem:$0x1A880] =	vst v63  }
0x1d0: {  	_ =	swait.ge [sflag:s8], $0x2800  }
0x1d1: {  	[sflag:s8] =	ssyncset.done $0x0  }
0x1d2: {  	[sflag:s8] =	ssyncadd.s32 $0xFFFFD800  }
0x1d3: {  	[tilespmem:s2], [sflag:$0x2] =	stream.linear.gather [spmem:s26], $0x2800, $0x38;
	[tilespmem:$0x1A880] =	vst v63  }
0x1d4: {  	_ =	swait.ge [sflag:s6], $0x2800  }
0x1d5: {  	[sflag:s6] =	ssyncset.done $0x0  }
0x1d6: {  	s14 =	rddreg [dreg:$0x10];
	[sflag:s6] =	ssyncadd.s32 $0xFFFFD800  }
0x1d7: {  	[hbm4b:s14+s11] =	stream.linear.scatter [tilespmem:s5], [sflag:$0x3], $0x2800, $0x38;
	[tilespmem:$0x1A880] =	vst v63  }
0x1d8: {  	_ =	swait.ge [sflag:s3], $0x2800  }
0x1d9: {  	[sflag:s3] =	ssyncset.done $0x0  }
0x1da: {  	[sflag:s3] =	ssyncadd.s32 $0xFFFFD800  }
0x1db: {  	[tilespmem:s5], [sflag:$0x1] =	stream.linear.gather [spmem:s28], $0x2800, $0x38;
	[tilespmem:$0x1A880] =	vst v63  }
0x1dc: {  	_ =	swait.ge [sflag:s7], $0x2800  }
0x1dd: {  	[sflag:s7] =	ssyncset.done $0x0  }
0x1de: {  	s15 =	rddreg [dreg:$0x11];
	[sflag:s7] =	ssyncadd.s32 $0xFFFFD800  }
0x1df: {  	[hbm4b:s15+s11] =	stream.linear.scatter [tilespmem:s2], [sflag:$0x4], $0x2800, $0x38;
	[tilespmem:$0x1A880] =	vst v63  }
0x1e0: {  	_ =	swait.ge [sflag:s8], $0x2800  }
0x1e1: {  	[sflag:s8] =	ssyncset.done $0x0  }
0x1e2: {  	[sflag:s8] =	ssyncadd.s32 $0xFFFFD800  }
0x1e3: {  	[tilespmem:s2], [sflag:$0x2] =	stream.linear.gather [spmem:s29], $0x2800, $0x38;
	[tilespmem:$0x1A880] =	vst v63  }
0x1e4: {  	_ =	swait.ge [sflag:s6], $0x2800  }
0x1e5: {  	[sflag:s6] =	ssyncset.done $0x0  }
0x1e6: {  	s16 =	rddreg [dreg:$0x12];
	[sflag:s6] =	ssyncadd.s32 $0xFFFFD800  }
0x1e7: {  	[hbm4b:s16+s11] =	stream.linear.scatter [tilespmem:s5], [sflag:$0x3], $0x2800, $0x38;
	[tilespmem:$0x1A880] =	vst v63  }
0x1e8: {  	_ =	swait.ge [sflag:s3], $0x2800  }
0x1e9: {  	[sflag:s3] =	ssyncset.done $0x0  }
0x1ea: {  	[sflag:s3] =	ssyncadd.s32 $0xFFFFD800  }
0x1eb: {  	[tilespmem:s5], [sflag:$0x1] =	stream.linear.gather [spmem:s30], $0x2800, $0x38;
	[tilespmem:$0x1A880] =	vst v63  }
0x1ec: {  	_ =	swait.ge [sflag:s7], $0x2800  }
0x1ed: {  	[sflag:s7] =	ssyncset.done $0x0  }
0x1ee: {  	s13 =	simm.s32 @p0 $0x1;
	[sflag:s7] =	ssyncadd.s32 $0xFFFFD800  }
0x1ef: {  	[hbm4b:s17+s11] =	stream.linear.scatter [tilespmem:s2], [sflag:$0x4], $0x2800, $0x38;
	[tilespmem:$0x1A880] =	vst v63  }
0x1f0: {  	_ =	swait.ge @p0 [sflag:s13], $0x2800  }
0x1f1: {  	[sflag:s13] =	ssyncset.done @p0 $0x0  }
0x1f2: {  	s14 =	simm.s32 @p0 $0x2000;
	[sflag:s13] =	ssyncadd.s32 @p0 $0xFFFFD800;
	s13 =	simm.s32 @p0 $0x0  }
0x1f3: {  	[hbm4b:s18+s13] =	stream.linear.scatter @p0 [tilespmem:s14], [sflag:$0x3], $0x2800, $0x38;
	[tilespmem:$0x1A880] =	vst v63  }
0x1f4: {  	s13 =	simm.s32 @!p0 $0x4  }
0x1f5: {  	_ =	swait.ge @!p0 [sflag:s13], $0x2800  }
0x1f6: {  	[sflag:s13] =	ssyncset.done @!p0 $0x0  }
0x1f7: {  	s15 =	simm.s32 @!p0 $0x1;
	s14 =	simm.s32 @!p0 $0x4800;
	[sflag:s13] =	ssyncadd.s32 @!p0 $0xFFFFD800  }
0x1f8: {  	[tilespmem:s14], [sflag:$0x2] =	stream.linear.gather @!p0 [spmem:s31], $0x2800, $0x38;
	[tilespmem:$0x1A880] =	vst v63  }
0x1f9: {  	_ =	swait.ge @!p0 [sflag:s15], $0x2800  }
0x1fa: {  	[sflag:s15] =	ssyncset.done @!p0 $0x0  }
0x1fb: {  	s16 =	simm.s32 @!p0 $0x2000;
	[sflag:s15] =	ssyncadd.s32 @!p0 $0xFFFFD800;
	s15 =	simm.s32 @!p0 $0x0  }
0x1fc: {  	[hbm4b:s18+s15] =	stream.linear.scatter @!p0 [tilespmem:s16], [sflag:$0x3], $0x2800, $0x38;
	[tilespmem:$0x1A880] =	vst v63  }
0x1fd: {  	s16 =	simm.s32 @!p0 $0x2  }
0x1fe: {  	_ =	swait.ge @!p0 [sflag:s16], $0x2800  }
0x1ff: {  	[sflag:s16] =	ssyncset.done @!p0 $0x0  }
0x200: {  	[sflag:s16] =	ssyncadd.s32 @!p0 $0xFFFFD800  }
0x201: {  	[hbm4b:s22+s15] =	stream.linear.scatter @!p0 [tilespmem:s14], [sflag:$0x4], $0x2800, $0x38;
	[tilespmem:$0x1A880] =	vst v63  }
0x202: {  	s14 =	simm.s32 @!p0 $0x3  }
0x203: {  	s12 =	sadd.s32 $0x1, s12;
	s14 =	simm.s32 @p0 $0x4  }
0x204: {  	p1 =	sne.s32 s12, s19;
	_ =	swait.ge [sflag:s14], $0x2800  }
.Ltmp6:
0x205: {  	[sflag:s14] =	ssyncset.done $0x0;
	(pc) =	sbr.rel @p1 .LBB2_1-.Ltmp6, $4  }
0x206: {  	s13 =	simm.s32 @p0 $0x3;
	[sflag:s14] =	ssyncadd.s32 $0xFFFFD800  }
0x207: {  	_ =	swait.ge [sflag:s13], $0x2800  }
0x208: {  	[sflag:s13] =	ssyncset.done $0x0  }
0x209: {  	[sflag:s13] =	ssyncadd.s32 $0xFFFFD800  }
0x20a: {  	_ =	sfence.sel $0x180000  }
0x20b: {  	[bflag:$0x0] =	sbarrier.arrive $0xFFFF  }
0x20c: {  	_ =	strace $0x90000047  }
0x20d: {  	s0 =	stileid.u32;
	[bflag:$0x2] =	sbarrier.arrive $0xFFFF  }
0x20e: {  	p0 =	sne.s32 s0, $0x0;
	s0 =	rddreg [dreg:$0x3]  }
0x20f: {  	s0 =	sadd.s32 @!p0 $0x100000, s0  }
0x210: {  	[sflag:s0] =	ssyncadd.tile.s32 @!p0 $0x1;
	_ =	shalt  }
.Lfunc_end2:
_tile_overlayer_lowered:
.L_overlay_start_2:
0x211: {  	(tag) =	ssettag $0x2  }
0x212: {  	s0 =	rddreg [dreg:$0x0];
	s2 =	stileid.u32  }
0x213: {  	s1 =	rddreg [dreg:$0x1];
	p0 =	sne.s32 s2, $0x0  }
0x214: {  	s3 =	rddreg [dreg:$0x2];
	[bflag:$0x3] =	sbarrier.arrive $0xFFFF;
	s2 =	simm.s32 @!p0 $0x1C05  }
0x215: {  	[timem:s3], [sflag:s2] =	dma.local @!p0 [hbm:s0], s1  }
0x216: {  	s0 =	simm.s32 @!p0 $0x5  }
0x217: {  	_ =	swait.ge @!p0 [sflag:s0], s1  }
0x218: {  	s1 =	ssub.s32 @!p0 $0x0, s1;
	[sflag:s0] =	ssyncset.done @!p0 $0x0  }
0x219: {  	[sflag:s0] =	ssyncadd.s32 @!p0 s1  }
0x21a: {  	[bflag:$0x3] =	sbarrier.arrive $0xFFFF  }
0x21b: {  	_ =	shalt  }

// kernel: kernel.9.cloned.1.call-start
scs
__scs_entry_jumppad:
0x0: {  	(pc) =	sbr.rel $0x88, $3  }
0x1: {  	(tag) =	ssettag $0x0;
	lr =	simm.s32 $0x1  }
0x2: {  	[smem:$0x3F8C] =	sst lr;
	_ =	strace $0xD0000000  }
0x3: {  	_ = 	snop  }
0x4: {  	_ = 	snop  }
0x5: {  	_ = 	snop  }
0x6: {  	_ = 	snop  }
0x7: {  	_ = 	snop  }
__scs_overlays_trampoline_lowered:
0x8: {  	[smem:$0x3F9B] =	sst s0  }
0x9: {  	[smem:$0x3F9C] =	sst s1  }
0xa: {  	[smem:$0x3F9D] =	sst s2  }
0xb: {  	[smem:$0x3F9E] =	sst s3  }
0xc: {  	[smem:$0x3F9F] =	sst s4  }
0xd: {  	[smem:$0x3FA0] =	sst s5  }
0xe: {  	[smem:$0x3FA1] =	sst s6  }
0xf: {  	[smem:$0x3FA2] =	sst s7  }
0x10: {  	[smem:$0x3FA3] =	sst s8  }
0x11: {  	[smem:$0x3FA4] =	sst s9;
	s0 =	simm.s32 @!p0 $0x0  }
0x12: {  	s1 =	sld [smem:$0x3F8A];
	s0 =	simm.s32 @p0 $0x1  }
0x13: {  	[smem:$0x3FA5] =	sst s0;
	s0 =	simm.s32 @!p1 $0x0  }
0x14: {  	s2 =	sld [smem:$0x3F89];
	s0 =	simm.s32 @p1 $0x1  }
0x15: {  	[smem:$0x3FA6] =	sst s0;
	s0 =	simm.s32 @!p2 $0x0  }
0x16: {  	s3 =	sld [smem:$0x3FDB];
	s0 =	simm.s32 @p2 $0x1  }
0x17: {  	s4 =	simm.s32 $0x1BF5;
	[smem:$0x3FA8] =	sst s0  }
0x18: {  	s0 =	sld [smem:$0x3F8B];
	_ =	swait.ge [sflag:s4], $0x0  }
0x19: {  	s7 =	sld [smem:$0x3F8C]  }
0x1a: {  	s8 =	sadd.s32 $0xFFFFE003, lr  }
0x1b: {  	s9 =	sadd.s32 $0xFFFFFEF7, lr;
	s5 =	simm.s32 $0xFFFFFFFF;
	p2 =	slt.u32 s8, $0xFFFFF086  }
0x1c: {  	p1 =	slt.u32 s9, $0xF7A;
	s5 =	simm.s32 @!p2 $0x0  }
0x1d: {  	s5 =	simm.s32 @p1 $0x1;
	p0 =	seq.s32 s7, s2  }
0x1e: {  	s7 =	smul.u32 @!p0 $0xF7A, s2;
	p2 =	seq.s32 @!p0 s5, $0x0  }
0x1f: {  	s9 =	smul.u32 $0xF7A, s1;
	s8 =	simm.s32 @!p0 $0x1BF5;
	p2 =	por !p2, p0  }
0x20: {  	[sflag:s8] =	ssyncset.s32 @!p0 $0xFFFFF086;
	s6 =	sadd.s32 @!p0 s3, s7;
	s7 =	simm.s32 @!p0 $0x108  }
0x21: {  	s3 =	sadd.s32 s3, s9;
	s6 =	sadd.s32 @!p0 $0x88, s6;
	s7 =	simm.s32 @p2 $0x1082  }
0x22: {  	[simem:s7], [sflag:s8] =	dma.local @!p0 [hbm:s6], $0xF7A  }
0x23: {  	s9 =	sor.u32 $0xD0000000, s2;
	s6 =	simm.s32 $0x108;
	_ =	swait.ge @!p0 [sflag:s8], $0x0  }
0x24: {  	s3 =	sadd.s32 $0x88, s3;
	s6 =	simm.s32 @!p1 $0x1082;
	[sflag:s4] =	ssyncset.s32 $0xFFFFF086  }
0x25: {  	[simem:s6], [sflag:s4] =	dma.local [hbm:s3], $0xF7A  }
0x26: {  	[smem:$0x3F8C] =	sst s1;
	(tag) =	ssettag s2;
	_ =	strace s9  }
0x27: {  	s1 =	sld [smem:$0x3F9C]  }
0x28: {  	s2 =	sld [smem:$0x3F9D]  }
0x29: {  	s4 =	sld [smem:$0x3F9F]  }
0x2a: {  	p0 =	seq.s32 s5, $0x0;
	s5 =	sld [smem:$0x3FA0]  }
0x2b: {  	s6 =	sld [smem:$0x3FA1]  }
0x2c: {  	s7 =	sld [smem:$0x3FA2]  }
0x2d: {  	s3 =	simm.s32 $0x108;
	s8 =	sld [smem:$0x3FA3]  }
0x2e: {  	s3 =	simm.s32 @!p0 $0x1082;
	s9 =	sld [smem:$0x3FA4]  }
0x2f: {  	lr =	sadd.s32 s0, s3;
	s0 =	sld [smem:$0x3F9B]  }
0x30: {  	s3 =	sld [smem:$0x3F9E]  }
0x31: {  	[smem:$0x3FA7] =	sst s10  }
0x32: {  	s10 =	sld [smem:$0x3FA5];
	_ =	sdelay $0x3  }
0x33: {  	p0 =	seq.s32 s10, $0x1;
	s10 =	sld [smem:$0x3FA7];
	_ =	sdelay $0x3  }
0x34: {  	[smem:$0x3FA7] =	sst s10  }
0x35: {  	s10 =	sld [smem:$0x3FA6];
	_ =	sdelay $0x3  }
0x36: {  	p1 =	seq.s32 s10, $0x1;
	s10 =	sld [smem:$0x3FA7];
	_ =	sdelay $0x3  }
0x37: {  	[smem:$0x3FA7] =	sst s10  }
0x38: {  	s10 =	sld [smem:$0x3FA8]  }
0x39: {  	_ = 	snop;
	(pc) =	sbr.ind lr, $3  }
0x3a: {  	_ = 	snop  }
0x3b: {  	_ = 	snop  }
0x3c: {  	p2 =	seq.s32 s10, $0x1;
	s10 =	sld [smem:$0x3FA7]  }
0x3d: {  	_ =	shalt  }
0x3e: {  	_ =	shalt  }
0x3f: {  	_ =	shalt  }
0x40: {  	_ =	shalt  }
0x41: {  	_ =	shalt  }
0x42: {  	_ =	shalt  }
0x43: {  	_ =	shalt  }
0x44: {  	_ =	shalt  }
0x45: {  	_ =	shalt  }
0x46: {  	_ =	shalt  }
0x47: {  	_ =	shalt  }
0x48: {  	_ =	shalt  }
0x49: {  	_ =	shalt  }
0x4a: {  	_ =	shalt  }
0x4b: {  	_ =	shalt  }
0x4c: {  	_ =	shalt  }
0x4d: {  	_ =	shalt  }
0x4e: {  	_ =	shalt  }
0x4f: {  	_ =	shalt  }
0x50: {  	_ =	shalt  }
0x51: {  	_ =	shalt  }
0x52: {  	_ =	shalt  }
0x53: {  	_ =	shalt  }
0x54: {  	_ =	shalt  }
0x55: {  	_ =	shalt  }
0x56: {  	_ =	shalt  }
0x57: {  	_ =	shalt  }
0x58: {  	_ =	shalt  }
0x59: {  	_ =	shalt  }
0x5a: {  	_ =	shalt  }
0x5b: {  	_ =	shalt  }
0x5c: {  	_ =	shalt  }
0x5d: {  	_ =	shalt  }
0x5e: {  	_ =	shalt  }
0x5f: {  	_ =	shalt  }
0x60: {  	_ =	shalt  }
0x61: {  	_ =	shalt  }
0x62: {  	_ =	shalt  }
0x63: {  	_ =	shalt  }
0x64: {  	_ =	shalt  }
0x65: {  	_ =	shalt  }
0x66: {  	_ =	shalt  }
0x67: {  	_ =	shalt  }
0x68: {  	_ =	shalt  }
0x69: {  	_ =	shalt  }
0x6a: {  	_ =	shalt  }
0x6b: {  	_ =	shalt  }
0x6c: {  	_ =	shalt  }
0x6d: {  	_ =	shalt  }
0x6e: {  	_ =	shalt  }
0x6f: {  	_ =	shalt  }
0x70: {  	_ =	shalt  }
0x71: {  	_ =	shalt  }
0x72: {  	_ =	shalt  }
0x73: {  	_ =	shalt  }
0x74: {  	_ =	shalt  }
0x75: {  	_ =	shalt  }
0x76: {  	_ =	shalt  }
0x77: {  	_ =	shalt  }
0x78: {  	_ =	shalt  }
0x79: {  	_ =	shalt  }
0x7a: {  	_ =	shalt  }
0x7b: {  	_ =	shalt  }
0x7c: {  	_ =	shalt  }
0x7d: {  	_ =	shalt  }
0x7e: {  	_ =	shalt  }
0x7f: {  	_ =	shalt  }
0x80: {  	_ =	shalt  }
0x81: {  	_ =	shalt  }
0x82: {  	_ =	shalt  }
0x83: {  	_ =	shalt  }
0x84: {  	_ =	shalt  }
0x85: {  	_ =	shalt  }
0x86: {  	_ =	shalt  }
0x87: {  	_ =	shalt  }
.Lfunc_end0:
.L_simem_size_0:
called_computation.1_lowered:
.L_overlay_start_0:
0x88: {  	s2 =	sld [smem:$0x3FD9]  }
0x89: {  	s3 =	sld [smem:$0x3FFE];
	_ =	sdelay $0x1  }
0x8a: {  	s1 =	srdreg.scid  }
0x8b: {  	s0 =	sand.u32 $0x1, s1  }
0x8c: {  	s16 =	sshll.u32 s0, $0xA;
	s2 =	sadd.s32 s3, s2  }
0x8d: {  	s2 =	sadd.s32 s2, s16  }
0x8e: {  	[smem:$0x3FB3] =	sst s2  }
0x8f: {  	_ = 	snop  }
0x90: {  	(tm) =	ssettm $0x1  }
0x91: {  	s17 =	sld [smem:$0x3FFB];
	_ =	sdelay $0x3  }
0x92: {  	_ =	strace s17  }
0x93: {  	s2 =	sld [smem:$0x3FFC];
	_ =	sdelay $0x3  }
0x94: {  	_ =	strace s2  }
0x95: {  	s2 =	sld [smem:$0x3FFD];
	_ =	sdelay $0x3  }
0x96: {  	_ =	strace s2  }
0x97: {  	_ =	strace $0x8FFFFFFF  }
0x98: {  	s18 =	sld [smem:$0x3FDB];
	_ =	sdelay $0x1  }
0x99: {  	s19 =	simm.s32 $_scs_section_size  }
0x9a: {  	s4 =	simm.s32 $_size__tile_overlayer_lowered;
	s5 =	simm.s32 $_tile_overlayer_lowered  }
0x9b: {  	s22 =	simm.s32 $0x1BFF;
	s21 =	sshll.u32 s5, $0x1;
	s2 =	sadd.s32 s19, s18  }
0x9c: {  	s6 =	simm.s32 $0x0;
	s20 =	sshll.u32 s4, $0x1;
	s4 =	sadd.s32 s21, s2  }
0x9d: {  	[timem:s6], [sflag:s22] =	dma.local [hbm:s4], s20  }
0x9e: {  	_ =	swait.ge [sflag:s22], s20  }
0x9f: {  	s3 =	ssub.s32 $0x0, s20;
	[sflag:s22] =	ssyncset.done $0x0  }
0xa0: {  	[sflag:s22] =	ssyncadd.s32 s3;
	_ =	sdelay $0x1  }
0xa1: {  	s23 =	simm.s32 $0x1B8B  }
0xa2: {  	_ =	swait.ge [sflag:s23], $0x1  }
0xa3: {  	[sflag:s23] =	ssyncset.done $0x0  }
0xa4: {  	s25 =	simm.s32 $0x1B8E;
	s24 =	sld [smem:$0x3FFE];
	[sflag:s23] =	ssyncadd.s32 $0xFFFFFFFF  }
0xa5: {  	s26 =	simm.s32 $execute0_lowered;
	[smem:$0x3FD2] =	sst s25  }
0xa6: {  	s4 =	sshll.u32 s26, $0x1;
	_ =	strace $0x80000049;
	[dreg:$0x1] =	wrdreg $0xFFFFFFFF  }
0xa7: {  	s28 =	simm.s32 $_size_execute0_lowered;
	s2 =	sadd.s32 s2, s4;
	[dreg:$0x0] =	wrdreg $0x0  }
0xa8: {  	s4 =	sshll.u32 s28, $0x1;
	[dreg:$0x2] =	wrdreg s2  }
0xa9: {  	[dreg:$0x3] =	wrdreg s4  }
0xaa: {  	[dreg:$0x4] =	wrdreg $0xC0  }
0xab: {  	_ =	task [dreg:s6], $0x5FFFF  }
0xac: {  	[dreg:$0x1] =	wrdreg $0xFFFFFFFF  }
0xad: {  	[dreg:$0x0] =	wrdreg $0x60  }
0xae: {  	[dreg:$0x2] =	wrdreg s24  }
0xaf: {  	[dreg:$0x3] =	wrdreg $0x70000  }
0xb0: {  	[dreg:$0x4] =	wrdreg $0x9  }
0xb1: {  	_ =	task.clear_ibuf [dreg:s6], $0x5FFFF;
	_ =	strace $0x90000049  }
0xb2: {  	s29 =	simm.s32 $0x9;
	_ =	strace $0x8000004B  }
0xb3: {  	_ =	swait.ge [sflag:s29], $0x1  }
0xb4: {  	[sflag:s29] =	ssyncadd.s32 $0xFFFFFFFF  }
0xb5: {  	_ =	strace $0x9000004B  }
0xb6: {  	_ =	sfence  }
0xb7: {  	s30 =	sld [smem:$0x0];
	_ =	sdelay $0x2  }
0xb8: {  	s31 =	sshll.u32 s1, $0xD;
	s1 =	sshrl.u32 s1, $0x2  }
0xb9: {  	s3 =	sand.u32 $0x4000, s31;
	s1 =	sadd.s32 s1, s30  }
0xba: {  	s0 =	sor.u32 s3, s0;
	s1 =	sshll.u32 s1, $0x11  }
0xbb: {  	s0 =	sor.u32 s1, s0  }
0xbc: {  	s0 =	sadd.s32 $0x8F2B, s0  }
0xbd: {  	[sflag:s0] =	ssyncadd.remote.s32 $0x1  }
0xbe: {  	_ =	sfence.sel $0xFFFF  }
0xbf: {  	[dreg:$0x0] =	wrdreg $0xFFFFFFFF;
	(pc) =	sbr.abs _section_cstart, $3  }
0xc0: {  	[dreg:$0x1] =	wrdreg $0xFFFFFFFF  }
0xc1: {  	_ =	task.clear_ibuf [dreg:s6], $0x2FFFF;
	_ =	strace $0x9FFFFFFF  }
0xc2: {  	(tm) =	ssettm $0x7FFFFFFF  }
0xc3: {  	_ =	shalt  }
tec
execute0_lowered:
.L_overlay_start_1:
0x0: {  	(tag) =	ssettag $0x1  }
0x1: {  	s0 =	srdreg.scid  }
0x2: {  	s10 =	stileid.u32;
	s1 =	rddreg [dreg:$0x0]  }
0x3: {  	s3 =	sand.u32 $0x1, s0;
	s5 =	sadd.s32 $0x17E00, s1;
	s19 =	smul.u32 $0x2800, s10  }
0x4: {  	s6 =	sadd.s32 $0x3E00, s1;
	s8 =	sor.u32 $0x10, s10;
	s12 =	smul.u32 $0x138800, s3  }
0x5: {  	s9 =	sor.u32 $0x20, s10;
	s23 =	sor.u32 $0x30, s10;
	s14 =	smul.u32 $0x2800, s8  }
0x6: {  	p0 =	sgt.u32 s10, $0xC;
	s0 =	sshll.u32 s3, $0x4;
	s24 =	smul.u32 $0x2800, s23  }
0x7: {  	s2 =	ssub.s32 $0x2, s3;
	s8 =	smul.u32 $0xA000, s8;
	s0 =	sor.u32 s10, s0  }
0x8: {  	s3 =	sor.u32 $0x60, s10;
	s16 =	sshrl.u32 s2, $0x1;
	s4 =	smul.u32 $0x5000, s0  }
0x9: {  	s0 =	ssub.s32 s2, s16;
	s2 =	sor.u32 $0x50, s10;
	s16 =	smul.u32 $0x2800, s9  }
0xa: {  	s19 =	sadd.s32 s19, s12;
	s14 =	sadd.s32 s12, s14;
	s8 =	sshrl.u32 s8, $0x2  }
0xb: {  	s7 =	sshrl.u32 s4, $0x3;
	s4 =	sor.u32 $0x40, s10;
	s16 =	sadd.s32 s12, s16  }
0xc: {  	s17 =	sadd.s32 s5, s7;
	s18 =	sadd.s32 s6, s7;
	s11 =	sadd.s32 $0x200, s7  }
0xd: {  	s20 =	sadd.s32 $0x400, s7;
	s21 =	sadd.s32 $0x600, s7;
	s25 =	smul.u32 $0x2800, s4  }
0xe: {  	s7 =	sadd.s32 $0x800, s7;
	s4 =	smul.u32 $0xA000, s4;
	[dreg:$0x3] =	wrdreg s17  }
0xf: {  	[dreg:$0x4] =	wrdreg s18;
	s13 =	sadd.s32 s5, s11;
	s11 =	sadd.s32 s6, s11  }
0x10: {  	s15 =	sadd.s32 s5, s20;
	s22 =	sadd.s32 s5, s21;
	[dreg:$0x6] =	wrdreg s11  }
0x11: {  	s5 =	sadd.s32 s5, s7;
	s26 =	sadd.s32 s6, s7;
	[dreg:$0x7] =	wrdreg s15  }
0x12: {  	s11 =	sadd.s32 s6, s20;
	s15 =	sadd.s32 s6, s21;
	s6 =	smul.u32 $0x2800, s2  }
0x13: {  	s7 =	sor.u32 $0x70, s10;
	[dreg:$0x5] =	wrdreg s13;
	s20 =	smul.u32 $0x2800, s3  }
0x14: {  	s18 =	sadd.s32 s12, s24;
	[dreg:$0x9] =	wrdreg s22;
	s17 =	smul.u32 $0x2800, s7  }
0x15: {  	[dreg:$0xb] =	wrdreg s5;
	s22 =	sshrl.u32 s16, $0x3;
	s16 =	smul.u32 $0xA000, s10  }
0x16: {  	[dreg:$0xc] =	wrdreg s26;
	s21 =	sshrl.u32 s14, $0x3;
	s2 =	smul.u32 $0xA000, s2  }
0x17: {  	s24 =	sshrl.u32 s18, $0x3;
	s3 =	smul.u32 $0xA000, s3;
	[dreg:$0x8] =	wrdreg s11  }
0x18: {  	s10 =	simm.s32 $0x1C00;
	[dreg:$0xa] =	wrdreg s15;
	s15 =	sadd.s32 s12, s25  }
0x19: {  	s11 =	simm.s32 $0x0;
	s5 =	sadd.s32 s12, s6;
	s13 =	sadd.s32 s12, s20  }
0x1a: {  	s12 =	sadd.s32 s12, s17;
	[smem:$0x7FF] =	sst s11;
	s6 =	sshrl.u32 s19, $0x3  }
0x1b: {  	s17 =	sadd.s32 $0x53000, s1;
	s26 =	sshrl.u32 s15, $0x3;
	s20 =	rddreg [dreg:$0x1]  }
0x1c: {  	s6 =	sadd.s32 s17, s6;
	s25 =	sadd.s32 s17, s24;
	s5 =	sshrl.u32 s5, $0x3  }
0x1d: {  	s14 =	sshrl.u32 s13, $0x3;
	s15 =	sshrl.u32 s12, $0x3;
	s24 =	sadd.s32 s8, s20  }
0x1e: {  	s13 =	sshrl.u32 s4, $0x2;
	s4 =	simm.s32 $0x50;
	[dreg:$0xd] =	wrdreg s6  }
0x1f: {  	s8 =	simm.s32 $0x4;
	s6 =	sadd.s32 s17, s21;
	[dreg:$0x10] =	wrdreg s25  }
0x20: {  	s18 =	sadd.s32 s17, s5;
	s19 =	sadd.s32 s17, s14;
	s21 =	sadd.s32 s17, s15  }
0x21: {  	s25 =	sshrl.u32 s16, $0x2;
	s14 =	smul.u32 $0xA000, s7;
	s28 =	sadd.s32 s13, s20  }
0x22: {  	s15 =	sshrl.u32 s2, $0x2;
	s16 =	sshrl.u32 s3, $0x2;
	s2 =	simm.s32 $0x4800  }
0x23: {  	s3 =	simm.s32 $0x3;
	s5 =	simm.s32 $0x2000;
	s7 =	simm.s32 $0x2  }
0x24: {  	[dreg:$0xe] =	wrdreg s6;
	s6 =	sadd.s32 s17, s22;
	s22 =	sadd.s32 $0x2BE00, s1  }
0x25: {  	s29 =	sadd.s32 s15, s20;
	s30 =	sadd.s32 s16, s20;
	s1 =	simm.s32 $0x1000  }
0x26: {  	[dreg:$0xf] =	wrdreg s6;
	s6 =	sadd.s32 s17, s26;
	s17 =	smul.u32 $0xA000, s9  }
0x27: {  	s26 =	smul.u32 $0xA000, s23;
	s23 =	sadd.s32 s25, s20;
	[dreg:$0x11] =	wrdreg s6  }
0x28: {  	s6 =	simm.s32 $0x1;
	_ =	strace $0x8000004A;
	s9 =	sshrl.u32 s17, $0x2  }
0x29: {  	s12 =	sshrl.u32 s26, $0x2;
	s17 =	sshrl.u32 s14, $0x2;
	s25 =	sadd.s32 s9, s20  }
0x2a: {  	s26 =	sadd.s32 s12, s20;
	s31 =	sadd.s32 s17, s20;
	s17 =	smax.u32 s0, $0x1  }
0x2b: {  	v0 =	vimm.f32 $0.0e+00;
	s0 =	simm.s32 $0x5;
	s9 =	simm.s32 $0xC00;
	s12 =	simm.s32 $0x0  }
.LBB2_1:
0x2c: {  	s13 =	rddreg [dreg:$0x3]  }
0x2d: {  	[tilespmem:s11], [sflag:$0x5] =	stream.linear.gather [hbm4b:s13+s11], $0xC80, $0x38;
	[tilespmem:$0x1A880] =	vst v63  }
0x2e: {  	_ =	swait.ge [sflag:s0], $0xC80  }
0x2f: {  	[sflag:s0] =	ssyncset.done $0x0  }
0x30: {  	s15 =	rddreg [dreg:$0x4];
	[sflag:s0] =	ssyncadd.s32 $0xFFFFF380  }
0x31: {  	[tilespmem:s1], [sflag:$0x5] =	stream.linear.gather [hbm4b:s15+s11], $0xC80, $0x38;
	[tilespmem:$0x1A880] =	vst v63  }
0x32: {  	s16 =	sand.u32 $0xFE00, s11;
	s14 =	sand.u32 $0x70, s11;
	_ =	swait.ge [sflag:s0], $0xC80  }
0x33: {  	s13 =	simm.s32 $0x40;
	s15 =	sshrl.u32 s16, $0x2;
	[sflag:s0] =	ssyncset.done $0x0  }
0x34: {  	s15 =	sor.u32 s14, s15;
	s14 =	simm.s32 $0x0;
	[sflag:s0] =	ssyncadd.s32 $0xFFFFF380  }
.LBB2_2:
0x35: {  	p1 =	sne.s32 s13, $0x9FC0  }
0x36: {  	[tilespmem:s15+$0x4800] =	vst v0;
	s14 =	sadd.s32 $0x10, s14;
	s15 =	smov.u32 s13;
	s13 =	sadd.s32 $0x40, s13  }
.Ltmp0:
0x37: {  	(pc) =	sbr.rel @p1 .LBB2_2-.Ltmp0, $4  }
0x38: {  	_ = 	snop  }
0x39: {  	s15 =	sand.u32 $0xFE00, s15  }
0x3a: {  	s16 =	sand.u32 $0x70, s14;
	s15 =	sshrl.u32 s15, $0x2  }
0x3b: {  	s15 =	sor.u32 s16, s15  }
0x3c: {  	[tilespmem:s15+$0x4800] =	vst v0  }
0x3d: {  	[spmem:s23] =	stream.linear.scatter [tilespmem:s2], [sflag:$0x3], $0x2800, $0x38;
	[tilespmem:$0x1A880] =	vst v63  }
0x3e: {  	_ = 	snop  }
0x3f: {  	[spmem:s24] =	stream.linear.scatter [tilespmem:s2], [sflag:$0x3], $0x2800, $0x38;
	[tilespmem:$0x1A880] =	vst v63  }
0x40: {  	_ = 	snop  }
0x41: {  	[spmem:s25] =	stream.linear.scatter [tilespmem:s2], [sflag:$0x3], $0x2800, $0x38;
	[tilespmem:$0x1A880] =	vst v63  }
0x42: {  	_ = 	snop  }
0x43: {  	[spmem:s26] =	stream.linear.scatter [tilespmem:s2], [sflag:$0x3], $0x2800, $0x38;
	[tilespmem:$0x1A880] =	vst v63  }
0x44: {  	_ = 	snop  }
0x45: {  	[spmem:s28] =	stream.linear.scatter [tilespmem:s2], [sflag:$0x3], $0x2800, $0x38;
	[tilespmem:$0x1A880] =	vst v63  }
0x46: {  	_ = 	snop  }
0x47: {  	[spmem:s29] =	stream.linear.scatter [tilespmem:s2], [sflag:$0x3], $0x2800, $0x38;
	[tilespmem:$0x1A880] =	vst v63  }
0x48: {  	_ = 	snop  }
0x49: {  	[spmem:s30] =	stream.linear.scatter [tilespmem:s2], [sflag:$0x3], $0x2800, $0x38;
	[tilespmem:$0x1A880] =	vst v63  }
0x4a: {  	s13 =	simm.s32 @!p0 $0x4800  }
0x4b: {  	[spmem:s31] =	stream.linear.scatter @!p0 [tilespmem:s13], [sflag:$0x3], $0x2800, $0x38;
	[tilespmem:$0x1A880] =	vst v63  }
0x4c: {  	_ =	swait.ge [sflag:s3], $0x2800  }
0x4d: {  	[sflag:s3] =	ssyncset.done $0x0  }
0x4e: {  	[sflag:s3] =	ssyncadd.s32 $0xFFFFD800  }
0x4f: {  	_ =	swait.ge [sflag:s3], $0x2800  }
0x50: {  	[sflag:s3] =	ssyncset.done $0x0  }
0x51: {  	[sflag:s3] =	ssyncadd.s32 $0xFFFFD800  }
0x52: {  	_ =	swait.ge [sflag:s3], $0x2800  }
0x53: {  	[sflag:s3] =	ssyncset.done $0x0  }
0x54: {  	[sflag:s3] =	ssyncadd.s32 $0xFFFFD800  }
0x55: {  	_ =	swait.ge [sflag:s3], $0x2800  }
0x56: {  	[sflag:s3] =	ssyncset.done $0x0  }
0x57: {  	[sflag:s3] =	ssyncadd.s32 $0xFFFFD800  }
0x58: {  	_ =	swait.ge [sflag:s3], $0x2800  }
0x59: {  	[sflag:s3] =	ssyncset.done $0x0  }
0x5a: {  	[sflag:s3] =	ssyncadd.s32 $0xFFFFD800  }
0x5b: {  	_ =	swait.ge [sflag:s3], $0x2800  }
0x5c: {  	[sflag:s3] =	ssyncset.done $0x0  }
0x5d: {  	[sflag:s3] =	ssyncadd.s32 $0xFFFFD800  }
0x5e: {  	_ =	swait.ge [sflag:s3], $0x2800  }
0x5f: {  	[sflag:s3] =	ssyncset.done $0x0  }
0x60: {  	s13 =	simm.s32 @!p0 $0x3;
	[sflag:s3] =	ssyncadd.s32 $0xFFFFD800  }
0x61: {  	_ =	swait.ge @!p0 [sflag:s13], $0x2800  }
0x62: {  	[sflag:s13] =	ssyncset.done @!p0 $0x0  }
0x63: {  	[sflag:s13] =	ssyncadd.s32 @!p0 $0xFFFFD800  }
0x64: {  	s16 =	simm.s32 $0x0;
	[bflag:$0x0] =	sbarrier.arrive $0xFFFF  }
0x65: {  	[tilespmem:s5], [sflag:$0x1] =	stream.indirect.gather [hbm4b:s22+s4], $0x80, s16, s4, $0xb8;
	[tilespmem:$0x1A880] =	vst v63  }
0x66: {  	s14 =	simm.s32 $0x80  }
0x67: {  	[tilespmem:s2], [sflag:$0x2] =	stream.indirect.gather [hbm4b:s22+s4], $0x80, s14, s4, $0xb8;
	[tilespmem:$0x1A880] =	vst v63  }
0x68: {  	_ =	swait.ge [sflag:s6], $0x2800  }
0x69: {  	[sflag:s6] =	ssyncset.done $0x0  }
0x6a: {  	[sflag:s6] =	ssyncadd.s32 $0xFFFFD800  }
0x6b: {  	_ =	swait.ge [sflag:s7], $0x2800  }
0x6c: {  	[sflag:s7] =	ssyncset.done $0x0  }
0x6d: {  	s15 =	simm.s32 $0x1000;
	[sflag:s7] =	ssyncadd.s32 $0xFFFFD800  }
0x6e: {  	[spmem:s20] =	stream.indirect.scatter.add.f32 [tilespmem:s5], [sflag:$0x3], $0x80, s15, s4, $0xb8;
	[tilespmem:$0x1A880] =	vst v63  }
0x6f: {  	s16 =	simm.s32 $0x1080  }
0x70: {  	[spmem:s20] =	stream.indirect.scatter.add.f32 [tilespmem:s2], [sflag:$0x4], $0x80, s16, s4, $0xb8;
	[tilespmem:$0x1A880] =	vst v63  }
0x71: {  	_ =	swait.ge [sflag:s3], $0x2800  }
0x72: {  	[sflag:s3] =	ssyncset.done $0x0  }
0x73: {  	[sflag:s3] =	ssyncadd.s32 $0xFFFFD800  }
0x74: {  	_ =	swait.ge [sflag:s8], $0x2800  }
0x75: {  	s13 =	simm.s32 $0x400;
	s14 =	simm.s32 $0x800;
	[sflag:s8] =	ssyncset.done $0x0  }
.LBB2_4:
0x76: {  	s15 =	sshra.s32 s13, $0x2  }
0x77: {  	[sflag:s8] =	ssyncadd.s32 $0xFFFFD800;
	s13 =	smov.u32 s14;
	s16 =	sadd.s32 $0x400, s14  }
0x78: {  	[tilespmem:s5], [sflag:$0x1] =	stream.indirect.gather [hbm4b:s22+s4], $0x80, s15, s4, $0xb8;
	[tilespmem:$0x1A880] =	vst v63  }
0x79: {  	p1 =	sne.s32 s14, $0x2C00;
	s14 =	sadd.s32 $0x80, s15  }
0x7a: {  	[tilespmem:s2], [sflag:$0x2] =	stream.indirect.gather [hbm4b:s22+s4], $0x80, s14, s4, $0xb8;
	[tilespmem:$0x1A880] =	vst v63  }
0x7b: {  	_ =	swait.ge [sflag:s6], $0x2800  }
0x7c: {  	[sflag:s6] =	ssyncset.done $0x0  }
0x7d: {  	[sflag:s6] =	ssyncadd.s32 $0xFFFFD800  }
0x7e: {  	_ =	swait.ge [sflag:s7], $0x2800  }
0x7f: {  	[sflag:s7] =	ssyncset.done $0x0  }
0x80: {  	s14 =	sadd.s32 $0x1000, s15;
	[sflag:s7] =	ssyncadd.s32 $0xFFFFD800  }
0x81: {  	[spmem:s20] =	stream.indirect.scatter.add.f32 [tilespmem:s5], [sflag:$0x3], $0x80, s14, s4, $0xb8;
	[tilespmem:$0x1A880] =	vst v63  }
0x82: {  	s14 =	sadd.s32 $0x1080, s15  }
0x83: {  	[spmem:s20] =	stream.indirect.scatter.add.f32 [tilespmem:s2], [sflag:$0x4], $0x80, s14, s4, $0xb8;
	[tilespmem:$0x1A880] =	vst v63  }
.Ltmp1:
0x84: {  	_ =	swait.ge [sflag:s3], $0x2800;
	(pc) =	sbr.rel @p1 .LBB2_4-.Ltmp1, $4  }
0x85: {  	[sflag:s3] =	ssyncset.done $0x0  }
0x86: {  	[sflag:s3] =	ssyncadd.s32 $0xFFFFD800  }
0x87: {  	_ =	swait.ge [sflag:s8], $0x2800  }
0x88: {  	s14 =	smov.u32 s16;
	[sflag:s8] =	ssyncset.done $0x0  }
0x89: {  	s13 =	sshra.s32 s13, $0x2;
	[sflag:s8] =	ssyncadd.s32 $0xFFFFD800  }
0x8a: {  	[tilespmem:s5], [sflag:$0x1] =	stream.indirect.gather [hbm4b:s22+s4], $0x80, s13, s4, $0xb8;
	[tilespmem:$0x1A880] =	vst v63  }
0x8b: {  	s14 =	sadd.s32 $0x80, s13  }
0x8c: {  	[tilespmem:s2], [sflag:$0x2] =	stream.indirect.gather [hbm4b:s22+s4], $0x80, s14, s4, $0xb8;
	[tilespmem:$0x1A880] =	vst v63  }
0x8d: {  	_ =	swait.ge [sflag:s6], $0x2800  }
0x8e: {  	[sflag:s6] =	ssyncset.done $0x0  }
0x8f: {  	[sflag:s6] =	ssyncadd.s32 $0xFFFFD800  }
0x90: {  	_ =	swait.ge [sflag:s7], $0x2800  }
0x91: {  	[sflag:s7] =	ssyncset.done $0x0  }
0x92: {  	s15 =	sadd.s32 $0x1000, s13;
	[sflag:s7] =	ssyncadd.s32 $0xFFFFD800  }
0x93: {  	[spmem:s20] =	stream.indirect.scatter.add.f32 [tilespmem:s5], [sflag:$0x3], $0x80, s15, s4, $0xb8;
	[tilespmem:$0x1A880] =	vst v63  }
0x94: {  	s13 =	sadd.s32 $0x1080, s13  }
0x95: {  	[spmem:s20] =	stream.indirect.scatter.add.f32 [tilespmem:s2], [sflag:$0x4], $0x80, s13, s4, $0xb8;
	[tilespmem:$0x1A880] =	vst v63  }
0x96: {  	_ =	swait.ge [sflag:s3], $0x2800  }
0x97: {  	[sflag:s3] =	ssyncset.done $0x0  }
0x98: {  	[sflag:s3] =	ssyncadd.s32 $0xFFFFD800  }
0x99: {  	_ =	swait.ge [sflag:s8], $0x2800  }
0x9a: {  	[sflag:s8] =	ssyncset.done $0x0  }
0x9b: {  	[sflag:s8] =	ssyncadd.s32 $0xFFFFD800  }
0x9c: {  	[tilespmem:s5], [sflag:$0x1] =	stream.indirect.gather [hbm4b:s22+s4], $0x80, s9, s4, $0xb8;
	[tilespmem:$0x1A880] =	vst v63  }
0x9d: {  	_ =	swait.ge [sflag:s6], $0x2800  }
0x9e: {  	[sflag:s6] =	ssyncset.done $0x0  }
0x9f: {  	[sflag:s6] =	ssyncadd.s32 $0xFFFFD800  }
0xa0: {  	[spmem:s20] =	stream.indirect.scatter.add.f32 [tilespmem:s5], [sflag:$0x3], $0x80, s10, s4, $0xb8;
	[tilespmem:$0x1A880] =	vst v63  }
0xa1: {  	_ =	swait.ge [sflag:s3], $0x2800  }
0xa2: {  	[sflag:s3] =	ssyncset.done $0x0  }
0xa3: {  	s13 =	simm.s32 $0x0;
	s16 =	rddreg [dreg:$0x5];
	[sflag:s3] =	ssyncadd.s32 $0xFFFFD800  }
0xa4: {  	[tilespmem:s13], [sflag:$0x5] =	stream.linear.gather [hbm4b:s16+s13], $0xC80, $0x38;
	[tilespmem:$0x1A880] =	vst v63  }
0xa5: {  	_ =	swait.ge [sflag:s0], $0xC80  }
0xa6: {  	[sflag:s0] =	ssyncset.done $0x0  }
0xa7: {  	s15 =	rddreg [dreg:$0x6];
	[sflag:s0] =	ssyncadd.s32 $0xFFFFF380  }
0xa8: {  	[tilespmem:s1], [sflag:$0x5] =	stream.linear.gather [hbm4b:s15+s13], $0xC80, $0x38;
	[tilespmem:$0x1A880] =	vst v63  }
0xa9: {  	_ =	swait.ge [sflag:s0], $0xC80  }
0xaa: {  	[sflag:s0] =	ssyncset.done $0x0  }
0xab: {  	s16 =	simm.s32 $0x0;
	[sflag:s0] =	ssyncadd.s32 $0xFFFFF380  }
0xac: {  	[tilespmem:s5], [sflag:$0x1] =	stream.indirect.gather [hbm4b:s22+s4], $0x80, s16, s4, $0xb8;
	[tilespmem:$0x1A880] =	vst v63  }
0xad: {  	s14 =	simm.s32 $0x80  }
0xae: {  	[tilespmem:s2], [sflag:$0x2] =	stream.indirect.gather [hbm4b:s22+s4], $0x80, s14, s4, $0xb8;
	[tilespmem:$0x1A880] =	vst v63  }
0xaf: {  	_ =	swait.ge [sflag:s6], $0x2800  }
0xb0: {  	[sflag:s6] =	ssyncset.done $0x0  }
0xb1: {  	[sflag:s6] =	ssyncadd.s32 $0xFFFFD800  }
0xb2: {  	_ =	swait.ge [sflag:s7], $0x2800  }
0xb3: {  	[sflag:s7] =	ssyncset.done $0x0  }
0xb4: {  	s15 =	simm.s32 $0x1000;
	[sflag:s7] =	ssyncadd.s32 $0xFFFFD800  }
0xb5: {  	[spmem:s20] =	stream.indirect.scatter.add.f32 [tilespmem:s5], [sflag:$0x3], $0x80, s15, s4, $0xb8;
	[tilespmem:$0x1A880] =	vst v63  }
0xb6: {  	s16 =	simm.s32 $0x1080  }
0xb7: {  	[spmem:s20] =	stream.indirect.scatter.add.f32 [tilespmem:s2], [sflag:$0x4], $0x80, s16, s4, $0xb8;
	[tilespmem:$0x1A880] =	vst v63  }
0xb8: {  	_ =	swait.ge [sflag:s3], $0x2800  }
0xb9: {  	[sflag:s3] =	ssyncset.done $0x0  }
0xba: {  	[sflag:s3] =	ssyncadd.s32 $0xFFFFD800  }
0xbb: {  	_ =	swait.ge [sflag:s8], $0x2800  }
0xbc: {  	s13 =	simm.s32 $0x400;
	s14 =	simm.s32 $0x800;
	[sflag:s8] =	ssyncset.done $0x0  }
.LBB2_6:
0xbd: {  	s15 =	sshra.s32 s13, $0x2  }
0xbe: {  	[sflag:s8] =	ssyncadd.s32 $0xFFFFD800;
	s13 =	smov.u32 s14;
	s16 =	sadd.s32 $0x400, s14  }
0xbf: {  	[tilespmem:s5], [sflag:$0x1] =	stream.indirect.gather [hbm4b:s22+s4], $0x80, s15, s4, $0xb8;
	[tilespmem:$0x1A880] =	vst v63  }
0xc0: {  	p1 =	sne.s32 s14, $0x2C00;
	s14 =	sadd.s32 $0x80, s15  }
0xc1: {  	[tilespmem:s2], [sflag:$0x2] =	stream.indirect.gather [hbm4b:s22+s4], $0x80, s14, s4, $0xb8;
	[tilespmem:$0x1A880] =	vst v63  }
0xc2: {  	_ =	swait.ge [sflag:s6], $0x2800  }
0xc3: {  	[sflag:s6] =	ssyncset.done $0x0  }
0xc4: {  	[sflag:s6] =	ssyncadd.s32 $0xFFFFD800  }
0xc5: {  	_ =	swait.ge [sflag:s7], $0x2800  }
0xc6: {  	[sflag:s7] =	ssyncset.done $0x0  }
0xc7: {  	s14 =	sadd.s32 $0x1000, s15;
	[sflag:s7] =	ssyncadd.s32 $0xFFFFD800  }
0xc8: {  	[spmem:s20] =	stream.indirect.scatter.add.f32 [tilespmem:s5], [sflag:$0x3], $0x80, s14, s4, $0xb8;
	[tilespmem:$0x1A880] =	vst v63  }
0xc9: {  	s14 =	sadd.s32 $0x1080, s15  }
0xca: {  	[spmem:s20] =	stream.indirect.scatter.add.f32 [tilespmem:s2], [sflag:$0x4], $0x80, s14, s4, $0xb8;
	[tilespmem:$0x1A880] =	vst v63  }
.Ltmp2:
0xcb: {  	_ =	swait.ge [sflag:s3], $0x2800;
	(pc) =	sbr.rel @p1 .LBB2_6-.Ltmp2, $4  }
0xcc: {  	[sflag:s3] =	ssyncset.done $0x0  }
0xcd: {  	[sflag:s3] =	ssyncadd.s32 $0xFFFFD800  }
0xce: {  	_ =	swait.ge [sflag:s8], $0x2800  }
0xcf: {  	s14 =	smov.u32 s16;
	[sflag:s8] =	ssyncset.done $0x0  }
0xd0: {  	s13 =	sshra.s32 s13, $0x2;
	[sflag:s8] =	ssyncadd.s32 $0xFFFFD800  }
0xd1: {  	[tilespmem:s5], [sflag:$0x1] =	stream.indirect.gather [hbm4b:s22+s4], $0x80, s13, s4, $0xb8;
	[tilespmem:$0x1A880] =	vst v63  }
0xd2: {  	s14 =	sadd.s32 $0x80, s13  }
0xd3: {  	[tilespmem:s2], [sflag:$0x2] =	stream.indirect.gather [hbm4b:s22+s4], $0x80, s14, s4, $0xb8;
	[tilespmem:$0x1A880] =	vst v63  }
0xd4: {  	_ =	swait.ge [sflag:s6], $0x2800  }
0xd5: {  	[sflag:s6] =	ssyncset.done $0x0  }
0xd6: {  	[sflag:s6] =	ssyncadd.s32 $0xFFFFD800  }
0xd7: {  	_ =	swait.ge [sflag:s7], $0x2800  }
0xd8: {  	[sflag:s7] =	ssyncset.done $0x0  }
0xd9: {  	s15 =	sadd.s32 $0x1000, s13;
	[sflag:s7] =	ssyncadd.s32 $0xFFFFD800  }
0xda: {  	[spmem:s20] =	stream.indirect.scatter.add.f32 [tilespmem:s5], [sflag:$0x3], $0x80, s15, s4, $0xb8;
	[tilespmem:$0x1A880] =	vst v63  }
0xdb: {  	s13 =	sadd.s32 $0x1080, s13  }
0xdc: {  	[spmem:s20] =	stream.indirect.scatter.add.f32 [tilespmem:s2], [sflag:$0x4], $0x80, s13, s4, $0xb8;
	[tilespmem:$0x1A880] =	vst v63  }
0xdd: {  	_ =	swait.ge [sflag:s3], $0x2800  }
0xde: {  	[sflag:s3] =	ssyncset.done $0x0  }
0xdf: {  	[sflag:s3] =	ssyncadd.s32 $0xFFFFD800  }
0xe0: {  	_ =	swait.ge [sflag:s8], $0x2800  }
0xe1: {  	[sflag:s8] =	ssyncset.done $0x0  }
0xe2: {  	[sflag:s8] =	ssyncadd.s32 $0xFFFFD800  }
0xe3: {  	[tilespmem:s5], [sflag:$0x1] =	stream.indirect.gather [hbm4b:s22+s4], $0x80, s9, s4, $0xb8;
	[tilespmem:$0x1A880] =	vst v63  }
0xe4: {  	_ =	swait.ge [sflag:s6], $0x2800  }
0xe5: {  	[sflag:s6] =	ssyncset.done $0x0  }
0xe6: {  	[sflag:s6] =	ssyncadd.s32 $0xFFFFD800  }
0xe7: {  	[spmem:s20] =	stream.indirect.scatter.add.f32 [tilespmem:s5], [sflag:$0x3], $0x80, s10, s4, $0xb8;
	[tilespmem:$0x1A880] =	vst v63  }
0xe8: {  	_ =	swait.ge [sflag:s3], $0x2800  }
0xe9: {  	[sflag:s3] =	ssyncset.done $0x0  }
0xea: {  	s13 =	simm.s32 $0x0;
	s16 =	rddreg [dreg:$0x7];
	[sflag:s3] =	ssyncadd.s32 $0xFFFFD800  }
0xeb: {  	[tilespmem:s13], [sflag:$0x5] =	stream.linear.gather [hbm4b:s16+s13], $0xC80, $0x38;
	[tilespmem:$0x1A880] =	vst v63  }
0xec: {  	_ =	swait.ge [sflag:s0], $0xC80  }
0xed: {  	[sflag:s0] =	ssyncset.done $0x0  }
0xee: {  	s15 =	rddreg [dreg:$0x8];
	[sflag:s0] =	ssyncadd.s32 $0xFFFFF380  }
0xef: {  	[tilespmem:s1], [sflag:$0x5] =	stream.linear.gather [hbm4b:s15+s13], $0xC80, $0x38;
	[tilespmem:$0x1A880] =	vst v63  }
0xf0: {  	_ =	swait.ge [sflag:s0], $0xC80  }
0xf1: {  	[sflag:s0] =	ssyncset.done $0x0  }
0xf2: {  	s16 =	simm.s32 $0x0;
	[sflag:s0] =	ssyncadd.s32 $0xFFFFF380  }
0xf3: {  	[tilespmem:s5], [sflag:$0x1] =	stream.indirect.gather [hbm4b:s22+s4], $0x80, s16, s4, $0xb8;
	[tilespmem:$0x1A880] =	vst v63  }
0xf4: {  	s14 =	simm.s32 $0x80  }
0xf5: {  	[tilespmem:s2], [sflag:$0x2] =	stream.indirect.gather [hbm4b:s22+s4], $0x80, s14, s4, $0xb8;
	[tilespmem:$0x1A880] =	vst v63  }
0xf6: {  	_ =	swait.ge [sflag:s6], $0x2800  }
0xf7: {  	[sflag:s6] =	ssyncset.done $0x0  }
0xf8: {  	[sflag:s6] =	ssyncadd.s32 $0xFFFFD800  }
0xf9: {  	_ =	swait.ge [sflag:s7], $0x2800  }
0xfa: {  	[sflag:s7] =	ssyncset.done $0x0  }
0xfb: {  	s15 =	simm.s32 $0x1000;
	[sflag:s7] =	ssyncadd.s32 $0xFFFFD800  }
0xfc: {  	[spmem:s20] =	stream.indirect.scatter.add.f32 [tilespmem:s5], [sflag:$0x3], $0x80, s15, s4, $0xb8;
	[tilespmem:$0x1A880] =	vst v63  }
0xfd: {  	s16 =	simm.s32 $0x1080  }
0xfe: {  	[spmem:s20] =	stream.indirect.scatter.add.f32 [tilespmem:s2], [sflag:$0x4], $0x80, s16, s4, $0xb8;
	[tilespmem:$0x1A880] =	vst v63  }
0xff: {  	_ =	swait.ge [sflag:s3], $0x2800  }
0x100: {  	[sflag:s3] =	ssyncset.done $0x0  }
0x101: {  	[sflag:s3] =	ssyncadd.s32 $0xFFFFD800  }
0x102: {  	_ =	swait.ge [sflag:s8], $0x2800  }
0x103: {  	s13 =	simm.s32 $0x400;
	s14 =	simm.s32 $0x800;
	[sflag:s8] =	ssyncset.done $0x0  }
.LBB2_8:
0x104: {  	s15 =	sshra.s32 s13, $0x2  }
0x105: {  	[sflag:s8] =	ssyncadd.s32 $0xFFFFD800;
	s13 =	smov.u32 s14;
	s16 =	sadd.s32 $0x400, s14  }
0x106: {  	[tilespmem:s5], [sflag:$0x1] =	stream.indirect.gather [hbm4b:s22+s4], $0x80, s15, s4, $0xb8;
	[tilespmem:$0x1A880] =	vst v63  }
0x107: {  	p1 =	sne.s32 s14, $0x2C00;
	s14 =	sadd.s32 $0x80, s15  }
0x108: {  	[tilespmem:s2], [sflag:$0x2] =	stream.indirect.gather [hbm4b:s22+s4], $0x80, s14, s4, $0xb8;
	[tilespmem:$0x1A880] =	vst v63  }
0x109: {  	_ =	swait.ge [sflag:s6], $0x2800  }
0x10a: {  	[sflag:s6] =	ssyncset.done $0x0  }
0x10b: {  	[sflag:s6] =	ssyncadd.s32 $0xFFFFD800  }
0x10c: {  	_ =	swait.ge [sflag:s7], $0x2800  }
0x10d: {  	[sflag:s7] =	ssyncset.done $0x0  }
0x10e: {  	s14 =	sadd.s32 $0x1000, s15;
	[sflag:s7] =	ssyncadd.s32 $0xFFFFD800  }
0x10f: {  	[spmem:s20] =	stream.indirect.scatter.add.f32 [tilespmem:s5], [sflag:$0x3], $0x80, s14, s4, $0xb8;
	[tilespmem:$0x1A880] =	vst v63  }
0x110: {  	s14 =	sadd.s32 $0x1080, s15  }
0x111: {  	[spmem:s20] =	stream.indirect.scatter.add.f32 [tilespmem:s2], [sflag:$0x4], $0x80, s14, s4, $0xb8;
	[tilespmem:$0x1A880] =	vst v63  }
.Ltmp3:
0x112: {  	_ =	swait.ge [sflag:s3], $0x2800;
	(pc) =	sbr.rel @p1 .LBB2_8-.Ltmp3, $4  }
0x113: {  	[sflag:s3] =	ssyncset.done $0x0  }
0x114: {  	[sflag:s3] =	ssyncadd.s32 $0xFFFFD800  }
0x115: {  	_ =	swait.ge [sflag:s8], $0x2800  }
0x116: {  	s14 =	smov.u32 s16;
	[sflag:s8] =	ssyncset.done $0x0  }
0x117: {  	s13 =	sshra.s32 s13, $0x2;
	[sflag:s8] =	ssyncadd.s32 $0xFFFFD800  }
0x118: {  	[tilespmem:s5], [sflag:$0x1] =	stream.indirect.gather [hbm4b:s22+s4], $0x80, s13, s4, $0xb8;
	[tilespmem:$0x1A880] =	vst v63  }
0x119: {  	s14 =	sadd.s32 $0x80, s13  }
0x11a: {  	[tilespmem:s2], [sflag:$0x2] =	stream.indirect.gather [hbm4b:s22+s4], $0x80, s14, s4, $0xb8;
	[tilespmem:$0x1A880] =	vst v63  }
0x11b: {  	_ =	swait.ge [sflag:s6], $0x2800  }
0x11c: {  	[sflag:s6] =	ssyncset.done $0x0  }
0x11d: {  	[sflag:s6] =	ssyncadd.s32 $0xFFFFD800  }
0x11e: {  	_ =	swait.ge [sflag:s7], $0x2800  }
0x11f: {  	[sflag:s7] =	ssyncset.done $0x0  }
0x120: {  	s15 =	sadd.s32 $0x1000, s13;
	[sflag:s7] =	ssyncadd.s32 $0xFFFFD800  }
0x121: {  	[spmem:s20] =	stream.indirect.scatter.add.f32 [tilespmem:s5], [sflag:$0x3], $0x80, s15, s4, $0xb8;
	[tilespmem:$0x1A880] =	vst v63  }
0x122: {  	s13 =	sadd.s32 $0x1080, s13  }
0x123: {  	[spmem:s20] =	stream.indirect.scatter.add.f32 [tilespmem:s2], [sflag:$0x4], $0x80, s13, s4, $0xb8;
	[tilespmem:$0x1A880] =	vst v63  }
0x124: {  	_ =	swait.ge [sflag:s3], $0x2800  }
0x125: {  	[sflag:s3] =	ssyncset.done $0x0  }
0x126: {  	[sflag:s3] =	ssyncadd.s32 $0xFFFFD800  }
0x127: {  	_ =	swait.ge [sflag:s8], $0x2800  }
0x128: {  	[sflag:s8] =	ssyncset.done $0x0  }
0x129: {  	[sflag:s8] =	ssyncadd.s32 $0xFFFFD800  }
0x12a: {  	[tilespmem:s5], [sflag:$0x1] =	stream.indirect.gather [hbm4b:s22+s4], $0x80, s9, s4, $0xb8;
	[tilespmem:$0x1A880] =	vst v63  }
0x12b: {  	_ =	swait.ge [sflag:s6], $0x2800  }
0x12c: {  	[sflag:s6] =	ssyncset.done $0x0  }
0x12d: {  	[sflag:s6] =	ssyncadd.s32 $0xFFFFD800  }
0x12e: {  	[spmem:s20] =	stream.indirect.scatter.add.f32 [tilespmem:s5], [sflag:$0x3], $0x80, s10, s4, $0xb8;
	[tilespmem:$0x1A880] =	vst v63  }
0x12f: {  	_ =	swait.ge [sflag:s3], $0x2800  }
0x130: {  	[sflag:s3] =	ssyncset.done $0x0  }
0x131: {  	s13 =	simm.s32 $0x0;
	s16 =	rddreg [dreg:$0x9];
	[sflag:s3] =	ssyncadd.s32 $0xFFFFD800  }
0x132: {  	[tilespmem:s13], [sflag:$0x5] =	stream.linear.gather [hbm4b:s16+s13], $0xC80, $0x38;
	[tilespmem:$0x1A880] =	vst v63  }
0x133: {  	_ =	swait.ge [sflag:s0], $0xC80  }
0x134: {  	[sflag:s0] =	ssyncset.done $0x0  }
0x135: {  	s15 =	rddreg [dreg:$0xa];
	[sflag:s0] =	ssyncadd.s32 $0xFFFFF380  }
0x136: {  	[tilespmem:s1], [sflag:$0x5] =	stream.linear.gather [hbm4b:s15+s13], $0xC80, $0x38;
	[tilespmem:$0x1A880] =	vst v63  }
0x137: {  	_ =	swait.ge [sflag:s0], $0xC80  }
0x138: {  	[sflag:s0] =	ssyncset.done $0x0  }
0x139: {  	s16 =	simm.s32 $0x0;
	[sflag:s0] =	ssyncadd.s32 $0xFFFFF380  }
0x13a: {  	[tilespmem:s5], [sflag:$0x1] =	stream.indirect.gather [hbm4b:s22+s4], $0x80, s16, s4, $0xb8;
	[tilespmem:$0x1A880] =	vst v63  }
0x13b: {  	s14 =	simm.s32 $0x80  }
0x13c: {  	[tilespmem:s2], [sflag:$0x2] =	stream.indirect.gather [hbm4b:s22+s4], $0x80, s14, s4, $0xb8;
	[tilespmem:$0x1A880] =	vst v63  }
0x13d: {  	_ =	swait.ge [sflag:s6], $0x2800  }
0x13e: {  	[sflag:s6] =	ssyncset.done $0x0  }
0x13f: {  	[sflag:s6] =	ssyncadd.s32 $0xFFFFD800  }
0x140: {  	_ =	swait.ge [sflag:s7], $0x2800  }
0x141: {  	[sflag:s7] =	ssyncset.done $0x0  }
0x142: {  	s15 =	simm.s32 $0x1000;
	[sflag:s7] =	ssyncadd.s32 $0xFFFFD800  }
0x143: {  	[spmem:s20] =	stream.indirect.scatter.add.f32 [tilespmem:s5], [sflag:$0x3], $0x80, s15, s4, $0xb8;
	[tilespmem:$0x1A880] =	vst v63  }
0x144: {  	s16 =	simm.s32 $0x1080  }
0x145: {  	[spmem:s20] =	stream.indirect.scatter.add.f32 [tilespmem:s2], [sflag:$0x4], $0x80, s16, s4, $0xb8;
	[tilespmem:$0x1A880] =	vst v63  }
0x146: {  	_ =	swait.ge [sflag:s3], $0x2800  }
0x147: {  	[sflag:s3] =	ssyncset.done $0x0  }
0x148: {  	[sflag:s3] =	ssyncadd.s32 $0xFFFFD800  }
0x149: {  	_ =	swait.ge [sflag:s8], $0x2800  }
0x14a: {  	s13 =	simm.s32 $0x400;
	s14 =	simm.s32 $0x800;
	[sflag:s8] =	ssyncset.done $0x0  }
.LBB2_10:
0x14b: {  	s15 =	sshra.s32 s13, $0x2  }
0x14c: {  	[sflag:s8] =	ssyncadd.s32 $0xFFFFD800;
	s13 =	smov.u32 s14;
	s16 =	sadd.s32 $0x400, s14  }
0x14d: {  	[tilespmem:s5], [sflag:$0x1] =	stream.indirect.gather [hbm4b:s22+s4], $0x80, s15, s4, $0xb8;
	[tilespmem:$0x1A880] =	vst v63  }
0x14e: {  	p1 =	sne.s32 s14, $0x2C00;
	s14 =	sadd.s32 $0x80, s15  }
0x14f: {  	[tilespmem:s2], [sflag:$0x2] =	stream.indirect.gather [hbm4b:s22+s4], $0x80, s14, s4, $0xb8;
	[tilespmem:$0x1A880] =	vst v63  }
0x150: {  	_ =	swait.ge [sflag:s6], $0x2800  }
0x151: {  	[sflag:s6] =	ssyncset.done $0x0  }
0x152: {  	[sflag:s6] =	ssyncadd.s32 $0xFFFFD800  }
0x153: {  	_ =	swait.ge [sflag:s7], $0x2800  }
0x154: {  	[sflag:s7] =	ssyncset.done $0x0  }
0x155: {  	s14 =	sadd.s32 $0x1000, s15;
	[sflag:s7] =	ssyncadd.s32 $0xFFFFD800  }
0x156: {  	[spmem:s20] =	stream.indirect.scatter.add.f32 [tilespmem:s5], [sflag:$0x3], $0x80, s14, s4, $0xb8;
	[tilespmem:$0x1A880] =	vst v63  }
0x157: {  	s14 =	sadd.s32 $0x1080, s15  }
0x158: {  	[spmem:s20] =	stream.indirect.scatter.add.f32 [tilespmem:s2], [sflag:$0x4], $0x80, s14, s4, $0xb8;
	[tilespmem:$0x1A880] =	vst v63  }
.Ltmp4:
0x159: {  	_ =	swait.ge [sflag:s3], $0x2800;
	(pc) =	sbr.rel @p1 .LBB2_10-.Ltmp4, $4  }
0x15a: {  	[sflag:s3] =	ssyncset.done $0x0  }
0x15b: {  	[sflag:s3] =	ssyncadd.s32 $0xFFFFD800  }
0x15c: {  	_ =	swait.ge [sflag:s8], $0x2800  }
0x15d: {  	s14 =	smov.u32 s16;
	[sflag:s8] =	ssyncset.done $0x0  }
0x15e: {  	s13 =	sshra.s32 s13, $0x2;
	[sflag:s8] =	ssyncadd.s32 $0xFFFFD800  }
0x15f: {  	[tilespmem:s5], [sflag:$0x1] =	stream.indirect.gather [hbm4b:s22+s4], $0x80, s13, s4, $0xb8;
	[tilespmem:$0x1A880] =	vst v63  }
0x160: {  	s14 =	sadd.s32 $0x80, s13  }
0x161: {  	[tilespmem:s2], [sflag:$0x2] =	stream.indirect.gather [hbm4b:s22+s4], $0x80, s14, s4, $0xb8;
	[tilespmem:$0x1A880] =	vst v63  }
0x162: {  	_ =	swait.ge [sflag:s6], $0x2800  }
0x163: {  	[sflag:s6] =	ssyncset.done $0x0  }
0x164: {  	[sflag:s6] =	ssyncadd.s32 $0xFFFFD800  }
0x165: {  	_ =	swait.ge [sflag:s7], $0x2800  }
0x166: {  	[sflag:s7] =	ssyncset.done $0x0  }
0x167: {  	s15 =	sadd.s32 $0x1000, s13;
	[sflag:s7] =	ssyncadd.s32 $0xFFFFD800  }
0x168: {  	[spmem:s20] =	stream.indirect.scatter.add.f32 [tilespmem:s5], [sflag:$0x3], $0x80, s15, s4, $0xb8;
	[tilespmem:$0x1A880] =	vst v63  }
0x169: {  	s13 =	sadd.s32 $0x1080, s13  }
0x16a: {  	[spmem:s20] =	stream.indirect.scatter.add.f32 [tilespmem:s2], [sflag:$0x4], $0x80, s13, s4, $0xb8;
	[tilespmem:$0x1A880] =	vst v63  }
0x16b: {  	_ =	swait.ge [sflag:s3], $0x2800  }
0x16c: {  	[sflag:s3] =	ssyncset.done $0x0  }
0x16d: {  	[sflag:s3] =	ssyncadd.s32 $0xFFFFD800  }
0x16e: {  	_ =	swait.ge [sflag:s8], $0x2800  }
0x16f: {  	[sflag:s8] =	ssyncset.done $0x0  }
0x170: {  	[sflag:s8] =	ssyncadd.s32 $0xFFFFD800  }
0x171: {  	[tilespmem:s5], [sflag:$0x1] =	stream.indirect.gather [hbm4b:s22+s4], $0x80, s9, s4, $0xb8;
	[tilespmem:$0x1A880] =	vst v63  }
0x172: {  	_ =	swait.ge [sflag:s6], $0x2800  }
0x173: {  	[sflag:s6] =	ssyncset.done $0x0  }
0x174: {  	[sflag:s6] =	ssyncadd.s32 $0xFFFFD800  }
0x175: {  	[spmem:s20] =	stream.indirect.scatter.add.f32 [tilespmem:s5], [sflag:$0x3], $0x80, s10, s4, $0xb8;
	[tilespmem:$0x1A880] =	vst v63  }
0x176: {  	_ =	swait.ge [sflag:s3], $0x2800  }
0x177: {  	[sflag:s3] =	ssyncset.done $0x0  }
0x178: {  	s13 =	simm.s32 $0x0;
	s16 =	rddreg [dreg:$0xb];
	[sflag:s3] =	ssyncadd.s32 $0xFFFFD800  }
0x179: {  	[tilespmem:s13], [sflag:$0x5] =	stream.linear.gather [hbm4b:s16+s13], $0xC80, $0x38;
	[tilespmem:$0x1A880] =	vst v63  }
0x17a: {  	_ =	swait.ge [sflag:s0], $0xC80  }
0x17b: {  	[sflag:s0] =	ssyncset.done $0x0  }
0x17c: {  	s15 =	rddreg [dreg:$0xc];
	[sflag:s0] =	ssyncadd.s32 $0xFFFFF380  }
0x17d: {  	[tilespmem:s1], [sflag:$0x5] =	stream.linear.gather [hbm4b:s15+s13], $0xC80, $0x38;
	[tilespmem:$0x1A880] =	vst v63  }
0x17e: {  	_ =	swait.ge [sflag:s0], $0xC80  }
0x17f: {  	[sflag:s0] =	ssyncset.done $0x0  }
0x180: {  	s16 =	simm.s32 $0x0;
	[sflag:s0] =	ssyncadd.s32 $0xFFFFF380  }
0x181: {  	[tilespmem:s5], [sflag:$0x1] =	stream.indirect.gather [hbm4b:s22+s4], $0x80, s16, s4, $0xb8;
	[tilespmem:$0x1A880] =	vst v63  }
0x182: {  	s14 =	simm.s32 $0x80  }
0x183: {  	[tilespmem:s2], [sflag:$0x2] =	stream.indirect.gather [hbm4b:s22+s4], $0x80, s14, s4, $0xb8;
	[tilespmem:$0x1A880] =	vst v63  }
0x184: {  	_ =	swait.ge [sflag:s6], $0x2800  }
0x185: {  	[sflag:s6] =	ssyncset.done $0x0  }
0x186: {  	[sflag:s6] =	ssyncadd.s32 $0xFFFFD800  }
0x187: {  	_ =	swait.ge [sflag:s7], $0x2800  }
0x188: {  	[sflag:s7] =	ssyncset.done $0x0  }
0x189: {  	s15 =	simm.s32 $0x1000;
	[sflag:s7] =	ssyncadd.s32 $0xFFFFD800  }
0x18a: {  	[spmem:s20] =	stream.indirect.scatter.add.f32 [tilespmem:s5], [sflag:$0x3], $0x80, s15, s4, $0xb8;
	[tilespmem:$0x1A880] =	vst v63  }
0x18b: {  	s16 =	simm.s32 $0x1080  }
0x18c: {  	[spmem:s20] =	stream.indirect.scatter.add.f32 [tilespmem:s2], [sflag:$0x4], $0x80, s16, s4, $0xb8;
	[tilespmem:$0x1A880] =	vst v63  }
0x18d: {  	_ =	swait.ge [sflag:s3], $0x2800  }
0x18e: {  	[sflag:s3] =	ssyncset.done $0x0  }
0x18f: {  	[sflag:s3] =	ssyncadd.s32 $0xFFFFD800  }
0x190: {  	_ =	swait.ge [sflag:s8], $0x2800  }
0x191: {  	s13 =	simm.s32 $0x400;
	s14 =	simm.s32 $0x800;
	[sflag:s8] =	ssyncset.done $0x0  }
.LBB2_12:
0x192: {  	s15 =	sshra.s32 s13, $0x2  }
0x193: {  	[sflag:s8] =	ssyncadd.s32 $0xFFFFD800;
	s13 =	smov.u32 s14;
	s16 =	sadd.s32 $0x400, s14  }
0x194: {  	[tilespmem:s5], [sflag:$0x1] =	stream.indirect.gather [hbm4b:s22+s4], $0x80, s15, s4, $0xb8;
	[tilespmem:$0x1A880] =	vst v63  }
0x195: {  	p1 =	sne.s32 s14, $0x2C00;
	s14 =	sadd.s32 $0x80, s15  }
0x196: {  	[tilespmem:s2], [sflag:$0x2] =	stream.indirect.gather [hbm4b:s22+s4], $0x80, s14, s4, $0xb8;
	[tilespmem:$0x1A880] =	vst v63  }
0x197: {  	_ =	swait.ge [sflag:s6], $0x2800  }
0x198: {  	[sflag:s6] =	ssyncset.done $0x0  }
0x199: {  	[sflag:s6] =	ssyncadd.s32 $0xFFFFD800  }
0x19a: {  	_ =	swait.ge [sflag:s7], $0x2800  }
0x19b: {  	[sflag:s7] =	ssyncset.done $0x0  }
0x19c: {  	s14 =	sadd.s32 $0x1000, s15;
	[sflag:s7] =	ssyncadd.s32 $0xFFFFD800  }
0x19d: {  	[spmem:s20] =	stream.indirect.scatter.add.f32 [tilespmem:s5], [sflag:$0x3], $0x80, s14, s4, $0xb8;
	[tilespmem:$0x1A880] =	vst v63  }
0x19e: {  	s14 =	sadd.s32 $0x1080, s15  }
0x19f: {  	[spmem:s20] =	stream.indirect.scatter.add.f32 [tilespmem:s2], [sflag:$0x4], $0x80, s14, s4, $0xb8;
	[tilespmem:$0x1A880] =	vst v63  }
.Ltmp5:
0x1a0: {  	_ =	swait.ge [sflag:s3], $0x2800;
	(pc) =	sbr.rel @p1 .LBB2_12-.Ltmp5, $4  }
0x1a1: {  	[sflag:s3] =	ssyncset.done $0x0  }
0x1a2: {  	[sflag:s3] =	ssyncadd.s32 $0xFFFFD800  }
0x1a3: {  	_ =	swait.ge [sflag:s8], $0x2800  }
0x1a4: {  	s14 =	smov.u32 s16;
	[sflag:s8] =	ssyncset.done $0x0  }
0x1a5: {  	s13 =	sshra.s32 s13, $0x2;
	[sflag:s8] =	ssyncadd.s32 $0xFFFFD800  }
0x1a6: {  	[tilespmem:s5], [sflag:$0x1] =	stream.indirect.gather [hbm4b:s22+s4], $0x80, s13, s4, $0xb8;
	[tilespmem:$0x1A880] =	vst v63  }
0x1a7: {  	s14 =	sadd.s32 $0x80, s13  }
0x1a8: {  	[tilespmem:s2], [sflag:$0x2] =	stream.indirect.gather [hbm4b:s22+s4], $0x80, s14, s4, $0xb8;
	[tilespmem:$0x1A880] =	vst v63  }
0x1a9: {  	_ =	swait.ge [sflag:s6], $0x2800  }
0x1aa: {  	[sflag:s6] =	ssyncset.done $0x0  }
0x1ab: {  	[sflag:s6] =	ssyncadd.s32 $0xFFFFD800  }
0x1ac: {  	_ =	swait.ge [sflag:s7], $0x2800  }
0x1ad: {  	[sflag:s7] =	ssyncset.done $0x0  }
0x1ae: {  	s16 =	sadd.s32 $0x1000, s13;
	[sflag:s7] =	ssyncadd.s32 $0xFFFFD800  }
0x1af: {  	[spmem:s20] =	stream.indirect.scatter.add.f32 [tilespmem:s5], [sflag:$0x3], $0x80, s16, s4, $0xb8;
	[tilespmem:$0x1A880] =	vst v63  }
0x1b0: {  	s13 =	sadd.s32 $0x1080, s13  }
0x1b1: {  	[spmem:s20] =	stream.indirect.scatter.add.f32 [tilespmem:s2], [sflag:$0x4], $0x80, s13, s4, $0xb8;
	[tilespmem:$0x1A880] =	vst v63  }
0x1b2: {  	_ =	swait.ge [sflag:s3], $0x2800  }
0x1b3: {  	[sflag:s3] =	ssyncset.done $0x0  }
0x1b4: {  	[sflag:s3] =	ssyncadd.s32 $0xFFFFD800  }
0x1b5: {  	_ =	swait.ge [sflag:s8], $0x2800  }
0x1b6: {  	[sflag:s8] =	ssyncset.done $0x0  }
0x1b7: {  	[sflag:s8] =	ssyncadd.s32 $0xFFFFD800  }
0x1b8: {  	[tilespmem:s5], [sflag:$0x1] =	stream.indirect.gather [hbm4b:s22+s4], $0x80, s9, s4, $0xb8;
	[tilespmem:$0x1A880] =	vst v63  }
0x1b9: {  	_ =	swait.ge [sflag:s6], $0x2800  }
0x1ba: {  	[sflag:s6] =	ssyncset.done $0x0  }
0x1bb: {  	[sflag:s6] =	ssyncadd.s32 $0xFFFFD800  }
0x1bc: {  	[spmem:s20] =	stream.indirect.scatter.add.f32 [tilespmem:s5], [sflag:$0x3], $0x80, s10, s4, $0xb8;
	[tilespmem:$0x1A880] =	vst v63  }
0x1bd: {  	_ =	swait.ge [sflag:s3], $0x2800  }
0x1be: {  	[sflag:s3] =	ssyncset.done $0x0  }
0x1bf: {  	[sflag:s3] =	ssyncadd.s32 $0xFFFFD800  }
0x1c0: {  	[bflag:$0x0] =	sbarrier.arrive $0xFFFF  }
0x1c1: {  	[tilespmem:s5], [sflag:$0x1] =	stream.linear.gather [spmem:s23], $0x2800, $0x38;
	[tilespmem:$0x1A880] =	vst v63  }
0x1c2: {  	_ = 	snop  }
0x1c3: {  	[tilespmem:s2], [sflag:$0x2] =	stream.linear.gather [spmem:s24], $0x2800, $0x38;
	[tilespmem:$0x1A880] =	vst v63  }
0x1c4: {  	_ =	swait.ge [sflag:s6], $0x2800  }
0x1c5: {  	[sflag:s6] =	ssyncset.done $0x0  }
0x1c6: {  	s15 =	rddreg [dreg:$0xd];
	[sflag:s6] =	ssyncadd.s32 $0xFFFFD800  }
0x1c7: {  	[hbm4b:s15+s11] =	stream.linear.scatter [tilespmem:s5], [sflag:$0x3], $0x2800, $0x38;
	[tilespmem:$0x1A880] =	vst v63  }
0x1c8: {  	_ =	swait.ge [sflag:s3], $0x2800  }
0x1c9: {  	[sflag:s3] =	ssyncset.done $0x0  }
0x1ca: {  	[sflag:s3] =	ssyncadd.s32 $0xFFFFD800  }
0x1cb: {  	[tilespmem:s5], [sflag:$0x1] =	stream.linear.gather [spmem:s25], $0x2800, $0x38;
	[tilespmem:$0x1A880] =	vst v63  }
0x1cc: {  	_ =	swait.ge [sflag:s7], $0x2800  }
0x1cd: {  	[sflag:s7] =	ssyncset.done $0x0  }
0x1ce: {  	s16 =	rddreg [dreg:$0xe];
	[sflag:s7] =	ssyncadd.s32 $0xFFFFD800  }
0x1cf: {  	[hbm4b:s16+s11] =	stream.linear.scatter [tilespmem:s2], [sflag:$0x4], $0x2800, $0x38;
	[tilespmem:$0x1A880] =	vst v63  }
0x1d0: {  	_ =	swait.ge [sflag:s8], $0x2800  }
0x1d1: {  	[sflag:s8] =	ssyncset.done $0x0  }
0x1d2: {  	[sflag:s8] =	ssyncadd.s32 $0xFFFFD800  }
0x1d3: {  	[tilespmem:s2], [sflag:$0x2] =	stream.linear.gather [spmem:s26], $0x2800, $0x38;
	[tilespmem:$0x1A880] =	vst v63  }
0x1d4: {  	_ =	swait.ge [sflag:s6], $0x2800  }
0x1d5: {  	[sflag:s6] =	ssyncset.done $0x0  }
0x1d6: {  	s14 =	rddreg [dreg:$0xf];
	[sflag:s6] =	ssyncadd.s32 $0xFFFFD800  }
0x1d7: {  	[hbm4b:s14+s11] =	stream.linear.scatter [tilespmem:s5], [sflag:$0x3], $0x2800, $0x38;
	[tilespmem:$0x1A880] =	vst v63  }
0x1d8: {  	_ =	swait.ge [sflag:s3], $0x2800  }
0x1d9: {  	[sflag:s3] =	ssyncset.done $0x0  }
0x1da: {  	[sflag:s3] =	ssyncadd.s32 $0xFFFFD800  }
0x1db: {  	[tilespmem:s5], [sflag:$0x1] =	stream.linear.gather [spmem:s28], $0x2800, $0x38;
	[tilespmem:$0x1A880] =	vst v63  }
0x1dc: {  	_ =	swait.ge [sflag:s7], $0x2800  }
0x1dd: {  	[sflag:s7] =	ssyncset.done $0x0  }
0x1de: {  	s15 =	rddreg [dreg:$0x10];
	[sflag:s7] =	ssyncadd.s32 $0xFFFFD800  }
0x1df: {  	[hbm4b:s15+s11] =	stream.linear.scatter [tilespmem:s2], [sflag:$0x4], $0x2800, $0x38;
	[tilespmem:$0x1A880] =	vst v63  }
0x1e0: {  	_ =	swait.ge [sflag:s8], $0x2800  }
0x1e1: {  	[sflag:s8] =	ssyncset.done $0x0  }
0x1e2: {  	[sflag:s8] =	ssyncadd.s32 $0xFFFFD800  }
0x1e3: {  	[tilespmem:s2], [sflag:$0x2] =	stream.linear.gather [spmem:s29], $0x2800, $0x38;
	[tilespmem:$0x1A880] =	vst v63  }
0x1e4: {  	_ =	swait.ge [sflag:s6], $0x2800  }
0x1e5: {  	[sflag:s6] =	ssyncset.done $0x0  }
0x1e6: {  	s16 =	rddreg [dreg:$0x11];
	[sflag:s6] =	ssyncadd.s32 $0xFFFFD800  }
0x1e7: {  	[hbm4b:s16+s11] =	stream.linear.scatter [tilespmem:s5], [sflag:$0x3], $0x2800, $0x38;
	[tilespmem:$0x1A880] =	vst v63  }
0x1e8: {  	_ =	swait.ge [sflag:s3], $0x2800  }
0x1e9: {  	[sflag:s3] =	ssyncset.done $0x0  }
0x1ea: {  	[sflag:s3] =	ssyncadd.s32 $0xFFFFD800  }
0x1eb: {  	[tilespmem:s5], [sflag:$0x1] =	stream.linear.gather [spmem:s30], $0x2800, $0x38;
	[tilespmem:$0x1A880] =	vst v63  }
0x1ec: {  	_ =	swait.ge [sflag:s7], $0x2800  }
0x1ed: {  	[sflag:s7] =	ssyncset.done $0x0  }
0x1ee: {  	s13 =	simm.s32 @p0 $0x1;
	[sflag:s7] =	ssyncadd.s32 $0xFFFFD800  }
0x1ef: {  	[hbm4b:s18+s11] =	stream.linear.scatter [tilespmem:s2], [sflag:$0x4], $0x2800, $0x38;
	[tilespmem:$0x1A880] =	vst v63  }
0x1f0: {  	_ =	swait.ge @p0 [sflag:s13], $0x2800  }
0x1f1: {  	[sflag:s13] =	ssyncset.done @p0 $0x0  }
0x1f2: {  	s14 =	simm.s32 @p0 $0x2000;
	[sflag:s13] =	ssyncadd.s32 @p0 $0xFFFFD800;
	s13 =	simm.s32 @p0 $0x0  }
0x1f3: {  	[hbm4b:s19+s13] =	stream.linear.scatter @p0 [tilespmem:s14], [sflag:$0x3], $0x2800, $0x38;
	[tilespmem:$0x1A880] =	vst v63  }
0x1f4: {  	s13 =	simm.s32 @!p0 $0x4  }
0x1f5: {  	_ =	swait.ge @!p0 [sflag:s13], $0x2800  }
0x1f6: {  	[sflag:s13] =	ssyncset.done @!p0 $0x0  }
0x1f7: {  	s15 =	simm.s32 @!p0 $0x1;
	s14 =	simm.s32 @!p0 $0x4800;
	[sflag:s13] =	ssyncadd.s32 @!p0 $0xFFFFD800  }
0x1f8: {  	[tilespmem:s14], [sflag:$0x2] =	stream.linear.gather @!p0 [spmem:s31], $0x2800, $0x38;
	[tilespmem:$0x1A880] =	vst v63  }
0x1f9: {  	_ =	swait.ge @!p0 [sflag:s15], $0x2800  }
0x1fa: {  	[sflag:s15] =	ssyncset.done @!p0 $0x0  }
0x1fb: {  	s16 =	simm.s32 @!p0 $0x2000;
	[sflag:s15] =	ssyncadd.s32 @!p0 $0xFFFFD800;
	s15 =	simm.s32 @!p0 $0x0  }
0x1fc: {  	[hbm4b:s19+s15] =	stream.linear.scatter @!p0 [tilespmem:s16], [sflag:$0x3], $0x2800, $0x38;
	[tilespmem:$0x1A880] =	vst v63  }
0x1fd: {  	s16 =	simm.s32 @!p0 $0x2  }
0x1fe: {  	_ =	swait.ge @!p0 [sflag:s16], $0x2800  }
0x1ff: {  	[sflag:s16] =	ssyncset.done @!p0 $0x0  }
0x200: {  	[sflag:s16] =	ssyncadd.s32 @!p0 $0xFFFFD800  }
0x201: {  	[hbm4b:s21+s15] =	stream.linear.scatter @!p0 [tilespmem:s14], [sflag:$0x4], $0x2800, $0x38;
	[tilespmem:$0x1A880] =	vst v63  }
0x202: {  	s14 =	simm.s32 @!p0 $0x3  }
0x203: {  	s12 =	sadd.s32 $0x1, s12;
	s14 =	simm.s32 @p0 $0x4  }
0x204: {  	p1 =	sne.s32 s12, s17;
	_ =	swait.ge [sflag:s14], $0x2800  }
.Ltmp6:
0x205: {  	[sflag:s14] =	ssyncset.done $0x0;
	(pc) =	sbr.rel @p1 .LBB2_1-.Ltmp6, $4  }
0x206: {  	s13 =	simm.s32 @p0 $0x3;
	[sflag:s14] =	ssyncadd.s32 $0xFFFFD800  }
0x207: {  	_ =	swait.ge [sflag:s13], $0x2800  }
0x208: {  	[sflag:s13] =	ssyncset.done $0x0  }
0x209: {  	[sflag:s13] =	ssyncadd.s32 $0xFFFFD800  }
0x20a: {  	_ =	sfence.sel $0x180000  }
0x20b: {  	[bflag:$0x0] =	sbarrier.arrive $0xFFFF  }
0x20c: {  	_ =	strace $0x9000004A  }
0x20d: {  	s0 =	stileid.u32;
	[bflag:$0x2] =	sbarrier.arrive $0xFFFF  }
0x20e: {  	p0 =	sne.s32 s0, $0x0;
	s0 =	rddreg [dreg:$0x2]  }
0x20f: {  	s0 =	sadd.s32 @!p0 $0x100000, s0  }
0x210: {  	[sflag:s0] =	ssyncadd.tile.s32 @!p0 $0x1;
	_ =	shalt  }
.Lfunc_end2:
_tile_overlayer_lowered:
.L_overlay_start_2:
0x211: {  	(tag) =	ssettag $0x2  }
0x212: {  	s0 =	rddreg [dreg:$0x0];
	s2 =	stileid.u32  }
0x213: {  	s1 =	rddreg [dreg:$0x1];
	p0 =	sne.s32 s2, $0x0  }
0x214: {  	s3 =	rddreg [dreg:$0x2];
	[bflag:$0x3] =	sbarrier.arrive $0xFFFF;
	s2 =	simm.s32 @!p0 $0x1C05  }
0x215: {  	[timem:s3], [sflag:s2] =	dma.local @!p0 [hbm:s0], s1  }
0x216: {  	s0 =	simm.s32 @!p0 $0x5  }
0x217: {  	_ =	swait.ge @!p0 [sflag:s0], s1  }
0x218: {  	s1 =	ssub.s32 @!p0 $0x0, s1;
	[sflag:s0] =	ssyncset.done @!p0 $0x0  }
0x219: {  	[sflag:s0] =	ssyncadd.s32 @!p0 s1  }
0x21a: {  	[bflag:$0x3] =	sbarrier.arrive $0xFFFF  }
0x21b: {  	_ =	shalt  }

</sc_bundles>
